<compile_context>
chip_gen: v7x
topology: tpu7x:2x2x1
jax: 0.10.2.dev20260603
libtpu: 0.0.44.dev20260713+nightly
codegen_flags: <defaults>
</compile_context>

<pallas_src>
import functools

import jax
import jax.numpy as jnp
from jax import lax
from jax.experimental import pallas as pl
from jax.experimental.pallas import tpu as pltpu
from jax.experimental.pallas import tpu_sc as plsc

D_MODEL = 2048
K = 32
EPS = 1e-5
ROWS_PER_BLOCK = 256
NC = 2
NS = 16
NW = NC * NS
ROWS = 2 * 4096
RPW = ROWS // NW
CH = 16
NV = D_MODEL // 16
NGV = NV // 16


def _norm_bits_body(x_ref, w_ref, bits_ref, gmax_ref):
    xm = x_ref[...]
    w = w_ref[...]
    mean = jnp.mean(xm, axis=1, keepdims=True)
    xc = xm - mean
    var = jnp.mean(xc * xc, axis=1, keepdims=True)
    xn = xc * lax.rsqrt(var + EPS) * w
    bits = lax.bitcast_convert_type(xn, jnp.int32) & jnp.int32(0x7FFFFFFF)
    bits_ref[...] = bits
    gmax_ref[...] = jnp.max(bits.reshape(bits.shape[0], 16, NV), axis=1)


def _finalize_body(x_ref, w_ref, g_ref, t_ref, o_ref):
    xm = x_ref[...]
    w = w_ref[...]
    g = g_ref[...]
    t = t_ref[...]
    mean = jnp.mean(xm, axis=1, keepdims=True)
    xc = xm - mean
    var = jnp.mean(xc * xc, axis=1, keepdims=True)
    xn = xc * lax.rsqrt(var + EPS) * w
    bits = lax.bitcast_convert_type(xn, jnp.int32) & jnp.int32(0x7FFFFFFF)
    keep = bits >= t
    o_ref[...] = xm + jnp.where(keep, xn * g, 0.0)


def _merge16(a, b):
    rb = lax.rev(b, (0,))
    lo = jnp.minimum(a, rb)
    hi = jnp.maximum(a, rb)
    return jnp.sort(lo), jnp.sort(hi)


def _merge32_top32(A, B):
    a1, a2 = A
    b1, b2 = B
    h1 = jnp.maximum(a1, lax.rev(b2, (0,)))
    h2 = jnp.maximum(a2, lax.rev(b1, (0,)))
    lo = jnp.minimum(h1, h2)
    hi = jnp.maximum(h1, h2)
    return jnp.sort(lo), jnp.sort(hi)


def _tournament_top32(sorted_vregs):
    m = [_merge16(sorted_vregs[2 * i], sorted_vregs[2 * i + 1])
         for i in range(len(sorted_vregs) // 2)]
    while len(m) > 1:
        m = [_merge32_top32(m[2 * i], m[2 * i + 1]) for i in range(len(m) // 2)]
    return m[0]


def _sc_select_body(bits_hbm, gmax_hbm, thr_hbm, buf0, buf1, gb0, gb1,
                    gidx, thr_loc, sem0, sem1, gsem0, gsem1):
    wid = lax.axis_index("s") * NC + lax.axis_index("c")
    base = wid * RPW
    lane = lax.iota(jnp.int32, 16)

    def copy_in(ci, buf, sem):
        return pltpu.make_async_copy(
            bits_hbm.at[pl.ds(base + ci * CH, CH)], buf, sem)

    def gcopy_in(ci, gb, gsem):
        return pltpu.make_async_copy(
            gmax_hbm.at[pl.ds(base + ci * CH, CH)], gb, gsem)

    copy_in(0, buf0, sem0).start()
    gcopy_in(0, gb0, gsem0).start()
    copy_in(1, buf1, sem1).start()
    gcopy_in(1, gb1, gsem1).start()

    def select_row(buf, gb, r):
        gv = [gb[r, pl.ds(c * 16, 16)] for c in range(NGV)]

        lo, _hi = _tournament_top32([jnp.sort(v) for v in gv])
        gt = jnp.sum(jnp.where(lane == 0, lo, 0))

        offs = jnp.full((16,), -1, jnp.int32)
        offt = jnp.full((16,), -1, jnp.int32)
        stores = []
        for u in range(NGV):
            v = gv[u]
            ms = v > gt
            mt = v == gt
            poss = offs + plsc.cumsum(jnp.where(ms, 1, 0))
            post = offt + plsc.cumsum(jnp.where(mt, 1, 0))
            stores.append((u, ms, mt, poss, post))
            offs = offs + plsc.all_reduce_population_count(ms)
            offt = offt + plsc.all_reduce_population_count(mt)
        for u, ms, mt, poss, post in stores:
            plsc.store_scatter(gidx, [31 - post], u * 16 + lane,
                               mask=mt & (post < 32))
        for u, ms, mt, poss, post in stores:
            plsc.store_scatter(gidx, [poss], u * 16 + lane, mask=ms)

        g0 = gidx[pl.ds(0, 16)]
        g1 = gidx[pl.ds(16, 16)]
        rsplat = jnp.full((16,), r, jnp.int32)
        svs = []
        for j in range(32):
            gsrc = g0 if j < 16 else g1
            gid = jnp.sum(jnp.where(lane == (j % 16), gsrc, 0))
            col = plsc.load_gather(buf, [rsplat, gid + 128 * lane])
            svs.append(jnp.sort(col))
        lo2, _hi2 = _tournament_top32(svs)
        return jnp.sum(jnp.where(lane == 0, lo2, 0))

    def process(buf, gb, ci):
        def row_body(r, _):
            t = select_row(buf, gb, r)
            plsc.store_scatter(
                thr_loc, [jnp.full((16,), ci * CH + r, jnp.int32)],
                jnp.full((16,), t, jnp.int32), mask=lane == 0)
            return 0

        lax.fori_loop(0, CH, row_body, 0)

    NCHUNK = RPW // CH

    def chunk_pair_body(i, _):
        ci0 = 2 * i
        copy_in(ci0, buf0, sem0).wait()
        gcopy_in(ci0, gb0, gsem0).wait()
        process(buf0, gb0, ci0)

        @pl.when(i < NCHUNK // 2 - 1)
        def _():
            copy_in(ci0 + 2, buf0, sem0).start()
            gcopy_in(ci0 + 2, gb0, gsem0).start()

        copy_in(ci0 + 1, buf1, sem1).wait()
        gcopy_in(ci0 + 1, gb1, gsem1).wait()
        process(buf1, gb1, ci0 + 1)

        @pl.when(i < NCHUNK // 2 - 1)
        def _():
            copy_in(ci0 + 3, buf1, sem1).start()
            gcopy_in(ci0 + 3, gb1, gsem1).start()

        return 0

    lax.fori_loop(0, NCHUNK // 2, chunk_pair_body, 0)
    pltpu.sync_copy(thr_loc, thr_hbm.at[pl.ds(base, RPW)])


_sc_select = functools.partial(
    pl.kernel,
    out_type=jax.ShapeDtypeStruct((ROWS,), jnp.int32),
    mesh=plsc.VectorSubcoreMesh(core_axis_name="c", subcore_axis_name="s"),
    scratch_types=[
        pltpu.VMEM((CH, D_MODEL), jnp.int32),
        pltpu.VMEM((CH, D_MODEL), jnp.int32),
        pltpu.VMEM((CH, NV), jnp.int32),
        pltpu.VMEM((CH, NV), jnp.int32),
        pltpu.VMEM((32,), jnp.int32),
        pltpu.VMEM((RPW,), jnp.int32),
        pltpu.SemaphoreType.DMA,
        pltpu.SemaphoreType.DMA,
        pltpu.SemaphoreType.DMA,
        pltpu.SemaphoreType.DMA,
    ],
    compiler_params=pltpu.CompilerParams(needs_layout_passes=False),
)(_sc_select_body)


@jax.jit
def kernel(x, norm_weight, gamma):
    B, S, D = x.shape
    rows = B * S
    x2 = x.reshape(rows, D)
    w2 = norm_weight.reshape(1, D)
    g2 = gamma.reshape(1, D)
    grid = (rows // ROWS_PER_BLOCK,)

    bits, gmax = pl.pallas_call(
        _norm_bits_body,
        grid=grid,
        in_specs=[
            pl.BlockSpec((ROWS_PER_BLOCK, D), lambda i: (i, 0)),
            pl.BlockSpec((1, D), lambda i: (0, 0)),
        ],
        out_specs=[
            pl.BlockSpec((ROWS_PER_BLOCK, D), lambda i: (i, 0)),
            pl.BlockSpec((ROWS_PER_BLOCK, NV), lambda i: (i, 0)),
        ],
        out_shape=[
            jax.ShapeDtypeStruct((rows, D), jnp.int32),
            jax.ShapeDtypeStruct((rows, NV), jnp.int32),
        ],
        compiler_params=pltpu.CompilerParams(
            dimension_semantics=("arbitrary",),
        ),
    )(x2, w2)

    thr = _sc_select(bits, gmax)

    out = pl.pallas_call(
        _finalize_body,
        grid=grid,
        in_specs=[
            pl.BlockSpec((ROWS_PER_BLOCK, D), lambda i: (i, 0)),
            pl.BlockSpec((1, D), lambda i: (0, 0)),
            pl.BlockSpec((1, D), lambda i: (0, 0)),
            pl.BlockSpec((ROWS_PER_BLOCK, 1), lambda i: (i, 0)),
        ],
        out_specs=pl.BlockSpec((ROWS_PER_BLOCK, D), lambda i: (i, 0)),
        out_shape=jax.ShapeDtypeStruct((rows, D), x.dtype),
        compiler_params=pltpu.CompilerParams(
            dimension_semantics=("arbitrary",),
        ),
    )(x2, w2, g2, thr.reshape(rows, 1))
    return out.reshape(B, S, D)

# --- scband reference (transcript-rebuilt; emitter-appended) ---
"""Pipeline reference for scband-top-ksparse-33784212750962 (READ-ONLY COPY).

The authoritative reference and input builder live on the scoring server;
editing this copy changes nothing except your own understanding.
"""

import jax, jax.numpy as jnp
import numpy as np

D_MODEL = 2048
K = 32
EPS = 1e-5


def setup_inputs(seed: int = 0) -> dict:
    key = jax.random.key(seed)
    k1, k2, k3 = jax.random.split(key, 3)
    x = jax.random.normal(k1, (2, 4096, D_MODEL), dtype=jnp.float32)
    # learned params (LayerNormNoBias.weight and LayerScale.gamma); init ones + jitter
    norm_weight = jnp.ones((D_MODEL,), dtype=jnp.float32) + 0.01 * jax.random.normal(k2, (D_MODEL,), dtype=jnp.float32)
    gamma = jnp.ones((D_MODEL,), dtype=jnp.float32) + 0.01 * jax.random.normal(k3, (D_MODEL,), dtype=jnp.float32)
    return {"x": x, "norm_weight": norm_weight, "gamma": gamma}


def reference(x, norm_weight, gamma):
    residual = x
    # LayerNormNoBias
    mean = jnp.mean(x, axis=-1, keepdims=True)
    var = jnp.mean((x - mean) ** 2, axis=-1, keepdims=True)
    xn = (x - mean) / jnp.sqrt(var + EPS)
    xn = xn * norm_weight
    # top-k by absolute value along feature dim
    vals, idx = jax.lax.top_k(jnp.abs(xn), K)
    B, S, D = xn.shape
    flat_idx = idx.reshape(-1, K)
    rows = jnp.arange(B * S)[:, None]
    mask = jnp.zeros((B * S, D), dtype=xn.dtype).at[rows, flat_idx].set(1.0)
    mask = mask.reshape(B, S, D)
    xs = xn * mask
    # LayerScale
    xs = xs * gamma
    return residual + xs

if __name__ == "__main__":
    import jax
    _d = setup_inputs()
    print(jax.jit(kernel)(*tuple(_d.values())))

</pallas_src>

<mosaic_0001>
#map = affine_map<(d0, d1) -> (0, 0)>
#map1 = affine_map<(d0, d1) -> (0)>
module attributes {stable_mosaic.version = 14 : i64} {
  func.func @_sc_select_body(%arg0: i32, %arg1: i32, %arg2: memref<8192x2048xi32, #tpu.memory_space<hbm>>, %arg3: memref<8192x128xi32, #tpu.memory_space<hbm>>, %arg4: memref<8192xi32, #tpu.memory_space<hbm>>, %arg5: memref<16x2048xi32, #tpu.memory_space<vmem>>, %arg6: memref<16x2048xi32, #tpu.memory_space<vmem>>, %arg7: memref<16x128xi32, #tpu.memory_space<vmem>>, %arg8: memref<16x128xi32, #tpu.memory_space<vmem>>, %arg9: memref<32xi32, #tpu.memory_space<vmem>>, %arg10: memref<256xi32, #tpu.memory_space<vmem>>, %arg11: memref<!tpu.dma_semaphore, #tpu.memory_space<semaphore_mem>>, %arg12: memref<!tpu.dma_semaphore, #tpu.memory_space<semaphore_mem>>, %arg13: memref<!tpu.dma_semaphore, #tpu.memory_space<semaphore_mem>>, %arg14: memref<!tpu.dma_semaphore, #tpu.memory_space<semaphore_mem>>) attributes {dimension_semantics = [#tpu.dimension_semantics<core_parallel>, #tpu.dimension_semantics<subcore_parallel>], iteration_bounds = array<i64: 2, 16>, scalar_prefetch = 0 : i64, scratch_operands = 10 : i64, tpu.core_type = #tpu.core_type<sc_vector_subcore>, window_params = [{transform_indices = #map}, {transform_indices = #map}, {transform_indices = #map1}]} {
    %mul3A = arith.constant 2 : i32
    %mul3A_0 = arith.muli %arg1, %mul3A : i32
    %add3A = arith.addi %mul3A_0, %arg0 : i32
    %mul3A_1 = arith.constant 256 : i32
    %mul3A_2 = arith.muli %add3A, %mul3A_1 : i32
    %iota3A = tpu.iota {dimensions = array<i32: 0>} : vector<16xi32>
    %add3A_3 = arith.constant 0 : i32
    %add3A_4 = arith.addi %mul3A_2, %add3A_3 : i32
    %dma_start3A = arith.constant 0 : i32
    %dma_start3A_5 = tpu.memref_slice %arg2[%add3A_4, %dma_start3A] : memref<8192x2048xi32, #tpu.memory_space<hbm>> -> memref<16x2048xi32, #tpu.memory_space<hbm>>
    %dma_start3A_6 = arith.constant 0 : i32
    %dma_start3A_7 = tpu.memref_slice %arg2[%add3A_4, %dma_start3A_6] : memref<8192x2048xi32, #tpu.memory_space<hbm>> -> memref<16x2048xi32, #tpu.memory_space<hbm>>
    tpu.enqueue_dma source(%dma_start3A_7 : memref<16x2048xi32, #tpu.memory_space<hbm>>) target(%arg5 : memref<16x2048xi32, #tpu.memory_space<vmem>>) target_semaphore(%arg11 : memref<!tpu.dma_semaphore, #tpu.memory_space<semaphore_mem>>)
    %add3A_8 = arith.constant 0 : i32
    %add3A_9 = arith.addi %mul3A_2, %add3A_8 : i32
    %dma_start3A_10 = arith.constant 0 : i32
    %dma_start3A_11 = tpu.memref_slice %arg3[%add3A_9, %dma_start3A_10] : memref<8192x128xi32, #tpu.memory_space<hbm>> -> memref<16x128xi32, #tpu.memory_space<hbm>>
    %dma_start3A_12 = arith.constant 0 : i32
    %dma_start3A_13 = tpu.memref_slice %arg3[%add3A_9, %dma_start3A_12] : memref<8192x128xi32, #tpu.memory_space<hbm>> -> memref<16x128xi32, #tpu.memory_space<hbm>>
    tpu.enqueue_dma source(%dma_start3A_13 : memref<16x128xi32, #tpu.memory_space<hbm>>) target(%arg7 : memref<16x128xi32, #tpu.memory_space<vmem>>) target_semaphore(%arg13 : memref<!tpu.dma_semaphore, #tpu.memory_space<semaphore_mem>>)
    %add3A_14 = arith.constant 16 : i32
    %add3A_15 = arith.addi %mul3A_2, %add3A_14 : i32
    %dma_start3A_16 = arith.constant 0 : i32
    %dma_start3A_17 = tpu.memref_slice %arg2[%add3A_15, %dma_start3A_16] : memref<8192x2048xi32, #tpu.memory_space<hbm>> -> memref<16x2048xi32, #tpu.memory_space<hbm>>
    %dma_start3A_18 = arith.constant 0 : i32
    %dma_start3A_19 = tpu.memref_slice %arg2[%add3A_15, %dma_start3A_18] : memref<8192x2048xi32, #tpu.memory_space<hbm>> -> memref<16x2048xi32, #tpu.memory_space<hbm>>
    tpu.enqueue_dma source(%dma_start3A_19 : memref<16x2048xi32, #tpu.memory_space<hbm>>) target(%arg6 : memref<16x2048xi32, #tpu.memory_space<vmem>>) target_semaphore(%arg12 : memref<!tpu.dma_semaphore, #tpu.memory_space<semaphore_mem>>)
    %add3A_20 = arith.constant 16 : i32
    %add3A_21 = arith.addi %mul3A_2, %add3A_20 : i32
    %dma_start3A_22 = arith.constant 0 : i32
    %dma_start3A_23 = tpu.memref_slice %arg3[%add3A_21, %dma_start3A_22] : memref<8192x128xi32, #tpu.memory_space<hbm>> -> memref<16x128xi32, #tpu.memory_space<hbm>>
    %dma_start3A_24 = arith.constant 0 : i32
    %dma_start3A_25 = tpu.memref_slice %arg3[%add3A_21, %dma_start3A_24] : memref<8192x128xi32, #tpu.memory_space<hbm>> -> memref<16x128xi32, #tpu.memory_space<hbm>>
    tpu.enqueue_dma source(%dma_start3A_25 : memref<16x128xi32, #tpu.memory_space<hbm>>) target(%arg8 : memref<16x128xi32, #tpu.memory_space<vmem>>) target_semaphore(%arg14 : memref<!tpu.dma_semaphore, #tpu.memory_space<semaphore_mem>>)
    %scan3A = arith.constant 0 : i32
    %scan3A_26 = arith.constant 0 : i32
    %scan3A_27 = arith.constant 8 : i32
    %scan3A_28 = arith.addi %scan3A_26, %scan3A_27 : i32
    %scan3A_29 = arith.constant 1 : i32
    %scan3A_30 = scf.for %scan3A_32 = %scan3A_26 to %scan3A_28 step %scan3A_29 iter_args(%scan3A_33 = %scan3A) -> (i32)  : i32 {
      %mul3A_34 = arith.constant 2 : i32
      %mul3A_35 = arith.muli %mul3A_34, %scan3A_32 : i32
      %mul3A_36 = arith.constant 16 : i32
      %mul3A_37 = arith.muli %mul3A_35, %mul3A_36 : i32
      %add3A_38 = arith.addi %mul3A_2, %mul3A_37 : i32
      %dma_wait3A = arith.constant 0 : i32
      %dma_wait3A_39 = tpu.memref_slice %arg2[%add3A_38, %dma_wait3A] : memref<8192x2048xi32, #tpu.memory_space<hbm>> -> memref<16x2048xi32, #tpu.memory_space<hbm>>
      %dma_wait3A_40 = arith.constant 0 : i32
      %dma_wait3A_41 = tpu.memref_slice %arg2[%add3A_38, %dma_wait3A_40] : memref<8192x2048xi32, #tpu.memory_space<hbm>> -> memref<16x2048xi32, #tpu.memory_space<hbm>>
      tpu.wait_dma2 semaphore(%arg11 : memref<!tpu.dma_semaphore, #tpu.memory_space<semaphore_mem>>) src(%dma_wait3A_41 : memref<16x2048xi32, #tpu.memory_space<hbm>>) dst(%arg5 : memref<16x2048xi32, #tpu.memory_space<vmem>>)
      %mul3A_42 = arith.constant 16 : i32
      %mul3A_43 = arith.muli %mul3A_35, %mul3A_42 : i32
      %add3A_44 = arith.addi %mul3A_2, %mul3A_43 : i32
      %dma_wait3A_45 = arith.constant 0 : i32
      %dma_wait3A_46 = tpu.memref_slice %arg3[%add3A_44, %dma_wait3A_45] : memref<8192x128xi32, #tpu.memory_space<hbm>> -> memref<16x128xi32, #tpu.memory_space<hbm>>
      %dma_wait3A_47 = arith.constant 0 : i32
      %dma_wait3A_48 = tpu.memref_slice %arg3[%add3A_44, %dma_wait3A_47] : memref<8192x128xi32, #tpu.memory_space<hbm>> -> memref<16x128xi32, #tpu.memory_space<hbm>>
      tpu.wait_dma2 semaphore(%arg13 : memref<!tpu.dma_semaphore, #tpu.memory_space<semaphore_mem>>) src(%dma_wait3A_48 : memref<16x128xi32, #tpu.memory_space<hbm>>) dst(%arg7 : memref<16x128xi32, #tpu.memory_space<vmem>>)
      %scan3A_49 = arith.constant 0 : i32
      %scan3A_50 = arith.constant 0 : i32
      %scan3A_51 = arith.constant 16 : i32
      %scan3A_52 = arith.addi %scan3A_50, %scan3A_51 : i32
      %scan3A_53 = arith.constant 1 : i32
      %scan3A_54 = scf.for %scan3A_91 = %scan3A_50 to %scan3A_52 step %scan3A_53 iter_args(%scan3A_92 = %scan3A_49) -> (i32)  : i32 {
        %get3A = arith.index_cast %scan3A_91 : i32 to index
        %get3A_93 = arith.constant 0 : index
        %get3A_94 = tpu.vector_load %arg7[%get3A, %get3A_93] {strides = array<i32>} : memref<16x128xi32, #tpu.memory_space<vmem>>, vector<16xi32>,
        %get3A_95 = arith.index_cast %scan3A_91 : i32 to index
        %get3A_96 = arith.constant 16 : index
        %get3A_97 = tpu.vector_load %arg7[%get3A_95, %get3A_96] {strides = array<i32>} : memref<16x128xi32, #tpu.memory_space<vmem>>, vector<16xi32>,
        %get3A_98 = arith.index_cast %scan3A_91 : i32 to index
        %get3A_99 = arith.constant 32 : index
        %get3A_100 = tpu.vector_load %arg7[%get3A_98, %get3A_99] {strides = array<i32>} : memref<16x128xi32, #tpu.memory_space<vmem>>, vector<16xi32>,
        %get3A_101 = arith.index_cast %scan3A_91 : i32 to index
        %get3A_102 = arith.constant 48 : index
        %get3A_103 = tpu.vector_load %arg7[%get3A_101, %get3A_102] {strides = array<i32>} : memref<16x128xi32, #tpu.memory_space<vmem>>, vector<16xi32>,
        %get3A_104 = arith.index_cast %scan3A_91 : i32 to index
        %get3A_105 = arith.constant 64 : index
        %get3A_106 = tpu.vector_load %arg7[%get3A_104, %get3A_105] {strides = array<i32>} : memref<16x128xi32, #tpu.memory_space<vmem>>, vector<16xi32>,
        %get3A_107 = arith.index_cast %scan3A_91 : i32 to index
        %get3A_108 = arith.constant 80 : index
        %get3A_109 = tpu.vector_load %arg7[%get3A_107, %get3A_108] {strides = array<i32>} : memref<16x128xi32, #tpu.memory_space<vmem>>, vector<16xi32>,
        %get3A_110 = arith.index_cast %scan3A_91 : i32 to index
        %get3A_111 = arith.constant 96 : index
        %get3A_112 = tpu.vector_load %arg7[%get3A_110, %get3A_111] {strides = array<i32>} : memref<16x128xi32, #tpu.memory_space<vmem>>, vector<16xi32>,
        %get3A_113 = arith.index_cast %scan3A_91 : i32 to index
        %get3A_114 = arith.constant 112 : index
        %get3A_115 = tpu.vector_load %arg7[%get3A_113, %get3A_114] {strides = array<i32>} : memref<16x128xi32, #tpu.memory_space<vmem>>, vector<16xi32>,
        %sort3A = arith.constant dense<true> : vector<16xi1>
        %sort3A_116, %sort3A_117, %sort3A_118 = tpu.sort %get3A_94, %get3A_94 masked %sort3A : (vector<16xi32>, vector<16xi32>, vector<16xi1>) -> (vector<16xi1>, vector<16xi32>, vector<16xi32>)
        %sort3A_119 = arith.constant dense<true> : vector<16xi1>
        %sort3A_120, %sort3A_121, %sort3A_122 = tpu.sort %get3A_97, %get3A_97 masked %sort3A_119 : (vector<16xi32>, vector<16xi32>, vector<16xi1>) -> (vector<16xi1>, vector<16xi32>, vector<16xi32>)
        %sort3A_123 = arith.constant dense<true> : vector<16xi1>
        %sort3A_124, %sort3A_125, %sort3A_126 = tpu.sort %get3A_100, %get3A_100 masked %sort3A_123 : (vector<16xi32>, vector<16xi32>, vector<16xi1>) -> (vector<16xi1>, vector<16xi32>, vector<16xi32>)
        %sort3A_127 = arith.constant dense<true> : vector<16xi1>
        %sort3A_128, %sort3A_129, %sort3A_130 = tpu.sort %get3A_103, %get3A_103 masked %sort3A_127 : (vector<16xi32>, vector<16xi32>, vector<16xi1>) -> (vector<16xi1>, vector<16xi32>, vector<16xi32>)
        %sort3A_131 = arith.constant dense<true> : vector<16xi1>
        %sort3A_132, %sort3A_133, %sort3A_134 = tpu.sort %get3A_106, %get3A_106 masked %sort3A_131 : (vector<16xi32>, vector<16xi32>, vector<16xi1>) -> (vector<16xi1>, vector<16xi32>, vector<16xi32>)
        %sort3A_135 = arith.constant dense<true> : vector<16xi1>
        %sort3A_136, %sort3A_137, %sort3A_138 = tpu.sort %get3A_109, %get3A_109 masked %sort3A_135 : (vector<16xi32>, vector<16xi32>, vector<16xi1>) -> (vector<16xi1>, vector<16xi32>, vector<16xi32>)
        %sort3A_139 = arith.constant dense<true> : vector<16xi1>
        %sort3A_140, %sort3A_141, %sort3A_142 = tpu.sort %get3A_112, %get3A_112 masked %sort3A_139 : (vector<16xi32>, vector<16xi32>, vector<16xi1>) -> (vector<16xi1>, vector<16xi32>, vector<16xi32>)
        %sort3A_143 = arith.constant dense<true> : vector<16xi1>
        %sort3A_144, %sort3A_145, %sort3A_146 = tpu.sort %get3A_115, %get3A_115 masked %sort3A_143 : (vector<16xi32>, vector<16xi32>, vector<16xi1>) -> (vector<16xi1>, vector<16xi32>, vector<16xi32>)
        %rev3A = arith.constant 15 : i32
        %rev3A_147 = vector.broadcast %rev3A : i32 to vector<16xi32>
        %rev3A_148 = tpu.iota {dimensions = array<i32: 0>} : vector<16xi32>
        %rev3A_149 = arith.subi %rev3A_147, %rev3A_148 : vector<16xi32>
        %rev3A_150 = tpu.dynamic_gather %sort3A_121[%rev3A_149] in [0] : vector<16xi32>, vector<16xi32> -> vector<16xi32>
        %min3A = arith.minsi %sort3A_117, %rev3A_150 : vector<16xi32>
        %max3A = arith.maxsi %sort3A_117, %rev3A_150 : vector<16xi32>
        %sort3A_151 = arith.constant dense<true> : vector<16xi1>
        %sort3A_152, %sort3A_153, %sort3A_154 = tpu.sort %min3A, %min3A masked %sort3A_151 : (vector<16xi32>, vector<16xi32>, vector<16xi1>) -> (vector<16xi1>, vector<16xi32>, vector<16xi32>)
        %sort3A_155 = arith.constant dense<true> : vector<16xi1>
        %sort3A_156, %sort3A_157, %sort3A_158 = tpu.sort %max3A, %max3A masked %sort3A_155 : (vector<16xi32>, vector<16xi32>, vector<16xi1>) -> (vector<16xi1>, vector<16xi32>, vector<16xi32>)
        %rev3A_159 = arith.constant 15 : i32
        %rev3A_160 = vector.broadcast %rev3A_159 : i32 to vector<16xi32>
        %rev3A_161 = tpu.iota {dimensions = array<i32: 0>} : vector<16xi32>
        %rev3A_162 = arith.subi %rev3A_160, %rev3A_161 : vector<16xi32>
        %rev3A_163 = tpu.dynamic_gather %sort3A_129[%rev3A_162] in [0] : vector<16xi32>, vector<16xi32> -> vector<16xi32>
        %min3A_164 = arith.minsi %sort3A_125, %rev3A_163 : vector<16xi32>
        %max3A_165 = arith.maxsi %sort3A_125, %rev3A_163 : vector<16xi32>
        %sort3A_166 = arith.constant dense<true> : vector<16xi1>
        %sort3A_167, %sort3A_168, %sort3A_169 = tpu.sort %min3A_164, %min3A_164 masked %sort3A_166 : (vector<16xi32>, vector<16xi32>, vector<16xi1>) -> (vector<16xi1>, vector<16xi32>, vector<16xi32>)
        %sort3A_170 = arith.constant dense<true> : vector<16xi1>
        %sort3A_171, %sort3A_172, %sort3A_173 = tpu.sort %max3A_165, %max3A_165 masked %sort3A_170 : (vector<16xi32>, vector<16xi32>, vector<16xi1>) -> (vector<16xi1>, vector<16xi32>, vector<16xi32>)
        %rev3A_174 = arith.constant 15 : i32
        %rev3A_175 = vector.broadcast %rev3A_174 : i32 to vector<16xi32>
        %rev3A_176 = tpu.iota {dimensions = array<i32: 0>} : vector<16xi32>
        %rev3A_177 = arith.subi %rev3A_175, %rev3A_176 : vector<16xi32>
        %rev3A_178 = tpu.dynamic_gather %sort3A_137[%rev3A_177] in [0] : vector<16xi32>, vector<16xi32> -> vector<16xi32>
        %min3A_179 = arith.minsi %sort3A_133, %rev3A_178 : vector<16xi32>
        %max3A_180 = arith.maxsi %sort3A_133, %rev3A_178 : vector<16xi32>
        %sort3A_181 = arith.constant dense<true> : vector<16xi1>
        %sort3A_182, %sort3A_183, %sort3A_184 = tpu.sort %min3A_179, %min3A_179 masked %sort3A_181 : (vector<16xi32>, vector<16xi32>, vector<16xi1>) -> (vector<16xi1>, vector<16xi32>, vector<16xi32>)
        %sort3A_185 = arith.constant dense<true> : vector<16xi1>
        %sort3A_186, %sort3A_187, %sort3A_188 = tpu.sort %max3A_180, %max3A_180 masked %sort3A_185 : (vector<16xi32>, vector<16xi32>, vector<16xi1>) -> (vector<16xi1>, vector<16xi32>, vector<16xi32>)
        %rev3A_189 = arith.constant 15 : i32
        %rev3A_190 = vector.broadcast %rev3A_189 : i32 to vector<16xi32>
        %rev3A_191 = tpu.iota {dimensions = array<i32: 0>} : vector<16xi32>
        %rev3A_192 = arith.subi %rev3A_190, %rev3A_191 : vector<16xi32>
        %rev3A_193 = tpu.dynamic_gather %sort3A_145[%rev3A_192] in [0] : vector<16xi32>, vector<16xi32> -> vector<16xi32>
        %min3A_194 = arith.minsi %sort3A_141, %rev3A_193 : vector<16xi32>
        %max3A_195 = arith.maxsi %sort3A_141, %rev3A_193 : vector<16xi32>
        %sort3A_196 = arith.constant dense<true> : vector<16xi1>
        %sort3A_197, %sort3A_198, %sort3A_199 = tpu.sort %min3A_194, %min3A_194 masked %sort3A_196 : (vector<16xi32>, vector<16xi32>, vector<16xi1>) -> (vector<16xi1>, vector<16xi32>, vector<16xi32>)
        %sort3A_200 = arith.constant dense<true> : vector<16xi1>
        %sort3A_201, %sort3A_202, %sort3A_203 = tpu.sort %max3A_195, %max3A_195 masked %sort3A_200 : (vector<16xi32>, vector<16xi32>, vector<16xi1>) -> (vector<16xi1>, vector<16xi32>, vector<16xi32>)
        %rev3A_204 = arith.constant 15 : i32
        %rev3A_205 = vector.broadcast %rev3A_204 : i32 to vector<16xi32>
        %rev3A_206 = tpu.iota {dimensions = array<i32: 0>} : vector<16xi32>
        %rev3A_207 = arith.subi %rev3A_205, %rev3A_206 : vector<16xi32>
        %rev3A_208 = tpu.dynamic_gather %sort3A_172[%rev3A_207] in [0] : vector<16xi32>, vector<16xi32> -> vector<16xi32>
        %max3A_209 = arith.maxsi %sort3A_153, %rev3A_208 : vector<16xi32>
        %rev3A_210 = arith.constant 15 : i32
        %rev3A_211 = vector.broadcast %rev3A_210 : i32 to vector<16xi32>
        %rev3A_212 = tpu.iota {dimensions = array<i32: 0>} : vector<16xi32>
        %rev3A_213 = arith.subi %rev3A_211, %rev3A_212 : vector<16xi32>
        %rev3A_214 = tpu.dynamic_gather %sort3A_168[%rev3A_213] in [0] : vector<16xi32>, vector<16xi32> -> vector<16xi32>
        %max3A_215 = arith.maxsi %sort3A_157, %rev3A_214 : vector<16xi32>
        %min3A_216 = arith.minsi %max3A_209, %max3A_215 : vector<16xi32>
        %max3A_217 = arith.maxsi %max3A_209, %max3A_215 : vector<16xi32>
        %sort3A_218 = arith.constant dense<true> : vector<16xi1>
        %sort3A_219, %sort3A_220, %sort3A_221 = tpu.sort %min3A_216, %min3A_216 masked %sort3A_218 : (vector<16xi32>, vector<16xi32>, vector<16xi1>) -> (vector<16xi1>, vector<16xi32>, vector<16xi32>)
        %sort3A_222 = arith.constant dense<true> : vector<16xi1>
        %sort3A_223, %sort3A_224, %sort3A_225 = tpu.sort %max3A_217, %max3A_217 masked %sort3A_222 : (vector<16xi32>, vector<16xi32>, vector<16xi1>) -> (vector<16xi1>, vector<16xi32>, vector<16xi32>)
        %rev3A_226 = arith.constant 15 : i32
        %rev3A_227 = vector.broadcast %rev3A_226 : i32 to vector<16xi32>
        %rev3A_228 = tpu.iota {dimensions = array<i32: 0>} : vector<16xi32>
        %rev3A_229 = arith.subi %rev3A_227, %rev3A_228 : vector<16xi32>
        %rev3A_230 = tpu.dynamic_gather %sort3A_202[%rev3A_229] in [0] : vector<16xi32>, vector<16xi32> -> vector<16xi32>
        %max3A_231 = arith.maxsi %sort3A_183, %rev3A_230 : vector<16xi32>
        %rev3A_232 = arith.constant 15 : i32
        %rev3A_233 = vector.broadcast %rev3A_232 : i32 to vector<16xi32>
        %rev3A_234 = tpu.iota {dimensions = array<i32: 0>} : vector<16xi32>
        %rev3A_235 = arith.subi %rev3A_233, %rev3A_234 : vector<16xi32>
        %rev3A_236 = tpu.dynamic_gather %sort3A_198[%rev3A_235] in [0] : vector<16xi32>, vector<16xi32> -> vector<16xi32>
        %max3A_237 = arith.maxsi %sort3A_187, %rev3A_236 : vector<16xi32>
        %min3A_238 = arith.minsi %max3A_231, %max3A_237 : vector<16xi32>
        %max3A_239 = arith.maxsi %max3A_231, %max3A_237 : vector<16xi32>
        %sort3A_240 = arith.constant dense<true> : vector<16xi1>
        %sort3A_241, %sort3A_242, %sort3A_243 = tpu.sort %min3A_238, %min3A_238 masked %sort3A_240 : (vector<16xi32>, vector<16xi32>, vector<16xi1>) -> (vector<16xi1>, vector<16xi32>, vector<16xi32>)
        %sort3A_244 = arith.constant dense<true> : vector<16xi1>
        %sort3A_245, %sort3A_246, %sort3A_247 = tpu.sort %max3A_239, %max3A_239 masked %sort3A_244 : (vector<16xi32>, vector<16xi32>, vector<16xi1>) -> (vector<16xi1>, vector<16xi32>, vector<16xi32>)
        %rev3A_248 = arith.constant 15 : i32
        %rev3A_249 = vector.broadcast %rev3A_248 : i32 to vector<16xi32>
        %rev3A_250 = tpu.iota {dimensions = array<i32: 0>} : vector<16xi32>
        %rev3A_251 = arith.subi %rev3A_249, %rev3A_250 : vector<16xi32>
        %rev3A_252 = tpu.dynamic_gather %sort3A_246[%rev3A_251] in [0] : vector<16xi32>, vector<16xi32> -> vector<16xi32>
        %max3A_253 = arith.maxsi %sort3A_220, %rev3A_252 : vector<16xi32>
        %rev3A_254 = arith.constant 15 : i32
        %rev3A_255 = vector.broadcast %rev3A_254 : i32 to vector<16xi32>
        %rev3A_256 = tpu.iota {dimensions = array<i32: 0>} : vector<16xi32>
        %rev3A_257 = arith.subi %rev3A_255, %rev3A_256 : vector<16xi32>
        %rev3A_258 = tpu.dynamic_gather %sort3A_242[%rev3A_257] in [0] : vector<16xi32>, vector<16xi32> -> vector<16xi32>
        %max3A_259 = arith.maxsi %sort3A_224, %rev3A_258 : vector<16xi32>
        %min3A_260 = arith.minsi %max3A_253, %max3A_259 : vector<16xi32>
        %max3A_261 = arith.maxsi %max3A_253, %max3A_259 : vector<16xi32>
        %sort3A_262 = arith.constant dense<true> : vector<16xi1>
        %sort3A_263, %sort3A_264, %sort3A_265 = tpu.sort %min3A_260, %min3A_260 masked %sort3A_262 : (vector<16xi32>, vector<16xi32>, vector<16xi1>) -> (vector<16xi1>, vector<16xi32>, vector<16xi32>)
        %sort3A_266 = arith.constant dense<true> : vector<16xi1>
        %sort3A_267, %sort3A_268, %sort3A_269 = tpu.sort %max3A_261, %max3A_261 masked %sort3A_266 : (vector<16xi32>, vector<16xi32>, vector<16xi1>) -> (vector<16xi1>, vector<16xi32>, vector<16xi32>)
        %eq3A = arith.constant 0 : i32
        %eq3A_270 = vector.broadcast %eq3A : i32 to vector<16xi32>
        %eq3A_271 = arith.cmpi eq, %iota3A, %eq3A_270 : vector<16xi32>
        %jit3A = arith.constant 0 : i32
        %broadcast_in_dim3A = vector.broadcast %jit3A : i32 to vector<16xi32>
        %select_n3A = arith.select %eq3A_271, %sort3A_264, %broadcast_in_dim3A : vector<16xi1>, vector<16xi32>
        %reduce_sum3A = arith.constant true
        %reduce_sum3A_272 = vector.broadcast %reduce_sum3A : i1 to vector<16xi1>
        %reduce_sum3A_273 = tpu.scan <sum>, %select_n3A masked %reduce_sum3A_272 : vector<16xi32>, vector<16xi1> -> vector<16xi32>
        %reduce_sum3A_274 = vector.extract %reduce_sum3A_273[15] : i32 from vector<16xi32>
        %broadcast_in_dim3A_275 = arith.constant -1 : i32
        %broadcast_in_dim3A_276 = vector.broadcast %broadcast_in_dim3A_275 : i32 to vector<16xi32>
        %broadcast_in_dim3A_277 = arith.constant -1 : i32
        %broadcast_in_dim3A_278 = vector.broadcast %broadcast_in_dim3A_277 : i32 to vector<16xi32>
        %gt3A = vector.broadcast %reduce_sum3A_274 : i32 to vector<16xi32>
        %gt3A_279 = arith.cmpi sgt, %get3A_94, %gt3A : vector<16xi32>
        %eq3A_280 = vector.broadcast %reduce_sum3A_274 : i32 to vector<16xi32>
        %eq3A_281 = arith.cmpi eq, %get3A_94, %eq3A_280 : vector<16xi32>
        %jit3A_282 = arith.constant 1 : i32
        %jit3A_283 = arith.constant 0 : i32
        %broadcast_in_dim3A_284 = vector.broadcast %jit3A_282 : i32 to vector<16xi32>
        %broadcast_in_dim3A_285 = vector.broadcast %jit3A_283 : i32 to vector<16xi32>
        %select_n3A_286 = arith.select %gt3A_279, %broadcast_in_dim3A_284, %broadcast_in_dim3A_285 : vector<16xi1>, vector<16xi32>
        %broadcast_in_dim3A_287 = arith.constant true
        %broadcast_in_dim3A_288 = vector.broadcast %broadcast_in_dim3A_287 : i1 to vector<16xi1>
        %masked_cumsum3A = tpu.scan <sum>, %select_n3A_286 masked %broadcast_in_dim3A_288 : vector<16xi32>, vector<16xi1> -> vector<16xi32>
        %add3A_289 = arith.addi %broadcast_in_dim3A_276, %masked_cumsum3A : vector<16xi32>
        %jit3A_290 = arith.constant 1 : i32
        %jit3A_291 = arith.constant 0 : i32
        %broadcast_in_dim3A_292 = vector.broadcast %jit3A_290 : i32 to vector<16xi32>
        %broadcast_in_dim3A_293 = vector.broadcast %jit3A_291 : i32 to vector<16xi32>
        %select_n3A_294 = arith.select %eq3A_281, %broadcast_in_dim3A_292, %broadcast_in_dim3A_293 : vector<16xi1>, vector<16xi32>
        %broadcast_in_dim3A_295 = arith.constant true
        %broadcast_in_dim3A_296 = vector.broadcast %broadcast_in_dim3A_295 : i1 to vector<16xi1>
        %masked_cumsum3A_297 = tpu.scan <sum>, %select_n3A_294 masked %broadcast_in_dim3A_296 : vector<16xi32>, vector<16xi1> -> vector<16xi32>
        %add3A_298 = arith.addi %broadcast_in_dim3A_278, %masked_cumsum3A_297 : vector<16xi32>
        %all_reduce_population_count3A = tpu.all_reduce %gt3A_279 {dim = 0 : i64, kind = #tpu.reduction_kind<sum>} : vector<16xi1> -> vector<16xi32>
        %add3A_299 = arith.addi %broadcast_in_dim3A_276, %all_reduce_population_count3A : vector<16xi32>
        %all_reduce_population_count3A_300 = tpu.all_reduce %eq3A_281 {dim = 0 : i64, kind = #tpu.reduction_kind<sum>} : vector<16xi1> -> vector<16xi32>
        %add3A_301 = arith.addi %broadcast_in_dim3A_278, %all_reduce_population_count3A_300 : vector<16xi32>
        %gt3A_302 = vector.broadcast %reduce_sum3A_274 : i32 to vector<16xi32>
        %gt3A_303 = arith.cmpi sgt, %get3A_97, %gt3A_302 : vector<16xi32>
        %eq3A_304 = vector.broadcast %reduce_sum3A_274 : i32 to vector<16xi32>
        %eq3A_305 = arith.cmpi eq, %get3A_97, %eq3A_304 : vector<16xi32>
        %jit3A_306 = arith.constant 1 : i32
        %jit3A_307 = arith.constant 0 : i32
        %broadcast_in_dim3A_308 = vector.broadcast %jit3A_306 : i32 to vector<16xi32>
        %broadcast_in_dim3A_309 = vector.broadcast %jit3A_307 : i32 to vector<16xi32>
        %select_n3A_310 = arith.select %gt3A_303, %broadcast_in_dim3A_308, %broadcast_in_dim3A_309 : vector<16xi1>, vector<16xi32>
        %broadcast_in_dim3A_311 = arith.constant true
        %broadcast_in_dim3A_312 = vector.broadcast %broadcast_in_dim3A_311 : i1 to vector<16xi1>
        %masked_cumsum3A_313 = tpu.scan <sum>, %select_n3A_310 masked %broadcast_in_dim3A_312 : vector<16xi32>, vector<16xi1> -> vector<16xi32>
        %add3A_314 = arith.addi %add3A_299, %masked_cumsum3A_313 : vector<16xi32>
        %jit3A_315 = arith.constant 1 : i32
        %jit3A_316 = arith.constant 0 : i32
        %broadcast_in_dim3A_317 = vector.broadcast %jit3A_315 : i32 to vector<16xi32>
        %broadcast_in_dim3A_318 = vector.broadcast %jit3A_316 : i32 to vector<16xi32>
        %select_n3A_319 = arith.select %eq3A_305, %broadcast_in_dim3A_317, %broadcast_in_dim3A_318 : vector<16xi1>, vector<16xi32>
        %broadcast_in_dim3A_320 = arith.constant true
        %broadcast_in_dim3A_321 = vector.broadcast %broadcast_in_dim3A_320 : i1 to vector<16xi1>
        %masked_cumsum3A_322 = tpu.scan <sum>, %select_n3A_319 masked %broadcast_in_dim3A_321 : vector<16xi32>, vector<16xi1> -> vector<16xi32>
        %add3A_323 = arith.addi %add3A_301, %masked_cumsum3A_322 : vector<16xi32>
        %all_reduce_population_count3A_324 = tpu.all_reduce %gt3A_303 {dim = 0 : i64, kind = #tpu.reduction_kind<sum>} : vector<16xi1> -> vector<16xi32>
        %add3A_325 = arith.addi %add3A_299, %all_reduce_population_count3A_324 : vector<16xi32>
        %all_reduce_population_count3A_326 = tpu.all_reduce %eq3A_305 {dim = 0 : i64, kind = #tpu.reduction_kind<sum>} : vector<16xi1> -> vector<16xi32>
        %add3A_327 = arith.addi %add3A_301, %all_reduce_population_count3A_326 : vector<16xi32>
        %gt3A_328 = vector.broadcast %reduce_sum3A_274 : i32 to vector<16xi32>
        %gt3A_329 = arith.cmpi sgt, %get3A_100, %gt3A_328 : vector<16xi32>
        %eq3A_330 = vector.broadcast %reduce_sum3A_274 : i32 to vector<16xi32>
        %eq3A_331 = arith.cmpi eq, %get3A_100, %eq3A_330 : vector<16xi32>
        %jit3A_332 = arith.constant 1 : i32
        %jit3A_333 = arith.constant 0 : i32
        %broadcast_in_dim3A_334 = vector.broadcast %jit3A_332 : i32 to vector<16xi32>
        %broadcast_in_dim3A_335 = vector.broadcast %jit3A_333 : i32 to vector<16xi32>
        %select_n3A_336 = arith.select %gt3A_329, %broadcast_in_dim3A_334, %broadcast_in_dim3A_335 : vector<16xi1>, vector<16xi32>
        %broadcast_in_dim3A_337 = arith.constant true
        %broadcast_in_dim3A_338 = vector.broadcast %broadcast_in_dim3A_337 : i1 to vector<16xi1>
        %masked_cumsum3A_339 = tpu.scan <sum>, %select_n3A_336 masked %broadcast_in_dim3A_338 : vector<16xi32>, vector<16xi1> -> vector<16xi32>
        %add3A_340 = arith.addi %add3A_325, %masked_cumsum3A_339 : vector<16xi32>
        %jit3A_341 = arith.constant 1 : i32
        %jit3A_342 = arith.constant 0 : i32
        %broadcast_in_dim3A_343 = vector.broadcast %jit3A_341 : i32 to vector<16xi32>
        %broadcast_in_dim3A_344 = vector.broadcast %jit3A_342 : i32 to vector<16xi32>
        %select_n3A_345 = arith.select %eq3A_331, %broadcast_in_dim3A_343, %broadcast_in_dim3A_344 : vector<16xi1>, vector<16xi32>
        %broadcast_in_dim3A_346 = arith.constant true
        %broadcast_in_dim3A_347 = vector.broadcast %broadcast_in_dim3A_346 : i1 to vector<16xi1>
        %masked_cumsum3A_348 = tpu.scan <sum>, %select_n3A_345 masked %broadcast_in_dim3A_347 : vector<16xi32>, vector<16xi1> -> vector<16xi32>
        %add3A_349 = arith.addi %add3A_327, %masked_cumsum3A_348 : vector<16xi32>
        %all_reduce_population_count3A_350 = tpu.all_reduce %gt3A_329 {dim = 0 : i64, kind = #tpu.reduction_kind<sum>} : vector<16xi1> -> vector<16xi32>
        %add3A_351 = arith.addi %add3A_325, %all_reduce_population_count3A_350 : vector<16xi32>
        %all_reduce_population_count3A_352 = tpu.all_reduce %eq3A_331 {dim = 0 : i64, kind = #tpu.reduction_kind<sum>} : vector<16xi1> -> vector<16xi32>
        %add3A_353 = arith.addi %add3A_327, %all_reduce_population_count3A_352 : vector<16xi32>
        %gt3A_354 = vector.broadcast %reduce_sum3A_274 : i32 to vector<16xi32>
        %gt3A_355 = arith.cmpi sgt, %get3A_103, %gt3A_354 : vector<16xi32>
        %eq3A_356 = vector.broadcast %reduce_sum3A_274 : i32 to vector<16xi32>
        %eq3A_357 = arith.cmpi eq, %get3A_103, %eq3A_356 : vector<16xi32>
        %jit3A_358 = arith.constant 1 : i32
        %jit3A_359 = arith.constant 0 : i32
        %broadcast_in_dim3A_360 = vector.broadcast %jit3A_358 : i32 to vector<16xi32>
        %broadcast_in_dim3A_361 = vector.broadcast %jit3A_359 : i32 to vector<16xi32>
        %select_n3A_362 = arith.select %gt3A_355, %broadcast_in_dim3A_360, %broadcast_in_dim3A_361 : vector<16xi1>, vector<16xi32>
        %broadcast_in_dim3A_363 = arith.constant true
        %broadcast_in_dim3A_364 = vector.broadcast %broadcast_in_dim3A_363 : i1 to vector<16xi1>
        %masked_cumsum3A_365 = tpu.scan <sum>, %select_n3A_362 masked %broadcast_in_dim3A_364 : vector<16xi32>, vector<16xi1> -> vector<16xi32>
        %add3A_366 = arith.addi %add3A_351, %masked_cumsum3A_365 : vector<16xi32>
        %jit3A_367 = arith.constant 1 : i32
        %jit3A_368 = arith.constant 0 : i32
        %broadcast_in_dim3A_369 = vector.broadcast %jit3A_367 : i32 to vector<16xi32>
        %broadcast_in_dim3A_370 = vector.broadcast %jit3A_368 : i32 to vector<16xi32>
        %select_n3A_371 = arith.select %eq3A_357, %broadcast_in_dim3A_369, %broadcast_in_dim3A_370 : vector<16xi1>, vector<16xi32>
        %broadcast_in_dim3A_372 = arith.constant true
        %broadcast_in_dim3A_373 = vector.broadcast %broadcast_in_dim3A_372 : i1 to vector<16xi1>
        %masked_cumsum3A_374 = tpu.scan <sum>, %select_n3A_371 masked %broadcast_in_dim3A_373 : vector<16xi32>, vector<16xi1> -> vector<16xi32>
        %add3A_375 = arith.addi %add3A_353, %masked_cumsum3A_374 : vector<16xi32>
        %all_reduce_population_count3A_376 = tpu.all_reduce %gt3A_355 {dim = 0 : i64, kind = #tpu.reduction_kind<sum>} : vector<16xi1> -> vector<16xi32>
        %add3A_377 = arith.addi %add3A_351, %all_reduce_population_count3A_376 : vector<16xi32>
        %all_reduce_population_count3A_378 = tpu.all_reduce %eq3A_357 {dim = 0 : i64, kind = #tpu.reduction_kind<sum>} : vector<16xi1> -> vector<16xi32>
        %add3A_379 = arith.addi %add3A_353, %all_reduce_population_count3A_378 : vector<16xi32>
        %gt3A_380 = vector.broadcast %reduce_sum3A_274 : i32 to vector<16xi32>
        %gt3A_381 = arith.cmpi sgt, %get3A_106, %gt3A_380 : vector<16xi32>
        %eq3A_382 = vector.broadcast %reduce_sum3A_274 : i32 to vector<16xi32>
        %eq3A_383 = arith.cmpi eq, %get3A_106, %eq3A_382 : vector<16xi32>
        %jit3A_384 = arith.constant 1 : i32
        %jit3A_385 = arith.constant 0 : i32
        %broadcast_in_dim3A_386 = vector.broadcast %jit3A_384 : i32 to vector<16xi32>
        %broadcast_in_dim3A_387 = vector.broadcast %jit3A_385 : i32 to vector<16xi32>
        %select_n3A_388 = arith.select %gt3A_381, %broadcast_in_dim3A_386, %broadcast_in_dim3A_387 : vector<16xi1>, vector<16xi32>
        %broadcast_in_dim3A_389 = arith.constant true
        %broadcast_in_dim3A_390 = vector.broadcast %broadcast_in_dim3A_389 : i1 to vector<16xi1>
        %masked_cumsum3A_391 = tpu.scan <sum>, %select_n3A_388 masked %broadcast_in_dim3A_390 : vector<16xi32>, vector<16xi1> -> vector<16xi32>
        %add3A_392 = arith.addi %add3A_377, %masked_cumsum3A_391 : vector<16xi32>
        %jit3A_393 = arith.constant 1 : i32
        %jit3A_394 = arith.constant 0 : i32
        %broadcast_in_dim3A_395 = vector.broadcast %jit3A_393 : i32 to vector<16xi32>
        %broadcast_in_dim3A_396 = vector.broadcast %jit3A_394 : i32 to vector<16xi32>
        %select_n3A_397 = arith.select %eq3A_383, %broadcast_in_dim3A_395, %broadcast_in_dim3A_396 : vector<16xi1>, vector<16xi32>
        %broadcast_in_dim3A_398 = arith.constant true
        %broadcast_in_dim3A_399 = vector.broadcast %broadcast_in_dim3A_398 : i1 to vector<16xi1>
        %masked_cumsum3A_400 = tpu.scan <sum>, %select_n3A_397 masked %broadcast_in_dim3A_399 : vector<16xi32>, vector<16xi1> -> vector<16xi32>
        %add3A_401 = arith.addi %add3A_379, %masked_cumsum3A_400 : vector<16xi32>
        %all_reduce_population_count3A_402 = tpu.all_reduce %gt3A_381 {dim = 0 : i64, kind = #tpu.reduction_kind<sum>} : vector<16xi1> -> vector<16xi32>
        %add3A_403 = arith.addi %add3A_377, %all_reduce_population_count3A_402 : vector<16xi32>
        %all_reduce_population_count3A_404 = tpu.all_reduce %eq3A_383 {dim = 0 : i64, kind = #tpu.reduction_kind<sum>} : vector<16xi1> -> vector<16xi32>
        %add3A_405 = arith.addi %add3A_379, %all_reduce_population_count3A_404 : vector<16xi32>
        %gt3A_406 = vector.broadcast %reduce_sum3A_274 : i32 to vector<16xi32>
        %gt3A_407 = arith.cmpi sgt, %get3A_109, %gt3A_406 : vector<16xi32>
        %eq3A_408 = vector.broadcast %reduce_sum3A_274 : i32 to vector<16xi32>
        %eq3A_409 = arith.cmpi eq, %get3A_109, %eq3A_408 : vector<16xi32>
        %jit3A_410 = arith.constant 1 : i32
        %jit3A_411 = arith.constant 0 : i32
        %broadcast_in_dim3A_412 = vector.broadcast %jit3A_410 : i32 to vector<16xi32>
        %broadcast_in_dim3A_413 = vector.broadcast %jit3A_411 : i32 to vector<16xi32>
        %select_n3A_414 = arith.select %gt3A_407, %broadcast_in_dim3A_412, %broadcast_in_dim3A_413 : vector<16xi1>, vector<16xi32>
        %broadcast_in_dim3A_415 = arith.constant true
        %broadcast_in_dim3A_416 = vector.broadcast %broadcast_in_dim3A_415 : i1 to vector<16xi1>
        %masked_cumsum3A_417 = tpu.scan <sum>, %select_n3A_414 masked %broadcast_in_dim3A_416 : vector<16xi32>, vector<16xi1> -> vector<16xi32>
        %add3A_418 = arith.addi %add3A_403, %masked_cumsum3A_417 : vector<16xi32>
        %jit3A_419 = arith.constant 1 : i32
        %jit3A_420 = arith.constant 0 : i32
        %broadcast_in_dim3A_421 = vector.broadcast %jit3A_419 : i32 to vector<16xi32>
        %broadcast_in_dim3A_422 = vector.broadcast %jit3A_420 : i32 to vector<16xi32>
        %select_n3A_423 = arith.select %eq3A_409, %broadcast_in_dim3A_421, %broadcast_in_dim3A_422 : vector<16xi1>, vector<16xi32>
        %broadcast_in_dim3A_424 = arith.constant true
        %broadcast_in_dim3A_425 = vector.broadcast %broadcast_in_dim3A_424 : i1 to vector<16xi1>
        %masked_cumsum3A_426 = tpu.scan <sum>, %select_n3A_423 masked %broadcast_in_dim3A_425 : vector<16xi32>, vector<16xi1> -> vector<16xi32>
        %add3A_427 = arith.addi %add3A_405, %masked_cumsum3A_426 : vector<16xi32>
        %all_reduce_population_count3A_428 = tpu.all_reduce %gt3A_407 {dim = 0 : i64, kind = #tpu.reduction_kind<sum>} : vector<16xi1> -> vector<16xi32>
        %add3A_429 = arith.addi %add3A_403, %all_reduce_population_count3A_428 : vector<16xi32>
        %all_reduce_population_count3A_430 = tpu.all_reduce %eq3A_409 {dim = 0 : i64, kind = #tpu.reduction_kind<sum>} : vector<16xi1> -> vector<16xi32>
        %add3A_431 = arith.addi %add3A_405, %all_reduce_population_count3A_430 : vector<16xi32>
        %gt3A_432 = vector.broadcast %reduce_sum3A_274 : i32 to vector<16xi32>
        %gt3A_433 = arith.cmpi sgt, %get3A_112, %gt3A_432 : vector<16xi32>
        %eq3A_434 = vector.broadcast %reduce_sum3A_274 : i32 to vector<16xi32>
        %eq3A_435 = arith.cmpi eq, %get3A_112, %eq3A_434 : vector<16xi32>
        %jit3A_436 = arith.constant 1 : i32
        %jit3A_437 = arith.constant 0 : i32
        %broadcast_in_dim3A_438 = vector.broadcast %jit3A_436 : i32 to vector<16xi32>
        %broadcast_in_dim3A_439 = vector.broadcast %jit3A_437 : i32 to vector<16xi32>
        %select_n3A_440 = arith.select %gt3A_433, %broadcast_in_dim3A_438, %broadcast_in_dim3A_439 : vector<16xi1>, vector<16xi32>
        %broadcast_in_dim3A_441 = arith.constant true
        %broadcast_in_dim3A_442 = vector.broadcast %broadcast_in_dim3A_441 : i1 to vector<16xi1>
        %masked_cumsum3A_443 = tpu.scan <sum>, %select_n3A_440 masked %broadcast_in_dim3A_442 : vector<16xi32>, vector<16xi1> -> vector<16xi32>
        %add3A_444 = arith.addi %add3A_429, %masked_cumsum3A_443 : vector<16xi32>
        %jit3A_445 = arith.constant 1 : i32
        %jit3A_446 = arith.constant 0 : i32
        %broadcast_in_dim3A_447 = vector.broadcast %jit3A_445 : i32 to vector<16xi32>
        %broadcast_in_dim3A_448 = vector.broadcast %jit3A_446 : i32 to vector<16xi32>
        %select_n3A_449 = arith.select %eq3A_435, %broadcast_in_dim3A_447, %broadcast_in_dim3A_448 : vector<16xi1>, vector<16xi32>
        %broadcast_in_dim3A_450 = arith.constant true
        %broadcast_in_dim3A_451 = vector.broadcast %broadcast_in_dim3A_450 : i1 to vector<16xi1>
        %masked_cumsum3A_452 = tpu.scan <sum>, %select_n3A_449 masked %broadcast_in_dim3A_451 : vector<16xi32>, vector<16xi1> -> vector<16xi32>
        %add3A_453 = arith.addi %add3A_431, %masked_cumsum3A_452 : vector<16xi32>
        %all_reduce_population_count3A_454 = tpu.all_reduce %gt3A_433 {dim = 0 : i64, kind = #tpu.reduction_kind<sum>} : vector<16xi1> -> vector<16xi32>
        %add3A_455 = arith.addi %add3A_429, %all_reduce_population_count3A_454 : vector<16xi32>
        %all_reduce_population_count3A_456 = tpu.all_reduce %eq3A_435 {dim = 0 : i64, kind = #tpu.reduction_kind<sum>} : vector<16xi1> -> vector<16xi32>
        %add3A_457 = arith.addi %add3A_431, %all_reduce_population_count3A_456 : vector<16xi32>
        %gt3A_458 = vector.broadcast %reduce_sum3A_274 : i32 to vector<16xi32>
        %gt3A_459 = arith.cmpi sgt, %get3A_115, %gt3A_458 : vector<16xi32>
        %eq3A_460 = vector.broadcast %reduce_sum3A_274 : i32 to vector<16xi32>
        %eq3A_461 = arith.cmpi eq, %get3A_115, %eq3A_460 : vector<16xi32>
        %jit3A_462 = arith.constant 1 : i32
        %jit3A_463 = arith.constant 0 : i32
        %broadcast_in_dim3A_464 = vector.broadcast %jit3A_462 : i32 to vector<16xi32>
        %broadcast_in_dim3A_465 = vector.broadcast %jit3A_463 : i32 to vector<16xi32>
        %select_n3A_466 = arith.select %gt3A_459, %broadcast_in_dim3A_464, %broadcast_in_dim3A_465 : vector<16xi1>, vector<16xi32>
        %broadcast_in_dim3A_467 = arith.constant true
        %broadcast_in_dim3A_468 = vector.broadcast %broadcast_in_dim3A_467 : i1 to vector<16xi1>
        %masked_cumsum3A_469 = tpu.scan <sum>, %select_n3A_466 masked %broadcast_in_dim3A_468 : vector<16xi32>, vector<16xi1> -> vector<16xi32>
        %add3A_470 = arith.addi %add3A_455, %masked_cumsum3A_469 : vector<16xi32>
        %jit3A_471 = arith.constant 1 : i32
        %jit3A_472 = arith.constant 0 : i32
        %broadcast_in_dim3A_473 = vector.broadcast %jit3A_471 : i32 to vector<16xi32>
        %broadcast_in_dim3A_474 = vector.broadcast %jit3A_472 : i32 to vector<16xi32>
        %select_n3A_475 = arith.select %eq3A_461, %broadcast_in_dim3A_473, %broadcast_in_dim3A_474 : vector<16xi1>, vector<16xi32>
        %broadcast_in_dim3A_476 = arith.constant true
        %broadcast_in_dim3A_477 = vector.broadcast %broadcast_in_dim3A_476 : i1 to vector<16xi1>
        %masked_cumsum3A_478 = tpu.scan <sum>, %select_n3A_475 masked %broadcast_in_dim3A_477 : vector<16xi32>, vector<16xi1> -> vector<16xi32>
        %add3A_479 = arith.addi %add3A_457, %masked_cumsum3A_478 : vector<16xi32>
        %all_reduce_population_count3A_480 = tpu.all_reduce %gt3A_459 {dim = 0 : i64, kind = #tpu.reduction_kind<sum>} : vector<16xi1> -> vector<16xi32>
        %add3A_481 = arith.addi %add3A_455, %all_reduce_population_count3A_480 : vector<16xi32>
        %all_reduce_population_count3A_482 = tpu.all_reduce %eq3A_461 {dim = 0 : i64, kind = #tpu.reduction_kind<sum>} : vector<16xi1> -> vector<16xi32>
        %add3A_483 = arith.addi %add3A_457, %all_reduce_population_count3A_482 : vector<16xi32>
        %sub3A = arith.constant 31 : i32
        %sub3A_484 = vector.broadcast %sub3A : i32 to vector<16xi32>
        %sub3A_485 = arith.subi %sub3A_484, %add3A_298 : vector<16xi32>
        %add3A_486 = arith.constant 0 : i32
        %add3A_487 = vector.broadcast %add3A_486 : i32 to vector<16xi32>
        %add3A_488 = arith.addi %add3A_487, %iota3A : vector<16xi32>
        %lt3A_489 = arith.constant 32 : i32
        %lt3A_490 = vector.broadcast %lt3A_489 : i32 to vector<16xi32>
        %lt3A_491 = arith.cmpi slt, %add3A_298, %lt3A_490 : vector<16xi32>
        %and3A = arith.andi %eq3A_281, %lt3A_491 : vector<16xi1>
        tpu.vector_store_idx %arg9[%sub3A_485], %add3A_488 masked %and3A : memref<32xi32, #tpu.memory_space<vmem>>[vector<16xi32>], vector<16xi32>, vector<16xi1>
        %sub3A_492 = arith.constant 31 : i32
        %sub3A_493 = vector.broadcast %sub3A_492 : i32 to vector<16xi32>
        %sub3A_494 = arith.subi %sub3A_493, %add3A_323 : vector<16xi32>
        %add3A_495 = arith.constant 16 : i32
        %add3A_496 = vector.broadcast %add3A_495 : i32 to vector<16xi32>
        %add3A_497 = arith.addi %add3A_496, %iota3A : vector<16xi32>
        %lt3A_498 = arith.constant 32 : i32
        %lt3A_499 = vector.broadcast %lt3A_498 : i32 to vector<16xi32>
        %lt3A_500 = arith.cmpi slt, %add3A_323, %lt3A_499 : vector<16xi32>
        %and3A_501 = arith.andi %eq3A_305, %lt3A_500 : vector<16xi1>
        tpu.vector_store_idx %arg9[%sub3A_494], %add3A_497 masked %and3A_501 : memref<32xi32, #tpu.memory_space<vmem>>[vector<16xi32>], vector<16xi32>, vector<16xi1>
        %sub3A_502 = arith.constant 31 : i32
        %sub3A_503 = vector.broadcast %sub3A_502 : i32 to vector<16xi32>
        %sub3A_504 = arith.subi %sub3A_503, %add3A_349 : vector<16xi32>
        %add3A_505 = arith.constant 32 : i32
        %add3A_506 = vector.broadcast %add3A_505 : i32 to vector<16xi32>
        %add3A_507 = arith.addi %add3A_506, %iota3A : vector<16xi32>
        %lt3A_508 = arith.constant 32 : i32
        %lt3A_509 = vector.broadcast %lt3A_508 : i32 to vector<16xi32>
        %lt3A_510 = arith.cmpi slt, %add3A_349, %lt3A_509 : vector<16xi32>
        %and3A_511 = arith.andi %eq3A_331, %lt3A_510 : vector<16xi1>
        tpu.vector_store_idx %arg9[%sub3A_504], %add3A_507 masked %and3A_511 : memref<32xi32, #tpu.memory_space<vmem>>[vector<16xi32>], vector<16xi32>, vector<16xi1>
        %sub3A_512 = arith.constant 31 : i32
        %sub3A_513 = vector.broadcast %sub3A_512 : i32 to vector<16xi32>
        %sub3A_514 = arith.subi %sub3A_513, %add3A_375 : vector<16xi32>
        %add3A_515 = arith.constant 48 : i32
        %add3A_516 = vector.broadcast %add3A_515 : i32 to vector<16xi32>
        %add3A_517 = arith.addi %add3A_516, %iota3A : vector<16xi32>
        %lt3A_518 = arith.constant 32 : i32
        %lt3A_519 = vector.broadcast %lt3A_518 : i32 to vector<16xi32>
        %lt3A_520 = arith.cmpi slt, %add3A_375, %lt3A_519 : vector<16xi32>
        %and3A_521 = arith.andi %eq3A_357, %lt3A_520 : vector<16xi1>
        tpu.vector_store_idx %arg9[%sub3A_514], %add3A_517 masked %and3A_521 : memref<32xi32, #tpu.memory_space<vmem>>[vector<16xi32>], vector<16xi32>, vector<16xi1>
        %sub3A_522 = arith.constant 31 : i32
        %sub3A_523 = vector.broadcast %sub3A_522 : i32 to vector<16xi32>
        %sub3A_524 = arith.subi %sub3A_523, %add3A_401 : vector<16xi32>
        %add3A_525 = arith.constant 64 : i32
        %add3A_526 = vector.broadcast %add3A_525 : i32 to vector<16xi32>
        %add3A_527 = arith.addi %add3A_526, %iota3A : vector<16xi32>
        %lt3A_528 = arith.constant 32 : i32
        %lt3A_529 = vector.broadcast %lt3A_528 : i32 to vector<16xi32>
        %lt3A_530 = arith.cmpi slt, %add3A_401, %lt3A_529 : vector<16xi32>
        %and3A_531 = arith.andi %eq3A_383, %lt3A_530 : vector<16xi1>
        tpu.vector_store_idx %arg9[%sub3A_524], %add3A_527 masked %and3A_531 : memref<32xi32, #tpu.memory_space<vmem>>[vector<16xi32>], vector<16xi32>, vector<16xi1>
        %sub3A_532 = arith.constant 31 : i32
        %sub3A_533 = vector.broadcast %sub3A_532 : i32 to vector<16xi32>
        %sub3A_534 = arith.subi %sub3A_533, %add3A_427 : vector<16xi32>
        %add3A_535 = arith.constant 80 : i32
        %add3A_536 = vector.broadcast %add3A_535 : i32 to vector<16xi32>
        %add3A_537 = arith.addi %add3A_536, %iota3A : vector<16xi32>
        %lt3A_538 = arith.constant 32 : i32
        %lt3A_539 = vector.broadcast %lt3A_538 : i32 to vector<16xi32>
        %lt3A_540 = arith.cmpi slt, %add3A_427, %lt3A_539 : vector<16xi32>
        %and3A_541 = arith.andi %eq3A_409, %lt3A_540 : vector<16xi1>
        tpu.vector_store_idx %arg9[%sub3A_534], %add3A_537 masked %and3A_541 : memref<32xi32, #tpu.memory_space<vmem>>[vector<16xi32>], vector<16xi32>, vector<16xi1>
        %sub3A_542 = arith.constant 31 : i32
        %sub3A_543 = vector.broadcast %sub3A_542 : i32 to vector<16xi32>
        %sub3A_544 = arith.subi %sub3A_543, %add3A_453 : vector<16xi32>
        %add3A_545 = arith.constant 96 : i32
        %add3A_546 = vector.broadcast %add3A_545 : i32 to vector<16xi32>
        %add3A_547 = arith.addi %add3A_546, %iota3A : vector<16xi32>
        %lt3A_548 = arith.constant 32 : i32
        %lt3A_549 = vector.broadcast %lt3A_548 : i32 to vector<16xi32>
        %lt3A_550 = arith.cmpi slt, %add3A_453, %lt3A_549 : vector<16xi32>
        %and3A_551 = arith.andi %eq3A_435, %lt3A_550 : vector<16xi1>
        tpu.vector_store_idx %arg9[%sub3A_544], %add3A_547 masked %and3A_551 : memref<32xi32, #tpu.memory_space<vmem>>[vector<16xi32>], vector<16xi32>, vector<16xi1>
        %sub3A_552 = arith.constant 31 : i32
        %sub3A_553 = vector.broadcast %sub3A_552 : i32 to vector<16xi32>
        %sub3A_554 = arith.subi %sub3A_553, %add3A_479 : vector<16xi32>
        %add3A_555 = arith.constant 112 : i32
        %add3A_556 = vector.broadcast %add3A_555 : i32 to vector<16xi32>
        %add3A_557 = arith.addi %add3A_556, %iota3A : vector<16xi32>
        %lt3A_558 = arith.constant 32 : i32
        %lt3A_559 = vector.broadcast %lt3A_558 : i32 to vector<16xi32>
        %lt3A_560 = arith.cmpi slt, %add3A_479, %lt3A_559 : vector<16xi32>
        %and3A_561 = arith.andi %eq3A_461, %lt3A_560 : vector<16xi1>
        tpu.vector_store_idx %arg9[%sub3A_554], %add3A_557 masked %and3A_561 : memref<32xi32, #tpu.memory_space<vmem>>[vector<16xi32>], vector<16xi32>, vector<16xi1>
        %add3A_562 = arith.constant 0 : i32
        %add3A_563 = vector.broadcast %add3A_562 : i32 to vector<16xi32>
        %add3A_564 = arith.addi %add3A_563, %iota3A : vector<16xi32>
        tpu.vector_store_idx %arg9[%add3A_289], %add3A_564 masked %gt3A_279 : memref<32xi32, #tpu.memory_space<vmem>>[vector<16xi32>], vector<16xi32>, vector<16xi1>
        %add3A_565 = arith.constant 16 : i32
        %add3A_566 = vector.broadcast %add3A_565 : i32 to vector<16xi32>
        %add3A_567 = arith.addi %add3A_566, %iota3A : vector<16xi32>
        tpu.vector_store_idx %arg9[%add3A_314], %add3A_567 masked %gt3A_303 : memref<32xi32, #tpu.memory_space<vmem>>[vector<16xi32>], vector<16xi32>, vector<16xi1>
        %add3A_568 = arith.constant 32 : i32
        %add3A_569 = vector.broadcast %add3A_568 : i32 to vector<16xi32>
        %add3A_570 = arith.addi %add3A_569, %iota3A : vector<16xi32>
        tpu.vector_store_idx %arg9[%add3A_340], %add3A_570 masked %gt3A_329 : memref<32xi32, #tpu.memory_space<vmem>>[vector<16xi32>], vector<16xi32>, vector<16xi1>
        %add3A_571 = arith.constant 48 : i32
        %add3A_572 = vector.broadcast %add3A_571 : i32 to vector<16xi32>
        %add3A_573 = arith.addi %add3A_572, %iota3A : vector<16xi32>
        tpu.vector_store_idx %arg9[%add3A_366], %add3A_573 masked %gt3A_355 : memref<32xi32, #tpu.memory_space<vmem>>[vector<16xi32>], vector<16xi32>, vector<16xi1>
        %add3A_574 = arith.constant 64 : i32
        %add3A_575 = vector.broadcast %add3A_574 : i32 to vector<16xi32>
        %add3A_576 = arith.addi %add3A_575, %iota3A : vector<16xi32>
        tpu.vector_store_idx %arg9[%add3A_392], %add3A_576 masked %gt3A_381 : memref<32xi32, #tpu.memory_space<vmem>>[vector<16xi32>], vector<16xi32>, vector<16xi1>
        %add3A_577 = arith.constant 80 : i32
        %add3A_578 = vector.broadcast %add3A_577 : i32 to vector<16xi32>
        %add3A_579 = arith.addi %add3A_578, %iota3A : vector<16xi32>
        tpu.vector_store_idx %arg9[%add3A_418], %add3A_579 masked %gt3A_407 : memref<32xi32, #tpu.memory_space<vmem>>[vector<16xi32>], vector<16xi32>, vector<16xi1>
        %add3A_580 = arith.constant 96 : i32
        %add3A_581 = vector.broadcast %add3A_580 : i32 to vector<16xi32>
        %add3A_582 = arith.addi %add3A_581, %iota3A : vector<16xi32>
        tpu.vector_store_idx %arg9[%add3A_444], %add3A_582 masked %gt3A_433 : memref<32xi32, #tpu.memory_space<vmem>>[vector<16xi32>], vector<16xi32>, vector<16xi1>
        %add3A_583 = arith.constant 112 : i32
        %add3A_584 = vector.broadcast %add3A_583 : i32 to vector<16xi32>
        %add3A_585 = arith.addi %add3A_584, %iota3A : vector<16xi32>
        tpu.vector_store_idx %arg9[%add3A_470], %add3A_585 masked %gt3A_459 : memref<32xi32, #tpu.memory_space<vmem>>[vector<16xi32>], vector<16xi32>, vector<16xi1>
        %get3A_586 = arith.constant 0 : index
        %get3A_587 = tpu.vector_load %arg9[%get3A_586] {strides = array<i32>} : memref<32xi32, #tpu.memory_space<vmem>>, vector<16xi32>,
        %get3A_588 = arith.constant 16 : index
        %get3A_589 = tpu.vector_load %arg9[%get3A_588] {strides = array<i32>} : memref<32xi32, #tpu.memory_space<vmem>>, vector<16xi32>,
        %broadcast_in_dim3A_590 = vector.broadcast %scan3A_91 : i32 to vector<16xi32>
        %eq3A_591 = arith.constant 0 : i32
        %eq3A_592 = vector.broadcast %eq3A_591 : i32 to vector<16xi32>
        %eq3A_593 = arith.cmpi eq, %iota3A, %eq3A_592 : vector<16xi32>
        %jit3A_594 = arith.constant 0 : i32
        %broadcast_in_dim3A_595 = vector.broadcast %jit3A_594 : i32 to vector<16xi32>
        %select_n3A_596 = arith.select %eq3A_593, %get3A_587, %broadcast_in_dim3A_595 : vector<16xi1>, vector<16xi32>
        %reduce_sum3A_597 = arith.constant true
        %reduce_sum3A_598 = vector.broadcast %reduce_sum3A_597 : i1 to vector<16xi1>
        %reduce_sum3A_599 = tpu.scan <sum>, %select_n3A_596 masked %reduce_sum3A_598 : vector<16xi32>, vector<16xi1> -> vector<16xi32>
        %reduce_sum3A_600 = vector.extract %reduce_sum3A_599[15] : i32 from vector<16xi32>
        %mul3A_601 = arith.constant 128 : i32
        %mul3A_602 = vector.broadcast %mul3A_601 : i32 to vector<16xi32>
        %mul3A_603 = arith.muli %mul3A_602, %iota3A : vector<16xi32>
        %add3A_604 = vector.broadcast %reduce_sum3A_600 : i32 to vector<16xi32>
        %add3A_605 = arith.addi %add3A_604, %mul3A_603 : vector<16xi32>
        %gather3A = tpu.vector_load_idx %arg5[%broadcast_in_dim3A_590, %add3A_605] : memref<16x2048xi32, #tpu.memory_space<vmem>>[vector<16xi32>, vector<16xi32>], vector<16xi32>,
        %sort3A_606 = arith.constant dense<true> : vector<16xi1>
        %sort3A_607, %sort3A_608, %sort3A_609 = tpu.sort %gather3A, %gather3A masked %sort3A_606 : (vector<16xi32>, vector<16xi32>, vector<16xi1>) -> (vector<16xi1>, vector<16xi32>, vector<16xi32>)
        %eq3A_610 = arith.constant 1 : i32
        %eq3A_611 = vector.broadcast %eq3A_610 : i32 to vector<16xi32>
        %eq3A_612 = arith.cmpi eq, %iota3A, %eq3A_611 : vector<16xi32>
        %jit3A_613 = arith.constant 0 : i32
        %broadcast_in_dim3A_614 = vector.broadcast %jit3A_613 : i32 to vector<16xi32>
        %select_n3A_615 = arith.select %eq3A_612, %get3A_587, %broadcast_in_dim3A_614 : vector<16xi1>, vector<16xi32>
        %reduce_sum3A_616 = arith.constant true
        %reduce_sum3A_617 = vector.broadcast %reduce_sum3A_616 : i1 to vector<16xi1>
        %reduce_sum3A_618 = tpu.scan <sum>, %select_n3A_615 masked %reduce_sum3A_617 : vector<16xi32>, vector<16xi1> -> vector<16xi32>
        %reduce_sum3A_619 = vector.extract %reduce_sum3A_618[15] : i32 from vector<16xi32>
        %mul3A_620 = arith.constant 128 : i32
        %mul3A_621 = vector.broadcast %mul3A_620 : i32 to vector<16xi32>
        %mul3A_622 = arith.muli %mul3A_621, %iota3A : vector<16xi32>
        %add3A_623 = vector.broadcast %reduce_sum3A_619 : i32 to vector<16xi32>
        %add3A_624 = arith.addi %add3A_623, %mul3A_622 : vector<16xi32>
        %gather3A_625 = tpu.vector_load_idx %arg5[%broadcast_in_dim3A_590, %add3A_624] : memref<16x2048xi32, #tpu.memory_space<vmem>>[vector<16xi32>, vector<16xi32>], vector<16xi32>,
        %sort3A_626 = arith.constant dense<true> : vector<16xi1>
        %sort3A_627, %sort3A_628, %sort3A_629 = tpu.sort %gather3A_625, %gather3A_625 masked %sort3A_626 : (vector<16xi32>, vector<16xi32>, vector<16xi1>) -> (vector<16xi1>, vector<16xi32>, vector<16xi32>)
        %eq3A_630 = arith.constant 2 : i32
        %eq3A_631 = vector.broadcast %eq3A_630 : i32 to vector<16xi32>
        %eq3A_632 = arith.cmpi eq, %iota3A, %eq3A_631 : vector<16xi32>
        %jit3A_633 = arith.constant 0 : i32
        %broadcast_in_dim3A_634 = vector.broadcast %jit3A_633 : i32 to vector<16xi32>
        %select_n3A_635 = arith.select %eq3A_632, %get3A_587, %broadcast_in_dim3A_634 : vector<16xi1>, vector<16xi32>
        %reduce_sum3A_636 = arith.constant true
        %reduce_sum3A_637 = vector.broadcast %reduce_sum3A_636 : i1 to vector<16xi1>
        %reduce_sum3A_638 = tpu.scan <sum>, %select_n3A_635 masked %reduce_sum3A_637 : vector<16xi32>, vector<16xi1> -> vector<16xi32>
        %reduce_sum3A_639 = vector.extract %reduce_sum3A_638[15] : i32 from vector<16xi32>
        %mul3A_640 = arith.constant 128 : i32
        %mul3A_641 = vector.broadcast %mul3A_640 : i32 to vector<16xi32>
        %mul3A_642 = arith.muli %mul3A_641, %iota3A : vector<16xi32>
        %add3A_643 = vector.broadcast %reduce_sum3A_639 : i32 to vector<16xi32>
        %add3A_644 = arith.addi %add3A_643, %mul3A_642 : vector<16xi32>
        %gather3A_645 = tpu.vector_load_idx %arg5[%broadcast_in_dim3A_590, %add3A_644] : memref<16x2048xi32, #tpu.memory_space<vmem>>[vector<16xi32>, vector<16xi32>], vector<16xi32>,
        %sort3A_646 = arith.constant dense<true> : vector<16xi1>
        %sort3A_647, %sort3A_648, %sort3A_649 = tpu.sort %gather3A_645, %gather3A_645 masked %sort3A_646 : (vector<16xi32>, vector<16xi32>, vector<16xi1>) -> (vector<16xi1>, vector<16xi32>, vector<16xi32>)
        %eq3A_650 = arith.constant 3 : i32
        %eq3A_651 = vector.broadcast %eq3A_650 : i32 to vector<16xi32>
        %eq3A_652 = arith.cmpi eq, %iota3A, %eq3A_651 : vector<16xi32>
        %jit3A_653 = arith.constant 0 : i32
        %broadcast_in_dim3A_654 = vector.broadcast %jit3A_653 : i32 to vector<16xi32>
        %select_n3A_655 = arith.select %eq3A_652, %get3A_587, %broadcast_in_dim3A_654 : vector<16xi1>, vector<16xi32>
        %reduce_sum3A_656 = arith.constant true
        %reduce_sum3A_657 = vector.broadcast %reduce_sum3A_656 : i1 to vector<16xi1>
        %reduce_sum3A_658 = tpu.scan <sum>, %select_n3A_655 masked %reduce_sum3A_657 : vector<16xi32>, vector<16xi1> -> vector<16xi32>
        %reduce_sum3A_659 = vector.extract %reduce_sum3A_658[15] : i32 from vector<16xi32>
        %mul3A_660 = arith.constant 128 : i32
        %mul3A_661 = vector.broadcast %mul3A_660 : i32 to vector<16xi32>
        %mul3A_662 = arith.muli %mul3A_661, %iota3A : vector<16xi32>
        %add3A_663 = vector.broadcast %reduce_sum3A_659 : i32 to vector<16xi32>
        %add3A_664 = arith.addi %add3A_663, %mul3A_662 : vector<16xi32>
        %gather3A_665 = tpu.vector_load_idx %arg5[%broadcast_in_dim3A_590, %add3A_664] : memref<16x2048xi32, #tpu.memory_space<vmem>>[vector<16xi32>, vector<16xi32>], vector<16xi32>,
        %sort3A_666 = arith.constant dense<true> : vector<16xi1>
        %sort3A_667, %sort3A_668, %sort3A_669 = tpu.sort %gather3A_665, %gather3A_665 masked %sort3A_666 : (vector<16xi32>, vector<16xi32>, vector<16xi1>) -> (vector<16xi1>, vector<16xi32>, vector<16xi32>)
        %eq3A_670 = arith.constant 4 : i32
        %eq3A_671 = vector.broadcast %eq3A_670 : i32 to vector<16xi32>
        %eq3A_672 = arith.cmpi eq, %iota3A, %eq3A_671 : vector<16xi32>
        %jit3A_673 = arith.constant 0 : i32
        %broadcast_in_dim3A_674 = vector.broadcast %jit3A_673 : i32 to vector<16xi32>
        %select_n3A_675 = arith.select %eq3A_672, %get3A_587, %broadcast_in_dim3A_674 : vector<16xi1>, vector<16xi32>
        %reduce_sum3A_676 = arith.constant true
        %reduce_sum3A_677 = vector.broadcast %reduce_sum3A_676 : i1 to vector<16xi1>
        %reduce_sum3A_678 = tpu.scan <sum>, %select_n3A_675 masked %reduce_sum3A_677 : vector<16xi32>, vector<16xi1> -> vector<16xi32>
        %reduce_sum3A_679 = vector.extract %reduce_sum3A_678[15] : i32 from vector<16xi32>
        %mul3A_680 = arith.constant 128 : i32
        %mul3A_681 = vector.broadcast %mul3A_680 : i32 to vector<16xi32>
        %mul3A_682 = arith.muli %mul3A_681, %iota3A : vector<16xi32>
        %add3A_683 = vector.broadcast %reduce_sum3A_679 : i32 to vector<16xi32>
        %add3A_684 = arith.addi %add3A_683, %mul3A_682 : vector<16xi32>
        %gather3A_685 = tpu.vector_load_idx %arg5[%broadcast_in_dim3A_590, %add3A_684] : memref<16x2048xi32, #tpu.memory_space<vmem>>[vector<16xi32>, vector<16xi32>], vector<16xi32>,
        %sort3A_686 = arith.constant dense<true> : vector<16xi1>
        %sort3A_687, %sort3A_688, %sort3A_689 = tpu.sort %gather3A_685, %gather3A_685 masked %sort3A_686 : (vector<16xi32>, vector<16xi32>, vector<16xi1>) -> (vector<16xi1>, vector<16xi32>, vector<16xi32>)
        %eq3A_690 = arith.constant 5 : i32
        %eq3A_691 = vector.broadcast %eq3A_690 : i32 to vector<16xi32>
        %eq3A_692 = arith.cmpi eq, %iota3A, %eq3A_691 : vector<16xi32>
        %jit3A_693 = arith.constant 0 : i32
        %broadcast_in_dim3A_694 = vector.broadcast %jit3A_693 : i32 to vector<16xi32>
        %select_n3A_695 = arith.select %eq3A_692, %get3A_587, %broadcast_in_dim3A_694 : vector<16xi1>, vector<16xi32>
        %reduce_sum3A_696 = arith.constant true
        %reduce_sum3A_697 = vector.broadcast %reduce_sum3A_696 : i1 to vector<16xi1>
        %reduce_sum3A_698 = tpu.scan <sum>, %select_n3A_695 masked %reduce_sum3A_697 : vector<16xi32>, vector<16xi1> -> vector<16xi32>
        %reduce_sum3A_699 = vector.extract %reduce_sum3A_698[15] : i32 from vector<16xi32>
        %mul3A_700 = arith.constant 128 : i32
        %mul3A_701 = vector.broadcast %mul3A_700 : i32 to vector<16xi32>
        %mul3A_702 = arith.muli %mul3A_701, %iota3A : vector<16xi32>
        %add3A_703 = vector.broadcast %reduce_sum3A_699 : i32 to vector<16xi32>
        %add3A_704 = arith.addi %add3A_703, %mul3A_702 : vector<16xi32>
        %gather3A_705 = tpu.vector_load_idx %arg5[%broadcast_in_dim3A_590, %add3A_704] : memref<16x2048xi32, #tpu.memory_space<vmem>>[vector<16xi32>, vector<16xi32>], vector<16xi32>,
        %sort3A_706 = arith.constant dense<true> : vector<16xi1>
        %sort3A_707, %sort3A_708, %sort3A_709 = tpu.sort %gather3A_705, %gather3A_705 masked %sort3A_706 : (vector<16xi32>, vector<16xi32>, vector<16xi1>) -> (vector<16xi1>, vector<16xi32>, vector<16xi32>)
        %eq3A_710 = arith.constant 6 : i32
        %eq3A_711 = vector.broadcast %eq3A_710 : i32 to vector<16xi32>
        %eq3A_712 = arith.cmpi eq, %iota3A, %eq3A_711 : vector<16xi32>
        %jit3A_713 = arith.constant 0 : i32
        %broadcast_in_dim3A_714 = vector.broadcast %jit3A_713 : i32 to vector<16xi32>
        %select_n3A_715 = arith.select %eq3A_712, %get3A_587, %broadcast_in_dim3A_714 : vector<16xi1>, vector<16xi32>
        %reduce_sum3A_716 = arith.constant true
        %reduce_sum3A_717 = vector.broadcast %reduce_sum3A_716 : i1 to vector<16xi1>
        %reduce_sum3A_718 = tpu.scan <sum>, %select_n3A_715 masked %reduce_sum3A_717 : vector<16xi32>, vector<16xi1> -> vector<16xi32>
        %reduce_sum3A_719 = vector.extract %reduce_sum3A_718[15] : i32 from vector<16xi32>
        %mul3A_720 = arith.constant 128 : i32
        %mul3A_721 = vector.broadcast %mul3A_720 : i32 to vector<16xi32>
        %mul3A_722 = arith.muli %mul3A_721, %iota3A : vector<16xi32>
        %add3A_723 = vector.broadcast %reduce_sum3A_719 : i32 to vector<16xi32>
        %add3A_724 = arith.addi %add3A_723, %mul3A_722 : vector<16xi32>
        %gather3A_725 = tpu.vector_load_idx %arg5[%broadcast_in_dim3A_590, %add3A_724] : memref<16x2048xi32, #tpu.memory_space<vmem>>[vector<16xi32>, vector<16xi32>], vector<16xi32>,
        %sort3A_726 = arith.constant dense<true> : vector<16xi1>
        %sort3A_727, %sort3A_728, %sort3A_729 = tpu.sort %gather3A_725, %gather3A_725 masked %sort3A_726 : (vector<16xi32>, vector<16xi32>, vector<16xi1>) -> (vector<16xi1>, vector<16xi32>, vector<16xi32>)
        %eq3A_730 = arith.constant 7 : i32
        %eq3A_731 = vector.broadcast %eq3A_730 : i32 to vector<16xi32>
        %eq3A_732 = arith.cmpi eq, %iota3A, %eq3A_731 : vector<16xi32>
        %jit3A_733 = arith.constant 0 : i32
        %broadcast_in_dim3A_734 = vector.broadcast %jit3A_733 : i32 to vector<16xi32>
        %select_n3A_735 = arith.select %eq3A_732, %get3A_587, %broadcast_in_dim3A_734 : vector<16xi1>, vector<16xi32>
        %reduce_sum3A_736 = arith.constant true
        %reduce_sum3A_737 = vector.broadcast %reduce_sum3A_736 : i1 to vector<16xi1>
        %reduce_sum3A_738 = tpu.scan <sum>, %select_n3A_735 masked %reduce_sum3A_737 : vector<16xi32>, vector<16xi1> -> vector<16xi32>
        %reduce_sum3A_739 = vector.extract %reduce_sum3A_738[15] : i32 from vector<16xi32>
        %mul3A_740 = arith.constant 128 : i32
        %mul3A_741 = vector.broadcast %mul3A_740 : i32 to vector<16xi32>
        %mul3A_742 = arith.muli %mul3A_741, %iota3A : vector<16xi32>
        %add3A_743 = vector.broadcast %reduce_sum3A_739 : i32 to vector<16xi32>
        %add3A_744 = arith.addi %add3A_743, %mul3A_742 : vector<16xi32>
        %gather3A_745 = tpu.vector_load_idx %arg5[%broadcast_in_dim3A_590, %add3A_744] : memref<16x2048xi32, #tpu.memory_space<vmem>>[vector<16xi32>, vector<16xi32>], vector<16xi32>,
        %sort3A_746 = arith.constant dense<true> : vector<16xi1>
        %sort3A_747, %sort3A_748, %sort3A_749 = tpu.sort %gather3A_745, %gather3A_745 masked %sort3A_746 : (vector<16xi32>, vector<16xi32>, vector<16xi1>) -> (vector<16xi1>, vector<16xi32>, vector<16xi32>)
        %eq3A_750 = arith.constant 8 : i32
        %eq3A_751 = vector.broadcast %eq3A_750 : i32 to vector<16xi32>
        %eq3A_752 = arith.cmpi eq, %iota3A, %eq3A_751 : vector<16xi32>
        %jit3A_753 = arith.constant 0 : i32
        %broadcast_in_dim3A_754 = vector.broadcast %jit3A_753 : i32 to vector<16xi32>
        %select_n3A_755 = arith.select %eq3A_752, %get3A_587, %broadcast_in_dim3A_754 : vector<16xi1>, vector<16xi32>
        %reduce_sum3A_756 = arith.constant true
        %reduce_sum3A_757 = vector.broadcast %reduce_sum3A_756 : i1 to vector<16xi1>
        %reduce_sum3A_758 = tpu.scan <sum>, %select_n3A_755 masked %reduce_sum3A_757 : vector<16xi32>, vector<16xi1> -> vector<16xi32>
        %reduce_sum3A_759 = vector.extract %reduce_sum3A_758[15] : i32 from vector<16xi32>
        %mul3A_760 = arith.constant 128 : i32
        %mul3A_761 = vector.broadcast %mul3A_760 : i32 to vector<16xi32>
        %mul3A_762 = arith.muli %mul3A_761, %iota3A : vector<16xi32>
        %add3A_763 = vector.broadcast %reduce_sum3A_759 : i32 to vector<16xi32>
        %add3A_764 = arith.addi %add3A_763, %mul3A_762 : vector<16xi32>
        %gather3A_765 = tpu.vector_load_idx %arg5[%broadcast_in_dim3A_590, %add3A_764] : memref<16x2048xi32, #tpu.memory_space<vmem>>[vector<16xi32>, vector<16xi32>], vector<16xi32>,
        %sort3A_766 = arith.constant dense<true> : vector<16xi1>
        %sort3A_767, %sort3A_768, %sort3A_769 = tpu.sort %gather3A_765, %gather3A_765 masked %sort3A_766 : (vector<16xi32>, vector<16xi32>, vector<16xi1>) -> (vector<16xi1>, vector<16xi32>, vector<16xi32>)
        %eq3A_770 = arith.constant 9 : i32
        %eq3A_771 = vector.broadcast %eq3A_770 : i32 to vector<16xi32>
        %eq3A_772 = arith.cmpi eq, %iota3A, %eq3A_771 : vector<16xi32>
        %jit3A_773 = arith.constant 0 : i32
        %broadcast_in_dim3A_774 = vector.broadcast %jit3A_773 : i32 to vector<16xi32>
        %select_n3A_775 = arith.select %eq3A_772, %get3A_587, %broadcast_in_dim3A_774 : vector<16xi1>, vector<16xi32>
        %reduce_sum3A_776 = arith.constant true
        %reduce_sum3A_777 = vector.broadcast %reduce_sum3A_776 : i1 to vector<16xi1>
        %reduce_sum3A_778 = tpu.scan <sum>, %select_n3A_775 masked %reduce_sum3A_777 : vector<16xi32>, vector<16xi1> -> vector<16xi32>
        %reduce_sum3A_779 = vector.extract %reduce_sum3A_778[15] : i32 from vector<16xi32>
        %mul3A_780 = arith.constant 128 : i32
        %mul3A_781 = vector.broadcast %mul3A_780 : i32 to vector<16xi32>
        %mul3A_782 = arith.muli %mul3A_781, %iota3A : vector<16xi32>
        %add3A_783 = vector.broadcast %reduce_sum3A_779 : i32 to vector<16xi32>
        %add3A_784 = arith.addi %add3A_783, %mul3A_782 : vector<16xi32>
        %gather3A_785 = tpu.vector_load_idx %arg5[%broadcast_in_dim3A_590, %add3A_784] : memref<16x2048xi32, #tpu.memory_space<vmem>>[vector<16xi32>, vector<16xi32>], vector<16xi32>,
        %sort3A_786 = arith.constant dense<true> : vector<16xi1>
        %sort3A_787, %sort3A_788, %sort3A_789 = tpu.sort %gather3A_785, %gather3A_785 masked %sort3A_786 : (vector<16xi32>, vector<16xi32>, vector<16xi1>) -> (vector<16xi1>, vector<16xi32>, vector<16xi32>)
        %eq3A_790 = arith.constant 10 : i32
        %eq3A_791 = vector.broadcast %eq3A_790 : i32 to vector<16xi32>
        %eq3A_792 = arith.cmpi eq, %iota3A, %eq3A_791 : vector<16xi32>
        %jit3A_793 = arith.constant 0 : i32
        %broadcast_in_dim3A_794 = vector.broadcast %jit3A_793 : i32 to vector<16xi32>
        %select_n3A_795 = arith.select %eq3A_792, %get3A_587, %broadcast_in_dim3A_794 : vector<16xi1>, vector<16xi32>
        %reduce_sum3A_796 = arith.constant true
        %reduce_sum3A_797 = vector.broadcast %reduce_sum3A_796 : i1 to vector<16xi1>
        %reduce_sum3A_798 = tpu.scan <sum>, %select_n3A_795 masked %reduce_sum3A_797 : vector<16xi32>, vector<16xi1> -> vector<16xi32>
        %reduce_sum3A_799 = vector.extract %reduce_sum3A_798[15] : i32 from vector<16xi32>
        %mul3A_800 = arith.constant 128 : i32
        %mul3A_801 = vector.broadcast %mul3A_800 : i32 to vector<16xi32>
        %mul3A_802 = arith.muli %mul3A_801, %iota3A : vector<16xi32>
        %add3A_803 = vector.broadcast %reduce_sum3A_799 : i32 to vector<16xi32>
        %add3A_804 = arith.addi %add3A_803, %mul3A_802 : vector<16xi32>
        %gather3A_805 = tpu.vector_load_idx %arg5[%broadcast_in_dim3A_590, %add3A_804] : memref<16x2048xi32, #tpu.memory_space<vmem>>[vector<16xi32>, vector<16xi32>], vector<16xi32>,
        %sort3A_806 = arith.constant dense<true> : vector<16xi1>
        %sort3A_807, %sort3A_808, %sort3A_809 = tpu.sort %gather3A_805, %gather3A_805 masked %sort3A_806 : (vector<16xi32>, vector<16xi32>, vector<16xi1>) -> (vector<16xi1>, vector<16xi32>, vector<16xi32>)
        %eq3A_810 = arith.constant 11 : i32
        %eq3A_811 = vector.broadcast %eq3A_810 : i32 to vector<16xi32>
        %eq3A_812 = arith.cmpi eq, %iota3A, %eq3A_811 : vector<16xi32>
        %jit3A_813 = arith.constant 0 : i32
        %broadcast_in_dim3A_814 = vector.broadcast %jit3A_813 : i32 to vector<16xi32>
        %select_n3A_815 = arith.select %eq3A_812, %get3A_587, %broadcast_in_dim3A_814 : vector<16xi1>, vector<16xi32>
        %reduce_sum3A_816 = arith.constant true
        %reduce_sum3A_817 = vector.broadcast %reduce_sum3A_816 : i1 to vector<16xi1>
        %reduce_sum3A_818 = tpu.scan <sum>, %select_n3A_815 masked %reduce_sum3A_817 : vector<16xi32>, vector<16xi1> -> vector<16xi32>
        %reduce_sum3A_819 = vector.extract %reduce_sum3A_818[15] : i32 from vector<16xi32>
        %mul3A_820 = arith.constant 128 : i32
        %mul3A_821 = vector.broadcast %mul3A_820 : i32 to vector<16xi32>
        %mul3A_822 = arith.muli %mul3A_821, %iota3A : vector<16xi32>
        %add3A_823 = vector.broadcast %reduce_sum3A_819 : i32 to vector<16xi32>
        %add3A_824 = arith.addi %add3A_823, %mul3A_822 : vector<16xi32>
        %gather3A_825 = tpu.vector_load_idx %arg5[%broadcast_in_dim3A_590, %add3A_824] : memref<16x2048xi32, #tpu.memory_space<vmem>>[vector<16xi32>, vector<16xi32>], vector<16xi32>,
        %sort3A_826 = arith.constant dense<true> : vector<16xi1>
        %sort3A_827, %sort3A_828, %sort3A_829 = tpu.sort %gather3A_825, %gather3A_825 masked %sort3A_826 : (vector<16xi32>, vector<16xi32>, vector<16xi1>) -> (vector<16xi1>, vector<16xi32>, vector<16xi32>)
        %eq3A_830 = arith.constant 12 : i32
        %eq3A_831 = vector.broadcast %eq3A_830 : i32 to vector<16xi32>
        %eq3A_832 = arith.cmpi eq, %iota3A, %eq3A_831 : vector<16xi32>
        %jit3A_833 = arith.constant 0 : i32
        %broadcast_in_dim3A_834 = vector.broadcast %jit3A_833 : i32 to vector<16xi32>
        %select_n3A_835 = arith.select %eq3A_832, %get3A_587, %broadcast_in_dim3A_834 : vector<16xi1>, vector<16xi32>
        %reduce_sum3A_836 = arith.constant true
        %reduce_sum3A_837 = vector.broadcast %reduce_sum3A_836 : i1 to vector<16xi1>
        %reduce_sum3A_838 = tpu.scan <sum>, %select_n3A_835 masked %reduce_sum3A_837 : vector<16xi32>, vector<16xi1> -> vector<16xi32>
        %reduce_sum3A_839 = vector.extract %reduce_sum3A_838[15] : i32 from vector<16xi32>
        %mul3A_840 = arith.constant 128 : i32
        %mul3A_841 = vector.broadcast %mul3A_840 : i32 to vector<16xi32>
        %mul3A_842 = arith.muli %mul3A_841, %iota3A : vector<16xi32>
        %add3A_843 = vector.broadcast %reduce_sum3A_839 : i32 to vector<16xi32>
        %add3A_844 = arith.addi %add3A_843, %mul3A_842 : vector<16xi32>
        %gather3A_845 = tpu.vector_load_idx %arg5[%broadcast_in_dim3A_590, %add3A_844] : memref<16x2048xi32, #tpu.memory_space<vmem>>[vector<16xi32>, vector<16xi32>], vector<16xi32>,
        %sort3A_846 = arith.constant dense<true> : vector<16xi1>
        %sort3A_847, %sort3A_848, %sort3A_849 = tpu.sort %gather3A_845, %gather3A_845 masked %sort3A_846 : (vector<16xi32>, vector<16xi32>, vector<16xi1>) -> (vector<16xi1>, vector<16xi32>, vector<16xi32>)
        %eq3A_850 = arith.constant 13 : i32
        %eq3A_851 = vector.broadcast %eq3A_850 : i32 to vector<16xi32>
        %eq3A_852 = arith.cmpi eq, %iota3A, %eq3A_851 : vector<16xi32>
        %jit3A_853 = arith.constant 0 : i32
        %broadcast_in_dim3A_854 = vector.broadcast %jit3A_853 : i32 to vector<16xi32>
        %select_n3A_855 = arith.select %eq3A_852, %get3A_587, %broadcast_in_dim3A_854 : vector<16xi1>, vector<16xi32>
        %reduce_sum3A_856 = arith.constant true
        %reduce_sum3A_857 = vector.broadcast %reduce_sum3A_856 : i1 to vector<16xi1>
        %reduce_sum3A_858 = tpu.scan <sum>, %select_n3A_855 masked %reduce_sum3A_857 : vector<16xi32>, vector<16xi1> -> vector<16xi32>
        %reduce_sum3A_859 = vector.extract %reduce_sum3A_858[15] : i32 from vector<16xi32>
        %mul3A_860 = arith.constant 128 : i32
        %mul3A_861 = vector.broadcast %mul3A_860 : i32 to vector<16xi32>
        %mul3A_862 = arith.muli %mul3A_861, %iota3A : vector<16xi32>
        %add3A_863 = vector.broadcast %reduce_sum3A_859 : i32 to vector<16xi32>
        %add3A_864 = arith.addi %add3A_863, %mul3A_862 : vector<16xi32>
        %gather3A_865 = tpu.vector_load_idx %arg5[%broadcast_in_dim3A_590, %add3A_864] : memref<16x2048xi32, #tpu.memory_space<vmem>>[vector<16xi32>, vector<16xi32>], vector<16xi32>,
        %sort3A_866 = arith.constant dense<true> : vector<16xi1>
        %sort3A_867, %sort3A_868, %sort3A_869 = tpu.sort %gather3A_865, %gather3A_865 masked %sort3A_866 : (vector<16xi32>, vector<16xi32>, vector<16xi1>) -> (vector<16xi1>, vector<16xi32>, vector<16xi32>)
        %eq3A_870 = arith.constant 14 : i32
        %eq3A_871 = vector.broadcast %eq3A_870 : i32 to vector<16xi32>
        %eq3A_872 = arith.cmpi eq, %iota3A, %eq3A_871 : vector<16xi32>
        %jit3A_873 = arith.constant 0 : i32
        %broadcast_in_dim3A_874 = vector.broadcast %jit3A_873 : i32 to vector<16xi32>
        %select_n3A_875 = arith.select %eq3A_872, %get3A_587, %broadcast_in_dim3A_874 : vector<16xi1>, vector<16xi32>
        %reduce_sum3A_876 = arith.constant true
        %reduce_sum3A_877 = vector.broadcast %reduce_sum3A_876 : i1 to vector<16xi1>
        %reduce_sum3A_878 = tpu.scan <sum>, %select_n3A_875 masked %reduce_sum3A_877 : vector<16xi32>, vector<16xi1> -> vector<16xi32>
        %reduce_sum3A_879 = vector.extract %reduce_sum3A_878[15] : i32 from vector<16xi32>
        %mul3A_880 = arith.constant 128 : i32
        %mul3A_881 = vector.broadcast %mul3A_880 : i32 to vector<16xi32>
        %mul3A_882 = arith.muli %mul3A_881, %iota3A : vector<16xi32>
        %add3A_883 = vector.broadcast %reduce_sum3A_879 : i32 to vector<16xi32>
        %add3A_884 = arith.addi %add3A_883, %mul3A_882 : vector<16xi32>
        %gather3A_885 = tpu.vector_load_idx %arg5[%broadcast_in_dim3A_590, %add3A_884] : memref<16x2048xi32, #tpu.memory_space<vmem>>[vector<16xi32>, vector<16xi32>], vector<16xi32>,
        %sort3A_886 = arith.constant dense<true> : vector<16xi1>
        %sort3A_887, %sort3A_888, %sort3A_889 = tpu.sort %gather3A_885, %gather3A_885 masked %sort3A_886 : (vector<16xi32>, vector<16xi32>, vector<16xi1>) -> (vector<16xi1>, vector<16xi32>, vector<16xi32>)
        %eq3A_890 = arith.constant 15 : i32
        %eq3A_891 = vector.broadcast %eq3A_890 : i32 to vector<16xi32>
        %eq3A_892 = arith.cmpi eq, %iota3A, %eq3A_891 : vector<16xi32>
        %jit3A_893 = arith.constant 0 : i32
        %broadcast_in_dim3A_894 = vector.broadcast %jit3A_893 : i32 to vector<16xi32>
        %select_n3A_895 = arith.select %eq3A_892, %get3A_587, %broadcast_in_dim3A_894 : vector<16xi1>, vector<16xi32>
        %reduce_sum3A_896 = arith.constant true
        %reduce_sum3A_897 = vector.broadcast %reduce_sum3A_896 : i1 to vector<16xi1>
        %reduce_sum3A_898 = tpu.scan <sum>, %select_n3A_895 masked %reduce_sum3A_897 : vector<16xi32>, vector<16xi1> -> vector<16xi32>
        %reduce_sum3A_899 = vector.extract %reduce_sum3A_898[15] : i32 from vector<16xi32>
        %mul3A_900 = arith.constant 128 : i32
        %mul3A_901 = vector.broadcast %mul3A_900 : i32 to vector<16xi32>
        %mul3A_902 = arith.muli %mul3A_901, %iota3A : vector<16xi32>
        %add3A_903 = vector.broadcast %reduce_sum3A_899 : i32 to vector<16xi32>
        %add3A_904 = arith.addi %add3A_903, %mul3A_902 : vector<16xi32>
        %gather3A_905 = tpu.vector_load_idx %arg5[%broadcast_in_dim3A_590, %add3A_904] : memref<16x2048xi32, #tpu.memory_space<vmem>>[vector<16xi32>, vector<16xi32>], vector<16xi32>,
        %sort3A_906 = arith.constant dense<true> : vector<16xi1>
        %sort3A_907, %sort3A_908, %sort3A_909 = tpu.sort %gather3A_905, %gather3A_905 masked %sort3A_906 : (vector<16xi32>, vector<16xi32>, vector<16xi1>) -> (vector<16xi1>, vector<16xi32>, vector<16xi32>)
        %eq3A_910 = arith.constant 0 : i32
        %eq3A_911 = vector.broadcast %eq3A_910 : i32 to vector<16xi32>
        %eq3A_912 = arith.cmpi eq, %iota3A, %eq3A_911 : vector<16xi32>
        %jit3A_913 = arith.constant 0 : i32
        %broadcast_in_dim3A_914 = vector.broadcast %jit3A_913 : i32 to vector<16xi32>
        %select_n3A_915 = arith.select %eq3A_912, %get3A_589, %broadcast_in_dim3A_914 : vector<16xi1>, vector<16xi32>
        %reduce_sum3A_916 = arith.constant true
        %reduce_sum3A_917 = vector.broadcast %reduce_sum3A_916 : i1 to vector<16xi1>
        %reduce_sum3A_918 = tpu.scan <sum>, %select_n3A_915 masked %reduce_sum3A_917 : vector<16xi32>, vector<16xi1> -> vector<16xi32>
        %reduce_sum3A_919 = vector.extract %reduce_sum3A_918[15] : i32 from vector<16xi32>
        %mul3A_920 = arith.constant 128 : i32
        %mul3A_921 = vector.broadcast %mul3A_920 : i32 to vector<16xi32>
        %mul3A_922 = arith.muli %mul3A_921, %iota3A : vector<16xi32>
        %add3A_923 = vector.broadcast %reduce_sum3A_919 : i32 to vector<16xi32>
        %add3A_924 = arith.addi %add3A_923, %mul3A_922 : vector<16xi32>
        %gather3A_925 = tpu.vector_load_idx %arg5[%broadcast_in_dim3A_590, %add3A_924] : memref<16x2048xi32, #tpu.memory_space<vmem>>[vector<16xi32>, vector<16xi32>], vector<16xi32>,
        %sort3A_926 = arith.constant dense<true> : vector<16xi1>
        %sort3A_927, %sort3A_928, %sort3A_929 = tpu.sort %gather3A_925, %gather3A_925 masked %sort3A_926 : (vector<16xi32>, vector<16xi32>, vector<16xi1>) -> (vector<16xi1>, vector<16xi32>, vector<16xi32>)
        %eq3A_930 = arith.constant 1 : i32
        %eq3A_931 = vector.broadcast %eq3A_930 : i32 to vector<16xi32>
        %eq3A_932 = arith.cmpi eq, %iota3A, %eq3A_931 : vector<16xi32>
        %jit3A_933 = arith.constant 0 : i32
        %broadcast_in_dim3A_934 = vector.broadcast %jit3A_933 : i32 to vector<16xi32>
        %select_n3A_935 = arith.select %eq3A_932, %get3A_589, %broadcast_in_dim3A_934 : vector<16xi1>, vector<16xi32>
        %reduce_sum3A_936 = arith.constant true
        %reduce_sum3A_937 = vector.broadcast %reduce_sum3A_936 : i1 to vector<16xi1>
        %reduce_sum3A_938 = tpu.scan <sum>, %select_n3A_935 masked %reduce_sum3A_937 : vector<16xi32>, vector<16xi1> -> vector<16xi32>
        %reduce_sum3A_939 = vector.extract %reduce_sum3A_938[15] : i32 from vector<16xi32>
        %mul3A_940 = arith.constant 128 : i32
        %mul3A_941 = vector.broadcast %mul3A_940 : i32 to vector<16xi32>
        %mul3A_942 = arith.muli %mul3A_941, %iota3A : vector<16xi32>
        %add3A_943 = vector.broadcast %reduce_sum3A_939 : i32 to vector<16xi32>
        %add3A_944 = arith.addi %add3A_943, %mul3A_942 : vector<16xi32>
        %gather3A_945 = tpu.vector_load_idx %arg5[%broadcast_in_dim3A_590, %add3A_944] : memref<16x2048xi32, #tpu.memory_space<vmem>>[vector<16xi32>, vector<16xi32>], vector<16xi32>,
        %sort3A_946 = arith.constant dense<true> : vector<16xi1>
        %sort3A_947, %sort3A_948, %sort3A_949 = tpu.sort %gather3A_945, %gather3A_945 masked %sort3A_946 : (vector<16xi32>, vector<16xi32>, vector<16xi1>) -> (vector<16xi1>, vector<16xi32>, vector<16xi32>)
        %eq3A_950 = arith.constant 2 : i32
        %eq3A_951 = vector.broadcast %eq3A_950 : i32 to vector<16xi32>
        %eq3A_952 = arith.cmpi eq, %iota3A, %eq3A_951 : vector<16xi32>
        %jit3A_953 = arith.constant 0 : i32
        %broadcast_in_dim3A_954 = vector.broadcast %jit3A_953 : i32 to vector<16xi32>
        %select_n3A_955 = arith.select %eq3A_952, %get3A_589, %broadcast_in_dim3A_954 : vector<16xi1>, vector<16xi32>
        %reduce_sum3A_956 = arith.constant true
        %reduce_sum3A_957 = vector.broadcast %reduce_sum3A_956 : i1 to vector<16xi1>
        %reduce_sum3A_958 = tpu.scan <sum>, %select_n3A_955 masked %reduce_sum3A_957 : vector<16xi32>, vector<16xi1> -> vector<16xi32>
        %reduce_sum3A_959 = vector.extract %reduce_sum3A_958[15] : i32 from vector<16xi32>
        %mul3A_960 = arith.constant 128 : i32
        %mul3A_961 = vector.broadcast %mul3A_960 : i32 to vector<16xi32>
        %mul3A_962 = arith.muli %mul3A_961, %iota3A : vector<16xi32>
        %add3A_963 = vector.broadcast %reduce_sum3A_959 : i32 to vector<16xi32>
        %add3A_964 = arith.addi %add3A_963, %mul3A_962 : vector<16xi32>
        %gather3A_965 = tpu.vector_load_idx %arg5[%broadcast_in_dim3A_590, %add3A_964] : memref<16x2048xi32, #tpu.memory_space<vmem>>[vector<16xi32>, vector<16xi32>], vector<16xi32>,
        %sort3A_966 = arith.constant dense<true> : vector<16xi1>
        %sort3A_967, %sort3A_968, %sort3A_969 = tpu.sort %gather3A_965, %gather3A_965 masked %sort3A_966 : (vector<16xi32>, vector<16xi32>, vector<16xi1>) -> (vector<16xi1>, vector<16xi32>, vector<16xi32>)
        %eq3A_970 = arith.constant 3 : i32
        %eq3A_971 = vector.broadcast %eq3A_970 : i32 to vector<16xi32>
        %eq3A_972 = arith.cmpi eq, %iota3A, %eq3A_971 : vector<16xi32>
        %jit3A_973 = arith.constant 0 : i32
        %broadcast_in_dim3A_974 = vector.broadcast %jit3A_973 : i32 to vector<16xi32>
        %select_n3A_975 = arith.select %eq3A_972, %get3A_589, %broadcast_in_dim3A_974 : vector<16xi1>, vector<16xi32>
        %reduce_sum3A_976 = arith.constant true
        %reduce_sum3A_977 = vector.broadcast %reduce_sum3A_976 : i1 to vector<16xi1>
        %reduce_sum3A_978 = tpu.scan <sum>, %select_n3A_975 masked %reduce_sum3A_977 : vector<16xi32>, vector<16xi1> -> vector<16xi32>
        %reduce_sum3A_979 = vector.extract %reduce_sum3A_978[15] : i32 from vector<16xi32>
        %mul3A_980 = arith.constant 128 : i32
        %mul3A_981 = vector.broadcast %mul3A_980 : i32 to vector<16xi32>
        %mul3A_982 = arith.muli %mul3A_981, %iota3A : vector<16xi32>
        %add3A_983 = vector.broadcast %reduce_sum3A_979 : i32 to vector<16xi32>
        %add3A_984 = arith.addi %add3A_983, %mul3A_982 : vector<16xi32>
        %gather3A_985 = tpu.vector_load_idx %arg5[%broadcast_in_dim3A_590, %add3A_984] : memref<16x2048xi32, #tpu.memory_space<vmem>>[vector<16xi32>, vector<16xi32>], vector<16xi32>,
        %sort3A_986 = arith.constant dense<true> : vector<16xi1>
        %sort3A_987, %sort3A_988, %sort3A_989 = tpu.sort %gather3A_985, %gather3A_985 masked %sort3A_986 : (vector<16xi32>, vector<16xi32>, vector<16xi1>) -> (vector<16xi1>, vector<16xi32>, vector<16xi32>)
        %eq3A_990 = arith.constant 4 : i32
        %eq3A_991 = vector.broadcast %eq3A_990 : i32 to vector<16xi32>
        %eq3A_992 = arith.cmpi eq, %iota3A, %eq3A_991 : vector<16xi32>
        %jit3A_993 = arith.constant 0 : i32
        %broadcast_in_dim3A_994 = vector.broadcast %jit3A_993 : i32 to vector<16xi32>
        %select_n3A_995 = arith.select %eq3A_992, %get3A_589, %broadcast_in_dim3A_994 : vector<16xi1>, vector<16xi32>
        %reduce_sum3A_996 = arith.constant true
        %reduce_sum3A_997 = vector.broadcast %reduce_sum3A_996 : i1 to vector<16xi1>
        %reduce_sum3A_998 = tpu.scan <sum>, %select_n3A_995 masked %reduce_sum3A_997 : vector<16xi32>, vector<16xi1> -> vector<16xi32>
        %reduce_sum3A_999 = vector.extract %reduce_sum3A_998[15] : i32 from vector<16xi32>
        %mul3A_1000 = arith.constant 128 : i32
        %mul3A_1001 = vector.broadcast %mul3A_1000 : i32 to vector<16xi32>
        %mul3A_1002 = arith.muli %mul3A_1001, %iota3A : vector<16xi32>
        %add3A_1003 = vector.broadcast %reduce_sum3A_999 : i32 to vector<16xi32>
        %add3A_1004 = arith.addi %add3A_1003, %mul3A_1002 : vector<16xi32>
        %gather3A_1005 = tpu.vector_load_idx %arg5[%broadcast_in_dim3A_590, %add3A_1004] : memref<16x2048xi32, #tpu.memory_space<vmem>>[vector<16xi32>, vector<16xi32>], vector<16xi32>,
        %sort3A_1006 = arith.constant dense<true> : vector<16xi1>
        %sort3A_1007, %sort3A_1008, %sort3A_1009 = tpu.sort %gather3A_1005, %gather3A_1005 masked %sort3A_1006 : (vector<16xi32>, vector<16xi32>, vector<16xi1>) -> (vector<16xi1>, vector<16xi32>, vector<16xi32>)
        %eq3A_1010 = arith.constant 5 : i32
        %eq3A_1011 = vector.broadcast %eq3A_1010 : i32 to vector<16xi32>
        %eq3A_1012 = arith.cmpi eq, %iota3A, %eq3A_1011 : vector<16xi32>
        %jit3A_1013 = arith.constant 0 : i32
        %broadcast_in_dim3A_1014 = vector.broadcast %jit3A_1013 : i32 to vector<16xi32>
        %select_n3A_1015 = arith.select %eq3A_1012, %get3A_589, %broadcast_in_dim3A_1014 : vector<16xi1>, vector<16xi32>
        %reduce_sum3A_1016 = arith.constant true
        %reduce_sum3A_1017 = vector.broadcast %reduce_sum3A_1016 : i1 to vector<16xi1>
        %reduce_sum3A_1018 = tpu.scan <sum>, %select_n3A_1015 masked %reduce_sum3A_1017 : vector<16xi32>, vector<16xi1> -> vector<16xi32>
        %reduce_sum3A_1019 = vector.extract %reduce_sum3A_1018[15] : i32 from vector<16xi32>
        %mul3A_1020 = arith.constant 128 : i32
        %mul3A_1021 = vector.broadcast %mul3A_1020 : i32 to vector<16xi32>
        %mul3A_1022 = arith.muli %mul3A_1021, %iota3A : vector<16xi32>
        %add3A_1023 = vector.broadcast %reduce_sum3A_1019 : i32 to vector<16xi32>
        %add3A_1024 = arith.addi %add3A_1023, %mul3A_1022 : vector<16xi32>
        %gather3A_1025 = tpu.vector_load_idx %arg5[%broadcast_in_dim3A_590, %add3A_1024] : memref<16x2048xi32, #tpu.memory_space<vmem>>[vector<16xi32>, vector<16xi32>], vector<16xi32>,
        %sort3A_1026 = arith.constant dense<true> : vector<16xi1>
        %sort3A_1027, %sort3A_1028, %sort3A_1029 = tpu.sort %gather3A_1025, %gather3A_1025 masked %sort3A_1026 : (vector<16xi32>, vector<16xi32>, vector<16xi1>) -> (vector<16xi1>, vector<16xi32>, vector<16xi32>)
        %eq3A_1030 = arith.constant 6 : i32
        %eq3A_1031 = vector.broadcast %eq3A_1030 : i32 to vector<16xi32>
        %eq3A_1032 = arith.cmpi eq, %iota3A, %eq3A_1031 : vector<16xi32>
        %jit3A_1033 = arith.constant 0 : i32
        %broadcast_in_dim3A_1034 = vector.broadcast %jit3A_1033 : i32 to vector<16xi32>
        %select_n3A_1035 = arith.select %eq3A_1032, %get3A_589, %broadcast_in_dim3A_1034 : vector<16xi1>, vector<16xi32>
        %reduce_sum3A_1036 = arith.constant true
        %reduce_sum3A_1037 = vector.broadcast %reduce_sum3A_1036 : i1 to vector<16xi1>
        %reduce_sum3A_1038 = tpu.scan <sum>, %select_n3A_1035 masked %reduce_sum3A_1037 : vector<16xi32>, vector<16xi1> -> vector<16xi32>
        %reduce_sum3A_1039 = vector.extract %reduce_sum3A_1038[15] : i32 from vector<16xi32>
        %mul3A_1040 = arith.constant 128 : i32
        %mul3A_1041 = vector.broadcast %mul3A_1040 : i32 to vector<16xi32>
        %mul3A_1042 = arith.muli %mul3A_1041, %iota3A : vector<16xi32>
        %add3A_1043 = vector.broadcast %reduce_sum3A_1039 : i32 to vector<16xi32>
        %add3A_1044 = arith.addi %add3A_1043, %mul3A_1042 : vector<16xi32>
        %gather3A_1045 = tpu.vector_load_idx %arg5[%broadcast_in_dim3A_590, %add3A_1044] : memref<16x2048xi32, #tpu.memory_space<vmem>>[vector<16xi32>, vector<16xi32>], vector<16xi32>,
        %sort3A_1046 = arith.constant dense<true> : vector<16xi1>
        %sort3A_1047, %sort3A_1048, %sort3A_1049 = tpu.sort %gather3A_1045, %gather3A_1045 masked %sort3A_1046 : (vector<16xi32>, vector<16xi32>, vector<16xi1>) -> (vector<16xi1>, vector<16xi32>, vector<16xi32>)
        %eq3A_1050 = arith.constant 7 : i32
        %eq3A_1051 = vector.broadcast %eq3A_1050 : i32 to vector<16xi32>
        %eq3A_1052 = arith.cmpi eq, %iota3A, %eq3A_1051 : vector<16xi32>
        %jit3A_1053 = arith.constant 0 : i32
        %broadcast_in_dim3A_1054 = vector.broadcast %jit3A_1053 : i32 to vector<16xi32>
        %select_n3A_1055 = arith.select %eq3A_1052, %get3A_589, %broadcast_in_dim3A_1054 : vector<16xi1>, vector<16xi32>
        %reduce_sum3A_1056 = arith.constant true
        %reduce_sum3A_1057 = vector.broadcast %reduce_sum3A_1056 : i1 to vector<16xi1>
        %reduce_sum3A_1058 = tpu.scan <sum>, %select_n3A_1055 masked %reduce_sum3A_1057 : vector<16xi32>, vector<16xi1> -> vector<16xi32>
        %reduce_sum3A_1059 = vector.extract %reduce_sum3A_1058[15] : i32 from vector<16xi32>
        %mul3A_1060 = arith.constant 128 : i32
        %mul3A_1061 = vector.broadcast %mul3A_1060 : i32 to vector<16xi32>
        %mul3A_1062 = arith.muli %mul3A_1061, %iota3A : vector<16xi32>
        %add3A_1063 = vector.broadcast %reduce_sum3A_1059 : i32 to vector<16xi32>
        %add3A_1064 = arith.addi %add3A_1063, %mul3A_1062 : vector<16xi32>
        %gather3A_1065 = tpu.vector_load_idx %arg5[%broadcast_in_dim3A_590, %add3A_1064] : memref<16x2048xi32, #tpu.memory_space<vmem>>[vector<16xi32>, vector<16xi32>], vector<16xi32>,
        %sort3A_1066 = arith.constant dense<true> : vector<16xi1>
        %sort3A_1067, %sort3A_1068, %sort3A_1069 = tpu.sort %gather3A_1065, %gather3A_1065 masked %sort3A_1066 : (vector<16xi32>, vector<16xi32>, vector<16xi1>) -> (vector<16xi1>, vector<16xi32>, vector<16xi32>)
        %eq3A_1070 = arith.constant 8 : i32
        %eq3A_1071 = vector.broadcast %eq3A_1070 : i32 to vector<16xi32>
        %eq3A_1072 = arith.cmpi eq, %iota3A, %eq3A_1071 : vector<16xi32>
        %jit3A_1073 = arith.constant 0 : i32
        %broadcast_in_dim3A_1074 = vector.broadcast %jit3A_1073 : i32 to vector<16xi32>
        %select_n3A_1075 = arith.select %eq3A_1072, %get3A_589, %broadcast_in_dim3A_1074 : vector<16xi1>, vector<16xi32>
        %reduce_sum3A_1076 = arith.constant true
        %reduce_sum3A_1077 = vector.broadcast %reduce_sum3A_1076 : i1 to vector<16xi1>
        %reduce_sum3A_1078 = tpu.scan <sum>, %select_n3A_1075 masked %reduce_sum3A_1077 : vector<16xi32>, vector<16xi1> -> vector<16xi32>
        %reduce_sum3A_1079 = vector.extract %reduce_sum3A_1078[15] : i32 from vector<16xi32>
        %mul3A_1080 = arith.constant 128 : i32
        %mul3A_1081 = vector.broadcast %mul3A_1080 : i32 to vector<16xi32>
        %mul3A_1082 = arith.muli %mul3A_1081, %iota3A : vector<16xi32>
        %add3A_1083 = vector.broadcast %reduce_sum3A_1079 : i32 to vector<16xi32>
        %add3A_1084 = arith.addi %add3A_1083, %mul3A_1082 : vector<16xi32>
        %gather3A_1085 = tpu.vector_load_idx %arg5[%broadcast_in_dim3A_590, %add3A_1084] : memref<16x2048xi32, #tpu.memory_space<vmem>>[vector<16xi32>, vector<16xi32>], vector<16xi32>,
        %sort3A_1086 = arith.constant dense<true> : vector<16xi1>
        %sort3A_1087, %sort3A_1088, %sort3A_1089 = tpu.sort %gather3A_1085, %gather3A_1085 masked %sort3A_1086 : (vector<16xi32>, vector<16xi32>, vector<16xi1>) -> (vector<16xi1>, vector<16xi32>, vector<16xi32>)
        %eq3A_1090 = arith.constant 9 : i32
        %eq3A_1091 = vector.broadcast %eq3A_1090 : i32 to vector<16xi32>
        %eq3A_1092 = arith.cmpi eq, %iota3A, %eq3A_1091 : vector<16xi32>
        %jit3A_1093 = arith.constant 0 : i32
        %broadcast_in_dim3A_1094 = vector.broadcast %jit3A_1093 : i32 to vector<16xi32>
        %select_n3A_1095 = arith.select %eq3A_1092, %get3A_589, %broadcast_in_dim3A_1094 : vector<16xi1>, vector<16xi32>
        %reduce_sum3A_1096 = arith.constant true
        %reduce_sum3A_1097 = vector.broadcast %reduce_sum3A_1096 : i1 to vector<16xi1>
        %reduce_sum3A_1098 = tpu.scan <sum>, %select_n3A_1095 masked %reduce_sum3A_1097 : vector<16xi32>, vector<16xi1> -> vector<16xi32>
        %reduce_sum3A_1099 = vector.extract %reduce_sum3A_1098[15] : i32 from vector<16xi32>
        %mul3A_1100 = arith.constant 128 : i32
        %mul3A_1101 = vector.broadcast %mul3A_1100 : i32 to vector<16xi32>
        %mul3A_1102 = arith.muli %mul3A_1101, %iota3A : vector<16xi32>
        %add3A_1103 = vector.broadcast %reduce_sum3A_1099 : i32 to vector<16xi32>
        %add3A_1104 = arith.addi %add3A_1103, %mul3A_1102 : vector<16xi32>
        %gather3A_1105 = tpu.vector_load_idx %arg5[%broadcast_in_dim3A_590, %add3A_1104] : memref<16x2048xi32, #tpu.memory_space<vmem>>[vector<16xi32>, vector<16xi32>], vector<16xi32>,
        %sort3A_1106 = arith.constant dense<true> : vector<16xi1>
        %sort3A_1107, %sort3A_1108, %sort3A_1109 = tpu.sort %gather3A_1105, %gather3A_1105 masked %sort3A_1106 : (vector<16xi32>, vector<16xi32>, vector<16xi1>) -> (vector<16xi1>, vector<16xi32>, vector<16xi32>)
        %eq3A_1110 = arith.constant 10 : i32
        %eq3A_1111 = vector.broadcast %eq3A_1110 : i32 to vector<16xi32>
        %eq3A_1112 = arith.cmpi eq, %iota3A, %eq3A_1111 : vector<16xi32>
        %jit3A_1113 = arith.constant 0 : i32
        %broadcast_in_dim3A_1114 = vector.broadcast %jit3A_1113 : i32 to vector<16xi32>
        %select_n3A_1115 = arith.select %eq3A_1112, %get3A_589, %broadcast_in_dim3A_1114 : vector<16xi1>, vector<16xi32>
        %reduce_sum3A_1116 = arith.constant true
        %reduce_sum3A_1117 = vector.broadcast %reduce_sum3A_1116 : i1 to vector<16xi1>
        %reduce_sum3A_1118 = tpu.scan <sum>, %select_n3A_1115 masked %reduce_sum3A_1117 : vector<16xi32>, vector<16xi1> -> vector<16xi32>
        %reduce_sum3A_1119 = vector.extract %reduce_sum3A_1118[15] : i32 from vector<16xi32>
        %mul3A_1120 = arith.constant 128 : i32
        %mul3A_1121 = vector.broadcast %mul3A_1120 : i32 to vector<16xi32>
        %mul3A_1122 = arith.muli %mul3A_1121, %iota3A : vector<16xi32>
        %add3A_1123 = vector.broadcast %reduce_sum3A_1119 : i32 to vector<16xi32>
        %add3A_1124 = arith.addi %add3A_1123, %mul3A_1122 : vector<16xi32>
        %gather3A_1125 = tpu.vector_load_idx %arg5[%broadcast_in_dim3A_590, %add3A_1124] : memref<16x2048xi32, #tpu.memory_space<vmem>>[vector<16xi32>, vector<16xi32>], vector<16xi32>,
        %sort3A_1126 = arith.constant dense<true> : vector<16xi1>
        %sort3A_1127, %sort3A_1128, %sort3A_1129 = tpu.sort %gather3A_1125, %gather3A_1125 masked %sort3A_1126 : (vector<16xi32>, vector<16xi32>, vector<16xi1>) -> (vector<16xi1>, vector<16xi32>, vector<16xi32>)
        %eq3A_1130 = arith.constant 11 : i32
        %eq3A_1131 = vector.broadcast %eq3A_1130 : i32 to vector<16xi32>
        %eq3A_1132 = arith.cmpi eq, %iota3A, %eq3A_1131 : vector<16xi32>
        %jit3A_1133 = arith.constant 0 : i32
        %broadcast_in_dim3A_1134 = vector.broadcast %jit3A_1133 : i32 to vector<16xi32>
        %select_n3A_1135 = arith.select %eq3A_1132, %get3A_589, %broadcast_in_dim3A_1134 : vector<16xi1>, vector<16xi32>
        %reduce_sum3A_1136 = arith.constant true
        %reduce_sum3A_1137 = vector.broadcast %reduce_sum3A_1136 : i1 to vector<16xi1>
        %reduce_sum3A_1138 = tpu.scan <sum>, %select_n3A_1135 masked %reduce_sum3A_1137 : vector<16xi32>, vector<16xi1> -> vector<16xi32>
        %reduce_sum3A_1139 = vector.extract %reduce_sum3A_1138[15] : i32 from vector<16xi32>
        %mul3A_1140 = arith.constant 128 : i32
        %mul3A_1141 = vector.broadcast %mul3A_1140 : i32 to vector<16xi32>
        %mul3A_1142 = arith.muli %mul3A_1141, %iota3A : vector<16xi32>
        %add3A_1143 = vector.broadcast %reduce_sum3A_1139 : i32 to vector<16xi32>
        %add3A_1144 = arith.addi %add3A_1143, %mul3A_1142 : vector<16xi32>
        %gather3A_1145 = tpu.vector_load_idx %arg5[%broadcast_in_dim3A_590, %add3A_1144] : memref<16x2048xi32, #tpu.memory_space<vmem>>[vector<16xi32>, vector<16xi32>], vector<16xi32>,
        %sort3A_1146 = arith.constant dense<true> : vector<16xi1>
        %sort3A_1147, %sort3A_1148, %sort3A_1149 = tpu.sort %gather3A_1145, %gather3A_1145 masked %sort3A_1146 : (vector<16xi32>, vector<16xi32>, vector<16xi1>) -> (vector<16xi1>, vector<16xi32>, vector<16xi32>)
        %eq3A_1150 = arith.constant 12 : i32
        %eq3A_1151 = vector.broadcast %eq3A_1150 : i32 to vector<16xi32>
        %eq3A_1152 = arith.cmpi eq, %iota3A, %eq3A_1151 : vector<16xi32>
        %jit3A_1153 = arith.constant 0 : i32
        %broadcast_in_dim3A_1154 = vector.broadcast %jit3A_1153 : i32 to vector<16xi32>
        %select_n3A_1155 = arith.select %eq3A_1152, %get3A_589, %broadcast_in_dim3A_1154 : vector<16xi1>, vector<16xi32>
        %reduce_sum3A_1156 = arith.constant true
        %reduce_sum3A_1157 = vector.broadcast %reduce_sum3A_1156 : i1 to vector<16xi1>
        %reduce_sum3A_1158 = tpu.scan <sum>, %select_n3A_1155 masked %reduce_sum3A_1157 : vector<16xi32>, vector<16xi1> -> vector<16xi32>
        %reduce_sum3A_1159 = vector.extract %reduce_sum3A_1158[15] : i32 from vector<16xi32>
        %mul3A_1160 = arith.constant 128 : i32
        %mul3A_1161 = vector.broadcast %mul3A_1160 : i32 to vector<16xi32>
        %mul3A_1162 = arith.muli %mul3A_1161, %iota3A : vector<16xi32>
        %add3A_1163 = vector.broadcast %reduce_sum3A_1159 : i32 to vector<16xi32>
        %add3A_1164 = arith.addi %add3A_1163, %mul3A_1162 : vector<16xi32>
        %gather3A_1165 = tpu.vector_load_idx %arg5[%broadcast_in_dim3A_590, %add3A_1164] : memref<16x2048xi32, #tpu.memory_space<vmem>>[vector<16xi32>, vector<16xi32>], vector<16xi32>,
        %sort3A_1166 = arith.constant dense<true> : vector<16xi1>
        %sort3A_1167, %sort3A_1168, %sort3A_1169 = tpu.sort %gather3A_1165, %gather3A_1165 masked %sort3A_1166 : (vector<16xi32>, vector<16xi32>, vector<16xi1>) -> (vector<16xi1>, vector<16xi32>, vector<16xi32>)
        %eq3A_1170 = arith.constant 13 : i32
        %eq3A_1171 = vector.broadcast %eq3A_1170 : i32 to vector<16xi32>
        %eq3A_1172 = arith.cmpi eq, %iota3A, %eq3A_1171 : vector<16xi32>
        %jit3A_1173 = arith.constant 0 : i32
        %broadcast_in_dim3A_1174 = vector.broadcast %jit3A_1173 : i32 to vector<16xi32>
        %select_n3A_1175 = arith.select %eq3A_1172, %get3A_589, %broadcast_in_dim3A_1174 : vector<16xi1>, vector<16xi32>
        %reduce_sum3A_1176 = arith.constant true
        %reduce_sum3A_1177 = vector.broadcast %reduce_sum3A_1176 : i1 to vector<16xi1>
        %reduce_sum3A_1178 = tpu.scan <sum>, %select_n3A_1175 masked %reduce_sum3A_1177 : vector<16xi32>, vector<16xi1> -> vector<16xi32>
        %reduce_sum3A_1179 = vector.extract %reduce_sum3A_1178[15] : i32 from vector<16xi32>
        %mul3A_1180 = arith.constant 128 : i32
        %mul3A_1181 = vector.broadcast %mul3A_1180 : i32 to vector<16xi32>
        %mul3A_1182 = arith.muli %mul3A_1181, %iota3A : vector<16xi32>
        %add3A_1183 = vector.broadcast %reduce_sum3A_1179 : i32 to vector<16xi32>
        %add3A_1184 = arith.addi %add3A_1183, %mul3A_1182 : vector<16xi32>
        %gather3A_1185 = tpu.vector_load_idx %arg5[%broadcast_in_dim3A_590, %add3A_1184] : memref<16x2048xi32, #tpu.memory_space<vmem>>[vector<16xi32>, vector<16xi32>], vector<16xi32>,
        %sort3A_1186 = arith.constant dense<true> : vector<16xi1>
        %sort3A_1187, %sort3A_1188, %sort3A_1189 = tpu.sort %gather3A_1185, %gather3A_1185 masked %sort3A_1186 : (vector<16xi32>, vector<16xi32>, vector<16xi1>) -> (vector<16xi1>, vector<16xi32>, vector<16xi32>)
        %eq3A_1190 = arith.constant 14 : i32
        %eq3A_1191 = vector.broadcast %eq3A_1190 : i32 to vector<16xi32>
        %eq3A_1192 = arith.cmpi eq, %iota3A, %eq3A_1191 : vector<16xi32>
        %jit3A_1193 = arith.constant 0 : i32
        %broadcast_in_dim3A_1194 = vector.broadcast %jit3A_1193 : i32 to vector<16xi32>
        %select_n3A_1195 = arith.select %eq3A_1192, %get3A_589, %broadcast_in_dim3A_1194 : vector<16xi1>, vector<16xi32>
        %reduce_sum3A_1196 = arith.constant true
        %reduce_sum3A_1197 = vector.broadcast %reduce_sum3A_1196 : i1 to vector<16xi1>
        %reduce_sum3A_1198 = tpu.scan <sum>, %select_n3A_1195 masked %reduce_sum3A_1197 : vector<16xi32>, vector<16xi1> -> vector<16xi32>
        %reduce_sum3A_1199 = vector.extract %reduce_sum3A_1198[15] : i32 from vector<16xi32>
        %mul3A_1200 = arith.constant 128 : i32
        %mul3A_1201 = vector.broadcast %mul3A_1200 : i32 to vector<16xi32>
        %mul3A_1202 = arith.muli %mul3A_1201, %iota3A : vector<16xi32>
        %add3A_1203 = vector.broadcast %reduce_sum3A_1199 : i32 to vector<16xi32>
        %add3A_1204 = arith.addi %add3A_1203, %mul3A_1202 : vector<16xi32>
        %gather3A_1205 = tpu.vector_load_idx %arg5[%broadcast_in_dim3A_590, %add3A_1204] : memref<16x2048xi32, #tpu.memory_space<vmem>>[vector<16xi32>, vector<16xi32>], vector<16xi32>,
        %sort3A_1206 = arith.constant dense<true> : vector<16xi1>
        %sort3A_1207, %sort3A_1208, %sort3A_1209 = tpu.sort %gather3A_1205, %gather3A_1205 masked %sort3A_1206 : (vector<16xi32>, vector<16xi32>, vector<16xi1>) -> (vector<16xi1>, vector<16xi32>, vector<16xi32>)
        %eq3A_1210 = arith.constant 15 : i32
        %eq3A_1211 = vector.broadcast %eq3A_1210 : i32 to vector<16xi32>
        %eq3A_1212 = arith.cmpi eq, %iota3A, %eq3A_1211 : vector<16xi32>
        %jit3A_1213 = arith.constant 0 : i32
        %broadcast_in_dim3A_1214 = vector.broadcast %jit3A_1213 : i32 to vector<16xi32>
        %select_n3A_1215 = arith.select %eq3A_1212, %get3A_589, %broadcast_in_dim3A_1214 : vector<16xi1>, vector<16xi32>
        %reduce_sum3A_1216 = arith.constant true
        %reduce_sum3A_1217 = vector.broadcast %reduce_sum3A_1216 : i1 to vector<16xi1>
        %reduce_sum3A_1218 = tpu.scan <sum>, %select_n3A_1215 masked %reduce_sum3A_1217 : vector<16xi32>, vector<16xi1> -> vector<16xi32>
        %reduce_sum3A_1219 = vector.extract %reduce_sum3A_1218[15] : i32 from vector<16xi32>
        %mul3A_1220 = arith.constant 128 : i32
        %mul3A_1221 = vector.broadcast %mul3A_1220 : i32 to vector<16xi32>
        %mul3A_1222 = arith.muli %mul3A_1221, %iota3A : vector<16xi32>
        %add3A_1223 = vector.broadcast %reduce_sum3A_1219 : i32 to vector<16xi32>
        %add3A_1224 = arith.addi %add3A_1223, %mul3A_1222 : vector<16xi32>
        %gather3A_1225 = tpu.vector_load_idx %arg5[%broadcast_in_dim3A_590, %add3A_1224] : memref<16x2048xi32, #tpu.memory_space<vmem>>[vector<16xi32>, vector<16xi32>], vector<16xi32>,
        %sort3A_1226 = arith.constant dense<true> : vector<16xi1>
        %sort3A_1227, %sort3A_1228, %sort3A_1229 = tpu.sort %gather3A_1225, %gather3A_1225 masked %sort3A_1226 : (vector<16xi32>, vector<16xi32>, vector<16xi1>) -> (vector<16xi1>, vector<16xi32>, vector<16xi32>)
        %rev3A_1230 = arith.constant 15 : i32
        %rev3A_1231 = vector.broadcast %rev3A_1230 : i32 to vector<16xi32>
        %rev3A_1232 = tpu.iota {dimensions = array<i32: 0>} : vector<16xi32>
        %rev3A_1233 = arith.subi %rev3A_1231, %rev3A_1232 : vector<16xi32>
        %rev3A_1234 = tpu.dynamic_gather %sort3A_628[%rev3A_1233] in [0] : vector<16xi32>, vector<16xi32> -> vector<16xi32>
        %min3A_1235 = arith.minsi %sort3A_608, %rev3A_1234 : vector<16xi32>
        %max3A_1236 = arith.maxsi %sort3A_608, %rev3A_1234 : vector<16xi32>
        %sort3A_1237 = arith.constant dense<true> : vector<16xi1>
        %sort3A_1238, %sort3A_1239, %sort3A_1240 = tpu.sort %min3A_1235, %min3A_1235 masked %sort3A_1237 : (vector<16xi32>, vector<16xi32>, vector<16xi1>) -> (vector<16xi1>, vector<16xi32>, vector<16xi32>)
        %sort3A_1241 = arith.constant dense<true> : vector<16xi1>
        %sort3A_1242, %sort3A_1243, %sort3A_1244 = tpu.sort %max3A_1236, %max3A_1236 masked %sort3A_1241 : (vector<16xi32>, vector<16xi32>, vector<16xi1>) -> (vector<16xi1>, vector<16xi32>, vector<16xi32>)
        %rev3A_1245 = arith.constant 15 : i32
        %rev3A_1246 = vector.broadcast %rev3A_1245 : i32 to vector<16xi32>
        %rev3A_1247 = tpu.iota {dimensions = array<i32: 0>} : vector<16xi32>
        %rev3A_1248 = arith.subi %rev3A_1246, %rev3A_1247 : vector<16xi32>
        %rev3A_1249 = tpu.dynamic_gather %sort3A_668[%rev3A_1248] in [0] : vector<16xi32>, vector<16xi32> -> vector<16xi32>
        %min3A_1250 = arith.minsi %sort3A_648, %rev3A_1249 : vector<16xi32>
        %max3A_1251 = arith.maxsi %sort3A_648, %rev3A_1249 : vector<16xi32>
        %sort3A_1252 = arith.constant dense<true> : vector<16xi1>
        %sort3A_1253, %sort3A_1254, %sort3A_1255 = tpu.sort %min3A_1250, %min3A_1250 masked %sort3A_1252 : (vector<16xi32>, vector<16xi32>, vector<16xi1>) -> (vector<16xi1>, vector<16xi32>, vector<16xi32>)
        %sort3A_1256 = arith.constant dense<true> : vector<16xi1>
        %sort3A_1257, %sort3A_1258, %sort3A_1259 = tpu.sort %max3A_1251, %max3A_1251 masked %sort3A_1256 : (vector<16xi32>, vector<16xi32>, vector<16xi1>) -> (vector<16xi1>, vector<16xi32>, vector<16xi32>)
        %rev3A_1260 = arith.constant 15 : i32
        %rev3A_1261 = vector.broadcast %rev3A_1260 : i32 to vector<16xi32>
        %rev3A_1262 = tpu.iota {dimensions = array<i32: 0>} : vector<16xi32>
        %rev3A_1263 = arith.subi %rev3A_1261, %rev3A_1262 : vector<16xi32>
        %rev3A_1264 = tpu.dynamic_gather %sort3A_708[%rev3A_1263] in [0] : vector<16xi32>, vector<16xi32> -> vector<16xi32>
        %min3A_1265 = arith.minsi %sort3A_688, %rev3A_1264 : vector<16xi32>
        %max3A_1266 = arith.maxsi %sort3A_688, %rev3A_1264 : vector<16xi32>
        %sort3A_1267 = arith.constant dense<true> : vector<16xi1>
        %sort3A_1268, %sort3A_1269, %sort3A_1270 = tpu.sort %min3A_1265, %min3A_1265 masked %sort3A_1267 : (vector<16xi32>, vector<16xi32>, vector<16xi1>) -> (vector<16xi1>, vector<16xi32>, vector<16xi32>)
        %sort3A_1271 = arith.constant dense<true> : vector<16xi1>
        %sort3A_1272, %sort3A_1273, %sort3A_1274 = tpu.sort %max3A_1266, %max3A_1266 masked %sort3A_1271 : (vector<16xi32>, vector<16xi32>, vector<16xi1>) -> (vector<16xi1>, vector<16xi32>, vector<16xi32>)
        %rev3A_1275 = arith.constant 15 : i32
        %rev3A_1276 = vector.broadcast %rev3A_1275 : i32 to vector<16xi32>
        %rev3A_1277 = tpu.iota {dimensions = array<i32: 0>} : vector<16xi32>
        %rev3A_1278 = arith.subi %rev3A_1276, %rev3A_1277 : vector<16xi32>
        %rev3A_1279 = tpu.dynamic_gather %sort3A_748[%rev3A_1278] in [0] : vector<16xi32>, vector<16xi32> -> vector<16xi32>
        %min3A_1280 = arith.minsi %sort3A_728, %rev3A_1279 : vector<16xi32>
        %max3A_1281 = arith.maxsi %sort3A_728, %rev3A_1279 : vector<16xi32>
        %sort3A_1282 = arith.constant dense<true> : vector<16xi1>
        %sort3A_1283, %sort3A_1284, %sort3A_1285 = tpu.sort %min3A_1280, %min3A_1280 masked %sort3A_1282 : (vector<16xi32>, vector<16xi32>, vector<16xi1>) -> (vector<16xi1>, vector<16xi32>, vector<16xi32>)
        %sort3A_1286 = arith.constant dense<true> : vector<16xi1>
        %sort3A_1287, %sort3A_1288, %sort3A_1289 = tpu.sort %max3A_1281, %max3A_1281 masked %sort3A_1286 : (vector<16xi32>, vector<16xi32>, vector<16xi1>) -> (vector<16xi1>, vector<16xi32>, vector<16xi32>)
        %rev3A_1290 = arith.constant 15 : i32
        %rev3A_1291 = vector.broadcast %rev3A_1290 : i32 to vector<16xi32>
        %rev3A_1292 = tpu.iota {dimensions = array<i32: 0>} : vector<16xi32>
        %rev3A_1293 = arith.subi %rev3A_1291, %rev3A_1292 : vector<16xi32>
        %rev3A_1294 = tpu.dynamic_gather %sort3A_788[%rev3A_1293] in [0] : vector<16xi32>, vector<16xi32> -> vector<16xi32>
        %min3A_1295 = arith.minsi %sort3A_768, %rev3A_1294 : vector<16xi32>
        %max3A_1296 = arith.maxsi %sort3A_768, %rev3A_1294 : vector<16xi32>
        %sort3A_1297 = arith.constant dense<true> : vector<16xi1>
        %sort3A_1298, %sort3A_1299, %sort3A_1300 = tpu.sort %min3A_1295, %min3A_1295 masked %sort3A_1297 : (vector<16xi32>, vector<16xi32>, vector<16xi1>) -> (vector<16xi1>, vector<16xi32>, vector<16xi32>)
        %sort3A_1301 = arith.constant dense<true> : vector<16xi1>
        %sort3A_1302, %sort3A_1303, %sort3A_1304 = tpu.sort %max3A_1296, %max3A_1296 masked %sort3A_1301 : (vector<16xi32>, vector<16xi32>, vector<16xi1>) -> (vector<16xi1>, vector<16xi32>, vector<16xi32>)
        %rev3A_1305 = arith.constant 15 : i32
        %rev3A_1306 = vector.broadcast %rev3A_1305 : i32 to vector<16xi32>
        %rev3A_1307 = tpu.iota {dimensions = array<i32: 0>} : vector<16xi32>
        %rev3A_1308 = arith.subi %rev3A_1306, %rev3A_1307 : vector<16xi32>
        %rev3A_1309 = tpu.dynamic_gather %sort3A_828[%rev3A_1308] in [0] : vector<16xi32>, vector<16xi32> -> vector<16xi32>
        %min3A_1310 = arith.minsi %sort3A_808, %rev3A_1309 : vector<16xi32>
        %max3A_1311 = arith.maxsi %sort3A_808, %rev3A_1309 : vector<16xi32>
        %sort3A_1312 = arith.constant dense<true> : vector<16xi1>
        %sort3A_1313, %sort3A_1314, %sort3A_1315 = tpu.sort %min3A_1310, %min3A_1310 masked %sort3A_1312 : (vector<16xi32>, vector<16xi32>, vector<16xi1>) -> (vector<16xi1>, vector<16xi32>, vector<16xi32>)
        %sort3A_1316 = arith.constant dense<true> : vector<16xi1>
        %sort3A_1317, %sort3A_1318, %sort3A_1319 = tpu.sort %max3A_1311, %max3A_1311 masked %sort3A_1316 : (vector<16xi32>, vector<16xi32>, vector<16xi1>) -> (vector<16xi1>, vector<16xi32>, vector<16xi32>)
        %rev3A_1320 = arith.constant 15 : i32
        %rev3A_1321 = vector.broadcast %rev3A_1320 : i32 to vector<16xi32>
        %rev3A_1322 = tpu.iota {dimensions = array<i32: 0>} : vector<16xi32>
        %rev3A_1323 = arith.subi %rev3A_1321, %rev3A_1322 : vector<16xi32>
        %rev3A_1324 = tpu.dynamic_gather %sort3A_868[%rev3A_1323] in [0] : vector<16xi32>, vector<16xi32> -> vector<16xi32>
        %min3A_1325 = arith.minsi %sort3A_848, %rev3A_1324 : vector<16xi32>
        %max3A_1326 = arith.maxsi %sort3A_848, %rev3A_1324 : vector<16xi32>
        %sort3A_1327 = arith.constant dense<true> : vector<16xi1>
        %sort3A_1328, %sort3A_1329, %sort3A_1330 = tpu.sort %min3A_1325, %min3A_1325 masked %sort3A_1327 : (vector<16xi32>, vector<16xi32>, vector<16xi1>) -> (vector<16xi1>, vector<16xi32>, vector<16xi32>)
        %sort3A_1331 = arith.constant dense<true> : vector<16xi1>
        %sort3A_1332, %sort3A_1333, %sort3A_1334 = tpu.sort %max3A_1326, %max3A_1326 masked %sort3A_1331 : (vector<16xi32>, vector<16xi32>, vector<16xi1>) -> (vector<16xi1>, vector<16xi32>, vector<16xi32>)
        %rev3A_1335 = arith.constant 15 : i32
        %rev3A_1336 = vector.broadcast %rev3A_1335 : i32 to vector<16xi32>
        %rev3A_1337 = tpu.iota {dimensions = array<i32: 0>} : vector<16xi32>
        %rev3A_1338 = arith.subi %rev3A_1336, %rev3A_1337 : vector<16xi32>
        %rev3A_1339 = tpu.dynamic_gather %sort3A_908[%rev3A_1338] in [0] : vector<16xi32>, vector<16xi32> -> vector<16xi32>
        %min3A_1340 = arith.minsi %sort3A_888, %rev3A_1339 : vector<16xi32>
        %max3A_1341 = arith.maxsi %sort3A_888, %rev3A_1339 : vector<16xi32>
        %sort3A_1342 = arith.constant dense<true> : vector<16xi1>
        %sort3A_1343, %sort3A_1344, %sort3A_1345 = tpu.sort %min3A_1340, %min3A_1340 masked %sort3A_1342 : (vector<16xi32>, vector<16xi32>, vector<16xi1>) -> (vector<16xi1>, vector<16xi32>, vector<16xi32>)
        %sort3A_1346 = arith.constant dense<true> : vector<16xi1>
        %sort3A_1347, %sort3A_1348, %sort3A_1349 = tpu.sort %max3A_1341, %max3A_1341 masked %sort3A_1346 : (vector<16xi32>, vector<16xi32>, vector<16xi1>) -> (vector<16xi1>, vector<16xi32>, vector<16xi32>)
        %rev3A_1350 = arith.constant 15 : i32
        %rev3A_1351 = vector.broadcast %rev3A_1350 : i32 to vector<16xi32>
        %rev3A_1352 = tpu.iota {dimensions = array<i32: 0>} : vector<16xi32>
        %rev3A_1353 = arith.subi %rev3A_1351, %rev3A_1352 : vector<16xi32>
        %rev3A_1354 = tpu.dynamic_gather %sort3A_948[%rev3A_1353] in [0] : vector<16xi32>, vector<16xi32> -> vector<16xi32>
        %min3A_1355 = arith.minsi %sort3A_928, %rev3A_1354 : vector<16xi32>
        %max3A_1356 = arith.maxsi %sort3A_928, %rev3A_1354 : vector<16xi32>
        %sort3A_1357 = arith.constant dense<true> : vector<16xi1>
        %sort3A_1358, %sort3A_1359, %sort3A_1360 = tpu.sort %min3A_1355, %min3A_1355 masked %sort3A_1357 : (vector<16xi32>, vector<16xi32>, vector<16xi1>) -> (vector<16xi1>, vector<16xi32>, vector<16xi32>)
        %sort3A_1361 = arith.constant dense<true> : vector<16xi1>
        %sort3A_1362, %sort3A_1363, %sort3A_1364 = tpu.sort %max3A_1356, %max3A_1356 masked %sort3A_1361 : (vector<16xi32>, vector<16xi32>, vector<16xi1>) -> (vector<16xi1>, vector<16xi32>, vector<16xi32>)
        %rev3A_1365 = arith.constant 15 : i32
        %rev3A_1366 = vector.broadcast %rev3A_1365 : i32 to vector<16xi32>
        %rev3A_1367 = tpu.iota {dimensions = array<i32: 0>} : vector<16xi32>
        %rev3A_1368 = arith.subi %rev3A_1366, %rev3A_1367 : vector<16xi32>
        %rev3A_1369 = tpu.dynamic_gather %sort3A_988[%rev3A_1368] in [0] : vector<16xi32>, vector<16xi32> -> vector<16xi32>
        %min3A_1370 = arith.minsi %sort3A_968, %rev3A_1369 : vector<16xi32>
        %max3A_1371 = arith.maxsi %sort3A_968, %rev3A_1369 : vector<16xi32>
        %sort3A_1372 = arith.constant dense<true> : vector<16xi1>
        %sort3A_1373, %sort3A_1374, %sort3A_1375 = tpu.sort %min3A_1370, %min3A_1370 masked %sort3A_1372 : (vector<16xi32>, vector<16xi32>, vector<16xi1>) -> (vector<16xi1>, vector<16xi32>, vector<16xi32>)
        %sort3A_1376 = arith.constant dense<true> : vector<16xi1>
        %sort3A_1377, %sort3A_1378, %sort3A_1379 = tpu.sort %max3A_1371, %max3A_1371 masked %sort3A_1376 : (vector<16xi32>, vector<16xi32>, vector<16xi1>) -> (vector<16xi1>, vector<16xi32>, vector<16xi32>)
        %rev3A_1380 = arith.constant 15 : i32
        %rev3A_1381 = vector.broadcast %rev3A_1380 : i32 to vector<16xi32>
        %rev3A_1382 = tpu.iota {dimensions = array<i32: 0>} : vector<16xi32>
        %rev3A_1383 = arith.subi %rev3A_1381, %rev3A_1382 : vector<16xi32>
        %rev3A_1384 = tpu.dynamic_gather %sort3A_1028[%rev3A_1383] in [0] : vector<16xi32>, vector<16xi32> -> vector<16xi32>
        %min3A_1385 = arith.minsi %sort3A_1008, %rev3A_1384 : vector<16xi32>
        %max3A_1386 = arith.maxsi %sort3A_1008, %rev3A_1384 : vector<16xi32>
        %sort3A_1387 = arith.constant dense<true> : vector<16xi1>
        %sort3A_1388, %sort3A_1389, %sort3A_1390 = tpu.sort %min3A_1385, %min3A_1385 masked %sort3A_1387 : (vector<16xi32>, vector<16xi32>, vector<16xi1>) -> (vector<16xi1>, vector<16xi32>, vector<16xi32>)
        %sort3A_1391 = arith.constant dense<true> : vector<16xi1>
        %sort3A_1392, %sort3A_1393, %sort3A_1394 = tpu.sort %max3A_1386, %max3A_1386 masked %sort3A_1391 : (vector<16xi32>, vector<16xi32>, vector<16xi1>) -> (vector<16xi1>, vector<16xi32>, vector<16xi32>)
        %rev3A_1395 = arith.constant 15 : i32
        %rev3A_1396 = vector.broadcast %rev3A_1395 : i32 to vector<16xi32>
        %rev3A_1397 = tpu.iota {dimensions = array<i32: 0>} : vector<16xi32>
        %rev3A_1398 = arith.subi %rev3A_1396, %rev3A_1397 : vector<16xi32>
        %rev3A_1399 = tpu.dynamic_gather %sort3A_1068[%rev3A_1398] in [0] : vector<16xi32>, vector<16xi32> -> vector<16xi32>
        %min3A_1400 = arith.minsi %sort3A_1048, %rev3A_1399 : vector<16xi32>
        %max3A_1401 = arith.maxsi %sort3A_1048, %rev3A_1399 : vector<16xi32>
        %sort3A_1402 = arith.constant dense<true> : vector<16xi1>
        %sort3A_1403, %sort3A_1404, %sort3A_1405 = tpu.sort %min3A_1400, %min3A_1400 masked %sort3A_1402 : (vector<16xi32>, vector<16xi32>, vector<16xi1>) -> (vector<16xi1>, vector<16xi32>, vector<16xi32>)
        %sort3A_1406 = arith.constant dense<true> : vector<16xi1>
        %sort3A_1407, %sort3A_1408, %sort3A_1409 = tpu.sort %max3A_1401, %max3A_1401 masked %sort3A_1406 : (vector<16xi32>, vector<16xi32>, vector<16xi1>) -> (vector<16xi1>, vector<16xi32>, vector<16xi32>)
        %rev3A_1410 = arith.constant 15 : i32
        %rev3A_1411 = vector.broadcast %rev3A_1410 : i32 to vector<16xi32>
        %rev3A_1412 = tpu.iota {dimensions = array<i32: 0>} : vector<16xi32>
        %rev3A_1413 = arith.subi %rev3A_1411, %rev3A_1412 : vector<16xi32>
        %rev3A_1414 = tpu.dynamic_gather %sort3A_1108[%rev3A_1413] in [0] : vector<16xi32>, vector<16xi32> -> vector<16xi32>
        %min3A_1415 = arith.minsi %sort3A_1088, %rev3A_1414 : vector<16xi32>
        %max3A_1416 = arith.maxsi %sort3A_1088, %rev3A_1414 : vector<16xi32>
        %sort3A_1417 = arith.constant dense<true> : vector<16xi1>
        %sort3A_1418, %sort3A_1419, %sort3A_1420 = tpu.sort %min3A_1415, %min3A_1415 masked %sort3A_1417 : (vector<16xi32>, vector<16xi32>, vector<16xi1>) -> (vector<16xi1>, vector<16xi32>, vector<16xi32>)
        %sort3A_1421 = arith.constant dense<true> : vector<16xi1>
        %sort3A_1422, %sort3A_1423, %sort3A_1424 = tpu.sort %max3A_1416, %max3A_1416 masked %sort3A_1421 : (vector<16xi32>, vector<16xi32>, vector<16xi1>) -> (vector<16xi1>, vector<16xi32>, vector<16xi32>)
        %rev3A_1425 = arith.constant 15 : i32
        %rev3A_1426 = vector.broadcast %rev3A_1425 : i32 to vector<16xi32>
        %rev3A_1427 = tpu.iota {dimensions = array<i32: 0>} : vector<16xi32>
        %rev3A_1428 = arith.subi %rev3A_1426, %rev3A_1427 : vector<16xi32>
        %rev3A_1429 = tpu.dynamic_gather %sort3A_1148[%rev3A_1428] in [0] : vector<16xi32>, vector<16xi32> -> vector<16xi32>
        %min3A_1430 = arith.minsi %sort3A_1128, %rev3A_1429 : vector<16xi32>
        %max3A_1431 = arith.maxsi %sort3A_1128, %rev3A_1429 : vector<16xi32>
        %sort3A_1432 = arith.constant dense<true> : vector<16xi1>
        %sort3A_1433, %sort3A_1434, %sort3A_1435 = tpu.sort %min3A_1430, %min3A_1430 masked %sort3A_1432 : (vector<16xi32>, vector<16xi32>, vector<16xi1>) -> (vector<16xi1>, vector<16xi32>, vector<16xi32>)
        %sort3A_1436 = arith.constant dense<true> : vector<16xi1>
        %sort3A_1437, %sort3A_1438, %sort3A_1439 = tpu.sort %max3A_1431, %max3A_1431 masked %sort3A_1436 : (vector<16xi32>, vector<16xi32>, vector<16xi1>) -> (vector<16xi1>, vector<16xi32>, vector<16xi32>)
        %rev3A_1440 = arith.constant 15 : i32
        %rev3A_1441 = vector.broadcast %rev3A_1440 : i32 to vector<16xi32>
        %rev3A_1442 = tpu.iota {dimensions = array<i32: 0>} : vector<16xi32>
        %rev3A_1443 = arith.subi %rev3A_1441, %rev3A_1442 : vector<16xi32>
        %rev3A_1444 = tpu.dynamic_gather %sort3A_1188[%rev3A_1443] in [0] : vector<16xi32>, vector<16xi32> -> vector<16xi32>
        %min3A_1445 = arith.minsi %sort3A_1168, %rev3A_1444 : vector<16xi32>
        %max3A_1446 = arith.maxsi %sort3A_1168, %rev3A_1444 : vector<16xi32>
        %sort3A_1447 = arith.constant dense<true> : vector<16xi1>
        %sort3A_1448, %sort3A_1449, %sort3A_1450 = tpu.sort %min3A_1445, %min3A_1445 masked %sort3A_1447 : (vector<16xi32>, vector<16xi32>, vector<16xi1>) -> (vector<16xi1>, vector<16xi32>, vector<16xi32>)
        %sort3A_1451 = arith.constant dense<true> : vector<16xi1>
        %sort3A_1452, %sort3A_1453, %sort3A_1454 = tpu.sort %max3A_1446, %max3A_1446 masked %sort3A_1451 : (vector<16xi32>, vector<16xi32>, vector<16xi1>) -> (vector<16xi1>, vector<16xi32>, vector<16xi32>)
        %rev3A_1455 = arith.constant 15 : i32
        %rev3A_1456 = vector.broadcast %rev3A_1455 : i32 to vector<16xi32>
        %rev3A_1457 = tpu.iota {dimensions = array<i32: 0>} : vector<16xi32>
        %rev3A_1458 = arith.subi %rev3A_1456, %rev3A_1457 : vector<16xi32>
        %rev3A_1459 = tpu.dynamic_gather %sort3A_1228[%rev3A_1458] in [0] : vector<16xi32>, vector<16xi32> -> vector<16xi32>
        %min3A_1460 = arith.minsi %sort3A_1208, %rev3A_1459 : vector<16xi32>
        %max3A_1461 = arith.maxsi %sort3A_1208, %rev3A_1459 : vector<16xi32>
        %sort3A_1462 = arith.constant dense<true> : vector<16xi1>
        %sort3A_1463, %sort3A_1464, %sort3A_1465 = tpu.sort %min3A_1460, %min3A_1460 masked %sort3A_1462 : (vector<16xi32>, vector<16xi32>, vector<16xi1>) -> (vector<16xi1>, vector<16xi32>, vector<16xi32>)
        %sort3A_1466 = arith.constant dense<true> : vector<16xi1>
        %sort3A_1467, %sort3A_1468, %sort3A_1469 = tpu.sort %max3A_1461, %max3A_1461 masked %sort3A_1466 : (vector<16xi32>, vector<16xi32>, vector<16xi1>) -> (vector<16xi1>, vector<16xi32>, vector<16xi32>)
        %rev3A_1470 = arith.constant 15 : i32
        %rev3A_1471 = vector.broadcast %rev3A_1470 : i32 to vector<16xi32>
        %rev3A_1472 = tpu.iota {dimensions = array<i32: 0>} : vector<16xi32>
        %rev3A_1473 = arith.subi %rev3A_1471, %rev3A_1472 : vector<16xi32>
        %rev3A_1474 = tpu.dynamic_gather %sort3A_1258[%rev3A_1473] in [0] : vector<16xi32>, vector<16xi32> -> vector<16xi32>
        %max3A_1475 = arith.maxsi %sort3A_1239, %rev3A_1474 : vector<16xi32>
        %rev3A_1476 = arith.constant 15 : i32
        %rev3A_1477 = vector.broadcast %rev3A_1476 : i32 to vector<16xi32>
        %rev3A_1478 = tpu.iota {dimensions = array<i32: 0>} : vector<16xi32>
        %rev3A_1479 = arith.subi %rev3A_1477, %rev3A_1478 : vector<16xi32>
        %rev3A_1480 = tpu.dynamic_gather %sort3A_1254[%rev3A_1479] in [0] : vector<16xi32>, vector<16xi32> -> vector<16xi32>
        %max3A_1481 = arith.maxsi %sort3A_1243, %rev3A_1480 : vector<16xi32>
        %min3A_1482 = arith.minsi %max3A_1475, %max3A_1481 : vector<16xi32>
        %max3A_1483 = arith.maxsi %max3A_1475, %max3A_1481 : vector<16xi32>
        %sort3A_1484 = arith.constant dense<true> : vector<16xi1>
        %sort3A_1485, %sort3A_1486, %sort3A_1487 = tpu.sort %min3A_1482, %min3A_1482 masked %sort3A_1484 : (vector<16xi32>, vector<16xi32>, vector<16xi1>) -> (vector<16xi1>, vector<16xi32>, vector<16xi32>)
        %sort3A_1488 = arith.constant dense<true> : vector<16xi1>
        %sort3A_1489, %sort3A_1490, %sort3A_1491 = tpu.sort %max3A_1483, %max3A_1483 masked %sort3A_1488 : (vector<16xi32>, vector<16xi32>, vector<16xi1>) -> (vector<16xi1>, vector<16xi32>, vector<16xi32>)
        %rev3A_1492 = arith.constant 15 : i32
        %rev3A_1493 = vector.broadcast %rev3A_1492 : i32 to vector<16xi32>
        %rev3A_1494 = tpu.iota {dimensions = array<i32: 0>} : vector<16xi32>
        %rev3A_1495 = arith.subi %rev3A_1493, %rev3A_1494 : vector<16xi32>
        %rev3A_1496 = tpu.dynamic_gather %sort3A_1288[%rev3A_1495] in [0] : vector<16xi32>, vector<16xi32> -> vector<16xi32>
        %max3A_1497 = arith.maxsi %sort3A_1269, %rev3A_1496 : vector<16xi32>
        %rev3A_1498 = arith.constant 15 : i32
        %rev3A_1499 = vector.broadcast %rev3A_1498 : i32 to vector<16xi32>
        %rev3A_1500 = tpu.iota {dimensions = array<i32: 0>} : vector<16xi32>
        %rev3A_1501 = arith.subi %rev3A_1499, %rev3A_1500 : vector<16xi32>
        %rev3A_1502 = tpu.dynamic_gather %sort3A_1284[%rev3A_1501] in [0] : vector<16xi32>, vector<16xi32> -> vector<16xi32>
        %max3A_1503 = arith.maxsi %sort3A_1273, %rev3A_1502 : vector<16xi32>
        %min3A_1504 = arith.minsi %max3A_1497, %max3A_1503 : vector<16xi32>
        %max3A_1505 = arith.maxsi %max3A_1497, %max3A_1503 : vector<16xi32>
        %sort3A_1506 = arith.constant dense<true> : vector<16xi1>
        %sort3A_1507, %sort3A_1508, %sort3A_1509 = tpu.sort %min3A_1504, %min3A_1504 masked %sort3A_1506 : (vector<16xi32>, vector<16xi32>, vector<16xi1>) -> (vector<16xi1>, vector<16xi32>, vector<16xi32>)
        %sort3A_1510 = arith.constant dense<true> : vector<16xi1>
        %sort3A_1511, %sort3A_1512, %sort3A_1513 = tpu.sort %max3A_1505, %max3A_1505 masked %sort3A_1510 : (vector<16xi32>, vector<16xi32>, vector<16xi1>) -> (vector<16xi1>, vector<16xi32>, vector<16xi32>)
        %rev3A_1514 = arith.constant 15 : i32
        %rev3A_1515 = vector.broadcast %rev3A_1514 : i32 to vector<16xi32>
        %rev3A_1516 = tpu.iota {dimensions = array<i32: 0>} : vector<16xi32>
        %rev3A_1517 = arith.subi %rev3A_1515, %rev3A_1516 : vector<16xi32>
        %rev3A_1518 = tpu.dynamic_gather %sort3A_1318[%rev3A_1517] in [0] : vector<16xi32>, vector<16xi32> -> vector<16xi32>
        %max3A_1519 = arith.maxsi %sort3A_1299, %rev3A_1518 : vector<16xi32>
        %rev3A_1520 = arith.constant 15 : i32
        %rev3A_1521 = vector.broadcast %rev3A_1520 : i32 to vector<16xi32>
        %rev3A_1522 = tpu.iota {dimensions = array<i32: 0>} : vector<16xi32>
        %rev3A_1523 = arith.subi %rev3A_1521, %rev3A_1522 : vector<16xi32>
        %rev3A_1524 = tpu.dynamic_gather %sort3A_1314[%rev3A_1523] in [0] : vector<16xi32>, vector<16xi32> -> vector<16xi32>
        %max3A_1525 = arith.maxsi %sort3A_1303, %rev3A_1524 : vector<16xi32>
        %min3A_1526 = arith.minsi %max3A_1519, %max3A_1525 : vector<16xi32>
        %max3A_1527 = arith.maxsi %max3A_1519, %max3A_1525 : vector<16xi32>
        %sort3A_1528 = arith.constant dense<true> : vector<16xi1>
        %sort3A_1529, %sort3A_1530, %sort3A_1531 = tpu.sort %min3A_1526, %min3A_1526 masked %sort3A_1528 : (vector<16xi32>, vector<16xi32>, vector<16xi1>) -> (vector<16xi1>, vector<16xi32>, vector<16xi32>)
        %sort3A_1532 = arith.constant dense<true> : vector<16xi1>
        %sort3A_1533, %sort3A_1534, %sort3A_1535 = tpu.sort %max3A_1527, %max3A_1527 masked %sort3A_1532 : (vector<16xi32>, vector<16xi32>, vector<16xi1>) -> (vector<16xi1>, vector<16xi32>, vector<16xi32>)
        %rev3A_1536 = arith.constant 15 : i32
        %rev3A_1537 = vector.broadcast %rev3A_1536 : i32 to vector<16xi32>
        %rev3A_1538 = tpu.iota {dimensions = array<i32: 0>} : vector<16xi32>
        %rev3A_1539 = arith.subi %rev3A_1537, %rev3A_1538 : vector<16xi32>
        %rev3A_1540 = tpu.dynamic_gather %sort3A_1348[%rev3A_1539] in [0] : vector<16xi32>, vector<16xi32> -> vector<16xi32>
        %max3A_1541 = arith.maxsi %sort3A_1329, %rev3A_1540 : vector<16xi32>
        %rev3A_1542 = arith.constant 15 : i32
        %rev3A_1543 = vector.broadcast %rev3A_1542 : i32 to vector<16xi32>
        %rev3A_1544 = tpu.iota {dimensions = array<i32: 0>} : vector<16xi32>
        %rev3A_1545 = arith.subi %rev3A_1543, %rev3A_1544 : vector<16xi32>
        %rev3A_1546 = tpu.dynamic_gather %sort3A_1344[%rev3A_1545] in [0] : vector<16xi32>, vector<16xi32> -> vector<16xi32>
        %max3A_1547 = arith.maxsi %sort3A_1333, %rev3A_1546 : vector<16xi32>
        %min3A_1548 = arith.minsi %max3A_1541, %max3A_1547 : vector<16xi32>
        %max3A_1549 = arith.maxsi %max3A_1541, %max3A_1547 : vector<16xi32>
        %sort3A_1550 = arith.constant dense<true> : vector<16xi1>
        %sort3A_1551, %sort3A_1552, %sort3A_1553 = tpu.sort %min3A_1548, %min3A_1548 masked %sort3A_1550 : (vector<16xi32>, vector<16xi32>, vector<16xi1>) -> (vector<16xi1>, vector<16xi32>, vector<16xi32>)
        %sort3A_1554 = arith.constant dense<true> : vector<16xi1>
        %sort3A_1555, %sort3A_1556, %sort3A_1557 = tpu.sort %max3A_1549, %max3A_1549 masked %sort3A_1554 : (vector<16xi32>, vector<16xi32>, vector<16xi1>) -> (vector<16xi1>, vector<16xi32>, vector<16xi32>)
        %rev3A_1558 = arith.constant 15 : i32
        %rev3A_1559 = vector.broadcast %rev3A_1558 : i32 to vector<16xi32>
        %rev3A_1560 = tpu.iota {dimensions = array<i32: 0>} : vector<16xi32>
        %rev3A_1561 = arith.subi %rev3A_1559, %rev3A_1560 : vector<16xi32>
        %rev3A_1562 = tpu.dynamic_gather %sort3A_1378[%rev3A_1561] in [0] : vector<16xi32>, vector<16xi32> -> vector<16xi32>
        %max3A_1563 = arith.maxsi %sort3A_1359, %rev3A_1562 : vector<16xi32>
        %rev3A_1564 = arith.constant 15 : i32
        %rev3A_1565 = vector.broadcast %rev3A_1564 : i32 to vector<16xi32>
        %rev3A_1566 = tpu.iota {dimensions = array<i32: 0>} : vector<16xi32>
        %rev3A_1567 = arith.subi %rev3A_1565, %rev3A_1566 : vector<16xi32>
        %rev3A_1568 = tpu.dynamic_gather %sort3A_1374[%rev3A_1567] in [0] : vector<16xi32>, vector<16xi32> -> vector<16xi32>
        %max3A_1569 = arith.maxsi %sort3A_1363, %rev3A_1568 : vector<16xi32>
        %min3A_1570 = arith.minsi %max3A_1563, %max3A_1569 : vector<16xi32>
        %max3A_1571 = arith.maxsi %max3A_1563, %max3A_1569 : vector<16xi32>
        %sort3A_1572 = arith.constant dense<true> : vector<16xi1>
        %sort3A_1573, %sort3A_1574, %sort3A_1575 = tpu.sort %min3A_1570, %min3A_1570 masked %sort3A_1572 : (vector<16xi32>, vector<16xi32>, vector<16xi1>) -> (vector<16xi1>, vector<16xi32>, vector<16xi32>)
        %sort3A_1576 = arith.constant dense<true> : vector<16xi1>
        %sort3A_1577, %sort3A_1578, %sort3A_1579 = tpu.sort %max3A_1571, %max3A_1571 masked %sort3A_1576 : (vector<16xi32>, vector<16xi32>, vector<16xi1>) -> (vector<16xi1>, vector<16xi32>, vector<16xi32>)
        %rev3A_1580 = arith.constant 15 : i32
        %rev3A_1581 = vector.broadcast %rev3A_1580 : i32 to vector<16xi32>
        %rev3A_1582 = tpu.iota {dimensions = array<i32: 0>} : vector<16xi32>
        %rev3A_1583 = arith.subi %rev3A_1581, %rev3A_1582 : vector<16xi32>
        %rev3A_1584 = tpu.dynamic_gather %sort3A_1408[%rev3A_1583] in [0] : vector<16xi32>, vector<16xi32> -> vector<16xi32>
        %max3A_1585 = arith.maxsi %sort3A_1389, %rev3A_1584 : vector<16xi32>
        %rev3A_1586 = arith.constant 15 : i32
        %rev3A_1587 = vector.broadcast %rev3A_1586 : i32 to vector<16xi32>
        %rev3A_1588 = tpu.iota {dimensions = array<i32: 0>} : vector<16xi32>
        %rev3A_1589 = arith.subi %rev3A_1587, %rev3A_1588 : vector<16xi32>
        %rev3A_1590 = tpu.dynamic_gather %sort3A_1404[%rev3A_1589] in [0] : vector<16xi32>, vector<16xi32> -> vector<16xi32>
        %max3A_1591 = arith.maxsi %sort3A_1393, %rev3A_1590 : vector<16xi32>
        %min3A_1592 = arith.minsi %max3A_1585, %max3A_1591 : vector<16xi32>
        %max3A_1593 = arith.maxsi %max3A_1585, %max3A_1591 : vector<16xi32>
        %sort3A_1594 = arith.constant dense<true> : vector<16xi1>
        %sort3A_1595, %sort3A_1596, %sort3A_1597 = tpu.sort %min3A_1592, %min3A_1592 masked %sort3A_1594 : (vector<16xi32>, vector<16xi32>, vector<16xi1>) -> (vector<16xi1>, vector<16xi32>, vector<16xi32>)
        %sort3A_1598 = arith.constant dense<true> : vector<16xi1>
        %sort3A_1599, %sort3A_1600, %sort3A_1601 = tpu.sort %max3A_1593, %max3A_1593 masked %sort3A_1598 : (vector<16xi32>, vector<16xi32>, vector<16xi1>) -> (vector<16xi1>, vector<16xi32>, vector<16xi32>)
        %rev3A_1602 = arith.constant 15 : i32
        %rev3A_1603 = vector.broadcast %rev3A_1602 : i32 to vector<16xi32>
        %rev3A_1604 = tpu.iota {dimensions = array<i32: 0>} : vector<16xi32>
        %rev3A_1605 = arith.subi %rev3A_1603, %rev3A_1604 : vector<16xi32>
        %rev3A_1606 = tpu.dynamic_gather %sort3A_1438[%rev3A_1605] in [0] : vector<16xi32>, vector<16xi32> -> vector<16xi32>
        %max3A_1607 = arith.maxsi %sort3A_1419, %rev3A_1606 : vector<16xi32>
        %rev3A_1608 = arith.constant 15 : i32
        %rev3A_1609 = vector.broadcast %rev3A_1608 : i32 to vector<16xi32>
        %rev3A_1610 = tpu.iota {dimensions = array<i32: 0>} : vector<16xi32>
        %rev3A_1611 = arith.subi %rev3A_1609, %rev3A_1610 : vector<16xi32>
        %rev3A_1612 = tpu.dynamic_gather %sort3A_1434[%rev3A_1611] in [0] : vector<16xi32>, vector<16xi32> -> vector<16xi32>
        %max3A_1613 = arith.maxsi %sort3A_1423, %rev3A_1612 : vector<16xi32>
        %min3A_1614 = arith.minsi %max3A_1607, %max3A_1613 : vector<16xi32>
        %max3A_1615 = arith.maxsi %max3A_1607, %max3A_1613 : vector<16xi32>
        %sort3A_1616 = arith.constant dense<true> : vector<16xi1>
        %sort3A_1617, %sort3A_1618, %sort3A_1619 = tpu.sort %min3A_1614, %min3A_1614 masked %sort3A_1616 : (vector<16xi32>, vector<16xi32>, vector<16xi1>) -> (vector<16xi1>, vector<16xi32>, vector<16xi32>)
        %sort3A_1620 = arith.constant dense<true> : vector<16xi1>
        %sort3A_1621, %sort3A_1622, %sort3A_1623 = tpu.sort %max3A_1615, %max3A_1615 masked %sort3A_1620 : (vector<16xi32>, vector<16xi32>, vector<16xi1>) -> (vector<16xi1>, vector<16xi32>, vector<16xi32>)
        %rev3A_1624 = arith.constant 15 : i32
        %rev3A_1625 = vector.broadcast %rev3A_1624 : i32 to vector<16xi32>
        %rev3A_1626 = tpu.iota {dimensions = array<i32: 0>} : vector<16xi32>
        %rev3A_1627 = arith.subi %rev3A_1625, %rev3A_1626 : vector<16xi32>
        %rev3A_1628 = tpu.dynamic_gather %sort3A_1468[%rev3A_1627] in [0] : vector<16xi32>, vector<16xi32> -> vector<16xi32>
        %max3A_1629 = arith.maxsi %sort3A_1449, %rev3A_1628 : vector<16xi32>
        %rev3A_1630 = arith.constant 15 : i32
        %rev3A_1631 = vector.broadcast %rev3A_1630 : i32 to vector<16xi32>
        %rev3A_1632 = tpu.iota {dimensions = array<i32: 0>} : vector<16xi32>
        %rev3A_1633 = arith.subi %rev3A_1631, %rev3A_1632 : vector<16xi32>
        %rev3A_1634 = tpu.dynamic_gather %sort3A_1464[%rev3A_1633] in [0] : vector<16xi32>, vector<16xi32> -> vector<16xi32>
        %max3A_1635 = arith.maxsi %sort3A_1453, %rev3A_1634 : vector<16xi32>
        %min3A_1636 = arith.minsi %max3A_1629, %max3A_1635 : vector<16xi32>
        %max3A_1637 = arith.maxsi %max3A_1629, %max3A_1635 : vector<16xi32>
        %sort3A_1638 = arith.constant dense<true> : vector<16xi1>
        %sort3A_1639, %sort3A_1640, %sort3A_1641 = tpu.sort %min3A_1636, %min3A_1636 masked %sort3A_1638 : (vector<16xi32>, vector<16xi32>, vector<16xi1>) -> (vector<16xi1>, vector<16xi32>, vector<16xi32>)
        %sort3A_1642 = arith.constant dense<true> : vector<16xi1>
        %sort3A_1643, %sort3A_1644, %sort3A_1645 = tpu.sort %max3A_1637, %max3A_1637 masked %sort3A_1642 : (vector<16xi32>, vector<16xi32>, vector<16xi1>) -> (vector<16xi1>, vector<16xi32>, vector<16xi32>)
        %rev3A_1646 = arith.constant 15 : i32
        %rev3A_1647 = vector.broadcast %rev3A_1646 : i32 to vector<16xi32>
        %rev3A_1648 = tpu.iota {dimensions = array<i32: 0>} : vector<16xi32>
        %rev3A_1649 = arith.subi %rev3A_1647, %rev3A_1648 : vector<16xi32>
        %rev3A_1650 = tpu.dynamic_gather %sort3A_1512[%rev3A_1649] in [0] : vector<16xi32>, vector<16xi32> -> vector<16xi32>
        %max3A_1651 = arith.maxsi %sort3A_1486, %rev3A_1650 : vector<16xi32>
        %rev3A_1652 = arith.constant 15 : i32
        %rev3A_1653 = vector.broadcast %rev3A_1652 : i32 to vector<16xi32>
        %rev3A_1654 = tpu.iota {dimensions = array<i32: 0>} : vector<16xi32>
        %rev3A_1655 = arith.subi %rev3A_1653, %rev3A_1654 : vector<16xi32>
        %rev3A_1656 = tpu.dynamic_gather %sort3A_1508[%rev3A_1655] in [0] : vector<16xi32>, vector<16xi32> -> vector<16xi32>
        %max3A_1657 = arith.maxsi %sort3A_1490, %rev3A_1656 : vector<16xi32>
        %min3A_1658 = arith.minsi %max3A_1651, %max3A_1657 : vector<16xi32>
        %max3A_1659 = arith.maxsi %max3A_1651, %max3A_1657 : vector<16xi32>
        %sort3A_1660 = arith.constant dense<true> : vector<16xi1>
        %sort3A_1661, %sort3A_1662, %sort3A_1663 = tpu.sort %min3A_1658, %min3A_1658 masked %sort3A_1660 : (vector<16xi32>, vector<16xi32>, vector<16xi1>) -> (vector<16xi1>, vector<16xi32>, vector<16xi32>)
        %sort3A_1664 = arith.constant dense<true> : vector<16xi1>
        %sort3A_1665, %sort3A_1666, %sort3A_1667 = tpu.sort %max3A_1659, %max3A_1659 masked %sort3A_1664 : (vector<16xi32>, vector<16xi32>, vector<16xi1>) -> (vector<16xi1>, vector<16xi32>, vector<16xi32>)
        %rev3A_1668 = arith.constant 15 : i32
        %rev3A_1669 = vector.broadcast %rev3A_1668 : i32 to vector<16xi32>
        %rev3A_1670 = tpu.iota {dimensions = array<i32: 0>} : vector<16xi32>
        %rev3A_1671 = arith.subi %rev3A_1669, %rev3A_1670 : vector<16xi32>
        %rev3A_1672 = tpu.dynamic_gather %sort3A_1556[%rev3A_1671] in [0] : vector<16xi32>, vector<16xi32> -> vector<16xi32>
        %max3A_1673 = arith.maxsi %sort3A_1530, %rev3A_1672 : vector<16xi32>
        %rev3A_1674 = arith.constant 15 : i32
        %rev3A_1675 = vector.broadcast %rev3A_1674 : i32 to vector<16xi32>
        %rev3A_1676 = tpu.iota {dimensions = array<i32: 0>} : vector<16xi32>
        %rev3A_1677 = arith.subi %rev3A_1675, %rev3A_1676 : vector<16xi32>
        %rev3A_1678 = tpu.dynamic_gather %sort3A_1552[%rev3A_1677] in [0] : vector<16xi32>, vector<16xi32> -> vector<16xi32>
        %max3A_1679 = arith.maxsi %sort3A_1534, %rev3A_1678 : vector<16xi32>
        %min3A_1680 = arith.minsi %max3A_1673, %max3A_1679 : vector<16xi32>
        %max3A_1681 = arith.maxsi %max3A_1673, %max3A_1679 : vector<16xi32>
        %sort3A_1682 = arith.constant dense<true> : vector<16xi1>
        %sort3A_1683, %sort3A_1684, %sort3A_1685 = tpu.sort %min3A_1680, %min3A_1680 masked %sort3A_1682 : (vector<16xi32>, vector<16xi32>, vector<16xi1>) -> (vector<16xi1>, vector<16xi32>, vector<16xi32>)
        %sort3A_1686 = arith.constant dense<true> : vector<16xi1>
        %sort3A_1687, %sort3A_1688, %sort3A_1689 = tpu.sort %max3A_1681, %max3A_1681 masked %sort3A_1686 : (vector<16xi32>, vector<16xi32>, vector<16xi1>) -> (vector<16xi1>, vector<16xi32>, vector<16xi32>)
        %rev3A_1690 = arith.constant 15 : i32
        %rev3A_1691 = vector.broadcast %rev3A_1690 : i32 to vector<16xi32>
        %rev3A_1692 = tpu.iota {dimensions = array<i32: 0>} : vector<16xi32>
        %rev3A_1693 = arith.subi %rev3A_1691, %rev3A_1692 : vector<16xi32>
        %rev3A_1694 = tpu.dynamic_gather %sort3A_1600[%rev3A_1693] in [0] : vector<16xi32>, vector<16xi32> -> vector<16xi32>
        %max3A_1695 = arith.maxsi %sort3A_1574, %rev3A_1694 : vector<16xi32>
        %rev3A_1696 = arith.constant 15 : i32
        %rev3A_1697 = vector.broadcast %rev3A_1696 : i32 to vector<16xi32>
        %rev3A_1698 = tpu.iota {dimensions = array<i32: 0>} : vector<16xi32>
        %rev3A_1699 = arith.subi %rev3A_1697, %rev3A_1698 : vector<16xi32>
        %rev3A_1700 = tpu.dynamic_gather %sort3A_1596[%rev3A_1699] in [0] : vector<16xi32>, vector<16xi32> -> vector<16xi32>
        %max3A_1701 = arith.maxsi %sort3A_1578, %rev3A_1700 : vector<16xi32>
        %min3A_1702 = arith.minsi %max3A_1695, %max3A_1701 : vector<16xi32>
        %max3A_1703 = arith.maxsi %max3A_1695, %max3A_1701 : vector<16xi32>
        %sort3A_1704 = arith.constant dense<true> : vector<16xi1>
        %sort3A_1705, %sort3A_1706, %sort3A_1707 = tpu.sort %min3A_1702, %min3A_1702 masked %sort3A_1704 : (vector<16xi32>, vector<16xi32>, vector<16xi1>) -> (vector<16xi1>, vector<16xi32>, vector<16xi32>)
        %sort3A_1708 = arith.constant dense<true> : vector<16xi1>
        %sort3A_1709, %sort3A_1710, %sort3A_1711 = tpu.sort %max3A_1703, %max3A_1703 masked %sort3A_1708 : (vector<16xi32>, vector<16xi32>, vector<16xi1>) -> (vector<16xi1>, vector<16xi32>, vector<16xi32>)
        %rev3A_1712 = arith.constant 15 : i32
        %rev3A_1713 = vector.broadcast %rev3A_1712 : i32 to vector<16xi32>
        %rev3A_1714 = tpu.iota {dimensions = array<i32: 0>} : vector<16xi32>
        %rev3A_1715 = arith.subi %rev3A_1713, %rev3A_1714 : vector<16xi32>
        %rev3A_1716 = tpu.dynamic_gather %sort3A_1644[%rev3A_1715] in [0] : vector<16xi32>, vector<16xi32> -> vector<16xi32>
        %max3A_1717 = arith.maxsi %sort3A_1618, %rev3A_1716 : vector<16xi32>
        %rev3A_1718 = arith.constant 15 : i32
        %rev3A_1719 = vector.broadcast %rev3A_1718 : i32 to vector<16xi32>
        %rev3A_1720 = tpu.iota {dimensions = array<i32: 0>} : vector<16xi32>
        %rev3A_1721 = arith.subi %rev3A_1719, %rev3A_1720 : vector<16xi32>
        %rev3A_1722 = tpu.dynamic_gather %sort3A_1640[%rev3A_1721] in [0] : vector<16xi32>, vector<16xi32> -> vector<16xi32>
        %max3A_1723 = arith.maxsi %sort3A_1622, %rev3A_1722 : vector<16xi32>
        %min3A_1724 = arith.minsi %max3A_1717, %max3A_1723 : vector<16xi32>
        %max3A_1725 = arith.maxsi %max3A_1717, %max3A_1723 : vector<16xi32>
        %sort3A_1726 = arith.constant dense<true> : vector<16xi1>
        %sort3A_1727, %sort3A_1728, %sort3A_1729 = tpu.sort %min3A_1724, %min3A_1724 masked %sort3A_1726 : (vector<16xi32>, vector<16xi32>, vector<16xi1>) -> (vector<16xi1>, vector<16xi32>, vector<16xi32>)
        %sort3A_1730 = arith.constant dense<true> : vector<16xi1>
        %sort3A_1731, %sort3A_1732, %sort3A_1733 = tpu.sort %max3A_1725, %max3A_1725 masked %sort3A_1730 : (vector<16xi32>, vector<16xi32>, vector<16xi1>) -> (vector<16xi1>, vector<16xi32>, vector<16xi32>)
        %rev3A_1734 = arith.constant 15 : i32
        %rev3A_1735 = vector.broadcast %rev3A_1734 : i32 to vector<16xi32>
        %rev3A_1736 = tpu.iota {dimensions = array<i32: 0>} : vector<16xi32>
        %rev3A_1737 = arith.subi %rev3A_1735, %rev3A_1736 : vector<16xi32>
        %rev3A_1738 = tpu.dynamic_gather %sort3A_1688[%rev3A_1737] in [0] : vector<16xi32>, vector<16xi32> -> vector<16xi32>
        %max3A_1739 = arith.maxsi %sort3A_1662, %rev3A_1738 : vector<16xi32>
        %rev3A_1740 = arith.constant 15 : i32
        %rev3A_1741 = vector.broadcast %rev3A_1740 : i32 to vector<16xi32>
        %rev3A_1742 = tpu.iota {dimensions = array<i32: 0>} : vector<16xi32>
        %rev3A_1743 = arith.subi %rev3A_1741, %rev3A_1742 : vector<16xi32>
        %rev3A_1744 = tpu.dynamic_gather %sort3A_1684[%rev3A_1743] in [0] : vector<16xi32>, vector<16xi32> -> vector<16xi32>
        %max3A_1745 = arith.maxsi %sort3A_1666, %rev3A_1744 : vector<16xi32>
        %min3A_1746 = arith.minsi %max3A_1739, %max3A_1745 : vector<16xi32>
        %max3A_1747 = arith.maxsi %max3A_1739, %max3A_1745 : vector<16xi32>
        %sort3A_1748 = arith.constant dense<true> : vector<16xi1>
        %sort3A_1749, %sort3A_1750, %sort3A_1751 = tpu.sort %min3A_1746, %min3A_1746 masked %sort3A_1748 : (vector<16xi32>, vector<16xi32>, vector<16xi1>) -> (vector<16xi1>, vector<16xi32>, vector<16xi32>)
        %sort3A_1752 = arith.constant dense<true> : vector<16xi1>
        %sort3A_1753, %sort3A_1754, %sort3A_1755 = tpu.sort %max3A_1747, %max3A_1747 masked %sort3A_1752 : (vector<16xi32>, vector<16xi32>, vector<16xi1>) -> (vector<16xi1>, vector<16xi32>, vector<16xi32>)
        %rev3A_1756 = arith.constant 15 : i32
        %rev3A_1757 = vector.broadcast %rev3A_1756 : i32 to vector<16xi32>
        %rev3A_1758 = tpu.iota {dimensions = array<i32: 0>} : vector<16xi32>
        %rev3A_1759 = arith.subi %rev3A_1757, %rev3A_1758 : vector<16xi32>
        %rev3A_1760 = tpu.dynamic_gather %sort3A_1732[%rev3A_1759] in [0] : vector<16xi32>, vector<16xi32> -> vector<16xi32>
        %max3A_1761 = arith.maxsi %sort3A_1706, %rev3A_1760 : vector<16xi32>
        %rev3A_1762 = arith.constant 15 : i32
        %rev3A_1763 = vector.broadcast %rev3A_1762 : i32 to vector<16xi32>
        %rev3A_1764 = tpu.iota {dimensions = array<i32: 0>} : vector<16xi32>
        %rev3A_1765 = arith.subi %rev3A_1763, %rev3A_1764 : vector<16xi32>
        %rev3A_1766 = tpu.dynamic_gather %sort3A_1728[%rev3A_1765] in [0] : vector<16xi32>, vector<16xi32> -> vector<16xi32>
        %max3A_1767 = arith.maxsi %sort3A_1710, %rev3A_1766 : vector<16xi32>
        %min3A_1768 = arith.minsi %max3A_1761, %max3A_1767 : vector<16xi32>
        %max3A_1769 = arith.maxsi %max3A_1761, %max3A_1767 : vector<16xi32>
        %sort3A_1770 = arith.constant dense<true> : vector<16xi1>
        %sort3A_1771, %sort3A_1772, %sort3A_1773 = tpu.sort %min3A_1768, %min3A_1768 masked %sort3A_1770 : (vector<16xi32>, vector<16xi32>, vector<16xi1>) -> (vector<16xi1>, vector<16xi32>, vector<16xi32>)
        %sort3A_1774 = arith.constant dense<true> : vector<16xi1>
        %sort3A_1775, %sort3A_1776, %sort3A_1777 = tpu.sort %max3A_1769, %max3A_1769 masked %sort3A_1774 : (vector<16xi32>, vector<16xi32>, vector<16xi1>) -> (vector<16xi1>, vector<16xi32>, vector<16xi32>)
        %rev3A_1778 = arith.constant 15 : i32
        %rev3A_1779 = vector.broadcast %rev3A_1778 : i32 to vector<16xi32>
        %rev3A_1780 = tpu.iota {dimensions = array<i32: 0>} : vector<16xi32>
        %rev3A_1781 = arith.subi %rev3A_1779, %rev3A_1780 : vector<16xi32>
        %rev3A_1782 = tpu.dynamic_gather %sort3A_1776[%rev3A_1781] in [0] : vector<16xi32>, vector<16xi32> -> vector<16xi32>
        %max3A_1783 = arith.maxsi %sort3A_1750, %rev3A_1782 : vector<16xi32>
        %rev3A_1784 = arith.constant 15 : i32
        %rev3A_1785 = vector.broadcast %rev3A_1784 : i32 to vector<16xi32>
        %rev3A_1786 = tpu.iota {dimensions = array<i32: 0>} : vector<16xi32>
        %rev3A_1787 = arith.subi %rev3A_1785, %rev3A_1786 : vector<16xi32>
        %rev3A_1788 = tpu.dynamic_gather %sort3A_1772[%rev3A_1787] in [0] : vector<16xi32>, vector<16xi32> -> vector<16xi32>
        %max3A_1789 = arith.maxsi %sort3A_1754, %rev3A_1788 : vector<16xi32>
        %min3A_1790 = arith.minsi %max3A_1783, %max3A_1789 : vector<16xi32>
        %max3A_1791 = arith.maxsi %max3A_1783, %max3A_1789 : vector<16xi32>
        %sort3A_1792 = arith.constant dense<true> : vector<16xi1>
        %sort3A_1793, %sort3A_1794, %sort3A_1795 = tpu.sort %min3A_1790, %min3A_1790 masked %sort3A_1792 : (vector<16xi32>, vector<16xi32>, vector<16xi1>) -> (vector<16xi1>, vector<16xi32>, vector<16xi32>)
        %sort3A_1796 = arith.constant dense<true> : vector<16xi1>
        %sort3A_1797, %sort3A_1798, %sort3A_1799 = tpu.sort %max3A_1791, %max3A_1791 masked %sort3A_1796 : (vector<16xi32>, vector<16xi32>, vector<16xi1>) -> (vector<16xi1>, vector<16xi32>, vector<16xi32>)
        %eq3A_1800 = arith.constant 0 : i32
        %eq3A_1801 = vector.broadcast %eq3A_1800 : i32 to vector<16xi32>
        %eq3A_1802 = arith.cmpi eq, %iota3A, %eq3A_1801 : vector<16xi32>
        %jit3A_1803 = arith.constant 0 : i32
        %broadcast_in_dim3A_1804 = vector.broadcast %jit3A_1803 : i32 to vector<16xi32>
        %select_n3A_1805 = arith.select %eq3A_1802, %sort3A_1794, %broadcast_in_dim3A_1804 : vector<16xi1>, vector<16xi32>
        %reduce_sum3A_1806 = arith.constant true
        %reduce_sum3A_1807 = vector.broadcast %reduce_sum3A_1806 : i1 to vector<16xi1>
        %reduce_sum3A_1808 = tpu.scan <sum>, %select_n3A_1805 masked %reduce_sum3A_1807 : vector<16xi32>, vector<16xi1> -> vector<16xi32>
        %reduce_sum3A_1809 = vector.extract %reduce_sum3A_1808[15] : i32 from vector<16xi32>
        %mul3A_1810 = arith.constant 16 : i32
        %mul3A_1811 = arith.muli %mul3A_35, %mul3A_1810 : i32
        %add3A_1812 = arith.addi %mul3A_1811, %scan3A_91 : i32
        %broadcast_in_dim3A_1813 = vector.broadcast %add3A_1812 : i32 to vector<16xi32>
        %broadcast_in_dim3A_1814 = vector.broadcast %reduce_sum3A_1809 : i32 to vector<16xi32>
        %eq3A_1815 = arith.constant 0 : i32
        %eq3A_1816 = vector.broadcast %eq3A_1815 : i32 to vector<16xi32>
        %eq3A_1817 = arith.cmpi eq, %iota3A, %eq3A_1816 : vector<16xi32>
        tpu.vector_store_idx %arg10[%broadcast_in_dim3A_1813], %broadcast_in_dim3A_1814 masked %eq3A_1817 : memref<256xi32, #tpu.memory_space<vmem>>[vector<16xi32>], vector<16xi32>, vector<16xi1>
        %scan3A_1818 = arith.constant 0 : i32
        scf.yield %scan3A_1818 : i32
      }
      %scan3A_55 = arith.constant 16 : i32
      %lt3A = arith.constant 7 : i32
      %lt3A_56 = arith.cmpi slt, %scan3A_32, %lt3A : i32
      %convert_element_type3A = arith.extui %lt3A_56 : i1 to i32
      %cond3A = arith.constant 0 : i32
      %cond3A_57 = arith.cmpi ne, %convert_element_type3A, %cond3A : i32
      scf.if %cond3A_57 {
        %add3A_91 = arith.constant 2 : i32
        %add3A_92 = arith.addi %mul3A_35, %add3A_91 : i32
        %mul3A_93 = arith.constant 16 : i32
        %mul3A_94 = arith.muli %add3A_92, %mul3A_93 : i32
        %add3A_95 = arith.addi %mul3A_2, %mul3A_94 : i32
        %dma_start3A_96 = arith.constant 0 : i32
        %dma_start3A_97 = tpu.memref_slice %arg2[%add3A_95, %dma_start3A_96] : memref<8192x2048xi32, #tpu.memory_space<hbm>> -> memref<16x2048xi32, #tpu.memory_space<hbm>>
        %dma_start3A_98 = arith.constant 0 : i32
        %dma_start3A_99 = tpu.memref_slice %arg2[%add3A_95, %dma_start3A_98] : memref<8192x2048xi32, #tpu.memory_space<hbm>> -> memref<16x2048xi32, #tpu.memory_space<hbm>>
        tpu.enqueue_dma source(%dma_start3A_99 : memref<16x2048xi32, #tpu.memory_space<hbm>>) target(%arg5 : memref<16x2048xi32, #tpu.memory_space<vmem>>) target_semaphore(%arg11 : memref<!tpu.dma_semaphore, #tpu.memory_space<semaphore_mem>>)
        %add3A_100 = arith.constant 2 : i32
        %add3A_101 = arith.addi %mul3A_35, %add3A_100 : i32
        %mul3A_102 = arith.constant 16 : i32
        %mul3A_103 = arith.muli %add3A_101, %mul3A_102 : i32
        %add3A_104 = arith.addi %mul3A_2, %mul3A_103 : i32
        %dma_start3A_105 = arith.constant 0 : i32
        %dma_start3A_106 = tpu.memref_slice %arg3[%add3A_104, %dma_start3A_105] : memref<8192x128xi32, #tpu.memory_space<hbm>> -> memref<16x128xi32, #tpu.memory_space<hbm>>
        %dma_start3A_107 = arith.constant 0 : i32
        %dma_start3A_108 = tpu.memref_slice %arg3[%add3A_104, %dma_start3A_107] : memref<8192x128xi32, #tpu.memory_space<hbm>> -> memref<16x128xi32, #tpu.memory_space<hbm>>
        tpu.enqueue_dma source(%dma_start3A_108 : memref<16x128xi32, #tpu.memory_space<hbm>>) target(%arg7 : memref<16x128xi32, #tpu.memory_space<vmem>>) target_semaphore(%arg13 : memref<!tpu.dma_semaphore, #tpu.memory_space<semaphore_mem>>)
      } else {
      }
      %add3A_58 = arith.constant 1 : i32
      %add3A_59 = arith.addi %mul3A_35, %add3A_58 : i32
      %mul3A_60 = arith.constant 16 : i32
      %mul3A_61 = arith.muli %add3A_59, %mul3A_60 : i32
      %add3A_62 = arith.addi %mul3A_2, %mul3A_61 : i32
      %dma_wait3A_63 = arith.constant 0 : i32
      %dma_wait3A_64 = tpu.memref_slice %arg2[%add3A_62, %dma_wait3A_63] : memref<8192x2048xi32, #tpu.memory_space<hbm>> -> memref<16x2048xi32, #tpu.memory_space<hbm>>
      %dma_wait3A_65 = arith.constant 0 : i32
      %dma_wait3A_66 = tpu.memref_slice %arg2[%add3A_62, %dma_wait3A_65] : memref<8192x2048xi32, #tpu.memory_space<hbm>> -> memref<16x2048xi32, #tpu.memory_space<hbm>>
      tpu.wait_dma2 semaphore(%arg12 : memref<!tpu.dma_semaphore, #tpu.memory_space<semaphore_mem>>) src(%dma_wait3A_66 : memref<16x2048xi32, #tpu.memory_space<hbm>>) dst(%arg6 : memref<16x2048xi32, #tpu.memory_space<vmem>>)
      %add3A_67 = arith.constant 1 : i32
      %add3A_68 = arith.addi %mul3A_35, %add3A_67 : i32
      %mul3A_69 = arith.constant 16 : i32
      %mul3A_70 = arith.muli %add3A_68, %mul3A_69 : i32
      %add3A_71 = arith.addi %mul3A_2, %mul3A_70 : i32
      %dma_wait3A_72 = arith.constant 0 : i32
      %dma_wait3A_73 = tpu.memref_slice %arg3[%add3A_71, %dma_wait3A_72] : memref<8192x128xi32, #tpu.memory_space<hbm>> -> memref<16x128xi32, #tpu.memory_space<hbm>>
      %dma_wait3A_74 = arith.constant 0 : i32
      %dma_wait3A_75 = tpu.memref_slice %arg3[%add3A_71, %dma_wait3A_74] : memref<8192x128xi32, #tpu.memory_space<hbm>> -> memref<16x128xi32, #tpu.memory_space<hbm>>
      tpu.wait_dma2 semaphore(%arg14 : memref<!tpu.dma_semaphore, #tpu.memory_space<semaphore_mem>>) src(%dma_wait3A_75 : memref<16x128xi32, #tpu.memory_space<hbm>>) dst(%arg8 : memref<16x128xi32, #tpu.memory_space<vmem>>)
      %add3A_76 = arith.constant 1 : i32
      %add3A_77 = arith.addi %mul3A_35, %add3A_76 : i32
      %scan3A_78 = arith.constant 0 : i32
      %scan3A_79 = arith.constant 0 : i32
      %scan3A_80 = arith.constant 16 : i32
      %scan3A_81 = arith.addi %scan3A_79, %scan3A_80 : i32
      %scan3A_82 = arith.constant 1 : i32
      %scan3A_83 = scf.for %scan3A_91 = %scan3A_79 to %scan3A_81 step %scan3A_82 iter_args(%scan3A_92 = %scan3A_78) -> (i32)  : i32 {
        %get3A = arith.index_cast %scan3A_91 : i32 to index
        %get3A_93 = arith.constant 0 : index
        %get3A_94 = tpu.vector_load %arg8[%get3A, %get3A_93] {strides = array<i32>} : memref<16x128xi32, #tpu.memory_space<vmem>>, vector<16xi32>,
        %get3A_95 = arith.index_cast %scan3A_91 : i32 to index
        %get3A_96 = arith.constant 16 : index
        %get3A_97 = tpu.vector_load %arg8[%get3A_95, %get3A_96] {strides = array<i32>} : memref<16x128xi32, #tpu.memory_space<vmem>>, vector<16xi32>,
        %get3A_98 = arith.index_cast %scan3A_91 : i32 to index
        %get3A_99 = arith.constant 32 : index
        %get3A_100 = tpu.vector_load %arg8[%get3A_98, %get3A_99] {strides = array<i32>} : memref<16x128xi32, #tpu.memory_space<vmem>>, vector<16xi32>,
        %get3A_101 = arith.index_cast %scan3A_91 : i32 to index
        %get3A_102 = arith.constant 48 : index
        %get3A_103 = tpu.vector_load %arg8[%get3A_101, %get3A_102] {strides = array<i32>} : memref<16x128xi32, #tpu.memory_space<vmem>>, vector<16xi32>,
        %get3A_104 = arith.index_cast %scan3A_91 : i32 to index
        %get3A_105 = arith.constant 64 : index
        %get3A_106 = tpu.vector_load %arg8[%get3A_104, %get3A_105] {strides = array<i32>} : memref<16x128xi32, #tpu.memory_space<vmem>>, vector<16xi32>,
        %get3A_107 = arith.index_cast %scan3A_91 : i32 to index
        %get3A_108 = arith.constant 80 : index
        %get3A_109 = tpu.vector_load %arg8[%get3A_107, %get3A_108] {strides = array<i32>} : memref<16x128xi32, #tpu.memory_space<vmem>>, vector<16xi32>,
        %get3A_110 = arith.index_cast %scan3A_91 : i32 to index
        %get3A_111 = arith.constant 96 : index
        %get3A_112 = tpu.vector_load %arg8[%get3A_110, %get3A_111] {strides = array<i32>} : memref<16x128xi32, #tpu.memory_space<vmem>>, vector<16xi32>,
        %get3A_113 = arith.index_cast %scan3A_91 : i32 to index
        %get3A_114 = arith.constant 112 : index
        %get3A_115 = tpu.vector_load %arg8[%get3A_113, %get3A_114] {strides = array<i32>} : memref<16x128xi32, #tpu.memory_space<vmem>>, vector<16xi32>,
        %sort3A = arith.constant dense<true> : vector<16xi1>
        %sort3A_116, %sort3A_117, %sort3A_118 = tpu.sort %get3A_94, %get3A_94 masked %sort3A : (vector<16xi32>, vector<16xi32>, vector<16xi1>) -> (vector<16xi1>, vector<16xi32>, vector<16xi32>)
        %sort3A_119 = arith.constant dense<true> : vector<16xi1>
        %sort3A_120, %sort3A_121, %sort3A_122 = tpu.sort %get3A_97, %get3A_97 masked %sort3A_119 : (vector<16xi32>, vector<16xi32>, vector<16xi1>) -> (vector<16xi1>, vector<16xi32>, vector<16xi32>)
        %sort3A_123 = arith.constant dense<true> : vector<16xi1>
        %sort3A_124, %sort3A_125, %sort3A_126 = tpu.sort %get3A_100, %get3A_100 masked %sort3A_123 : (vector<16xi32>, vector<16xi32>, vector<16xi1>) -> (vector<16xi1>, vector<16xi32>, vector<16xi32>)
        %sort3A_127 = arith.constant dense<true> : vector<16xi1>
        %sort3A_128, %sort3A_129, %sort3A_130 = tpu.sort %get3A_103, %get3A_103 masked %sort3A_127 : (vector<16xi32>, vector<16xi32>, vector<16xi1>) -> (vector<16xi1>, vector<16xi32>, vector<16xi32>)
        %sort3A_131 = arith.constant dense<true> : vector<16xi1>
        %sort3A_132, %sort3A_133, %sort3A_134 = tpu.sort %get3A_106, %get3A_106 masked %sort3A_131 : (vector<16xi32>, vector<16xi32>, vector<16xi1>) -> (vector<16xi1>, vector<16xi32>, vector<16xi32>)
        %sort3A_135 = arith.constant dense<true> : vector<16xi1>
        %sort3A_136, %sort3A_137, %sort3A_138 = tpu.sort %get3A_109, %get3A_109 masked %sort3A_135 : (vector<16xi32>, vector<16xi32>, vector<16xi1>) -> (vector<16xi1>, vector<16xi32>, vector<16xi32>)
        %sort3A_139 = arith.constant dense<true> : vector<16xi1>
        %sort3A_140, %sort3A_141, %sort3A_142 = tpu.sort %get3A_112, %get3A_112 masked %sort3A_139 : (vector<16xi32>, vector<16xi32>, vector<16xi1>) -> (vector<16xi1>, vector<16xi32>, vector<16xi32>)
        %sort3A_143 = arith.constant dense<true> : vector<16xi1>
        %sort3A_144, %sort3A_145, %sort3A_146 = tpu.sort %get3A_115, %get3A_115 masked %sort3A_143 : (vector<16xi32>, vector<16xi32>, vector<16xi1>) -> (vector<16xi1>, vector<16xi32>, vector<16xi32>)
        %rev3A = arith.constant 15 : i32
        %rev3A_147 = vector.broadcast %rev3A : i32 to vector<16xi32>
        %rev3A_148 = tpu.iota {dimensions = array<i32: 0>} : vector<16xi32>
        %rev3A_149 = arith.subi %rev3A_147, %rev3A_148 : vector<16xi32>
        %rev3A_150 = tpu.dynamic_gather %sort3A_121[%rev3A_149] in [0] : vector<16xi32>, vector<16xi32> -> vector<16xi32>
        %min3A = arith.minsi %sort3A_117, %rev3A_150 : vector<16xi32>
        %max3A = arith.maxsi %sort3A_117, %rev3A_150 : vector<16xi32>
        %sort3A_151 = arith.constant dense<true> : vector<16xi1>
        %sort3A_152, %sort3A_153, %sort3A_154 = tpu.sort %min3A, %min3A masked %sort3A_151 : (vector<16xi32>, vector<16xi32>, vector<16xi1>) -> (vector<16xi1>, vector<16xi32>, vector<16xi32>)
        %sort3A_155 = arith.constant dense<true> : vector<16xi1>
        %sort3A_156, %sort3A_157, %sort3A_158 = tpu.sort %max3A, %max3A masked %sort3A_155 : (vector<16xi32>, vector<16xi32>, vector<16xi1>) -> (vector<16xi1>, vector<16xi32>, vector<16xi32>)
        %rev3A_159 = arith.constant 15 : i32
        %rev3A_160 = vector.broadcast %rev3A_159 : i32 to vector<16xi32>
        %rev3A_161 = tpu.iota {dimensions = array<i32: 0>} : vector<16xi32>
        %rev3A_162 = arith.subi %rev3A_160, %rev3A_161 : vector<16xi32>
        %rev3A_163 = tpu.dynamic_gather %sort3A_129[%rev3A_162] in [0] : vector<16xi32>, vector<16xi32> -> vector<16xi32>
        %min3A_164 = arith.minsi %sort3A_125, %rev3A_163 : vector<16xi32>
        %max3A_165 = arith.maxsi %sort3A_125, %rev3A_163 : vector<16xi32>
        %sort3A_166 = arith.constant dense<true> : vector<16xi1>
        %sort3A_167, %sort3A_168, %sort3A_169 = tpu.sort %min3A_164, %min3A_164 masked %sort3A_166 : (vector<16xi32>, vector<16xi32>, vector<16xi1>) -> (vector<16xi1>, vector<16xi32>, vector<16xi32>)
        %sort3A_170 = arith.constant dense<true> : vector<16xi1>
        %sort3A_171, %sort3A_172, %sort3A_173 = tpu.sort %max3A_165, %max3A_165 masked %sort3A_170 : (vector<16xi32>, vector<16xi32>, vector<16xi1>) -> (vector<16xi1>, vector<16xi32>, vector<16xi32>)
        %rev3A_174 = arith.constant 15 : i32
        %rev3A_175 = vector.broadcast %rev3A_174 : i32 to vector<16xi32>
        %rev3A_176 = tpu.iota {dimensions = array<i32: 0>} : vector<16xi32>
        %rev3A_177 = arith.subi %rev3A_175, %rev3A_176 : vector<16xi32>
        %rev3A_178 = tpu.dynamic_gather %sort3A_137[%rev3A_177] in [0] : vector<16xi32>, vector<16xi32> -> vector<16xi32>
        %min3A_179 = arith.minsi %sort3A_133, %rev3A_178 : vector<16xi32>
        %max3A_180 = arith.maxsi %sort3A_133, %rev3A_178 : vector<16xi32>
        %sort3A_181 = arith.constant dense<true> : vector<16xi1>
        %sort3A_182, %sort3A_183, %sort3A_184 = tpu.sort %min3A_179, %min3A_179 masked %sort3A_181 : (vector<16xi32>, vector<16xi32>, vector<16xi1>) -> (vector<16xi1>, vector<16xi32>, vector<16xi32>)
        %sort3A_185 = arith.constant dense<true> : vector<16xi1>
        %sort3A_186, %sort3A_187, %sort3A_188 = tpu.sort %max3A_180, %max3A_180 masked %sort3A_185 : (vector<16xi32>, vector<16xi32>, vector<16xi1>) -> (vector<16xi1>, vector<16xi32>, vector<16xi32>)
        %rev3A_189 = arith.constant 15 : i32
        %rev3A_190 = vector.broadcast %rev3A_189 : i32 to vector<16xi32>
        %rev3A_191 = tpu.iota {dimensions = array<i32: 0>} : vector<16xi32>
        %rev3A_192 = arith.subi %rev3A_190, %rev3A_191 : vector<16xi32>
        %rev3A_193 = tpu.dynamic_gather %sort3A_145[%rev3A_192] in [0] : vector<16xi32>, vector<16xi32> -> vector<16xi32>
        %min3A_194 = arith.minsi %sort3A_141, %rev3A_193 : vector<16xi32>
        %max3A_195 = arith.maxsi %sort3A_141, %rev3A_193 : vector<16xi32>
        %sort3A_196 = arith.constant dense<true> : vector<16xi1>
        %sort3A_197, %sort3A_198, %sort3A_199 = tpu.sort %min3A_194, %min3A_194 masked %sort3A_196 : (vector<16xi32>, vector<16xi32>, vector<16xi1>) -> (vector<16xi1>, vector<16xi32>, vector<16xi32>)
        %sort3A_200 = arith.constant dense<true> : vector<16xi1>
        %sort3A_201, %sort3A_202, %sort3A_203 = tpu.sort %max3A_195, %max3A_195 masked %sort3A_200 : (vector<16xi32>, vector<16xi32>, vector<16xi1>) -> (vector<16xi1>, vector<16xi32>, vector<16xi32>)
        %rev3A_204 = arith.constant 15 : i32
        %rev3A_205 = vector.broadcast %rev3A_204 : i32 to vector<16xi32>
        %rev3A_206 = tpu.iota {dimensions = array<i32: 0>} : vector<16xi32>
        %rev3A_207 = arith.subi %rev3A_205, %rev3A_206 : vector<16xi32>
        %rev3A_208 = tpu.dynamic_gather %sort3A_172[%rev3A_207] in [0] : vector<16xi32>, vector<16xi32> -> vector<16xi32>
        %max3A_209 = arith.maxsi %sort3A_153, %rev3A_208 : vector<16xi32>
        %rev3A_210 = arith.constant 15 : i32
        %rev3A_211 = vector.broadcast %rev3A_210 : i32 to vector<16xi32>
        %rev3A_212 = tpu.iota {dimensions = array<i32: 0>} : vector<16xi32>
        %rev3A_213 = arith.subi %rev3A_211, %rev3A_212 : vector<16xi32>
        %rev3A_214 = tpu.dynamic_gather %sort3A_168[%rev3A_213] in [0] : vector<16xi32>, vector<16xi32> -> vector<16xi32>
        %max3A_215 = arith.maxsi %sort3A_157, %rev3A_214 : vector<16xi32>
        %min3A_216 = arith.minsi %max3A_209, %max3A_215 : vector<16xi32>
        %max3A_217 = arith.maxsi %max3A_209, %max3A_215 : vector<16xi32>
        %sort3A_218 = arith.constant dense<true> : vector<16xi1>
        %sort3A_219, %sort3A_220, %sort3A_221 = tpu.sort %min3A_216, %min3A_216 masked %sort3A_218 : (vector<16xi32>, vector<16xi32>, vector<16xi1>) -> (vector<16xi1>, vector<16xi32>, vector<16xi32>)
        %sort3A_222 = arith.constant dense<true> : vector<16xi1>
        %sort3A_223, %sort3A_224, %sort3A_225 = tpu.sort %max3A_217, %max3A_217 masked %sort3A_222 : (vector<16xi32>, vector<16xi32>, vector<16xi1>) -> (vector<16xi1>, vector<16xi32>, vector<16xi32>)
        %rev3A_226 = arith.constant 15 : i32
        %rev3A_227 = vector.broadcast %rev3A_226 : i32 to vector<16xi32>
        %rev3A_228 = tpu.iota {dimensions = array<i32: 0>} : vector<16xi32>
        %rev3A_229 = arith.subi %rev3A_227, %rev3A_228 : vector<16xi32>
        %rev3A_230 = tpu.dynamic_gather %sort3A_202[%rev3A_229] in [0] : vector<16xi32>, vector<16xi32> -> vector<16xi32>
        %max3A_231 = arith.maxsi %sort3A_183, %rev3A_230 : vector<16xi32>
        %rev3A_232 = arith.constant 15 : i32
        %rev3A_233 = vector.broadcast %rev3A_232 : i32 to vector<16xi32>
        %rev3A_234 = tpu.iota {dimensions = array<i32: 0>} : vector<16xi32>
        %rev3A_235 = arith.subi %rev3A_233, %rev3A_234 : vector<16xi32>
        %rev3A_236 = tpu.dynamic_gather %sort3A_198[%rev3A_235] in [0] : vector<16xi32>, vector<16xi32> -> vector<16xi32>
        %max3A_237 = arith.maxsi %sort3A_187, %rev3A_236 : vector<16xi32>
        %min3A_238 = arith.minsi %max3A_231, %max3A_237 : vector<16xi32>
        %max3A_239 = arith.maxsi %max3A_231, %max3A_237 : vector<16xi32>
        %sort3A_240 = arith.constant dense<true> : vector<16xi1>
        %sort3A_241, %sort3A_242, %sort3A_243 = tpu.sort %min3A_238, %min3A_238 masked %sort3A_240 : (vector<16xi32>, vector<16xi32>, vector<16xi1>) -> (vector<16xi1>, vector<16xi32>, vector<16xi32>)
        %sort3A_244 = arith.constant dense<true> : vector<16xi1>
        %sort3A_245, %sort3A_246, %sort3A_247 = tpu.sort %max3A_239, %max3A_239 masked %sort3A_244 : (vector<16xi32>, vector<16xi32>, vector<16xi1>) -> (vector<16xi1>, vector<16xi32>, vector<16xi32>)
        %rev3A_248 = arith.constant 15 : i32
        %rev3A_249 = vector.broadcast %rev3A_248 : i32 to vector<16xi32>
        %rev3A_250 = tpu.iota {dimensions = array<i32: 0>} : vector<16xi32>
        %rev3A_251 = arith.subi %rev3A_249, %rev3A_250 : vector<16xi32>
        %rev3A_252 = tpu.dynamic_gather %sort3A_246[%rev3A_251] in [0] : vector<16xi32>, vector<16xi32> -> vector<16xi32>
        %max3A_253 = arith.maxsi %sort3A_220, %rev3A_252 : vector<16xi32>
        %rev3A_254 = arith.constant 15 : i32
        %rev3A_255 = vector.broadcast %rev3A_254 : i32 to vector<16xi32>
        %rev3A_256 = tpu.iota {dimensions = array<i32: 0>} : vector<16xi32>
        %rev3A_257 = arith.subi %rev3A_255, %rev3A_256 : vector<16xi32>
        %rev3A_258 = tpu.dynamic_gather %sort3A_242[%rev3A_257] in [0] : vector<16xi32>, vector<16xi32> -> vector<16xi32>
        %max3A_259 = arith.maxsi %sort3A_224, %rev3A_258 : vector<16xi32>
        %min3A_260 = arith.minsi %max3A_253, %max3A_259 : vector<16xi32>
        %max3A_261 = arith.maxsi %max3A_253, %max3A_259 : vector<16xi32>
        %sort3A_262 = arith.constant dense<true> : vector<16xi1>
        %sort3A_263, %sort3A_264, %sort3A_265 = tpu.sort %min3A_260, %min3A_260 masked %sort3A_262 : (vector<16xi32>, vector<16xi32>, vector<16xi1>) -> (vector<16xi1>, vector<16xi32>, vector<16xi32>)
        %sort3A_266 = arith.constant dense<true> : vector<16xi1>
        %sort3A_267, %sort3A_268, %sort3A_269 = tpu.sort %max3A_261, %max3A_261 masked %sort3A_266 : (vector<16xi32>, vector<16xi32>, vector<16xi1>) -> (vector<16xi1>, vector<16xi32>, vector<16xi32>)
        %eq3A = arith.constant 0 : i32
        %eq3A_270 = vector.broadcast %eq3A : i32 to vector<16xi32>
        %eq3A_271 = arith.cmpi eq, %iota3A, %eq3A_270 : vector<16xi32>
        %jit3A = arith.constant 0 : i32
        %broadcast_in_dim3A = vector.broadcast %jit3A : i32 to vector<16xi32>
        %select_n3A = arith.select %eq3A_271, %sort3A_264, %broadcast_in_dim3A : vector<16xi1>, vector<16xi32>
        %reduce_sum3A = arith.constant true
        %reduce_sum3A_272 = vector.broadcast %reduce_sum3A : i1 to vector<16xi1>
        %reduce_sum3A_273 = tpu.scan <sum>, %select_n3A masked %reduce_sum3A_272 : vector<16xi32>, vector<16xi1> -> vector<16xi32>
        %reduce_sum3A_274 = vector.extract %reduce_sum3A_273[15] : i32 from vector<16xi32>
        %broadcast_in_dim3A_275 = arith.constant -1 : i32
        %broadcast_in_dim3A_276 = vector.broadcast %broadcast_in_dim3A_275 : i32 to vector<16xi32>
        %broadcast_in_dim3A_277 = arith.constant -1 : i32
        %broadcast_in_dim3A_278 = vector.broadcast %broadcast_in_dim3A_277 : i32 to vector<16xi32>
        %gt3A = vector.broadcast %reduce_sum3A_274 : i32 to vector<16xi32>
        %gt3A_279 = arith.cmpi sgt, %get3A_94, %gt3A : vector<16xi32>
        %eq3A_280 = vector.broadcast %reduce_sum3A_274 : i32 to vector<16xi32>
        %eq3A_281 = arith.cmpi eq, %get3A_94, %eq3A_280 : vector<16xi32>
        %jit3A_282 = arith.constant 1 : i32
        %jit3A_283 = arith.constant 0 : i32
        %broadcast_in_dim3A_284 = vector.broadcast %jit3A_282 : i32 to vector<16xi32>
        %broadcast_in_dim3A_285 = vector.broadcast %jit3A_283 : i32 to vector<16xi32>
        %select_n3A_286 = arith.select %gt3A_279, %broadcast_in_dim3A_284, %broadcast_in_dim3A_285 : vector<16xi1>, vector<16xi32>
        %broadcast_in_dim3A_287 = arith.constant true
        %broadcast_in_dim3A_288 = vector.broadcast %broadcast_in_dim3A_287 : i1 to vector<16xi1>
        %masked_cumsum3A = tpu.scan <sum>, %select_n3A_286 masked %broadcast_in_dim3A_288 : vector<16xi32>, vector<16xi1> -> vector<16xi32>
        %add3A_289 = arith.addi %broadcast_in_dim3A_276, %masked_cumsum3A : vector<16xi32>
        %jit3A_290 = arith.constant 1 : i32
        %jit3A_291 = arith.constant 0 : i32
        %broadcast_in_dim3A_292 = vector.broadcast %jit3A_290 : i32 to vector<16xi32>
        %broadcast_in_dim3A_293 = vector.broadcast %jit3A_291 : i32 to vector<16xi32>
        %select_n3A_294 = arith.select %eq3A_281, %broadcast_in_dim3A_292, %broadcast_in_dim3A_293 : vector<16xi1>, vector<16xi32>
        %broadcast_in_dim3A_295 = arith.constant true
        %broadcast_in_dim3A_296 = vector.broadcast %broadcast_in_dim3A_295 : i1 to vector<16xi1>
        %masked_cumsum3A_297 = tpu.scan <sum>, %select_n3A_294 masked %broadcast_in_dim3A_296 : vector<16xi32>, vector<16xi1> -> vector<16xi32>
        %add3A_298 = arith.addi %broadcast_in_dim3A_278, %masked_cumsum3A_297 : vector<16xi32>
        %all_reduce_population_count3A = tpu.all_reduce %gt3A_279 {dim = 0 : i64, kind = #tpu.reduction_kind<sum>} : vector<16xi1> -> vector<16xi32>
        %add3A_299 = arith.addi %broadcast_in_dim3A_276, %all_reduce_population_count3A : vector<16xi32>
        %all_reduce_population_count3A_300 = tpu.all_reduce %eq3A_281 {dim = 0 : i64, kind = #tpu.reduction_kind<sum>} : vector<16xi1> -> vector<16xi32>
        %add3A_301 = arith.addi %broadcast_in_dim3A_278, %all_reduce_population_count3A_300 : vector<16xi32>
        %gt3A_302 = vector.broadcast %reduce_sum3A_274 : i32 to vector<16xi32>
        %gt3A_303 = arith.cmpi sgt, %get3A_97, %gt3A_302 : vector<16xi32>
        %eq3A_304 = vector.broadcast %reduce_sum3A_274 : i32 to vector<16xi32>
        %eq3A_305 = arith.cmpi eq, %get3A_97, %eq3A_304 : vector<16xi32>
        %jit3A_306 = arith.constant 1 : i32
        %jit3A_307 = arith.constant 0 : i32
        %broadcast_in_dim3A_308 = vector.broadcast %jit3A_306 : i32 to vector<16xi32>
        %broadcast_in_dim3A_309 = vector.broadcast %jit3A_307 : i32 to vector<16xi32>
        %select_n3A_310 = arith.select %gt3A_303, %broadcast_in_dim3A_308, %broadcast_in_dim3A_309 : vector<16xi1>, vector<16xi32>
        %broadcast_in_dim3A_311 = arith.constant true
        %broadcast_in_dim3A_312 = vector.broadcast %broadcast_in_dim3A_311 : i1 to vector<16xi1>
        %masked_cumsum3A_313 = tpu.scan <sum>, %select_n3A_310 masked %broadcast_in_dim3A_312 : vector<16xi32>, vector<16xi1> -> vector<16xi32>
        %add3A_314 = arith.addi %add3A_299, %masked_cumsum3A_313 : vector<16xi32>
        %jit3A_315 = arith.constant 1 : i32
        %jit3A_316 = arith.constant 0 : i32
        %broadcast_in_dim3A_317 = vector.broadcast %jit3A_315 : i32 to vector<16xi32>
        %broadcast_in_dim3A_318 = vector.broadcast %jit3A_316 : i32 to vector<16xi32>
        %select_n3A_319 = arith.select %eq3A_305, %broadcast_in_dim3A_317, %broadcast_in_dim3A_318 : vector<16xi1>, vector<16xi32>
        %broadcast_in_dim3A_320 = arith.constant true
        %broadcast_in_dim3A_321 = vector.broadcast %broadcast_in_dim3A_320 : i1 to vector<16xi1>
        %masked_cumsum3A_322 = tpu.scan <sum>, %select_n3A_319 masked %broadcast_in_dim3A_321 : vector<16xi32>, vector<16xi1> -> vector<16xi32>
        %add3A_323 = arith.addi %add3A_301, %masked_cumsum3A_322 : vector<16xi32>
        %all_reduce_population_count3A_324 = tpu.all_reduce %gt3A_303 {dim = 0 : i64, kind = #tpu.reduction_kind<sum>} : vector<16xi1> -> vector<16xi32>
        %add3A_325 = arith.addi %add3A_299, %all_reduce_population_count3A_324 : vector<16xi32>
        %all_reduce_population_count3A_326 = tpu.all_reduce %eq3A_305 {dim = 0 : i64, kind = #tpu.reduction_kind<sum>} : vector<16xi1> -> vector<16xi32>
        %add3A_327 = arith.addi %add3A_301, %all_reduce_population_count3A_326 : vector<16xi32>
        %gt3A_328 = vector.broadcast %reduce_sum3A_274 : i32 to vector<16xi32>
        %gt3A_329 = arith.cmpi sgt, %get3A_100, %gt3A_328 : vector<16xi32>
        %eq3A_330 = vector.broadcast %reduce_sum3A_274 : i32 to vector<16xi32>
        %eq3A_331 = arith.cmpi eq, %get3A_100, %eq3A_330 : vector<16xi32>
        %jit3A_332 = arith.constant 1 : i32
        %jit3A_333 = arith.constant 0 : i32
        %broadcast_in_dim3A_334 = vector.broadcast %jit3A_332 : i32 to vector<16xi32>
        %broadcast_in_dim3A_335 = vector.broadcast %jit3A_333 : i32 to vector<16xi32>
        %select_n3A_336 = arith.select %gt3A_329, %broadcast_in_dim3A_334, %broadcast_in_dim3A_335 : vector<16xi1>, vector<16xi32>
        %broadcast_in_dim3A_337 = arith.constant true
        %broadcast_in_dim3A_338 = vector.broadcast %broadcast_in_dim3A_337 : i1 to vector<16xi1>
        %masked_cumsum3A_339 = tpu.scan <sum>, %select_n3A_336 masked %broadcast_in_dim3A_338 : vector<16xi32>, vector<16xi1> -> vector<16xi32>
        %add3A_340 = arith.addi %add3A_325, %masked_cumsum3A_339 : vector<16xi32>
        %jit3A_341 = arith.constant 1 : i32
        %jit3A_342 = arith.constant 0 : i32
        %broadcast_in_dim3A_343 = vector.broadcast %jit3A_341 : i32 to vector<16xi32>
        %broadcast_in_dim3A_344 = vector.broadcast %jit3A_342 : i32 to vector<16xi32>
        %select_n3A_345 = arith.select %eq3A_331, %broadcast_in_dim3A_343, %broadcast_in_dim3A_344 : vector<16xi1>, vector<16xi32>
        %broadcast_in_dim3A_346 = arith.constant true
        %broadcast_in_dim3A_347 = vector.broadcast %broadcast_in_dim3A_346 : i1 to vector<16xi1>
        %masked_cumsum3A_348 = tpu.scan <sum>, %select_n3A_345 masked %broadcast_in_dim3A_347 : vector<16xi32>, vector<16xi1> -> vector<16xi32>
        %add3A_349 = arith.addi %add3A_327, %masked_cumsum3A_348 : vector<16xi32>
        %all_reduce_population_count3A_350 = tpu.all_reduce %gt3A_329 {dim = 0 : i64, kind = #tpu.reduction_kind<sum>} : vector<16xi1> -> vector<16xi32>
        %add3A_351 = arith.addi %add3A_325, %all_reduce_population_count3A_350 : vector<16xi32>
        %all_reduce_population_count3A_352 = tpu.all_reduce %eq3A_331 {dim = 0 : i64, kind = #tpu.reduction_kind<sum>} : vector<16xi1> -> vector<16xi32>
        %add3A_353 = arith.addi %add3A_327, %all_reduce_population_count3A_352 : vector<16xi32>
        %gt3A_354 = vector.broadcast %reduce_sum3A_274 : i32 to vector<16xi32>
        %gt3A_355 = arith.cmpi sgt, %get3A_103, %gt3A_354 : vector<16xi32>
        %eq3A_356 = vector.broadcast %reduce_sum3A_274 : i32 to vector<16xi32>
        %eq3A_357 = arith.cmpi eq, %get3A_103, %eq3A_356 : vector<16xi32>
        %jit3A_358 = arith.constant 1 : i32
        %jit3A_359 = arith.constant 0 : i32
        %broadcast_in_dim3A_360 = vector.broadcast %jit3A_358 : i32 to vector<16xi32>
        %broadcast_in_dim3A_361 = vector.broadcast %jit3A_359 : i32 to vector<16xi32>
        %select_n3A_362 = arith.select %gt3A_355, %broadcast_in_dim3A_360, %broadcast_in_dim3A_361 : vector<16xi1>, vector<16xi32>
        %broadcast_in_dim3A_363 = arith.constant true
        %broadcast_in_dim3A_364 = vector.broadcast %broadcast_in_dim3A_363 : i1 to vector<16xi1>
        %masked_cumsum3A_365 = tpu.scan <sum>, %select_n3A_362 masked %broadcast_in_dim3A_364 : vector<16xi32>, vector<16xi1> -> vector<16xi32>
        %add3A_366 = arith.addi %add3A_351, %masked_cumsum3A_365 : vector<16xi32>
        %jit3A_367 = arith.constant 1 : i32
        %jit3A_368 = arith.constant 0 : i32
        %broadcast_in_dim3A_369 = vector.broadcast %jit3A_367 : i32 to vector<16xi32>
        %broadcast_in_dim3A_370 = vector.broadcast %jit3A_368 : i32 to vector<16xi32>
        %select_n3A_371 = arith.select %eq3A_357, %broadcast_in_dim3A_369, %broadcast_in_dim3A_370 : vector<16xi1>, vector<16xi32>
        %broadcast_in_dim3A_372 = arith.constant true
        %broadcast_in_dim3A_373 = vector.broadcast %broadcast_in_dim3A_372 : i1 to vector<16xi1>
        %masked_cumsum3A_374 = tpu.scan <sum>, %select_n3A_371 masked %broadcast_in_dim3A_373 : vector<16xi32>, vector<16xi1> -> vector<16xi32>
        %add3A_375 = arith.addi %add3A_353, %masked_cumsum3A_374 : vector<16xi32>
        %all_reduce_population_count3A_376 = tpu.all_reduce %gt3A_355 {dim = 0 : i64, kind = #tpu.reduction_kind<sum>} : vector<16xi1> -> vector<16xi32>
        %add3A_377 = arith.addi %add3A_351, %all_reduce_population_count3A_376 : vector<16xi32>
        %all_reduce_population_count3A_378 = tpu.all_reduce %eq3A_357 {dim = 0 : i64, kind = #tpu.reduction_kind<sum>} : vector<16xi1> -> vector<16xi32>
        %add3A_379 = arith.addi %add3A_353, %all_reduce_population_count3A_378 : vector<16xi32>
        %gt3A_380 = vector.broadcast %reduce_sum3A_274 : i32 to vector<16xi32>
        %gt3A_381 = arith.cmpi sgt, %get3A_106, %gt3A_380 : vector<16xi32>
        %eq3A_382 = vector.broadcast %reduce_sum3A_274 : i32 to vector<16xi32>
        %eq3A_383 = arith.cmpi eq, %get3A_106, %eq3A_382 : vector<16xi32>
        %jit3A_384 = arith.constant 1 : i32
        %jit3A_385 = arith.constant 0 : i32
        %broadcast_in_dim3A_386 = vector.broadcast %jit3A_384 : i32 to vector<16xi32>
        %broadcast_in_dim3A_387 = vector.broadcast %jit3A_385 : i32 to vector<16xi32>
        %select_n3A_388 = arith.select %gt3A_381, %broadcast_in_dim3A_386, %broadcast_in_dim3A_387 : vector<16xi1>, vector<16xi32>
        %broadcast_in_dim3A_389 = arith.constant true
        %broadcast_in_dim3A_390 = vector.broadcast %broadcast_in_dim3A_389 : i1 to vector<16xi1>
        %masked_cumsum3A_391 = tpu.scan <sum>, %select_n3A_388 masked %broadcast_in_dim3A_390 : vector<16xi32>, vector<16xi1> -> vector<16xi32>
        %add3A_392 = arith.addi %add3A_377, %masked_cumsum3A_391 : vector<16xi32>
        %jit3A_393 = arith.constant 1 : i32
        %jit3A_394 = arith.constant 0 : i32
        %broadcast_in_dim3A_395 = vector.broadcast %jit3A_393 : i32 to vector<16xi32>
        %broadcast_in_dim3A_396 = vector.broadcast %jit3A_394 : i32 to vector<16xi32>
        %select_n3A_397 = arith.select %eq3A_383, %broadcast_in_dim3A_395, %broadcast_in_dim3A_396 : vector<16xi1>, vector<16xi32>
        %broadcast_in_dim3A_398 = arith.constant true
        %broadcast_in_dim3A_399 = vector.broadcast %broadcast_in_dim3A_398 : i1 to vector<16xi1>
        %masked_cumsum3A_400 = tpu.scan <sum>, %select_n3A_397 masked %broadcast_in_dim3A_399 : vector<16xi32>, vector<16xi1> -> vector<16xi32>
        %add3A_401 = arith.addi %add3A_379, %masked_cumsum3A_400 : vector<16xi32>
        %all_reduce_population_count3A_402 = tpu.all_reduce %gt3A_381 {dim = 0 : i64, kind = #tpu.reduction_kind<sum>} : vector<16xi1> -> vector<16xi32>
        %add3A_403 = arith.addi %add3A_377, %all_reduce_population_count3A_402 : vector<16xi32>
        %all_reduce_population_count3A_404 = tpu.all_reduce %eq3A_383 {dim = 0 : i64, kind = #tpu.reduction_kind<sum>} : vector<16xi1> -> vector<16xi32>
        %add3A_405 = arith.addi %add3A_379, %all_reduce_population_count3A_404 : vector<16xi32>
        %gt3A_406 = vector.broadcast %reduce_sum3A_274 : i32 to vector<16xi32>
        %gt3A_407 = arith.cmpi sgt, %get3A_109, %gt3A_406 : vector<16xi32>
        %eq3A_408 = vector.broadcast %reduce_sum3A_274 : i32 to vector<16xi32>
        %eq3A_409 = arith.cmpi eq, %get3A_109, %eq3A_408 : vector<16xi32>
        %jit3A_410 = arith.constant 1 : i32
        %jit3A_411 = arith.constant 0 : i32
        %broadcast_in_dim3A_412 = vector.broadcast %jit3A_410 : i32 to vector<16xi32>
        %broadcast_in_dim3A_413 = vector.broadcast %jit3A_411 : i32 to vector<16xi32>
        %select_n3A_414 = arith.select %gt3A_407, %broadcast_in_dim3A_412, %broadcast_in_dim3A_413 : vector<16xi1>, vector<16xi32>
        %broadcast_in_dim3A_415 = arith.constant true
        %broadcast_in_dim3A_416 = vector.broadcast %broadcast_in_dim3A_415 : i1 to vector<16xi1>
        %masked_cumsum3A_417 = tpu.scan <sum>, %select_n3A_414 masked %broadcast_in_dim3A_416 : vector<16xi32>, vector<16xi1> -> vector<16xi32>
        %add3A_418 = arith.addi %add3A_403, %masked_cumsum3A_417 : vector<16xi32>
        %jit3A_419 = arith.constant 1 : i32
        %jit3A_420 = arith.constant 0 : i32
        %broadcast_in_dim3A_421 = vector.broadcast %jit3A_419 : i32 to vector<16xi32>
        %broadcast_in_dim3A_422 = vector.broadcast %jit3A_420 : i32 to vector<16xi32>
        %select_n3A_423 = arith.select %eq3A_409, %broadcast_in_dim3A_421, %broadcast_in_dim3A_422 : vector<16xi1>, vector<16xi32>
        %broadcast_in_dim3A_424 = arith.constant true
        %broadcast_in_dim3A_425 = vector.broadcast %broadcast_in_dim3A_424 : i1 to vector<16xi1>
        %masked_cumsum3A_426 = tpu.scan <sum>, %select_n3A_423 masked %broadcast_in_dim3A_425 : vector<16xi32>, vector<16xi1> -> vector<16xi32>
        %add3A_427 = arith.addi %add3A_405, %masked_cumsum3A_426 : vector<16xi32>
        %all_reduce_population_count3A_428 = tpu.all_reduce %gt3A_407 {dim = 0 : i64, kind = #tpu.reduction_kind<sum>} : vector<16xi1> -> vector<16xi32>
        %add3A_429 = arith.addi %add3A_403, %all_reduce_population_count3A_428 : vector<16xi32>
        %all_reduce_population_count3A_430 = tpu.all_reduce %eq3A_409 {dim = 0 : i64, kind = #tpu.reduction_kind<sum>} : vector<16xi1> -> vector<16xi32>
        %add3A_431 = arith.addi %add3A_405, %all_reduce_population_count3A_430 : vector<16xi32>
        %gt3A_432 = vector.broadcast %reduce_sum3A_274 : i32 to vector<16xi32>
        %gt3A_433 = arith.cmpi sgt, %get3A_112, %gt3A_432 : vector<16xi32>
        %eq3A_434 = vector.broadcast %reduce_sum3A_274 : i32 to vector<16xi32>
        %eq3A_435 = arith.cmpi eq, %get3A_112, %eq3A_434 : vector<16xi32>
        %jit3A_436 = arith.constant 1 : i32
        %jit3A_437 = arith.constant 0 : i32
        %broadcast_in_dim3A_438 = vector.broadcast %jit3A_436 : i32 to vector<16xi32>
        %broadcast_in_dim3A_439 = vector.broadcast %jit3A_437 : i32 to vector<16xi32>
        %select_n3A_440 = arith.select %gt3A_433, %broadcast_in_dim3A_438, %broadcast_in_dim3A_439 : vector<16xi1>, vector<16xi32>
        %broadcast_in_dim3A_441 = arith.constant true
        %broadcast_in_dim3A_442 = vector.broadcast %broadcast_in_dim3A_441 : i1 to vector<16xi1>
        %masked_cumsum3A_443 = tpu.scan <sum>, %select_n3A_440 masked %broadcast_in_dim3A_442 : vector<16xi32>, vector<16xi1> -> vector<16xi32>
        %add3A_444 = arith.addi %add3A_429, %masked_cumsum3A_443 : vector<16xi32>
        %jit3A_445 = arith.constant 1 : i32
        %jit3A_446 = arith.constant 0 : i32
        %broadcast_in_dim3A_447 = vector.broadcast %jit3A_445 : i32 to vector<16xi32>
        %broadcast_in_dim3A_448 = vector.broadcast %jit3A_446 : i32 to vector<16xi32>
        %select_n3A_449 = arith.select %eq3A_435, %broadcast_in_dim3A_447, %broadcast_in_dim3A_448 : vector<16xi1>, vector<16xi32>
        %broadcast_in_dim3A_450 = arith.constant true
        %broadcast_in_dim3A_451 = vector.broadcast %broadcast_in_dim3A_450 : i1 to vector<16xi1>
        %masked_cumsum3A_452 = tpu.scan <sum>, %select_n3A_449 masked %broadcast_in_dim3A_451 : vector<16xi32>, vector<16xi1> -> vector<16xi32>
        %add3A_453 = arith.addi %add3A_431, %masked_cumsum3A_452 : vector<16xi32>
        %all_reduce_population_count3A_454 = tpu.all_reduce %gt3A_433 {dim = 0 : i64, kind = #tpu.reduction_kind<sum>} : vector<16xi1> -> vector<16xi32>
        %add3A_455 = arith.addi %add3A_429, %all_reduce_population_count3A_454 : vector<16xi32>
        %all_reduce_population_count3A_456 = tpu.all_reduce %eq3A_435 {dim = 0 : i64, kind = #tpu.reduction_kind<sum>} : vector<16xi1> -> vector<16xi32>
        %add3A_457 = arith.addi %add3A_431, %all_reduce_population_count3A_456 : vector<16xi32>
        %gt3A_458 = vector.broadcast %reduce_sum3A_274 : i32 to vector<16xi32>
        %gt3A_459 = arith.cmpi sgt, %get3A_115, %gt3A_458 : vector<16xi32>
        %eq3A_460 = vector.broadcast %reduce_sum3A_274 : i32 to vector<16xi32>
        %eq3A_461 = arith.cmpi eq, %get3A_115, %eq3A_460 : vector<16xi32>
        %jit3A_462 = arith.constant 1 : i32
        %jit3A_463 = arith.constant 0 : i32
        %broadcast_in_dim3A_464 = vector.broadcast %jit3A_462 : i32 to vector<16xi32>
        %broadcast_in_dim3A_465 = vector.broadcast %jit3A_463 : i32 to vector<16xi32>
        %select_n3A_466 = arith.select %gt3A_459, %broadcast_in_dim3A_464, %broadcast_in_dim3A_465 : vector<16xi1>, vector<16xi32>
        %broadcast_in_dim3A_467 = arith.constant true
        %broadcast_in_dim3A_468 = vector.broadcast %broadcast_in_dim3A_467 : i1 to vector<16xi1>
        %masked_cumsum3A_469 = tpu.scan <sum>, %select_n3A_466 masked %broadcast_in_dim3A_468 : vector<16xi32>, vector<16xi1> -> vector<16xi32>
        %add3A_470 = arith.addi %add3A_455, %masked_cumsum3A_469 : vector<16xi32>
        %jit3A_471 = arith.constant 1 : i32
        %jit3A_472 = arith.constant 0 : i32
        %broadcast_in_dim3A_473 = vector.broadcast %jit3A_471 : i32 to vector<16xi32>
        %broadcast_in_dim3A_474 = vector.broadcast %jit3A_472 : i32 to vector<16xi32>
        %select_n3A_475 = arith.select %eq3A_461, %broadcast_in_dim3A_473, %broadcast_in_dim3A_474 : vector<16xi1>, vector<16xi32>
        %broadcast_in_dim3A_476 = arith.constant true
        %broadcast_in_dim3A_477 = vector.broadcast %broadcast_in_dim3A_476 : i1 to vector<16xi1>
        %masked_cumsum3A_478 = tpu.scan <sum>, %select_n3A_475 masked %broadcast_in_dim3A_477 : vector<16xi32>, vector<16xi1> -> vector<16xi32>
        %add3A_479 = arith.addi %add3A_457, %masked_cumsum3A_478 : vector<16xi32>
        %all_reduce_population_count3A_480 = tpu.all_reduce %gt3A_459 {dim = 0 : i64, kind = #tpu.reduction_kind<sum>} : vector<16xi1> -> vector<16xi32>
        %add3A_481 = arith.addi %add3A_455, %all_reduce_population_count3A_480 : vector<16xi32>
        %all_reduce_population_count3A_482 = tpu.all_reduce %eq3A_461 {dim = 0 : i64, kind = #tpu.reduction_kind<sum>} : vector<16xi1> -> vector<16xi32>
        %add3A_483 = arith.addi %add3A_457, %all_reduce_population_count3A_482 : vector<16xi32>
        %sub3A = arith.constant 31 : i32
        %sub3A_484 = vector.broadcast %sub3A : i32 to vector<16xi32>
        %sub3A_485 = arith.subi %sub3A_484, %add3A_298 : vector<16xi32>
        %add3A_486 = arith.constant 0 : i32
        %add3A_487 = vector.broadcast %add3A_486 : i32 to vector<16xi32>
        %add3A_488 = arith.addi %add3A_487, %iota3A : vector<16xi32>
        %lt3A_489 = arith.constant 32 : i32
        %lt3A_490 = vector.broadcast %lt3A_489 : i32 to vector<16xi32>
        %lt3A_491 = arith.cmpi slt, %add3A_298, %lt3A_490 : vector<16xi32>
        %and3A = arith.andi %eq3A_281, %lt3A_491 : vector<16xi1>
        tpu.vector_store_idx %arg9[%sub3A_485], %add3A_488 masked %and3A : memref<32xi32, #tpu.memory_space<vmem>>[vector<16xi32>], vector<16xi32>, vector<16xi1>
        %sub3A_492 = arith.constant 31 : i32
        %sub3A_493 = vector.broadcast %sub3A_492 : i32 to vector<16xi32>
        %sub3A_494 = arith.subi %sub3A_493, %add3A_323 : vector<16xi32>
        %add3A_495 = arith.constant 16 : i32
        %add3A_496 = vector.broadcast %add3A_495 : i32 to vector<16xi32>
        %add3A_497 = arith.addi %add3A_496, %iota3A : vector<16xi32>
        %lt3A_498 = arith.constant 32 : i32
        %lt3A_499 = vector.broadcast %lt3A_498 : i32 to vector<16xi32>
        %lt3A_500 = arith.cmpi slt, %add3A_323, %lt3A_499 : vector<16xi32>
        %and3A_501 = arith.andi %eq3A_305, %lt3A_500 : vector<16xi1>
        tpu.vector_store_idx %arg9[%sub3A_494], %add3A_497 masked %and3A_501 : memref<32xi32, #tpu.memory_space<vmem>>[vector<16xi32>], vector<16xi32>, vector<16xi1>
        %sub3A_502 = arith.constant 31 : i32
        %sub3A_503 = vector.broadcast %sub3A_502 : i32 to vector<16xi32>
        %sub3A_504 = arith.subi %sub3A_503, %add3A_349 : vector<16xi32>
        %add3A_505 = arith.constant 32 : i32
        %add3A_506 = vector.broadcast %add3A_505 : i32 to vector<16xi32>
        %add3A_507 = arith.addi %add3A_506, %iota3A : vector<16xi32>
        %lt3A_508 = arith.constant 32 : i32
        %lt3A_509 = vector.broadcast %lt3A_508 : i32 to vector<16xi32>
        %lt3A_510 = arith.cmpi slt, %add3A_349, %lt3A_509 : vector<16xi32>
        %and3A_511 = arith.andi %eq3A_331, %lt3A_510 : vector<16xi1>
        tpu.vector_store_idx %arg9[%sub3A_504], %add3A_507 masked %and3A_511 : memref<32xi32, #tpu.memory_space<vmem>>[vector<16xi32>], vector<16xi32>, vector<16xi1>
        %sub3A_512 = arith.constant 31 : i32
        %sub3A_513 = vector.broadcast %sub3A_512 : i32 to vector<16xi32>
        %sub3A_514 = arith.subi %sub3A_513, %add3A_375 : vector<16xi32>
        %add3A_515 = arith.constant 48 : i32
        %add3A_516 = vector.broadcast %add3A_515 : i32 to vector<16xi32>
        %add3A_517 = arith.addi %add3A_516, %iota3A : vector<16xi32>
        %lt3A_518 = arith.constant 32 : i32
        %lt3A_519 = vector.broadcast %lt3A_518 : i32 to vector<16xi32>
        %lt3A_520 = arith.cmpi slt, %add3A_375, %lt3A_519 : vector<16xi32>
        %and3A_521 = arith.andi %eq3A_357, %lt3A_520 : vector<16xi1>
        tpu.vector_store_idx %arg9[%sub3A_514], %add3A_517 masked %and3A_521 : memref<32xi32, #tpu.memory_space<vmem>>[vector<16xi32>], vector<16xi32>, vector<16xi1>
        %sub3A_522 = arith.constant 31 : i32
        %sub3A_523 = vector.broadcast %sub3A_522 : i32 to vector<16xi32>
        %sub3A_524 = arith.subi %sub3A_523, %add3A_401 : vector<16xi32>
        %add3A_525 = arith.constant 64 : i32
        %add3A_526 = vector.broadcast %add3A_525 : i32 to vector<16xi32>
        %add3A_527 = arith.addi %add3A_526, %iota3A : vector<16xi32>
        %lt3A_528 = arith.constant 32 : i32
        %lt3A_529 = vector.broadcast %lt3A_528 : i32 to vector<16xi32>
        %lt3A_530 = arith.cmpi slt, %add3A_401, %lt3A_529 : vector<16xi32>
        %and3A_531 = arith.andi %eq3A_383, %lt3A_530 : vector<16xi1>
        tpu.vector_store_idx %arg9[%sub3A_524], %add3A_527 masked %and3A_531 : memref<32xi32, #tpu.memory_space<vmem>>[vector<16xi32>], vector<16xi32>, vector<16xi1>
        %sub3A_532 = arith.constant 31 : i32
        %sub3A_533 = vector.broadcast %sub3A_532 : i32 to vector<16xi32>
        %sub3A_534 = arith.subi %sub3A_533, %add3A_427 : vector<16xi32>
        %add3A_535 = arith.constant 80 : i32
        %add3A_536 = vector.broadcast %add3A_535 : i32 to vector<16xi32>
        %add3A_537 = arith.addi %add3A_536, %iota3A : vector<16xi32>
        %lt3A_538 = arith.constant 32 : i32
        %lt3A_539 = vector.broadcast %lt3A_538 : i32 to vector<16xi32>
        %lt3A_540 = arith.cmpi slt, %add3A_427, %lt3A_539 : vector<16xi32>
        %and3A_541 = arith.andi %eq3A_409, %lt3A_540 : vector<16xi1>
        tpu.vector_store_idx %arg9[%sub3A_534], %add3A_537 masked %and3A_541 : memref<32xi32, #tpu.memory_space<vmem>>[vector<16xi32>], vector<16xi32>, vector<16xi1>
        %sub3A_542 = arith.constant 31 : i32
        %sub3A_543 = vector.broadcast %sub3A_542 : i32 to vector<16xi32>
        %sub3A_544 = arith.subi %sub3A_543, %add3A_453 : vector<16xi32>
        %add3A_545 = arith.constant 96 : i32
        %add3A_546 = vector.broadcast %add3A_545 : i32 to vector<16xi32>
        %add3A_547 = arith.addi %add3A_546, %iota3A : vector<16xi32>
        %lt3A_548 = arith.constant 32 : i32
        %lt3A_549 = vector.broadcast %lt3A_548 : i32 to vector<16xi32>
        %lt3A_550 = arith.cmpi slt, %add3A_453, %lt3A_549 : vector<16xi32>
        %and3A_551 = arith.andi %eq3A_435, %lt3A_550 : vector<16xi1>
        tpu.vector_store_idx %arg9[%sub3A_544], %add3A_547 masked %and3A_551 : memref<32xi32, #tpu.memory_space<vmem>>[vector<16xi32>], vector<16xi32>, vector<16xi1>
        %sub3A_552 = arith.constant 31 : i32
        %sub3A_553 = vector.broadcast %sub3A_552 : i32 to vector<16xi32>
        %sub3A_554 = arith.subi %sub3A_553, %add3A_479 : vector<16xi32>
        %add3A_555 = arith.constant 112 : i32
        %add3A_556 = vector.broadcast %add3A_555 : i32 to vector<16xi32>
        %add3A_557 = arith.addi %add3A_556, %iota3A : vector<16xi32>
        %lt3A_558 = arith.constant 32 : i32
        %lt3A_559 = vector.broadcast %lt3A_558 : i32 to vector<16xi32>
        %lt3A_560 = arith.cmpi slt, %add3A_479, %lt3A_559 : vector<16xi32>
        %and3A_561 = arith.andi %eq3A_461, %lt3A_560 : vector<16xi1>
        tpu.vector_store_idx %arg9[%sub3A_554], %add3A_557 masked %and3A_561 : memref<32xi32, #tpu.memory_space<vmem>>[vector<16xi32>], vector<16xi32>, vector<16xi1>
        %add3A_562 = arith.constant 0 : i32
        %add3A_563 = vector.broadcast %add3A_562 : i32 to vector<16xi32>
        %add3A_564 = arith.addi %add3A_563, %iota3A : vector<16xi32>
        tpu.vector_store_idx %arg9[%add3A_289], %add3A_564 masked %gt3A_279 : memref<32xi32, #tpu.memory_space<vmem>>[vector<16xi32>], vector<16xi32>, vector<16xi1>
        %add3A_565 = arith.constant 16 : i32
        %add3A_566 = vector.broadcast %add3A_565 : i32 to vector<16xi32>
        %add3A_567 = arith.addi %add3A_566, %iota3A : vector<16xi32>
        tpu.vector_store_idx %arg9[%add3A_314], %add3A_567 masked %gt3A_303 : memref<32xi32, #tpu.memory_space<vmem>>[vector<16xi32>], vector<16xi32>, vector<16xi1>
        %add3A_568 = arith.constant 32 : i32
        %add3A_569 = vector.broadcast %add3A_568 : i32 to vector<16xi32>
        %add3A_570 = arith.addi %add3A_569, %iota3A : vector<16xi32>
        tpu.vector_store_idx %arg9[%add3A_340], %add3A_570 masked %gt3A_329 : memref<32xi32, #tpu.memory_space<vmem>>[vector<16xi32>], vector<16xi32>, vector<16xi1>
        %add3A_571 = arith.constant 48 : i32
        %add3A_572 = vector.broadcast %add3A_571 : i32 to vector<16xi32>
        %add3A_573 = arith.addi %add3A_572, %iota3A : vector<16xi32>
        tpu.vector_store_idx %arg9[%add3A_366], %add3A_573 masked %gt3A_355 : memref<32xi32, #tpu.memory_space<vmem>>[vector<16xi32>], vector<16xi32>, vector<16xi1>
        %add3A_574 = arith.constant 64 : i32
        %add3A_575 = vector.broadcast %add3A_574 : i32 to vector<16xi32>
        %add3A_576 = arith.addi %add3A_575, %iota3A : vector<16xi32>
        tpu.vector_store_idx %arg9[%add3A_392], %add3A_576 masked %gt3A_381 : memref<32xi32, #tpu.memory_space<vmem>>[vector<16xi32>], vector<16xi32>, vector<16xi1>
        %add3A_577 = arith.constant 80 : i32
        %add3A_578 = vector.broadcast %add3A_577 : i32 to vector<16xi32>
        %add3A_579 = arith.addi %add3A_578, %iota3A : vector<16xi32>
        tpu.vector_store_idx %arg9[%add3A_418], %add3A_579 masked %gt3A_407 : memref<32xi32, #tpu.memory_space<vmem>>[vector<16xi32>], vector<16xi32>, vector<16xi1>
        %add3A_580 = arith.constant 96 : i32
        %add3A_581 = vector.broadcast %add3A_580 : i32 to vector<16xi32>
        %add3A_582 = arith.addi %add3A_581, %iota3A : vector<16xi32>
        tpu.vector_store_idx %arg9[%add3A_444], %add3A_582 masked %gt3A_433 : memref<32xi32, #tpu.memory_space<vmem>>[vector<16xi32>], vector<16xi32>, vector<16xi1>
        %add3A_583 = arith.constant 112 : i32
        %add3A_584 = vector.broadcast %add3A_583 : i32 to vector<16xi32>
        %add3A_585 = arith.addi %add3A_584, %iota3A : vector<16xi32>
        tpu.vector_store_idx %arg9[%add3A_470], %add3A_585 masked %gt3A_459 : memref<32xi32, #tpu.memory_space<vmem>>[vector<16xi32>], vector<16xi32>, vector<16xi1>
        %get3A_586 = arith.constant 0 : index
        %get3A_587 = tpu.vector_load %arg9[%get3A_586] {strides = array<i32>} : memref<32xi32, #tpu.memory_space<vmem>>, vector<16xi32>,
        %get3A_588 = arith.constant 16 : index
        %get3A_589 = tpu.vector_load %arg9[%get3A_588] {strides = array<i32>} : memref<32xi32, #tpu.memory_space<vmem>>, vector<16xi32>,
        %broadcast_in_dim3A_590 = vector.broadcast %scan3A_91 : i32 to vector<16xi32>
        %eq3A_591 = arith.constant 0 : i32
        %eq3A_592 = vector.broadcast %eq3A_591 : i32 to vector<16xi32>
        %eq3A_593 = arith.cmpi eq, %iota3A, %eq3A_592 : vector<16xi32>
        %jit3A_594 = arith.constant 0 : i32
        %broadcast_in_dim3A_595 = vector.broadcast %jit3A_594 : i32 to vector<16xi32>
        %select_n3A_596 = arith.select %eq3A_593, %get3A_587, %broadcast_in_dim3A_595 : vector<16xi1>, vector<16xi32>
        %reduce_sum3A_597 = arith.constant true
        %reduce_sum3A_598 = vector.broadcast %reduce_sum3A_597 : i1 to vector<16xi1>
        %reduce_sum3A_599 = tpu.scan <sum>, %select_n3A_596 masked %reduce_sum3A_598 : vector<16xi32>, vector<16xi1> -> vector<16xi32>
        %reduce_sum3A_600 = vector.extract %reduce_sum3A_599[15] : i32 from vector<16xi32>
        %mul3A_601 = arith.constant 128 : i32
        %mul3A_602 = vector.broadcast %mul3A_601 : i32 to vector<16xi32>
        %mul3A_603 = arith.muli %mul3A_602, %iota3A : vector<16xi32>
        %add3A_604 = vector.broadcast %reduce_sum3A_600 : i32 to vector<16xi32>
        %add3A_605 = arith.addi %add3A_604, %mul3A_603 : vector<16xi32>
        %gather3A = tpu.vector_load_idx %arg6[%broadcast_in_dim3A_590, %add3A_605] : memref<16x2048xi32, #tpu.memory_space<vmem>>[vector<16xi32>, vector<16xi32>], vector<16xi32>,
        %sort3A_606 = arith.constant dense<true> : vector<16xi1>
        %sort3A_607, %sort3A_608, %sort3A_609 = tpu.sort %gather3A, %gather3A masked %sort3A_606 : (vector<16xi32>, vector<16xi32>, vector<16xi1>) -> (vector<16xi1>, vector<16xi32>, vector<16xi32>)
        %eq3A_610 = arith.constant 1 : i32
        %eq3A_611 = vector.broadcast %eq3A_610 : i32 to vector<16xi32>
        %eq3A_612 = arith.cmpi eq, %iota3A, %eq3A_611 : vector<16xi32>
        %jit3A_613 = arith.constant 0 : i32
        %broadcast_in_dim3A_614 = vector.broadcast %jit3A_613 : i32 to vector<16xi32>
        %select_n3A_615 = arith.select %eq3A_612, %get3A_587, %broadcast_in_dim3A_614 : vector<16xi1>, vector<16xi32>
        %reduce_sum3A_616 = arith.constant true
        %reduce_sum3A_617 = vector.broadcast %reduce_sum3A_616 : i1 to vector<16xi1>
        %reduce_sum3A_618 = tpu.scan <sum>, %select_n3A_615 masked %reduce_sum3A_617 : vector<16xi32>, vector<16xi1> -> vector<16xi32>
        %reduce_sum3A_619 = vector.extract %reduce_sum3A_618[15] : i32 from vector<16xi32>
        %mul3A_620 = arith.constant 128 : i32
        %mul3A_621 = vector.broadcast %mul3A_620 : i32 to vector<16xi32>
        %mul3A_622 = arith.muli %mul3A_621, %iota3A : vector<16xi32>
        %add3A_623 = vector.broadcast %reduce_sum3A_619 : i32 to vector<16xi32>
        %add3A_624 = arith.addi %add3A_623, %mul3A_622 : vector<16xi32>
        %gather3A_625 = tpu.vector_load_idx %arg6[%broadcast_in_dim3A_590, %add3A_624] : memref<16x2048xi32, #tpu.memory_space<vmem>>[vector<16xi32>, vector<16xi32>], vector<16xi32>,
        %sort3A_626 = arith.constant dense<true> : vector<16xi1>
        %sort3A_627, %sort3A_628, %sort3A_629 = tpu.sort %gather3A_625, %gather3A_625 masked %sort3A_626 : (vector<16xi32>, vector<16xi32>, vector<16xi1>) -> (vector<16xi1>, vector<16xi32>, vector<16xi32>)
        %eq3A_630 = arith.constant 2 : i32
        %eq3A_631 = vector.broadcast %eq3A_630 : i32 to vector<16xi32>
        %eq3A_632 = arith.cmpi eq, %iota3A, %eq3A_631 : vector<16xi32>
        %jit3A_633 = arith.constant 0 : i32
        %broadcast_in_dim3A_634 = vector.broadcast %jit3A_633 : i32 to vector<16xi32>
        %select_n3A_635 = arith.select %eq3A_632, %get3A_587, %broadcast_in_dim3A_634 : vector<16xi1>, vector<16xi32>
        %reduce_sum3A_636 = arith.constant true
        %reduce_sum3A_637 = vector.broadcast %reduce_sum3A_636 : i1 to vector<16xi1>
        %reduce_sum3A_638 = tpu.scan <sum>, %select_n3A_635 masked %reduce_sum3A_637 : vector<16xi32>, vector<16xi1> -> vector<16xi32>
        %reduce_sum3A_639 = vector.extract %reduce_sum3A_638[15] : i32 from vector<16xi32>
        %mul3A_640 = arith.constant 128 : i32
        %mul3A_641 = vector.broadcast %mul3A_640 : i32 to vector<16xi32>
        %mul3A_642 = arith.muli %mul3A_641, %iota3A : vector<16xi32>
        %add3A_643 = vector.broadcast %reduce_sum3A_639 : i32 to vector<16xi32>
        %add3A_644 = arith.addi %add3A_643, %mul3A_642 : vector<16xi32>
        %gather3A_645 = tpu.vector_load_idx %arg6[%broadcast_in_dim3A_590, %add3A_644] : memref<16x2048xi32, #tpu.memory_space<vmem>>[vector<16xi32>, vector<16xi32>], vector<16xi32>,
        %sort3A_646 = arith.constant dense<true> : vector<16xi1>
        %sort3A_647, %sort3A_648, %sort3A_649 = tpu.sort %gather3A_645, %gather3A_645 masked %sort3A_646 : (vector<16xi32>, vector<16xi32>, vector<16xi1>) -> (vector<16xi1>, vector<16xi32>, vector<16xi32>)
        %eq3A_650 = arith.constant 3 : i32
        %eq3A_651 = vector.broadcast %eq3A_650 : i32 to vector<16xi32>
        %eq3A_652 = arith.cmpi eq, %iota3A, %eq3A_651 : vector<16xi32>
        %jit3A_653 = arith.constant 0 : i32
        %broadcast_in_dim3A_654 = vector.broadcast %jit3A_653 : i32 to vector<16xi32>
        %select_n3A_655 = arith.select %eq3A_652, %get3A_587, %broadcast_in_dim3A_654 : vector<16xi1>, vector<16xi32>
        %reduce_sum3A_656 = arith.constant true
        %reduce_sum3A_657 = vector.broadcast %reduce_sum3A_656 : i1 to vector<16xi1>
        %reduce_sum3A_658 = tpu.scan <sum>, %select_n3A_655 masked %reduce_sum3A_657 : vector<16xi32>, vector<16xi1> -> vector<16xi32>
        %reduce_sum3A_659 = vector.extract %reduce_sum3A_658[15] : i32 from vector<16xi32>
        %mul3A_660 = arith.constant 128 : i32
        %mul3A_661 = vector.broadcast %mul3A_660 : i32 to vector<16xi32>
        %mul3A_662 = arith.muli %mul3A_661, %iota3A : vector<16xi32>
        %add3A_663 = vector.broadcast %reduce_sum3A_659 : i32 to vector<16xi32>
        %add3A_664 = arith.addi %add3A_663, %mul3A_662 : vector<16xi32>
        %gather3A_665 = tpu.vector_load_idx %arg6[%broadcast_in_dim3A_590, %add3A_664] : memref<16x2048xi32, #tpu.memory_space<vmem>>[vector<16xi32>, vector<16xi32>], vector<16xi32>,
        %sort3A_666 = arith.constant dense<true> : vector<16xi1>
        %sort3A_667, %sort3A_668, %sort3A_669 = tpu.sort %gather3A_665, %gather3A_665 masked %sort3A_666 : (vector<16xi32>, vector<16xi32>, vector<16xi1>) -> (vector<16xi1>, vector<16xi32>, vector<16xi32>)
        %eq3A_670 = arith.constant 4 : i32
        %eq3A_671 = vector.broadcast %eq3A_670 : i32 to vector<16xi32>
        %eq3A_672 = arith.cmpi eq, %iota3A, %eq3A_671 : vector<16xi32>
        %jit3A_673 = arith.constant 0 : i32
        %broadcast_in_dim3A_674 = vector.broadcast %jit3A_673 : i32 to vector<16xi32>
        %select_n3A_675 = arith.select %eq3A_672, %get3A_587, %broadcast_in_dim3A_674 : vector<16xi1>, vector<16xi32>
        %reduce_sum3A_676 = arith.constant true
        %reduce_sum3A_677 = vector.broadcast %reduce_sum3A_676 : i1 to vector<16xi1>
        %reduce_sum3A_678 = tpu.scan <sum>, %select_n3A_675 masked %reduce_sum3A_677 : vector<16xi32>, vector<16xi1> -> vector<16xi32>
        %reduce_sum3A_679 = vector.extract %reduce_sum3A_678[15] : i32 from vector<16xi32>
        %mul3A_680 = arith.constant 128 : i32
        %mul3A_681 = vector.broadcast %mul3A_680 : i32 to vector<16xi32>
        %mul3A_682 = arith.muli %mul3A_681, %iota3A : vector<16xi32>
        %add3A_683 = vector.broadcast %reduce_sum3A_679 : i32 to vector<16xi32>
        %add3A_684 = arith.addi %add3A_683, %mul3A_682 : vector<16xi32>
        %gather3A_685 = tpu.vector_load_idx %arg6[%broadcast_in_dim3A_590, %add3A_684] : memref<16x2048xi32, #tpu.memory_space<vmem>>[vector<16xi32>, vector<16xi32>], vector<16xi32>,
        %sort3A_686 = arith.constant dense<true> : vector<16xi1>
        %sort3A_687, %sort3A_688, %sort3A_689 = tpu.sort %gather3A_685, %gather3A_685 masked %sort3A_686 : (vector<16xi32>, vector<16xi32>, vector<16xi1>) -> (vector<16xi1>, vector<16xi32>, vector<16xi32>)
        %eq3A_690 = arith.constant 5 : i32
        %eq3A_691 = vector.broadcast %eq3A_690 : i32 to vector<16xi32>
        %eq3A_692 = arith.cmpi eq, %iota3A, %eq3A_691 : vector<16xi32>
        %jit3A_693 = arith.constant 0 : i32
        %broadcast_in_dim3A_694 = vector.broadcast %jit3A_693 : i32 to vector<16xi32>
        %select_n3A_695 = arith.select %eq3A_692, %get3A_587, %broadcast_in_dim3A_694 : vector<16xi1>, vector<16xi32>
        %reduce_sum3A_696 = arith.constant true
        %reduce_sum3A_697 = vector.broadcast %reduce_sum3A_696 : i1 to vector<16xi1>
        %reduce_sum3A_698 = tpu.scan <sum>, %select_n3A_695 masked %reduce_sum3A_697 : vector<16xi32>, vector<16xi1> -> vector<16xi32>
        %reduce_sum3A_699 = vector.extract %reduce_sum3A_698[15] : i32 from vector<16xi32>
        %mul3A_700 = arith.constant 128 : i32
        %mul3A_701 = vector.broadcast %mul3A_700 : i32 to vector<16xi32>
        %mul3A_702 = arith.muli %mul3A_701, %iota3A : vector<16xi32>
        %add3A_703 = vector.broadcast %reduce_sum3A_699 : i32 to vector<16xi32>
        %add3A_704 = arith.addi %add3A_703, %mul3A_702 : vector<16xi32>
        %gather3A_705 = tpu.vector_load_idx %arg6[%broadcast_in_dim3A_590, %add3A_704] : memref<16x2048xi32, #tpu.memory_space<vmem>>[vector<16xi32>, vector<16xi32>], vector<16xi32>,
        %sort3A_706 = arith.constant dense<true> : vector<16xi1>
        %sort3A_707, %sort3A_708, %sort3A_709 = tpu.sort %gather3A_705, %gather3A_705 masked %sort3A_706 : (vector<16xi32>, vector<16xi32>, vector<16xi1>) -> (vector<16xi1>, vector<16xi32>, vector<16xi32>)
        %eq3A_710 = arith.constant 6 : i32
        %eq3A_711 = vector.broadcast %eq3A_710 : i32 to vector<16xi32>
        %eq3A_712 = arith.cmpi eq, %iota3A, %eq3A_711 : vector<16xi32>
        %jit3A_713 = arith.constant 0 : i32
        %broadcast_in_dim3A_714 = vector.broadcast %jit3A_713 : i32 to vector<16xi32>
        %select_n3A_715 = arith.select %eq3A_712, %get3A_587, %broadcast_in_dim3A_714 : vector<16xi1>, vector<16xi32>
        %reduce_sum3A_716 = arith.constant true
        %reduce_sum3A_717 = vector.broadcast %reduce_sum3A_716 : i1 to vector<16xi1>
        %reduce_sum3A_718 = tpu.scan <sum>, %select_n3A_715 masked %reduce_sum3A_717 : vector<16xi32>, vector<16xi1> -> vector<16xi32>
        %reduce_sum3A_719 = vector.extract %reduce_sum3A_718[15] : i32 from vector<16xi32>
        %mul3A_720 = arith.constant 128 : i32
        %mul3A_721 = vector.broadcast %mul3A_720 : i32 to vector<16xi32>
        %mul3A_722 = arith.muli %mul3A_721, %iota3A : vector<16xi32>
        %add3A_723 = vector.broadcast %reduce_sum3A_719 : i32 to vector<16xi32>
        %add3A_724 = arith.addi %add3A_723, %mul3A_722 : vector<16xi32>
        %gather3A_725 = tpu.vector_load_idx %arg6[%broadcast_in_dim3A_590, %add3A_724] : memref<16x2048xi32, #tpu.memory_space<vmem>>[vector<16xi32>, vector<16xi32>], vector<16xi32>,
        %sort3A_726 = arith.constant dense<true> : vector<16xi1>
        %sort3A_727, %sort3A_728, %sort3A_729 = tpu.sort %gather3A_725, %gather3A_725 masked %sort3A_726 : (vector<16xi32>, vector<16xi32>, vector<16xi1>) -> (vector<16xi1>, vector<16xi32>, vector<16xi32>)
        %eq3A_730 = arith.constant 7 : i32
        %eq3A_731 = vector.broadcast %eq3A_730 : i32 to vector<16xi32>
        %eq3A_732 = arith.cmpi eq, %iota3A, %eq3A_731 : vector<16xi32>
        %jit3A_733 = arith.constant 0 : i32
        %broadcast_in_dim3A_734 = vector.broadcast %jit3A_733 : i32 to vector<16xi32>
        %select_n3A_735 = arith.select %eq3A_732, %get3A_587, %broadcast_in_dim3A_734 : vector<16xi1>, vector<16xi32>
        %reduce_sum3A_736 = arith.constant true
        %reduce_sum3A_737 = vector.broadcast %reduce_sum3A_736 : i1 to vector<16xi1>
        %reduce_sum3A_738 = tpu.scan <sum>, %select_n3A_735 masked %reduce_sum3A_737 : vector<16xi32>, vector<16xi1> -> vector<16xi32>
        %reduce_sum3A_739 = vector.extract %reduce_sum3A_738[15] : i32 from vector<16xi32>
        %mul3A_740 = arith.constant 128 : i32
        %mul3A_741 = vector.broadcast %mul3A_740 : i32 to vector<16xi32>
        %mul3A_742 = arith.muli %mul3A_741, %iota3A : vector<16xi32>
        %add3A_743 = vector.broadcast %reduce_sum3A_739 : i32 to vector<16xi32>
        %add3A_744 = arith.addi %add3A_743, %mul3A_742 : vector<16xi32>
        %gather3A_745 = tpu.vector_load_idx %arg6[%broadcast_in_dim3A_590, %add3A_744] : memref<16x2048xi32, #tpu.memory_space<vmem>>[vector<16xi32>, vector<16xi32>], vector<16xi32>,
        %sort3A_746 = arith.constant dense<true> : vector<16xi1>
        %sort3A_747, %sort3A_748, %sort3A_749 = tpu.sort %gather3A_745, %gather3A_745 masked %sort3A_746 : (vector<16xi32>, vector<16xi32>, vector<16xi1>) -> (vector<16xi1>, vector<16xi32>, vector<16xi32>)
        %eq3A_750 = arith.constant 8 : i32
        %eq3A_751 = vector.broadcast %eq3A_750 : i32 to vector<16xi32>
        %eq3A_752 = arith.cmpi eq, %iota3A, %eq3A_751 : vector<16xi32>
        %jit3A_753 = arith.constant 0 : i32
        %broadcast_in_dim3A_754 = vector.broadcast %jit3A_753 : i32 to vector<16xi32>
        %select_n3A_755 = arith.select %eq3A_752, %get3A_587, %broadcast_in_dim3A_754 : vector<16xi1>, vector<16xi32>
        %reduce_sum3A_756 = arith.constant true
        %reduce_sum3A_757 = vector.broadcast %reduce_sum3A_756 : i1 to vector<16xi1>
        %reduce_sum3A_758 = tpu.scan <sum>, %select_n3A_755 masked %reduce_sum3A_757 : vector<16xi32>, vector<16xi1> -> vector<16xi32>
        %reduce_sum3A_759 = vector.extract %reduce_sum3A_758[15] : i32 from vector<16xi32>
        %mul3A_760 = arith.constant 128 : i32
        %mul3A_761 = vector.broadcast %mul3A_760 : i32 to vector<16xi32>
        %mul3A_762 = arith.muli %mul3A_761, %iota3A : vector<16xi32>
        %add3A_763 = vector.broadcast %reduce_sum3A_759 : i32 to vector<16xi32>
        %add3A_764 = arith.addi %add3A_763, %mul3A_762 : vector<16xi32>
        %gather3A_765 = tpu.vector_load_idx %arg6[%broadcast_in_dim3A_590, %add3A_764] : memref<16x2048xi32, #tpu.memory_space<vmem>>[vector<16xi32>, vector<16xi32>], vector<16xi32>,
        %sort3A_766 = arith.constant dense<true> : vector<16xi1>
        %sort3A_767, %sort3A_768, %sort3A_769 = tpu.sort %gather3A_765, %gather3A_765 masked %sort3A_766 : (vector<16xi32>, vector<16xi32>, vector<16xi1>) -> (vector<16xi1>, vector<16xi32>, vector<16xi32>)
        %eq3A_770 = arith.constant 9 : i32
        %eq3A_771 = vector.broadcast %eq3A_770 : i32 to vector<16xi32>
        %eq3A_772 = arith.cmpi eq, %iota3A, %eq3A_771 : vector<16xi32>
        %jit3A_773 = arith.constant 0 : i32
        %broadcast_in_dim3A_774 = vector.broadcast %jit3A_773 : i32 to vector<16xi32>
        %select_n3A_775 = arith.select %eq3A_772, %get3A_587, %broadcast_in_dim3A_774 : vector<16xi1>, vector<16xi32>
        %reduce_sum3A_776 = arith.constant true
        %reduce_sum3A_777 = vector.broadcast %reduce_sum3A_776 : i1 to vector<16xi1>
        %reduce_sum3A_778 = tpu.scan <sum>, %select_n3A_775 masked %reduce_sum3A_777 : vector<16xi32>, vector<16xi1> -> vector<16xi32>
        %reduce_sum3A_779 = vector.extract %reduce_sum3A_778[15] : i32 from vector<16xi32>
        %mul3A_780 = arith.constant 128 : i32
        %mul3A_781 = vector.broadcast %mul3A_780 : i32 to vector<16xi32>
        %mul3A_782 = arith.muli %mul3A_781, %iota3A : vector<16xi32>
        %add3A_783 = vector.broadcast %reduce_sum3A_779 : i32 to vector<16xi32>
        %add3A_784 = arith.addi %add3A_783, %mul3A_782 : vector<16xi32>
        %gather3A_785 = tpu.vector_load_idx %arg6[%broadcast_in_dim3A_590, %add3A_784] : memref<16x2048xi32, #tpu.memory_space<vmem>>[vector<16xi32>, vector<16xi32>], vector<16xi32>,
        %sort3A_786 = arith.constant dense<true> : vector<16xi1>
        %sort3A_787, %sort3A_788, %sort3A_789 = tpu.sort %gather3A_785, %gather3A_785 masked %sort3A_786 : (vector<16xi32>, vector<16xi32>, vector<16xi1>) -> (vector<16xi1>, vector<16xi32>, vector<16xi32>)
        %eq3A_790 = arith.constant 10 : i32
        %eq3A_791 = vector.broadcast %eq3A_790 : i32 to vector<16xi32>
        %eq3A_792 = arith.cmpi eq, %iota3A, %eq3A_791 : vector<16xi32>
        %jit3A_793 = arith.constant 0 : i32
        %broadcast_in_dim3A_794 = vector.broadcast %jit3A_793 : i32 to vector<16xi32>
        %select_n3A_795 = arith.select %eq3A_792, %get3A_587, %broadcast_in_dim3A_794 : vector<16xi1>, vector<16xi32>
        %reduce_sum3A_796 = arith.constant true
        %reduce_sum3A_797 = vector.broadcast %reduce_sum3A_796 : i1 to vector<16xi1>
        %reduce_sum3A_798 = tpu.scan <sum>, %select_n3A_795 masked %reduce_sum3A_797 : vector<16xi32>, vector<16xi1> -> vector<16xi32>
        %reduce_sum3A_799 = vector.extract %reduce_sum3A_798[15] : i32 from vector<16xi32>
        %mul3A_800 = arith.constant 128 : i32
        %mul3A_801 = vector.broadcast %mul3A_800 : i32 to vector<16xi32>
        %mul3A_802 = arith.muli %mul3A_801, %iota3A : vector<16xi32>
        %add3A_803 = vector.broadcast %reduce_sum3A_799 : i32 to vector<16xi32>
        %add3A_804 = arith.addi %add3A_803, %mul3A_802 : vector<16xi32>
        %gather3A_805 = tpu.vector_load_idx %arg6[%broadcast_in_dim3A_590, %add3A_804] : memref<16x2048xi32, #tpu.memory_space<vmem>>[vector<16xi32>, vector<16xi32>], vector<16xi32>,
        %sort3A_806 = arith.constant dense<true> : vector<16xi1>
        %sort3A_807, %sort3A_808, %sort3A_809 = tpu.sort %gather3A_805, %gather3A_805 masked %sort3A_806 : (vector<16xi32>, vector<16xi32>, vector<16xi1>) -> (vector<16xi1>, vector<16xi32>, vector<16xi32>)
        %eq3A_810 = arith.constant 11 : i32
        %eq3A_811 = vector.broadcast %eq3A_810 : i32 to vector<16xi32>
        %eq3A_812 = arith.cmpi eq, %iota3A, %eq3A_811 : vector<16xi32>
        %jit3A_813 = arith.constant 0 : i32
        %broadcast_in_dim3A_814 = vector.broadcast %jit3A_813 : i32 to vector<16xi32>
        %select_n3A_815 = arith.select %eq3A_812, %get3A_587, %broadcast_in_dim3A_814 : vector<16xi1>, vector<16xi32>
        %reduce_sum3A_816 = arith.constant true
        %reduce_sum3A_817 = vector.broadcast %reduce_sum3A_816 : i1 to vector<16xi1>
        %reduce_sum3A_818 = tpu.scan <sum>, %select_n3A_815 masked %reduce_sum3A_817 : vector<16xi32>, vector<16xi1> -> vector<16xi32>
        %reduce_sum3A_819 = vector.extract %reduce_sum3A_818[15] : i32 from vector<16xi32>
        %mul3A_820 = arith.constant 128 : i32
        %mul3A_821 = vector.broadcast %mul3A_820 : i32 to vector<16xi32>
        %mul3A_822 = arith.muli %mul3A_821, %iota3A : vector<16xi32>
        %add3A_823 = vector.broadcast %reduce_sum3A_819 : i32 to vector<16xi32>
        %add3A_824 = arith.addi %add3A_823, %mul3A_822 : vector<16xi32>
        %gather3A_825 = tpu.vector_load_idx %arg6[%broadcast_in_dim3A_590, %add3A_824] : memref<16x2048xi32, #tpu.memory_space<vmem>>[vector<16xi32>, vector<16xi32>], vector<16xi32>,
        %sort3A_826 = arith.constant dense<true> : vector<16xi1>
        %sort3A_827, %sort3A_828, %sort3A_829 = tpu.sort %gather3A_825, %gather3A_825 masked %sort3A_826 : (vector<16xi32>, vector<16xi32>, vector<16xi1>) -> (vector<16xi1>, vector<16xi32>, vector<16xi32>)
        %eq3A_830 = arith.constant 12 : i32
        %eq3A_831 = vector.broadcast %eq3A_830 : i32 to vector<16xi32>
        %eq3A_832 = arith.cmpi eq, %iota3A, %eq3A_831 : vector<16xi32>
        %jit3A_833 = arith.constant 0 : i32
        %broadcast_in_dim3A_834 = vector.broadcast %jit3A_833 : i32 to vector<16xi32>
        %select_n3A_835 = arith.select %eq3A_832, %get3A_587, %broadcast_in_dim3A_834 : vector<16xi1>, vector<16xi32>
        %reduce_sum3A_836 = arith.constant true
        %reduce_sum3A_837 = vector.broadcast %reduce_sum3A_836 : i1 to vector<16xi1>
        %reduce_sum3A_838 = tpu.scan <sum>, %select_n3A_835 masked %reduce_sum3A_837 : vector<16xi32>, vector<16xi1> -> vector<16xi32>
        %reduce_sum3A_839 = vector.extract %reduce_sum3A_838[15] : i32 from vector<16xi32>
        %mul3A_840 = arith.constant 128 : i32
        %mul3A_841 = vector.broadcast %mul3A_840 : i32 to vector<16xi32>
        %mul3A_842 = arith.muli %mul3A_841, %iota3A : vector<16xi32>
        %add3A_843 = vector.broadcast %reduce_sum3A_839 : i32 to vector<16xi32>
        %add3A_844 = arith.addi %add3A_843, %mul3A_842 : vector<16xi32>
        %gather3A_845 = tpu.vector_load_idx %arg6[%broadcast_in_dim3A_590, %add3A_844] : memref<16x2048xi32, #tpu.memory_space<vmem>>[vector<16xi32>, vector<16xi32>], vector<16xi32>,
        %sort3A_846 = arith.constant dense<true> : vector<16xi1>
        %sort3A_847, %sort3A_848, %sort3A_849 = tpu.sort %gather3A_845, %gather3A_845 masked %sort3A_846 : (vector<16xi32>, vector<16xi32>, vector<16xi1>) -> (vector<16xi1>, vector<16xi32>, vector<16xi32>)
        %eq3A_850 = arith.constant 13 : i32
        %eq3A_851 = vector.broadcast %eq3A_850 : i32 to vector<16xi32>
        %eq3A_852 = arith.cmpi eq, %iota3A, %eq3A_851 : vector<16xi32>
        %jit3A_853 = arith.constant 0 : i32
        %broadcast_in_dim3A_854 = vector.broadcast %jit3A_853 : i32 to vector<16xi32>
        %select_n3A_855 = arith.select %eq3A_852, %get3A_587, %broadcast_in_dim3A_854 : vector<16xi1>, vector<16xi32>
        %reduce_sum3A_856 = arith.constant true
        %reduce_sum3A_857 = vector.broadcast %reduce_sum3A_856 : i1 to vector<16xi1>
        %reduce_sum3A_858 = tpu.scan <sum>, %select_n3A_855 masked %reduce_sum3A_857 : vector<16xi32>, vector<16xi1> -> vector<16xi32>
        %reduce_sum3A_859 = vector.extract %reduce_sum3A_858[15] : i32 from vector<16xi32>
        %mul3A_860 = arith.constant 128 : i32
        %mul3A_861 = vector.broadcast %mul3A_860 : i32 to vector<16xi32>
        %mul3A_862 = arith.muli %mul3A_861, %iota3A : vector<16xi32>
        %add3A_863 = vector.broadcast %reduce_sum3A_859 : i32 to vector<16xi32>
        %add3A_864 = arith.addi %add3A_863, %mul3A_862 : vector<16xi32>
        %gather3A_865 = tpu.vector_load_idx %arg6[%broadcast_in_dim3A_590, %add3A_864] : memref<16x2048xi32, #tpu.memory_space<vmem>>[vector<16xi32>, vector<16xi32>], vector<16xi32>,
        %sort3A_866 = arith.constant dense<true> : vector<16xi1>
        %sort3A_867, %sort3A_868, %sort3A_869 = tpu.sort %gather3A_865, %gather3A_865 masked %sort3A_866 : (vector<16xi32>, vector<16xi32>, vector<16xi1>) -> (vector<16xi1>, vector<16xi32>, vector<16xi32>)
        %eq3A_870 = arith.constant 14 : i32
        %eq3A_871 = vector.broadcast %eq3A_870 : i32 to vector<16xi32>
        %eq3A_872 = arith.cmpi eq, %iota3A, %eq3A_871 : vector<16xi32>
        %jit3A_873 = arith.constant 0 : i32
        %broadcast_in_dim3A_874 = vector.broadcast %jit3A_873 : i32 to vector<16xi32>
        %select_n3A_875 = arith.select %eq3A_872, %get3A_587, %broadcast_in_dim3A_874 : vector<16xi1>, vector<16xi32>
        %reduce_sum3A_876 = arith.constant true
        %reduce_sum3A_877 = vector.broadcast %reduce_sum3A_876 : i1 to vector<16xi1>
        %reduce_sum3A_878 = tpu.scan <sum>, %select_n3A_875 masked %reduce_sum3A_877 : vector<16xi32>, vector<16xi1> -> vector<16xi32>
        %reduce_sum3A_879 = vector.extract %reduce_sum3A_878[15] : i32 from vector<16xi32>
        %mul3A_880 = arith.constant 128 : i32
        %mul3A_881 = vector.broadcast %mul3A_880 : i32 to vector<16xi32>
        %mul3A_882 = arith.muli %mul3A_881, %iota3A : vector<16xi32>
        %add3A_883 = vector.broadcast %reduce_sum3A_879 : i32 to vector<16xi32>
        %add3A_884 = arith.addi %add3A_883, %mul3A_882 : vector<16xi32>
        %gather3A_885 = tpu.vector_load_idx %arg6[%broadcast_in_dim3A_590, %add3A_884] : memref<16x2048xi32, #tpu.memory_space<vmem>>[vector<16xi32>, vector<16xi32>], vector<16xi32>,
        %sort3A_886 = arith.constant dense<true> : vector<16xi1>
        %sort3A_887, %sort3A_888, %sort3A_889 = tpu.sort %gather3A_885, %gather3A_885 masked %sort3A_886 : (vector<16xi32>, vector<16xi32>, vector<16xi1>) -> (vector<16xi1>, vector<16xi32>, vector<16xi32>)
        %eq3A_890 = arith.constant 15 : i32
        %eq3A_891 = vector.broadcast %eq3A_890 : i32 to vector<16xi32>
        %eq3A_892 = arith.cmpi eq, %iota3A, %eq3A_891 : vector<16xi32>
        %jit3A_893 = arith.constant 0 : i32
        %broadcast_in_dim3A_894 = vector.broadcast %jit3A_893 : i32 to vector<16xi32>
        %select_n3A_895 = arith.select %eq3A_892, %get3A_587, %broadcast_in_dim3A_894 : vector<16xi1>, vector<16xi32>
        %reduce_sum3A_896 = arith.constant true
        %reduce_sum3A_897 = vector.broadcast %reduce_sum3A_896 : i1 to vector<16xi1>
        %reduce_sum3A_898 = tpu.scan <sum>, %select_n3A_895 masked %reduce_sum3A_897 : vector<16xi32>, vector<16xi1> -> vector<16xi32>
        %reduce_sum3A_899 = vector.extract %reduce_sum3A_898[15] : i32 from vector<16xi32>
        %mul3A_900 = arith.constant 128 : i32
        %mul3A_901 = vector.broadcast %mul3A_900 : i32 to vector<16xi32>
        %mul3A_902 = arith.muli %mul3A_901, %iota3A : vector<16xi32>
        %add3A_903 = vector.broadcast %reduce_sum3A_899 : i32 to vector<16xi32>
        %add3A_904 = arith.addi %add3A_903, %mul3A_902 : vector<16xi32>
        %gather3A_905 = tpu.vector_load_idx %arg6[%broadcast_in_dim3A_590, %add3A_904] : memref<16x2048xi32, #tpu.memory_space<vmem>>[vector<16xi32>, vector<16xi32>], vector<16xi32>,
        %sort3A_906 = arith.constant dense<true> : vector<16xi1>
        %sort3A_907, %sort3A_908, %sort3A_909 = tpu.sort %gather3A_905, %gather3A_905 masked %sort3A_906 : (vector<16xi32>, vector<16xi32>, vector<16xi1>) -> (vector<16xi1>, vector<16xi32>, vector<16xi32>)
        %eq3A_910 = arith.constant 0 : i32
        %eq3A_911 = vector.broadcast %eq3A_910 : i32 to vector<16xi32>
        %eq3A_912 = arith.cmpi eq, %iota3A, %eq3A_911 : vector<16xi32>
        %jit3A_913 = arith.constant 0 : i32
        %broadcast_in_dim3A_914 = vector.broadcast %jit3A_913 : i32 to vector<16xi32>
        %select_n3A_915 = arith.select %eq3A_912, %get3A_589, %broadcast_in_dim3A_914 : vector<16xi1>, vector<16xi32>
        %reduce_sum3A_916 = arith.constant true
        %reduce_sum3A_917 = vector.broadcast %reduce_sum3A_916 : i1 to vector<16xi1>
        %reduce_sum3A_918 = tpu.scan <sum>, %select_n3A_915 masked %reduce_sum3A_917 : vector<16xi32>, vector<16xi1> -> vector<16xi32>
        %reduce_sum3A_919 = vector.extract %reduce_sum3A_918[15] : i32 from vector<16xi32>
        %mul3A_920 = arith.constant 128 : i32
        %mul3A_921 = vector.broadcast %mul3A_920 : i32 to vector<16xi32>
        %mul3A_922 = arith.muli %mul3A_921, %iota3A : vector<16xi32>
        %add3A_923 = vector.broadcast %reduce_sum3A_919 : i32 to vector<16xi32>
        %add3A_924 = arith.addi %add3A_923, %mul3A_922 : vector<16xi32>
        %gather3A_925 = tpu.vector_load_idx %arg6[%broadcast_in_dim3A_590, %add3A_924] : memref<16x2048xi32, #tpu.memory_space<vmem>>[vector<16xi32>, vector<16xi32>], vector<16xi32>,
        %sort3A_926 = arith.constant dense<true> : vector<16xi1>
        %sort3A_927, %sort3A_928, %sort3A_929 = tpu.sort %gather3A_925, %gather3A_925 masked %sort3A_926 : (vector<16xi32>, vector<16xi32>, vector<16xi1>) -> (vector<16xi1>, vector<16xi32>, vector<16xi32>)
        %eq3A_930 = arith.constant 1 : i32
        %eq3A_931 = vector.broadcast %eq3A_930 : i32 to vector<16xi32>
        %eq3A_932 = arith.cmpi eq, %iota3A, %eq3A_931 : vector<16xi32>
        %jit3A_933 = arith.constant 0 : i32
        %broadcast_in_dim3A_934 = vector.broadcast %jit3A_933 : i32 to vector<16xi32>
        %select_n3A_935 = arith.select %eq3A_932, %get3A_589, %broadcast_in_dim3A_934 : vector<16xi1>, vector<16xi32>
        %reduce_sum3A_936 = arith.constant true
        %reduce_sum3A_937 = vector.broadcast %reduce_sum3A_936 : i1 to vector<16xi1>
        %reduce_sum3A_938 = tpu.scan <sum>, %select_n3A_935 masked %reduce_sum3A_937 : vector<16xi32>, vector<16xi1> -> vector<16xi32>
        %reduce_sum3A_939 = vector.extract %reduce_sum3A_938[15] : i32 from vector<16xi32>
        %mul3A_940 = arith.constant 128 : i32
        %mul3A_941 = vector.broadcast %mul3A_940 : i32 to vector<16xi32>
        %mul3A_942 = arith.muli %mul3A_941, %iota3A : vector<16xi32>
        %add3A_943 = vector.broadcast %reduce_sum3A_939 : i32 to vector<16xi32>
        %add3A_944 = arith.addi %add3A_943, %mul3A_942 : vector<16xi32>
        %gather3A_945 = tpu.vector_load_idx %arg6[%broadcast_in_dim3A_590, %add3A_944] : memref<16x2048xi32, #tpu.memory_space<vmem>>[vector<16xi32>, vector<16xi32>], vector<16xi32>,
        %sort3A_946 = arith.constant dense<true> : vector<16xi1>
        %sort3A_947, %sort3A_948, %sort3A_949 = tpu.sort %gather3A_945, %gather3A_945 masked %sort3A_946 : (vector<16xi32>, vector<16xi32>, vector<16xi1>) -> (vector<16xi1>, vector<16xi32>, vector<16xi32>)
        %eq3A_950 = arith.constant 2 : i32
        %eq3A_951 = vector.broadcast %eq3A_950 : i32 to vector<16xi32>
        %eq3A_952 = arith.cmpi eq, %iota3A, %eq3A_951 : vector<16xi32>
        %jit3A_953 = arith.constant 0 : i32
        %broadcast_in_dim3A_954 = vector.broadcast %jit3A_953 : i32 to vector<16xi32>
        %select_n3A_955 = arith.select %eq3A_952, %get3A_589, %broadcast_in_dim3A_954 : vector<16xi1>, vector<16xi32>
        %reduce_sum3A_956 = arith.constant true
        %reduce_sum3A_957 = vector.broadcast %reduce_sum3A_956 : i1 to vector<16xi1>
        %reduce_sum3A_958 = tpu.scan <sum>, %select_n3A_955 masked %reduce_sum3A_957 : vector<16xi32>, vector<16xi1> -> vector<16xi32>
        %reduce_sum3A_959 = vector.extract %reduce_sum3A_958[15] : i32 from vector<16xi32>
        %mul3A_960 = arith.constant 128 : i32
        %mul3A_961 = vector.broadcast %mul3A_960 : i32 to vector<16xi32>
        %mul3A_962 = arith.muli %mul3A_961, %iota3A : vector<16xi32>
        %add3A_963 = vector.broadcast %reduce_sum3A_959 : i32 to vector<16xi32>
        %add3A_964 = arith.addi %add3A_963, %mul3A_962 : vector<16xi32>
        %gather3A_965 = tpu.vector_load_idx %arg6[%broadcast_in_dim3A_590, %add3A_964] : memref<16x2048xi32, #tpu.memory_space<vmem>>[vector<16xi32>, vector<16xi32>], vector<16xi32>,
        %sort3A_966 = arith.constant dense<true> : vector<16xi1>
        %sort3A_967, %sort3A_968, %sort3A_969 = tpu.sort %gather3A_965, %gather3A_965 masked %sort3A_966 : (vector<16xi32>, vector<16xi32>, vector<16xi1>) -> (vector<16xi1>, vector<16xi32>, vector<16xi32>)
        %eq3A_970 = arith.constant 3 : i32
        %eq3A_971 = vector.broadcast %eq3A_970 : i32 to vector<16xi32>
        %eq3A_972 = arith.cmpi eq, %iota3A, %eq3A_971 : vector<16xi32>
        %jit3A_973 = arith.constant 0 : i32
        %broadcast_in_dim3A_974 = vector.broadcast %jit3A_973 : i32 to vector<16xi32>
        %select_n3A_975 = arith.select %eq3A_972, %get3A_589, %broadcast_in_dim3A_974 : vector<16xi1>, vector<16xi32>
        %reduce_sum3A_976 = arith.constant true
        %reduce_sum3A_977 = vector.broadcast %reduce_sum3A_976 : i1 to vector<16xi1>
        %reduce_sum3A_978 = tpu.scan <sum>, %select_n3A_975 masked %reduce_sum3A_977 : vector<16xi32>, vector<16xi1> -> vector<16xi32>
        %reduce_sum3A_979 = vector.extract %reduce_sum3A_978[15] : i32 from vector<16xi32>
        %mul3A_980 = arith.constant 128 : i32
        %mul3A_981 = vector.broadcast %mul3A_980 : i32 to vector<16xi32>
        %mul3A_982 = arith.muli %mul3A_981, %iota3A : vector<16xi32>
        %add3A_983 = vector.broadcast %reduce_sum3A_979 : i32 to vector<16xi32>
        %add3A_984 = arith.addi %add3A_983, %mul3A_982 : vector<16xi32>
        %gather3A_985 = tpu.vector_load_idx %arg6[%broadcast_in_dim3A_590, %add3A_984] : memref<16x2048xi32, #tpu.memory_space<vmem>>[vector<16xi32>, vector<16xi32>], vector<16xi32>,
        %sort3A_986 = arith.constant dense<true> : vector<16xi1>
        %sort3A_987, %sort3A_988, %sort3A_989 = tpu.sort %gather3A_985, %gather3A_985 masked %sort3A_986 : (vector<16xi32>, vector<16xi32>, vector<16xi1>) -> (vector<16xi1>, vector<16xi32>, vector<16xi32>)
        %eq3A_990 = arith.constant 4 : i32
        %eq3A_991 = vector.broadcast %eq3A_990 : i32 to vector<16xi32>
        %eq3A_992 = arith.cmpi eq, %iota3A, %eq3A_991 : vector<16xi32>
        %jit3A_993 = arith.constant 0 : i32
        %broadcast_in_dim3A_994 = vector.broadcast %jit3A_993 : i32 to vector<16xi32>
        %select_n3A_995 = arith.select %eq3A_992, %get3A_589, %broadcast_in_dim3A_994 : vector<16xi1>, vector<16xi32>
        %reduce_sum3A_996 = arith.constant true
        %reduce_sum3A_997 = vector.broadcast %reduce_sum3A_996 : i1 to vector<16xi1>
        %reduce_sum3A_998 = tpu.scan <sum>, %select_n3A_995 masked %reduce_sum3A_997 : vector<16xi32>, vector<16xi1> -> vector<16xi32>
        %reduce_sum3A_999 = vector.extract %reduce_sum3A_998[15] : i32 from vector<16xi32>
        %mul3A_1000 = arith.constant 128 : i32
        %mul3A_1001 = vector.broadcast %mul3A_1000 : i32 to vector<16xi32>
        %mul3A_1002 = arith.muli %mul3A_1001, %iota3A : vector<16xi32>
        %add3A_1003 = vector.broadcast %reduce_sum3A_999 : i32 to vector<16xi32>
        %add3A_1004 = arith.addi %add3A_1003, %mul3A_1002 : vector<16xi32>
        %gather3A_1005 = tpu.vector_load_idx %arg6[%broadcast_in_dim3A_590, %add3A_1004] : memref<16x2048xi32, #tpu.memory_space<vmem>>[vector<16xi32>, vector<16xi32>], vector<16xi32>,
        %sort3A_1006 = arith.constant dense<true> : vector<16xi1>
        %sort3A_1007, %sort3A_1008, %sort3A_1009 = tpu.sort %gather3A_1005, %gather3A_1005 masked %sort3A_1006 : (vector<16xi32>, vector<16xi32>, vector<16xi1>) -> (vector<16xi1>, vector<16xi32>, vector<16xi32>)
        %eq3A_1010 = arith.constant 5 : i32
        %eq3A_1011 = vector.broadcast %eq3A_1010 : i32 to vector<16xi32>
        %eq3A_1012 = arith.cmpi eq, %iota3A, %eq3A_1011 : vector<16xi32>
        %jit3A_1013 = arith.constant 0 : i32
        %broadcast_in_dim3A_1014 = vector.broadcast %jit3A_1013 : i32 to vector<16xi32>
        %select_n3A_1015 = arith.select %eq3A_1012, %get3A_589, %broadcast_in_dim3A_1014 : vector<16xi1>, vector<16xi32>
        %reduce_sum3A_1016 = arith.constant true
        %reduce_sum3A_1017 = vector.broadcast %reduce_sum3A_1016 : i1 to vector<16xi1>
        %reduce_sum3A_1018 = tpu.scan <sum>, %select_n3A_1015 masked %reduce_sum3A_1017 : vector<16xi32>, vector<16xi1> -> vector<16xi32>
        %reduce_sum3A_1019 = vector.extract %reduce_sum3A_1018[15] : i32 from vector<16xi32>
        %mul3A_1020 = arith.constant 128 : i32
        %mul3A_1021 = vector.broadcast %mul3A_1020 : i32 to vector<16xi32>
        %mul3A_1022 = arith.muli %mul3A_1021, %iota3A : vector<16xi32>
        %add3A_1023 = vector.broadcast %reduce_sum3A_1019 : i32 to vector<16xi32>
        %add3A_1024 = arith.addi %add3A_1023, %mul3A_1022 : vector<16xi32>
        %gather3A_1025 = tpu.vector_load_idx %arg6[%broadcast_in_dim3A_590, %add3A_1024] : memref<16x2048xi32, #tpu.memory_space<vmem>>[vector<16xi32>, vector<16xi32>], vector<16xi32>,
        %sort3A_1026 = arith.constant dense<true> : vector<16xi1>
        %sort3A_1027, %sort3A_1028, %sort3A_1029 = tpu.sort %gather3A_1025, %gather3A_1025 masked %sort3A_1026 : (vector<16xi32>, vector<16xi32>, vector<16xi1>) -> (vector<16xi1>, vector<16xi32>, vector<16xi32>)
        %eq3A_1030 = arith.constant 6 : i32
        %eq3A_1031 = vector.broadcast %eq3A_1030 : i32 to vector<16xi32>
        %eq3A_1032 = arith.cmpi eq, %iota3A, %eq3A_1031 : vector<16xi32>
        %jit3A_1033 = arith.constant 0 : i32
        %broadcast_in_dim3A_1034 = vector.broadcast %jit3A_1033 : i32 to vector<16xi32>
        %select_n3A_1035 = arith.select %eq3A_1032, %get3A_589, %broadcast_in_dim3A_1034 : vector<16xi1>, vector<16xi32>
        %reduce_sum3A_1036 = arith.constant true
        %reduce_sum3A_1037 = vector.broadcast %reduce_sum3A_1036 : i1 to vector<16xi1>
        %reduce_sum3A_1038 = tpu.scan <sum>, %select_n3A_1035 masked %reduce_sum3A_1037 : vector<16xi32>, vector<16xi1> -> vector<16xi32>
        %reduce_sum3A_1039 = vector.extract %reduce_sum3A_1038[15] : i32 from vector<16xi32>
        %mul3A_1040 = arith.constant 128 : i32
        %mul3A_1041 = vector.broadcast %mul3A_1040 : i32 to vector<16xi32>
        %mul3A_1042 = arith.muli %mul3A_1041, %iota3A : vector<16xi32>
        %add3A_1043 = vector.broadcast %reduce_sum3A_1039 : i32 to vector<16xi32>
        %add3A_1044 = arith.addi %add3A_1043, %mul3A_1042 : vector<16xi32>
        %gather3A_1045 = tpu.vector_load_idx %arg6[%broadcast_in_dim3A_590, %add3A_1044] : memref<16x2048xi32, #tpu.memory_space<vmem>>[vector<16xi32>, vector<16xi32>], vector<16xi32>,
        %sort3A_1046 = arith.constant dense<true> : vector<16xi1>
        %sort3A_1047, %sort3A_1048, %sort3A_1049 = tpu.sort %gather3A_1045, %gather3A_1045 masked %sort3A_1046 : (vector<16xi32>, vector<16xi32>, vector<16xi1>) -> (vector<16xi1>, vector<16xi32>, vector<16xi32>)
        %eq3A_1050 = arith.constant 7 : i32
        %eq3A_1051 = vector.broadcast %eq3A_1050 : i32 to vector<16xi32>
        %eq3A_1052 = arith.cmpi eq, %iota3A, %eq3A_1051 : vector<16xi32>
        %jit3A_1053 = arith.constant 0 : i32
        %broadcast_in_dim3A_1054 = vector.broadcast %jit3A_1053 : i32 to vector<16xi32>
        %select_n3A_1055 = arith.select %eq3A_1052, %get3A_589, %broadcast_in_dim3A_1054 : vector<16xi1>, vector<16xi32>
        %reduce_sum3A_1056 = arith.constant true
        %reduce_sum3A_1057 = vector.broadcast %reduce_sum3A_1056 : i1 to vector<16xi1>
        %reduce_sum3A_1058 = tpu.scan <sum>, %select_n3A_1055 masked %reduce_sum3A_1057 : vector<16xi32>, vector<16xi1> -> vector<16xi32>
        %reduce_sum3A_1059 = vector.extract %reduce_sum3A_1058[15] : i32 from vector<16xi32>
        %mul3A_1060 = arith.constant 128 : i32
        %mul3A_1061 = vector.broadcast %mul3A_1060 : i32 to vector<16xi32>
        %mul3A_1062 = arith.muli %mul3A_1061, %iota3A : vector<16xi32>
        %add3A_1063 = vector.broadcast %reduce_sum3A_1059 : i32 to vector<16xi32>
        %add3A_1064 = arith.addi %add3A_1063, %mul3A_1062 : vector<16xi32>
        %gather3A_1065 = tpu.vector_load_idx %arg6[%broadcast_in_dim3A_590, %add3A_1064] : memref<16x2048xi32, #tpu.memory_space<vmem>>[vector<16xi32>, vector<16xi32>], vector<16xi32>,
        %sort3A_1066 = arith.constant dense<true> : vector<16xi1>
        %sort3A_1067, %sort3A_1068, %sort3A_1069 = tpu.sort %gather3A_1065, %gather3A_1065 masked %sort3A_1066 : (vector<16xi32>, vector<16xi32>, vector<16xi1>) -> (vector<16xi1>, vector<16xi32>, vector<16xi32>)
        %eq3A_1070 = arith.constant 8 : i32
        %eq3A_1071 = vector.broadcast %eq3A_1070 : i32 to vector<16xi32>
        %eq3A_1072 = arith.cmpi eq, %iota3A, %eq3A_1071 : vector<16xi32>
        %jit3A_1073 = arith.constant 0 : i32
        %broadcast_in_dim3A_1074 = vector.broadcast %jit3A_1073 : i32 to vector<16xi32>
        %select_n3A_1075 = arith.select %eq3A_1072, %get3A_589, %broadcast_in_dim3A_1074 : vector<16xi1>, vector<16xi32>
        %reduce_sum3A_1076 = arith.constant true
        %reduce_sum3A_1077 = vector.broadcast %reduce_sum3A_1076 : i1 to vector<16xi1>
        %reduce_sum3A_1078 = tpu.scan <sum>, %select_n3A_1075 masked %reduce_sum3A_1077 : vector<16xi32>, vector<16xi1> -> vector<16xi32>
        %reduce_sum3A_1079 = vector.extract %reduce_sum3A_1078[15] : i32 from vector<16xi32>
        %mul3A_1080 = arith.constant 128 : i32
        %mul3A_1081 = vector.broadcast %mul3A_1080 : i32 to vector<16xi32>
        %mul3A_1082 = arith.muli %mul3A_1081, %iota3A : vector<16xi32>
        %add3A_1083 = vector.broadcast %reduce_sum3A_1079 : i32 to vector<16xi32>
        %add3A_1084 = arith.addi %add3A_1083, %mul3A_1082 : vector<16xi32>
        %gather3A_1085 = tpu.vector_load_idx %arg6[%broadcast_in_dim3A_590, %add3A_1084] : memref<16x2048xi32, #tpu.memory_space<vmem>>[vector<16xi32>, vector<16xi32>], vector<16xi32>,
        %sort3A_1086 = arith.constant dense<true> : vector<16xi1>
        %sort3A_1087, %sort3A_1088, %sort3A_1089 = tpu.sort %gather3A_1085, %gather3A_1085 masked %sort3A_1086 : (vector<16xi32>, vector<16xi32>, vector<16xi1>) -> (vector<16xi1>, vector<16xi32>, vector<16xi32>)
        %eq3A_1090 = arith.constant 9 : i32
        %eq3A_1091 = vector.broadcast %eq3A_1090 : i32 to vector<16xi32>
        %eq3A_1092 = arith.cmpi eq, %iota3A, %eq3A_1091 : vector<16xi32>
        %jit3A_1093 = arith.constant 0 : i32
        %broadcast_in_dim3A_1094 = vector.broadcast %jit3A_1093 : i32 to vector<16xi32>
        %select_n3A_1095 = arith.select %eq3A_1092, %get3A_589, %broadcast_in_dim3A_1094 : vector<16xi1>, vector<16xi32>
        %reduce_sum3A_1096 = arith.constant true
        %reduce_sum3A_1097 = vector.broadcast %reduce_sum3A_1096 : i1 to vector<16xi1>
        %reduce_sum3A_1098 = tpu.scan <sum>, %select_n3A_1095 masked %reduce_sum3A_1097 : vector<16xi32>, vector<16xi1> -> vector<16xi32>
        %reduce_sum3A_1099 = vector.extract %reduce_sum3A_1098[15] : i32 from vector<16xi32>
        %mul3A_1100 = arith.constant 128 : i32
        %mul3A_1101 = vector.broadcast %mul3A_1100 : i32 to vector<16xi32>
        %mul3A_1102 = arith.muli %mul3A_1101, %iota3A : vector<16xi32>
        %add3A_1103 = vector.broadcast %reduce_sum3A_1099 : i32 to vector<16xi32>
        %add3A_1104 = arith.addi %add3A_1103, %mul3A_1102 : vector<16xi32>
        %gather3A_1105 = tpu.vector_load_idx %arg6[%broadcast_in_dim3A_590, %add3A_1104] : memref<16x2048xi32, #tpu.memory_space<vmem>>[vector<16xi32>, vector<16xi32>], vector<16xi32>,
        %sort3A_1106 = arith.constant dense<true> : vector<16xi1>
        %sort3A_1107, %sort3A_1108, %sort3A_1109 = tpu.sort %gather3A_1105, %gather3A_1105 masked %sort3A_1106 : (vector<16xi32>, vector<16xi32>, vector<16xi1>) -> (vector<16xi1>, vector<16xi32>, vector<16xi32>)
        %eq3A_1110 = arith.constant 10 : i32
        %eq3A_1111 = vector.broadcast %eq3A_1110 : i32 to vector<16xi32>
        %eq3A_1112 = arith.cmpi eq, %iota3A, %eq3A_1111 : vector<16xi32>
        %jit3A_1113 = arith.constant 0 : i32
        %broadcast_in_dim3A_1114 = vector.broadcast %jit3A_1113 : i32 to vector<16xi32>
        %select_n3A_1115 = arith.select %eq3A_1112, %get3A_589, %broadcast_in_dim3A_1114 : vector<16xi1>, vector<16xi32>
        %reduce_sum3A_1116 = arith.constant true
        %reduce_sum3A_1117 = vector.broadcast %reduce_sum3A_1116 : i1 to vector<16xi1>
        %reduce_sum3A_1118 = tpu.scan <sum>, %select_n3A_1115 masked %reduce_sum3A_1117 : vector<16xi32>, vector<16xi1> -> vector<16xi32>
        %reduce_sum3A_1119 = vector.extract %reduce_sum3A_1118[15] : i32 from vector<16xi32>
        %mul3A_1120 = arith.constant 128 : i32
        %mul3A_1121 = vector.broadcast %mul3A_1120 : i32 to vector<16xi32>
        %mul3A_1122 = arith.muli %mul3A_1121, %iota3A : vector<16xi32>
        %add3A_1123 = vector.broadcast %reduce_sum3A_1119 : i32 to vector<16xi32>
        %add3A_1124 = arith.addi %add3A_1123, %mul3A_1122 : vector<16xi32>
        %gather3A_1125 = tpu.vector_load_idx %arg6[%broadcast_in_dim3A_590, %add3A_1124] : memref<16x2048xi32, #tpu.memory_space<vmem>>[vector<16xi32>, vector<16xi32>], vector<16xi32>,
        %sort3A_1126 = arith.constant dense<true> : vector<16xi1>
        %sort3A_1127, %sort3A_1128, %sort3A_1129 = tpu.sort %gather3A_1125, %gather3A_1125 masked %sort3A_1126 : (vector<16xi32>, vector<16xi32>, vector<16xi1>) -> (vector<16xi1>, vector<16xi32>, vector<16xi32>)
        %eq3A_1130 = arith.constant 11 : i32
        %eq3A_1131 = vector.broadcast %eq3A_1130 : i32 to vector<16xi32>
        %eq3A_1132 = arith.cmpi eq, %iota3A, %eq3A_1131 : vector<16xi32>
        %jit3A_1133 = arith.constant 0 : i32
        %broadcast_in_dim3A_1134 = vector.broadcast %jit3A_1133 : i32 to vector<16xi32>
        %select_n3A_1135 = arith.select %eq3A_1132, %get3A_589, %broadcast_in_dim3A_1134 : vector<16xi1>, vector<16xi32>
        %reduce_sum3A_1136 = arith.constant true
        %reduce_sum3A_1137 = vector.broadcast %reduce_sum3A_1136 : i1 to vector<16xi1>
        %reduce_sum3A_1138 = tpu.scan <sum>, %select_n3A_1135 masked %reduce_sum3A_1137 : vector<16xi32>, vector<16xi1> -> vector<16xi32>
        %reduce_sum3A_1139 = vector.extract %reduce_sum3A_1138[15] : i32 from vector<16xi32>
        %mul3A_1140 = arith.constant 128 : i32
        %mul3A_1141 = vector.broadcast %mul3A_1140 : i32 to vector<16xi32>
        %mul3A_1142 = arith.muli %mul3A_1141, %iota3A : vector<16xi32>
        %add3A_1143 = vector.broadcast %reduce_sum3A_1139 : i32 to vector<16xi32>
        %add3A_1144 = arith.addi %add3A_1143, %mul3A_1142 : vector<16xi32>
        %gather3A_1145 = tpu.vector_load_idx %arg6[%broadcast_in_dim3A_590, %add3A_1144] : memref<16x2048xi32, #tpu.memory_space<vmem>>[vector<16xi32>, vector<16xi32>], vector<16xi32>,
        %sort3A_1146 = arith.constant dense<true> : vector<16xi1>
        %sort3A_1147, %sort3A_1148, %sort3A_1149 = tpu.sort %gather3A_1145, %gather3A_1145 masked %sort3A_1146 : (vector<16xi32>, vector<16xi32>, vector<16xi1>) -> (vector<16xi1>, vector<16xi32>, vector<16xi32>)
        %eq3A_1150 = arith.constant 12 : i32
        %eq3A_1151 = vector.broadcast %eq3A_1150 : i32 to vector<16xi32>
        %eq3A_1152 = arith.cmpi eq, %iota3A, %eq3A_1151 : vector<16xi32>
        %jit3A_1153 = arith.constant 0 : i32
        %broadcast_in_dim3A_1154 = vector.broadcast %jit3A_1153 : i32 to vector<16xi32>
        %select_n3A_1155 = arith.select %eq3A_1152, %get3A_589, %broadcast_in_dim3A_1154 : vector<16xi1>, vector<16xi32>
        %reduce_sum3A_1156 = arith.constant true
        %reduce_sum3A_1157 = vector.broadcast %reduce_sum3A_1156 : i1 to vector<16xi1>
        %reduce_sum3A_1158 = tpu.scan <sum>, %select_n3A_1155 masked %reduce_sum3A_1157 : vector<16xi32>, vector<16xi1> -> vector<16xi32>
        %reduce_sum3A_1159 = vector.extract %reduce_sum3A_1158[15] : i32 from vector<16xi32>
        %mul3A_1160 = arith.constant 128 : i32
        %mul3A_1161 = vector.broadcast %mul3A_1160 : i32 to vector<16xi32>
        %mul3A_1162 = arith.muli %mul3A_1161, %iota3A : vector<16xi32>
        %add3A_1163 = vector.broadcast %reduce_sum3A_1159 : i32 to vector<16xi32>
        %add3A_1164 = arith.addi %add3A_1163, %mul3A_1162 : vector<16xi32>
        %gather3A_1165 = tpu.vector_load_idx %arg6[%broadcast_in_dim3A_590, %add3A_1164] : memref<16x2048xi32, #tpu.memory_space<vmem>>[vector<16xi32>, vector<16xi32>], vector<16xi32>,
        %sort3A_1166 = arith.constant dense<true> : vector<16xi1>
        %sort3A_1167, %sort3A_1168, %sort3A_1169 = tpu.sort %gather3A_1165, %gather3A_1165 masked %sort3A_1166 : (vector<16xi32>, vector<16xi32>, vector<16xi1>) -> (vector<16xi1>, vector<16xi32>, vector<16xi32>)
        %eq3A_1170 = arith.constant 13 : i32
        %eq3A_1171 = vector.broadcast %eq3A_1170 : i32 to vector<16xi32>
        %eq3A_1172 = arith.cmpi eq, %iota3A, %eq3A_1171 : vector<16xi32>
        %jit3A_1173 = arith.constant 0 : i32
        %broadcast_in_dim3A_1174 = vector.broadcast %jit3A_1173 : i32 to vector<16xi32>
        %select_n3A_1175 = arith.select %eq3A_1172, %get3A_589, %broadcast_in_dim3A_1174 : vector<16xi1>, vector<16xi32>
        %reduce_sum3A_1176 = arith.constant true
        %reduce_sum3A_1177 = vector.broadcast %reduce_sum3A_1176 : i1 to vector<16xi1>
        %reduce_sum3A_1178 = tpu.scan <sum>, %select_n3A_1175 masked %reduce_sum3A_1177 : vector<16xi32>, vector<16xi1> -> vector<16xi32>
        %reduce_sum3A_1179 = vector.extract %reduce_sum3A_1178[15] : i32 from vector<16xi32>
        %mul3A_1180 = arith.constant 128 : i32
        %mul3A_1181 = vector.broadcast %mul3A_1180 : i32 to vector<16xi32>
        %mul3A_1182 = arith.muli %mul3A_1181, %iota3A : vector<16xi32>
        %add3A_1183 = vector.broadcast %reduce_sum3A_1179 : i32 to vector<16xi32>
        %add3A_1184 = arith.addi %add3A_1183, %mul3A_1182 : vector<16xi32>
        %gather3A_1185 = tpu.vector_load_idx %arg6[%broadcast_in_dim3A_590, %add3A_1184] : memref<16x2048xi32, #tpu.memory_space<vmem>>[vector<16xi32>, vector<16xi32>], vector<16xi32>,
        %sort3A_1186 = arith.constant dense<true> : vector<16xi1>
        %sort3A_1187, %sort3A_1188, %sort3A_1189 = tpu.sort %gather3A_1185, %gather3A_1185 masked %sort3A_1186 : (vector<16xi32>, vector<16xi32>, vector<16xi1>) -> (vector<16xi1>, vector<16xi32>, vector<16xi32>)
        %eq3A_1190 = arith.constant 14 : i32
        %eq3A_1191 = vector.broadcast %eq3A_1190 : i32 to vector<16xi32>
        %eq3A_1192 = arith.cmpi eq, %iota3A, %eq3A_1191 : vector<16xi32>
        %jit3A_1193 = arith.constant 0 : i32
        %broadcast_in_dim3A_1194 = vector.broadcast %jit3A_1193 : i32 to vector<16xi32>
        %select_n3A_1195 = arith.select %eq3A_1192, %get3A_589, %broadcast_in_dim3A_1194 : vector<16xi1>, vector<16xi32>
        %reduce_sum3A_1196 = arith.constant true
        %reduce_sum3A_1197 = vector.broadcast %reduce_sum3A_1196 : i1 to vector<16xi1>
        %reduce_sum3A_1198 = tpu.scan <sum>, %select_n3A_1195 masked %reduce_sum3A_1197 : vector<16xi32>, vector<16xi1> -> vector<16xi32>
        %reduce_sum3A_1199 = vector.extract %reduce_sum3A_1198[15] : i32 from vector<16xi32>
        %mul3A_1200 = arith.constant 128 : i32
        %mul3A_1201 = vector.broadcast %mul3A_1200 : i32 to vector<16xi32>
        %mul3A_1202 = arith.muli %mul3A_1201, %iota3A : vector<16xi32>
        %add3A_1203 = vector.broadcast %reduce_sum3A_1199 : i32 to vector<16xi32>
        %add3A_1204 = arith.addi %add3A_1203, %mul3A_1202 : vector<16xi32>
        %gather3A_1205 = tpu.vector_load_idx %arg6[%broadcast_in_dim3A_590, %add3A_1204] : memref<16x2048xi32, #tpu.memory_space<vmem>>[vector<16xi32>, vector<16xi32>], vector<16xi32>,
        %sort3A_1206 = arith.constant dense<true> : vector<16xi1>
        %sort3A_1207, %sort3A_1208, %sort3A_1209 = tpu.sort %gather3A_1205, %gather3A_1205 masked %sort3A_1206 : (vector<16xi32>, vector<16xi32>, vector<16xi1>) -> (vector<16xi1>, vector<16xi32>, vector<16xi32>)
        %eq3A_1210 = arith.constant 15 : i32
        %eq3A_1211 = vector.broadcast %eq3A_1210 : i32 to vector<16xi32>
        %eq3A_1212 = arith.cmpi eq, %iota3A, %eq3A_1211 : vector<16xi32>
        %jit3A_1213 = arith.constant 0 : i32
        %broadcast_in_dim3A_1214 = vector.broadcast %jit3A_1213 : i32 to vector<16xi32>
        %select_n3A_1215 = arith.select %eq3A_1212, %get3A_589, %broadcast_in_dim3A_1214 : vector<16xi1>, vector<16xi32>
        %reduce_sum3A_1216 = arith.constant true
        %reduce_sum3A_1217 = vector.broadcast %reduce_sum3A_1216 : i1 to vector<16xi1>
        %reduce_sum3A_1218 = tpu.scan <sum>, %select_n3A_1215 masked %reduce_sum3A_1217 : vector<16xi32>, vector<16xi1> -> vector<16xi32>
        %reduce_sum3A_1219 = vector.extract %reduce_sum3A_1218[15] : i32 from vector<16xi32>
        %mul3A_1220 = arith.constant 128 : i32
        %mul3A_1221 = vector.broadcast %mul3A_1220 : i32 to vector<16xi32>
        %mul3A_1222 = arith.muli %mul3A_1221, %iota3A : vector<16xi32>
        %add3A_1223 = vector.broadcast %reduce_sum3A_1219 : i32 to vector<16xi32>
        %add3A_1224 = arith.addi %add3A_1223, %mul3A_1222 : vector<16xi32>
        %gather3A_1225 = tpu.vector_load_idx %arg6[%broadcast_in_dim3A_590, %add3A_1224] : memref<16x2048xi32, #tpu.memory_space<vmem>>[vector<16xi32>, vector<16xi32>], vector<16xi32>,
        %sort3A_1226 = arith.constant dense<true> : vector<16xi1>
        %sort3A_1227, %sort3A_1228, %sort3A_1229 = tpu.sort %gather3A_1225, %gather3A_1225 masked %sort3A_1226 : (vector<16xi32>, vector<16xi32>, vector<16xi1>) -> (vector<16xi1>, vector<16xi32>, vector<16xi32>)
        %rev3A_1230 = arith.constant 15 : i32
        %rev3A_1231 = vector.broadcast %rev3A_1230 : i32 to vector<16xi32>
        %rev3A_1232 = tpu.iota {dimensions = array<i32: 0>} : vector<16xi32>
        %rev3A_1233 = arith.subi %rev3A_1231, %rev3A_1232 : vector<16xi32>
        %rev3A_1234 = tpu.dynamic_gather %sort3A_628[%rev3A_1233] in [0] : vector<16xi32>, vector<16xi32> -> vector<16xi32>
        %min3A_1235 = arith.minsi %sort3A_608, %rev3A_1234 : vector<16xi32>
        %max3A_1236 = arith.maxsi %sort3A_608, %rev3A_1234 : vector<16xi32>
        %sort3A_1237 = arith.constant dense<true> : vector<16xi1>
        %sort3A_1238, %sort3A_1239, %sort3A_1240 = tpu.sort %min3A_1235, %min3A_1235 masked %sort3A_1237 : (vector<16xi32>, vector<16xi32>, vector<16xi1>) -> (vector<16xi1>, vector<16xi32>, vector<16xi32>)
        %sort3A_1241 = arith.constant dense<true> : vector<16xi1>
        %sort3A_1242, %sort3A_1243, %sort3A_1244 = tpu.sort %max3A_1236, %max3A_1236 masked %sort3A_1241 : (vector<16xi32>, vector<16xi32>, vector<16xi1>) -> (vector<16xi1>, vector<16xi32>, vector<16xi32>)
        %rev3A_1245 = arith.constant 15 : i32
        %rev3A_1246 = vector.broadcast %rev3A_1245 : i32 to vector<16xi32>
        %rev3A_1247 = tpu.iota {dimensions = array<i32: 0>} : vector<16xi32>
        %rev3A_1248 = arith.subi %rev3A_1246, %rev3A_1247 : vector<16xi32>
        %rev3A_1249 = tpu.dynamic_gather %sort3A_668[%rev3A_1248] in [0] : vector<16xi32>, vector<16xi32> -> vector<16xi32>
        %min3A_1250 = arith.minsi %sort3A_648, %rev3A_1249 : vector<16xi32>
        %max3A_1251 = arith.maxsi %sort3A_648, %rev3A_1249 : vector<16xi32>
        %sort3A_1252 = arith.constant dense<true> : vector<16xi1>
        %sort3A_1253, %sort3A_1254, %sort3A_1255 = tpu.sort %min3A_1250, %min3A_1250 masked %sort3A_1252 : (vector<16xi32>, vector<16xi32>, vector<16xi1>) -> (vector<16xi1>, vector<16xi32>, vector<16xi32>)
        %sort3A_1256 = arith.constant dense<true> : vector<16xi1>
        %sort3A_1257, %sort3A_1258, %sort3A_1259 = tpu.sort %max3A_1251, %max3A_1251 masked %sort3A_1256 : (vector<16xi32>, vector<16xi32>, vector<16xi1>) -> (vector<16xi1>, vector<16xi32>, vector<16xi32>)
        %rev3A_1260 = arith.constant 15 : i32
        %rev3A_1261 = vector.broadcast %rev3A_1260 : i32 to vector<16xi32>
        %rev3A_1262 = tpu.iota {dimensions = array<i32: 0>} : vector<16xi32>
        %rev3A_1263 = arith.subi %rev3A_1261, %rev3A_1262 : vector<16xi32>
        %rev3A_1264 = tpu.dynamic_gather %sort3A_708[%rev3A_1263] in [0] : vector<16xi32>, vector<16xi32> -> vector<16xi32>
        %min3A_1265 = arith.minsi %sort3A_688, %rev3A_1264 : vector<16xi32>
        %max3A_1266 = arith.maxsi %sort3A_688, %rev3A_1264 : vector<16xi32>
        %sort3A_1267 = arith.constant dense<true> : vector<16xi1>
        %sort3A_1268, %sort3A_1269, %sort3A_1270 = tpu.sort %min3A_1265, %min3A_1265 masked %sort3A_1267 : (vector<16xi32>, vector<16xi32>, vector<16xi1>) -> (vector<16xi1>, vector<16xi32>, vector<16xi32>)
        %sort3A_1271 = arith.constant dense<true> : vector<16xi1>
        %sort3A_1272, %sort3A_1273, %sort3A_1274 = tpu.sort %max3A_1266, %max3A_1266 masked %sort3A_1271 : (vector<16xi32>, vector<16xi32>, vector<16xi1>) -> (vector<16xi1>, vector<16xi32>, vector<16xi32>)
        %rev3A_1275 = arith.constant 15 : i32
        %rev3A_1276 = vector.broadcast %rev3A_1275 : i32 to vector<16xi32>
        %rev3A_1277 = tpu.iota {dimensions = array<i32: 0>} : vector<16xi32>
        %rev3A_1278 = arith.subi %rev3A_1276, %rev3A_1277 : vector<16xi32>
        %rev3A_1279 = tpu.dynamic_gather %sort3A_748[%rev3A_1278] in [0] : vector<16xi32>, vector<16xi32> -> vector<16xi32>
        %min3A_1280 = arith.minsi %sort3A_728, %rev3A_1279 : vector<16xi32>
        %max3A_1281 = arith.maxsi %sort3A_728, %rev3A_1279 : vector<16xi32>
        %sort3A_1282 = arith.constant dense<true> : vector<16xi1>
        %sort3A_1283, %sort3A_1284, %sort3A_1285 = tpu.sort %min3A_1280, %min3A_1280 masked %sort3A_1282 : (vector<16xi32>, vector<16xi32>, vector<16xi1>) -> (vector<16xi1>, vector<16xi32>, vector<16xi32>)
        %sort3A_1286 = arith.constant dense<true> : vector<16xi1>
        %sort3A_1287, %sort3A_1288, %sort3A_1289 = tpu.sort %max3A_1281, %max3A_1281 masked %sort3A_1286 : (vector<16xi32>, vector<16xi32>, vector<16xi1>) -> (vector<16xi1>, vector<16xi32>, vector<16xi32>)
        %rev3A_1290 = arith.constant 15 : i32
        %rev3A_1291 = vector.broadcast %rev3A_1290 : i32 to vector<16xi32>
        %rev3A_1292 = tpu.iota {dimensions = array<i32: 0>} : vector<16xi32>
        %rev3A_1293 = arith.subi %rev3A_1291, %rev3A_1292 : vector<16xi32>
        %rev3A_1294 = tpu.dynamic_gather %sort3A_788[%rev3A_1293] in [0] : vector<16xi32>, vector<16xi32> -> vector<16xi32>
        %min3A_1295 = arith.minsi %sort3A_768, %rev3A_1294 : vector<16xi32>
        %max3A_1296 = arith.maxsi %sort3A_768, %rev3A_1294 : vector<16xi32>
        %sort3A_1297 = arith.constant dense<true> : vector<16xi1>
        %sort3A_1298, %sort3A_1299, %sort3A_1300 = tpu.sort %min3A_1295, %min3A_1295 masked %sort3A_1297 : (vector<16xi32>, vector<16xi32>, vector<16xi1>) -> (vector<16xi1>, vector<16xi32>, vector<16xi32>)
        %sort3A_1301 = arith.constant dense<true> : vector<16xi1>
        %sort3A_1302, %sort3A_1303, %sort3A_1304 = tpu.sort %max3A_1296, %max3A_1296 masked %sort3A_1301 : (vector<16xi32>, vector<16xi32>, vector<16xi1>) -> (vector<16xi1>, vector<16xi32>, vector<16xi32>)
        %rev3A_1305 = arith.constant 15 : i32
        %rev3A_1306 = vector.broadcast %rev3A_1305 : i32 to vector<16xi32>
        %rev3A_1307 = tpu.iota {dimensions = array<i32: 0>} : vector<16xi32>
        %rev3A_1308 = arith.subi %rev3A_1306, %rev3A_1307 : vector<16xi32>
        %rev3A_1309 = tpu.dynamic_gather %sort3A_828[%rev3A_1308] in [0] : vector<16xi32>, vector<16xi32> -> vector<16xi32>
        %min3A_1310 = arith.minsi %sort3A_808, %rev3A_1309 : vector<16xi32>
        %max3A_1311 = arith.maxsi %sort3A_808, %rev3A_1309 : vector<16xi32>
        %sort3A_1312 = arith.constant dense<true> : vector<16xi1>
        %sort3A_1313, %sort3A_1314, %sort3A_1315 = tpu.sort %min3A_1310, %min3A_1310 masked %sort3A_1312 : (vector<16xi32>, vector<16xi32>, vector<16xi1>) -> (vector<16xi1>, vector<16xi32>, vector<16xi32>)
        %sort3A_1316 = arith.constant dense<true> : vector<16xi1>
        %sort3A_1317, %sort3A_1318, %sort3A_1319 = tpu.sort %max3A_1311, %max3A_1311 masked %sort3A_1316 : (vector<16xi32>, vector<16xi32>, vector<16xi1>) -> (vector<16xi1>, vector<16xi32>, vector<16xi32>)
        %rev3A_1320 = arith.constant 15 : i32
        %rev3A_1321 = vector.broadcast %rev3A_1320 : i32 to vector<16xi32>
        %rev3A_1322 = tpu.iota {dimensions = array<i32: 0>} : vector<16xi32>
        %rev3A_1323 = arith.subi %rev3A_1321, %rev3A_1322 : vector<16xi32>
        %rev3A_1324 = tpu.dynamic_gather %sort3A_868[%rev3A_1323] in [0] : vector<16xi32>, vector<16xi32> -> vector<16xi32>
        %min3A_1325 = arith.minsi %sort3A_848, %rev3A_1324 : vector<16xi32>
        %max3A_1326 = arith.maxsi %sort3A_848, %rev3A_1324 : vector<16xi32>
        %sort3A_1327 = arith.constant dense<true> : vector<16xi1>
        %sort3A_1328, %sort3A_1329, %sort3A_1330 = tpu.sort %min3A_1325, %min3A_1325 masked %sort3A_1327 : (vector<16xi32>, vector<16xi32>, vector<16xi1>) -> (vector<16xi1>, vector<16xi32>, vector<16xi32>)
        %sort3A_1331 = arith.constant dense<true> : vector<16xi1>
        %sort3A_1332, %sort3A_1333, %sort3A_1334 = tpu.sort %max3A_1326, %max3A_1326 masked %sort3A_1331 : (vector<16xi32>, vector<16xi32>, vector<16xi1>) -> (vector<16xi1>, vector<16xi32>, vector<16xi32>)
        %rev3A_1335 = arith.constant 15 : i32
        %rev3A_1336 = vector.broadcast %rev3A_1335 : i32 to vector<16xi32>
        %rev3A_1337 = tpu.iota {dimensions = array<i32: 0>} : vector<16xi32>
        %rev3A_1338 = arith.subi %rev3A_1336, %rev3A_1337 : vector<16xi32>
        %rev3A_1339 = tpu.dynamic_gather %sort3A_908[%rev3A_1338] in [0] : vector<16xi32>, vector<16xi32> -> vector<16xi32>
        %min3A_1340 = arith.minsi %sort3A_888, %rev3A_1339 : vector<16xi32>
        %max3A_1341 = arith.maxsi %sort3A_888, %rev3A_1339 : vector<16xi32>
        %sort3A_1342 = arith.constant dense<true> : vector<16xi1>
        %sort3A_1343, %sort3A_1344, %sort3A_1345 = tpu.sort %min3A_1340, %min3A_1340 masked %sort3A_1342 : (vector<16xi32>, vector<16xi32>, vector<16xi1>) -> (vector<16xi1>, vector<16xi32>, vector<16xi32>)
        %sort3A_1346 = arith.constant dense<true> : vector<16xi1>
        %sort3A_1347, %sort3A_1348, %sort3A_1349 = tpu.sort %max3A_1341, %max3A_1341 masked %sort3A_1346 : (vector<16xi32>, vector<16xi32>, vector<16xi1>) -> (vector<16xi1>, vector<16xi32>, vector<16xi32>)
        %rev3A_1350 = arith.constant 15 : i32
        %rev3A_1351 = vector.broadcast %rev3A_1350 : i32 to vector<16xi32>
        %rev3A_1352 = tpu.iota {dimensions = array<i32: 0>} : vector<16xi32>
        %rev3A_1353 = arith.subi %rev3A_1351, %rev3A_1352 : vector<16xi32>
        %rev3A_1354 = tpu.dynamic_gather %sort3A_948[%rev3A_1353] in [0] : vector<16xi32>, vector<16xi32> -> vector<16xi32>
        %min3A_1355 = arith.minsi %sort3A_928, %rev3A_1354 : vector<16xi32>
        %max3A_1356 = arith.maxsi %sort3A_928, %rev3A_1354 : vector<16xi32>
        %sort3A_1357 = arith.constant dense<true> : vector<16xi1>
        %sort3A_1358, %sort3A_1359, %sort3A_1360 = tpu.sort %min3A_1355, %min3A_1355 masked %sort3A_1357 : (vector<16xi32>, vector<16xi32>, vector<16xi1>) -> (vector<16xi1>, vector<16xi32>, vector<16xi32>)
        %sort3A_1361 = arith.constant dense<true> : vector<16xi1>
        %sort3A_1362, %sort3A_1363, %sort3A_1364 = tpu.sort %max3A_1356, %max3A_1356 masked %sort3A_1361 : (vector<16xi32>, vector<16xi32>, vector<16xi1>) -> (vector<16xi1>, vector<16xi32>, vector<16xi32>)
        %rev3A_1365 = arith.constant 15 : i32
        %rev3A_1366 = vector.broadcast %rev3A_1365 : i32 to vector<16xi32>
        %rev3A_1367 = tpu.iota {dimensions = array<i32: 0>} : vector<16xi32>
        %rev3A_1368 = arith.subi %rev3A_1366, %rev3A_1367 : vector<16xi32>
        %rev3A_1369 = tpu.dynamic_gather %sort3A_988[%rev3A_1368] in [0] : vector<16xi32>, vector<16xi32> -> vector<16xi32>
        %min3A_1370 = arith.minsi %sort3A_968, %rev3A_1369 : vector<16xi32>
        %max3A_1371 = arith.maxsi %sort3A_968, %rev3A_1369 : vector<16xi32>
        %sort3A_1372 = arith.constant dense<true> : vector<16xi1>
        %sort3A_1373, %sort3A_1374, %sort3A_1375 = tpu.sort %min3A_1370, %min3A_1370 masked %sort3A_1372 : (vector<16xi32>, vector<16xi32>, vector<16xi1>) -> (vector<16xi1>, vector<16xi32>, vector<16xi32>)
        %sort3A_1376 = arith.constant dense<true> : vector<16xi1>
        %sort3A_1377, %sort3A_1378, %sort3A_1379 = tpu.sort %max3A_1371, %max3A_1371 masked %sort3A_1376 : (vector<16xi32>, vector<16xi32>, vector<16xi1>) -> (vector<16xi1>, vector<16xi32>, vector<16xi32>)
        %rev3A_1380 = arith.constant 15 : i32
        %rev3A_1381 = vector.broadcast %rev3A_1380 : i32 to vector<16xi32>
        %rev3A_1382 = tpu.iota {dimensions = array<i32: 0>} : vector<16xi32>
        %rev3A_1383 = arith.subi %rev3A_1381, %rev3A_1382 : vector<16xi32>
        %rev3A_1384 = tpu.dynamic_gather %sort3A_1028[%rev3A_1383] in [0] : vector<16xi32>, vector<16xi32> -> vector<16xi32>
        %min3A_1385 = arith.minsi %sort3A_1008, %rev3A_1384 : vector<16xi32>
        %max3A_1386 = arith.maxsi %sort3A_1008, %rev3A_1384 : vector<16xi32>
        %sort3A_1387 = arith.constant dense<true> : vector<16xi1>
        %sort3A_1388, %sort3A_1389, %sort3A_1390 = tpu.sort %min3A_1385, %min3A_1385 masked %sort3A_1387 : (vector<16xi32>, vector<16xi32>, vector<16xi1>) -> (vector<16xi1>, vector<16xi32>, vector<16xi32>)
        %sort3A_1391 = arith.constant dense<true> : vector<16xi1>
        %sort3A_1392, %sort3A_1393, %sort3A_1394 = tpu.sort %max3A_1386, %max3A_1386 masked %sort3A_1391 : (vector<16xi32>, vector<16xi32>, vector<16xi1>) -> (vector<16xi1>, vector<16xi32>, vector<16xi32>)
        %rev3A_1395 = arith.constant 15 : i32
        %rev3A_1396 = vector.broadcast %rev3A_1395 : i32 to vector<16xi32>
        %rev3A_1397 = tpu.iota {dimensions = array<i32: 0>} : vector<16xi32>
        %rev3A_1398 = arith.subi %rev3A_1396, %rev3A_1397 : vector<16xi32>
        %rev3A_1399 = tpu.dynamic_gather %sort3A_1068[%rev3A_1398] in [0] : vector<16xi32>, vector<16xi32> -> vector<16xi32>
        %min3A_1400 = arith.minsi %sort3A_1048, %rev3A_1399 : vector<16xi32>
        %max3A_1401 = arith.maxsi %sort3A_1048, %rev3A_1399 : vector<16xi32>
        %sort3A_1402 = arith.constant dense<true> : vector<16xi1>
        %sort3A_1403, %sort3A_1404, %sort3A_1405 = tpu.sort %min3A_1400, %min3A_1400 masked %sort3A_1402 : (vector<16xi32>, vector<16xi32>, vector<16xi1>) -> (vector<16xi1>, vector<16xi32>, vector<16xi32>)
        %sort3A_1406 = arith.constant dense<true> : vector<16xi1>
        %sort3A_1407, %sort3A_1408, %sort3A_1409 = tpu.sort %max3A_1401, %max3A_1401 masked %sort3A_1406 : (vector<16xi32>, vector<16xi32>, vector<16xi1>) -> (vector<16xi1>, vector<16xi32>, vector<16xi32>)
        %rev3A_1410 = arith.constant 15 : i32
        %rev3A_1411 = vector.broadcast %rev3A_1410 : i32 to vector<16xi32>
        %rev3A_1412 = tpu.iota {dimensions = array<i32: 0>} : vector<16xi32>
        %rev3A_1413 = arith.subi %rev3A_1411, %rev3A_1412 : vector<16xi32>
        %rev3A_1414 = tpu.dynamic_gather %sort3A_1108[%rev3A_1413] in [0] : vector<16xi32>, vector<16xi32> -> vector<16xi32>
        %min3A_1415 = arith.minsi %sort3A_1088, %rev3A_1414 : vector<16xi32>
        %max3A_1416 = arith.maxsi %sort3A_1088, %rev3A_1414 : vector<16xi32>
        %sort3A_1417 = arith.constant dense<true> : vector<16xi1>
        %sort3A_1418, %sort3A_1419, %sort3A_1420 = tpu.sort %min3A_1415, %min3A_1415 masked %sort3A_1417 : (vector<16xi32>, vector<16xi32>, vector<16xi1>) -> (vector<16xi1>, vector<16xi32>, vector<16xi32>)
        %sort3A_1421 = arith.constant dense<true> : vector<16xi1>
        %sort3A_1422, %sort3A_1423, %sort3A_1424 = tpu.sort %max3A_1416, %max3A_1416 masked %sort3A_1421 : (vector<16xi32>, vector<16xi32>, vector<16xi1>) -> (vector<16xi1>, vector<16xi32>, vector<16xi32>)
        %rev3A_1425 = arith.constant 15 : i32
        %rev3A_1426 = vector.broadcast %rev3A_1425 : i32 to vector<16xi32>
        %rev3A_1427 = tpu.iota {dimensions = array<i32: 0>} : vector<16xi32>
        %rev3A_1428 = arith.subi %rev3A_1426, %rev3A_1427 : vector<16xi32>
        %rev3A_1429 = tpu.dynamic_gather %sort3A_1148[%rev3A_1428] in [0] : vector<16xi32>, vector<16xi32> -> vector<16xi32>
        %min3A_1430 = arith.minsi %sort3A_1128, %rev3A_1429 : vector<16xi32>
        %max3A_1431 = arith.maxsi %sort3A_1128, %rev3A_1429 : vector<16xi32>
        %sort3A_1432 = arith.constant dense<true> : vector<16xi1>
        %sort3A_1433, %sort3A_1434, %sort3A_1435 = tpu.sort %min3A_1430, %min3A_1430 masked %sort3A_1432 : (vector<16xi32>, vector<16xi32>, vector<16xi1>) -> (vector<16xi1>, vector<16xi32>, vector<16xi32>)
        %sort3A_1436 = arith.constant dense<true> : vector<16xi1>
        %sort3A_1437, %sort3A_1438, %sort3A_1439 = tpu.sort %max3A_1431, %max3A_1431 masked %sort3A_1436 : (vector<16xi32>, vector<16xi32>, vector<16xi1>) -> (vector<16xi1>, vector<16xi32>, vector<16xi32>)
        %rev3A_1440 = arith.constant 15 : i32
        %rev3A_1441 = vector.broadcast %rev3A_1440 : i32 to vector<16xi32>
        %rev3A_1442 = tpu.iota {dimensions = array<i32: 0>} : vector<16xi32>
        %rev3A_1443 = arith.subi %rev3A_1441, %rev3A_1442 : vector<16xi32>
        %rev3A_1444 = tpu.dynamic_gather %sort3A_1188[%rev3A_1443] in [0] : vector<16xi32>, vector<16xi32> -> vector<16xi32>
        %min3A_1445 = arith.minsi %sort3A_1168, %rev3A_1444 : vector<16xi32>
        %max3A_1446 = arith.maxsi %sort3A_1168, %rev3A_1444 : vector<16xi32>
        %sort3A_1447 = arith.constant dense<true> : vector<16xi1>
        %sort3A_1448, %sort3A_1449, %sort3A_1450 = tpu.sort %min3A_1445, %min3A_1445 masked %sort3A_1447 : (vector<16xi32>, vector<16xi32>, vector<16xi1>) -> (vector<16xi1>, vector<16xi32>, vector<16xi32>)
        %sort3A_1451 = arith.constant dense<true> : vector<16xi1>
        %sort3A_1452, %sort3A_1453, %sort3A_1454 = tpu.sort %max3A_1446, %max3A_1446 masked %sort3A_1451 : (vector<16xi32>, vector<16xi32>, vector<16xi1>) -> (vector<16xi1>, vector<16xi32>, vector<16xi32>)
        %rev3A_1455 = arith.constant 15 : i32
        %rev3A_1456 = vector.broadcast %rev3A_1455 : i32 to vector<16xi32>
        %rev3A_1457 = tpu.iota {dimensions = array<i32: 0>} : vector<16xi32>
        %rev3A_1458 = arith.subi %rev3A_1456, %rev3A_1457 : vector<16xi32>
        %rev3A_1459 = tpu.dynamic_gather %sort3A_1228[%rev3A_1458] in [0] : vector<16xi32>, vector<16xi32> -> vector<16xi32>
        %min3A_1460 = arith.minsi %sort3A_1208, %rev3A_1459 : vector<16xi32>
        %max3A_1461 = arith.maxsi %sort3A_1208, %rev3A_1459 : vector<16xi32>
        %sort3A_1462 = arith.constant dense<true> : vector<16xi1>
        %sort3A_1463, %sort3A_1464, %sort3A_1465 = tpu.sort %min3A_1460, %min3A_1460 masked %sort3A_1462 : (vector<16xi32>, vector<16xi32>, vector<16xi1>) -> (vector<16xi1>, vector<16xi32>, vector<16xi32>)
        %sort3A_1466 = arith.constant dense<true> : vector<16xi1>
        %sort3A_1467, %sort3A_1468, %sort3A_1469 = tpu.sort %max3A_1461, %max3A_1461 masked %sort3A_1466 : (vector<16xi32>, vector<16xi32>, vector<16xi1>) -> (vector<16xi1>, vector<16xi32>, vector<16xi32>)
        %rev3A_1470 = arith.constant 15 : i32
        %rev3A_1471 = vector.broadcast %rev3A_1470 : i32 to vector<16xi32>
        %rev3A_1472 = tpu.iota {dimensions = array<i32: 0>} : vector<16xi32>
        %rev3A_1473 = arith.subi %rev3A_1471, %rev3A_1472 : vector<16xi32>
        %rev3A_1474 = tpu.dynamic_gather %sort3A_1258[%rev3A_1473] in [0] : vector<16xi32>, vector<16xi32> -> vector<16xi32>
        %max3A_1475 = arith.maxsi %sort3A_1239, %rev3A_1474 : vector<16xi32>
        %rev3A_1476 = arith.constant 15 : i32
        %rev3A_1477 = vector.broadcast %rev3A_1476 : i32 to vector<16xi32>
        %rev3A_1478 = tpu.iota {dimensions = array<i32: 0>} : vector<16xi32>
        %rev3A_1479 = arith.subi %rev3A_1477, %rev3A_1478 : vector<16xi32>
        %rev3A_1480 = tpu.dynamic_gather %sort3A_1254[%rev3A_1479] in [0] : vector<16xi32>, vector<16xi32> -> vector<16xi32>
        %max3A_1481 = arith.maxsi %sort3A_1243, %rev3A_1480 : vector<16xi32>
        %min3A_1482 = arith.minsi %max3A_1475, %max3A_1481 : vector<16xi32>
        %max3A_1483 = arith.maxsi %max3A_1475, %max3A_1481 : vector<16xi32>
        %sort3A_1484 = arith.constant dense<true> : vector<16xi1>
        %sort3A_1485, %sort3A_1486, %sort3A_1487 = tpu.sort %min3A_1482, %min3A_1482 masked %sort3A_1484 : (vector<16xi32>, vector<16xi32>, vector<16xi1>) -> (vector<16xi1>, vector<16xi32>, vector<16xi32>)
        %sort3A_1488 = arith.constant dense<true> : vector<16xi1>
        %sort3A_1489, %sort3A_1490, %sort3A_1491 = tpu.sort %max3A_1483, %max3A_1483 masked %sort3A_1488 : (vector<16xi32>, vector<16xi32>, vector<16xi1>) -> (vector<16xi1>, vector<16xi32>, vector<16xi32>)
        %rev3A_1492 = arith.constant 15 : i32
        %rev3A_1493 = vector.broadcast %rev3A_1492 : i32 to vector<16xi32>
        %rev3A_1494 = tpu.iota {dimensions = array<i32: 0>} : vector<16xi32>
        %rev3A_1495 = arith.subi %rev3A_1493, %rev3A_1494 : vector<16xi32>
        %rev3A_1496 = tpu.dynamic_gather %sort3A_1288[%rev3A_1495] in [0] : vector<16xi32>, vector<16xi32> -> vector<16xi32>
        %max3A_1497 = arith.maxsi %sort3A_1269, %rev3A_1496 : vector<16xi32>
        %rev3A_1498 = arith.constant 15 : i32
        %rev3A_1499 = vector.broadcast %rev3A_1498 : i32 to vector<16xi32>
        %rev3A_1500 = tpu.iota {dimensions = array<i32: 0>} : vector<16xi32>
        %rev3A_1501 = arith.subi %rev3A_1499, %rev3A_1500 : vector<16xi32>
        %rev3A_1502 = tpu.dynamic_gather %sort3A_1284[%rev3A_1501] in [0] : vector<16xi32>, vector<16xi32> -> vector<16xi32>
        %max3A_1503 = arith.maxsi %sort3A_1273, %rev3A_1502 : vector<16xi32>
        %min3A_1504 = arith.minsi %max3A_1497, %max3A_1503 : vector<16xi32>
        %max3A_1505 = arith.maxsi %max3A_1497, %max3A_1503 : vector<16xi32>
        %sort3A_1506 = arith.constant dense<true> : vector<16xi1>
        %sort3A_1507, %sort3A_1508, %sort3A_1509 = tpu.sort %min3A_1504, %min3A_1504 masked %sort3A_1506 : (vector<16xi32>, vector<16xi32>, vector<16xi1>) -> (vector<16xi1>, vector<16xi32>, vector<16xi32>)
        %sort3A_1510 = arith.constant dense<true> : vector<16xi1>
        %sort3A_1511, %sort3A_1512, %sort3A_1513 = tpu.sort %max3A_1505, %max3A_1505 masked %sort3A_1510 : (vector<16xi32>, vector<16xi32>, vector<16xi1>) -> (vector<16xi1>, vector<16xi32>, vector<16xi32>)
        %rev3A_1514 = arith.constant 15 : i32
        %rev3A_1515 = vector.broadcast %rev3A_1514 : i32 to vector<16xi32>
        %rev3A_1516 = tpu.iota {dimensions = array<i32: 0>} : vector<16xi32>
        %rev3A_1517 = arith.subi %rev3A_1515, %rev3A_1516 : vector<16xi32>
        %rev3A_1518 = tpu.dynamic_gather %sort3A_1318[%rev3A_1517] in [0] : vector<16xi32>, vector<16xi32> -> vector<16xi32>
        %max3A_1519 = arith.maxsi %sort3A_1299, %rev3A_1518 : vector<16xi32>
        %rev3A_1520 = arith.constant 15 : i32
        %rev3A_1521 = vector.broadcast %rev3A_1520 : i32 to vector<16xi32>
        %rev3A_1522 = tpu.iota {dimensions = array<i32: 0>} : vector<16xi32>
        %rev3A_1523 = arith.subi %rev3A_1521, %rev3A_1522 : vector<16xi32>
        %rev3A_1524 = tpu.dynamic_gather %sort3A_1314[%rev3A_1523] in [0] : vector<16xi32>, vector<16xi32> -> vector<16xi32>
        %max3A_1525 = arith.maxsi %sort3A_1303, %rev3A_1524 : vector<16xi32>
        %min3A_1526 = arith.minsi %max3A_1519, %max3A_1525 : vector<16xi32>
        %max3A_1527 = arith.maxsi %max3A_1519, %max3A_1525 : vector<16xi32>
        %sort3A_1528 = arith.constant dense<true> : vector<16xi1>
        %sort3A_1529, %sort3A_1530, %sort3A_1531 = tpu.sort %min3A_1526, %min3A_1526 masked %sort3A_1528 : (vector<16xi32>, vector<16xi32>, vector<16xi1>) -> (vector<16xi1>, vector<16xi32>, vector<16xi32>)
        %sort3A_1532 = arith.constant dense<true> : vector<16xi1>
        %sort3A_1533, %sort3A_1534, %sort3A_1535 = tpu.sort %max3A_1527, %max3A_1527 masked %sort3A_1532 : (vector<16xi32>, vector<16xi32>, vector<16xi1>) -> (vector<16xi1>, vector<16xi32>, vector<16xi32>)
        %rev3A_1536 = arith.constant 15 : i32
        %rev3A_1537 = vector.broadcast %rev3A_1536 : i32 to vector<16xi32>
        %rev3A_1538 = tpu.iota {dimensions = array<i32: 0>} : vector<16xi32>
        %rev3A_1539 = arith.subi %rev3A_1537, %rev3A_1538 : vector<16xi32>
        %rev3A_1540 = tpu.dynamic_gather %sort3A_1348[%rev3A_1539] in [0] : vector<16xi32>, vector<16xi32> -> vector<16xi32>
        %max3A_1541 = arith.maxsi %sort3A_1329, %rev3A_1540 : vector<16xi32>
        %rev3A_1542 = arith.constant 15 : i32
        %rev3A_1543 = vector.broadcast %rev3A_1542 : i32 to vector<16xi32>
        %rev3A_1544 = tpu.iota {dimensions = array<i32: 0>} : vector<16xi32>
        %rev3A_1545 = arith.subi %rev3A_1543, %rev3A_1544 : vector<16xi32>
        %rev3A_1546 = tpu.dynamic_gather %sort3A_1344[%rev3A_1545] in [0] : vector<16xi32>, vector<16xi32> -> vector<16xi32>
        %max3A_1547 = arith.maxsi %sort3A_1333, %rev3A_1546 : vector<16xi32>
        %min3A_1548 = arith.minsi %max3A_1541, %max3A_1547 : vector<16xi32>
        %max3A_1549 = arith.maxsi %max3A_1541, %max3A_1547 : vector<16xi32>
        %sort3A_1550 = arith.constant dense<true> : vector<16xi1>
        %sort3A_1551, %sort3A_1552, %sort3A_1553 = tpu.sort %min3A_1548, %min3A_1548 masked %sort3A_1550 : (vector<16xi32>, vector<16xi32>, vector<16xi1>) -> (vector<16xi1>, vector<16xi32>, vector<16xi32>)
        %sort3A_1554 = arith.constant dense<true> : vector<16xi1>
        %sort3A_1555, %sort3A_1556, %sort3A_1557 = tpu.sort %max3A_1549, %max3A_1549 masked %sort3A_1554 : (vector<16xi32>, vector<16xi32>, vector<16xi1>) -> (vector<16xi1>, vector<16xi32>, vector<16xi32>)
        %rev3A_1558 = arith.constant 15 : i32
        %rev3A_1559 = vector.broadcast %rev3A_1558 : i32 to vector<16xi32>
        %rev3A_1560 = tpu.iota {dimensions = array<i32: 0>} : vector<16xi32>
        %rev3A_1561 = arith.subi %rev3A_1559, %rev3A_1560 : vector<16xi32>
        %rev3A_1562 = tpu.dynamic_gather %sort3A_1378[%rev3A_1561] in [0] : vector<16xi32>, vector<16xi32> -> vector<16xi32>
        %max3A_1563 = arith.maxsi %sort3A_1359, %rev3A_1562 : vector<16xi32>
        %rev3A_1564 = arith.constant 15 : i32
        %rev3A_1565 = vector.broadcast %rev3A_1564 : i32 to vector<16xi32>
        %rev3A_1566 = tpu.iota {dimensions = array<i32: 0>} : vector<16xi32>
        %rev3A_1567 = arith.subi %rev3A_1565, %rev3A_1566 : vector<16xi32>
        %rev3A_1568 = tpu.dynamic_gather %sort3A_1374[%rev3A_1567] in [0] : vector<16xi32>, vector<16xi32> -> vector<16xi32>
        %max3A_1569 = arith.maxsi %sort3A_1363, %rev3A_1568 : vector<16xi32>
        %min3A_1570 = arith.minsi %max3A_1563, %max3A_1569 : vector<16xi32>
        %max3A_1571 = arith.maxsi %max3A_1563, %max3A_1569 : vector<16xi32>
        %sort3A_1572 = arith.constant dense<true> : vector<16xi1>
        %sort3A_1573, %sort3A_1574, %sort3A_1575 = tpu.sort %min3A_1570, %min3A_1570 masked %sort3A_1572 : (vector<16xi32>, vector<16xi32>, vector<16xi1>) -> (vector<16xi1>, vector<16xi32>, vector<16xi32>)
        %sort3A_1576 = arith.constant dense<true> : vector<16xi1>
        %sort3A_1577, %sort3A_1578, %sort3A_1579 = tpu.sort %max3A_1571, %max3A_1571 masked %sort3A_1576 : (vector<16xi32>, vector<16xi32>, vector<16xi1>) -> (vector<16xi1>, vector<16xi32>, vector<16xi32>)
        %rev3A_1580 = arith.constant 15 : i32
        %rev3A_1581 = vector.broadcast %rev3A_1580 : i32 to vector<16xi32>
        %rev3A_1582 = tpu.iota {dimensions = array<i32: 0>} : vector<16xi32>
        %rev3A_1583 = arith.subi %rev3A_1581, %rev3A_1582 : vector<16xi32>
        %rev3A_1584 = tpu.dynamic_gather %sort3A_1408[%rev3A_1583] in [0] : vector<16xi32>, vector<16xi32> -> vector<16xi32>
        %max3A_1585 = arith.maxsi %sort3A_1389, %rev3A_1584 : vector<16xi32>
        %rev3A_1586 = arith.constant 15 : i32
        %rev3A_1587 = vector.broadcast %rev3A_1586 : i32 to vector<16xi32>
        %rev3A_1588 = tpu.iota {dimensions = array<i32: 0>} : vector<16xi32>
        %rev3A_1589 = arith.subi %rev3A_1587, %rev3A_1588 : vector<16xi32>
        %rev3A_1590 = tpu.dynamic_gather %sort3A_1404[%rev3A_1589] in [0] : vector<16xi32>, vector<16xi32> -> vector<16xi32>
        %max3A_1591 = arith.maxsi %sort3A_1393, %rev3A_1590 : vector<16xi32>
        %min3A_1592 = arith.minsi %max3A_1585, %max3A_1591 : vector<16xi32>
        %max3A_1593 = arith.maxsi %max3A_1585, %max3A_1591 : vector<16xi32>
        %sort3A_1594 = arith.constant dense<true> : vector<16xi1>
        %sort3A_1595, %sort3A_1596, %sort3A_1597 = tpu.sort %min3A_1592, %min3A_1592 masked %sort3A_1594 : (vector<16xi32>, vector<16xi32>, vector<16xi1>) -> (vector<16xi1>, vector<16xi32>, vector<16xi32>)
        %sort3A_1598 = arith.constant dense<true> : vector<16xi1>
        %sort3A_1599, %sort3A_1600, %sort3A_1601 = tpu.sort %max3A_1593, %max3A_1593 masked %sort3A_1598 : (vector<16xi32>, vector<16xi32>, vector<16xi1>) -> (vector<16xi1>, vector<16xi32>, vector<16xi32>)
        %rev3A_1602 = arith.constant 15 : i32
        %rev3A_1603 = vector.broadcast %rev3A_1602 : i32 to vector<16xi32>
        %rev3A_1604 = tpu.iota {dimensions = array<i32: 0>} : vector<16xi32>
        %rev3A_1605 = arith.subi %rev3A_1603, %rev3A_1604 : vector<16xi32>
        %rev3A_1606 = tpu.dynamic_gather %sort3A_1438[%rev3A_1605] in [0] : vector<16xi32>, vector<16xi32> -> vector<16xi32>
        %max3A_1607 = arith.maxsi %sort3A_1419, %rev3A_1606 : vector<16xi32>
        %rev3A_1608 = arith.constant 15 : i32
        %rev3A_1609 = vector.broadcast %rev3A_1608 : i32 to vector<16xi32>
        %rev3A_1610 = tpu.iota {dimensions = array<i32: 0>} : vector<16xi32>
        %rev3A_1611 = arith.subi %rev3A_1609, %rev3A_1610 : vector<16xi32>
        %rev3A_1612 = tpu.dynamic_gather %sort3A_1434[%rev3A_1611] in [0] : vector<16xi32>, vector<16xi32> -> vector<16xi32>
        %max3A_1613 = arith.maxsi %sort3A_1423, %rev3A_1612 : vector<16xi32>
        %min3A_1614 = arith.minsi %max3A_1607, %max3A_1613 : vector<16xi32>
        %max3A_1615 = arith.maxsi %max3A_1607, %max3A_1613 : vector<16xi32>
        %sort3A_1616 = arith.constant dense<true> : vector<16xi1>
        %sort3A_1617, %sort3A_1618, %sort3A_1619 = tpu.sort %min3A_1614, %min3A_1614 masked %sort3A_1616 : (vector<16xi32>, vector<16xi32>, vector<16xi1>) -> (vector<16xi1>, vector<16xi32>, vector<16xi32>)
        %sort3A_1620 = arith.constant dense<true> : vector<16xi1>
        %sort3A_1621, %sort3A_1622, %sort3A_1623 = tpu.sort %max3A_1615, %max3A_1615 masked %sort3A_1620 : (vector<16xi32>, vector<16xi32>, vector<16xi1>) -> (vector<16xi1>, vector<16xi32>, vector<16xi32>)
        %rev3A_1624 = arith.constant 15 : i32
        %rev3A_1625 = vector.broadcast %rev3A_1624 : i32 to vector<16xi32>
        %rev3A_1626 = tpu.iota {dimensions = array<i32: 0>} : vector<16xi32>
        %rev3A_1627 = arith.subi %rev3A_1625, %rev3A_1626 : vector<16xi32>
        %rev3A_1628 = tpu.dynamic_gather %sort3A_1468[%rev3A_1627] in [0] : vector<16xi32>, vector<16xi32> -> vector<16xi32>
        %max3A_1629 = arith.maxsi %sort3A_1449, %rev3A_1628 : vector<16xi32>
        %rev3A_1630 = arith.constant 15 : i32
        %rev3A_1631 = vector.broadcast %rev3A_1630 : i32 to vector<16xi32>
        %rev3A_1632 = tpu.iota {dimensions = array<i32: 0>} : vector<16xi32>
        %rev3A_1633 = arith.subi %rev3A_1631, %rev3A_1632 : vector<16xi32>
        %rev3A_1634 = tpu.dynamic_gather %sort3A_1464[%rev3A_1633] in [0] : vector<16xi32>, vector<16xi32> -> vector<16xi32>
        %max3A_1635 = arith.maxsi %sort3A_1453, %rev3A_1634 : vector<16xi32>
        %min3A_1636 = arith.minsi %max3A_1629, %max3A_1635 : vector<16xi32>
        %max3A_1637 = arith.maxsi %max3A_1629, %max3A_1635 : vector<16xi32>
        %sort3A_1638 = arith.constant dense<true> : vector<16xi1>
        %sort3A_1639, %sort3A_1640, %sort3A_1641 = tpu.sort %min3A_1636, %min3A_1636 masked %sort3A_1638 : (vector<16xi32>, vector<16xi32>, vector<16xi1>) -> (vector<16xi1>, vector<16xi32>, vector<16xi32>)
        %sort3A_1642 = arith.constant dense<true> : vector<16xi1>
        %sort3A_1643, %sort3A_1644, %sort3A_1645 = tpu.sort %max3A_1637, %max3A_1637 masked %sort3A_1642 : (vector<16xi32>, vector<16xi32>, vector<16xi1>) -> (vector<16xi1>, vector<16xi32>, vector<16xi32>)
        %rev3A_1646 = arith.constant 15 : i32
        %rev3A_1647 = vector.broadcast %rev3A_1646 : i32 to vector<16xi32>
        %rev3A_1648 = tpu.iota {dimensions = array<i32: 0>} : vector<16xi32>
        %rev3A_1649 = arith.subi %rev3A_1647, %rev3A_1648 : vector<16xi32>
        %rev3A_1650 = tpu.dynamic_gather %sort3A_1512[%rev3A_1649] in [0] : vector<16xi32>, vector<16xi32> -> vector<16xi32>
        %max3A_1651 = arith.maxsi %sort3A_1486, %rev3A_1650 : vector<16xi32>
        %rev3A_1652 = arith.constant 15 : i32
        %rev3A_1653 = vector.broadcast %rev3A_1652 : i32 to vector<16xi32>
        %rev3A_1654 = tpu.iota {dimensions = array<i32: 0>} : vector<16xi32>
        %rev3A_1655 = arith.subi %rev3A_1653, %rev3A_1654 : vector<16xi32>
        %rev3A_1656 = tpu.dynamic_gather %sort3A_1508[%rev3A_1655] in [0] : vector<16xi32>, vector<16xi32> -> vector<16xi32>
        %max3A_1657 = arith.maxsi %sort3A_1490, %rev3A_1656 : vector<16xi32>
        %min3A_1658 = arith.minsi %max3A_1651, %max3A_1657 : vector<16xi32>
        %max3A_1659 = arith.maxsi %max3A_1651, %max3A_1657 : vector<16xi32>
        %sort3A_1660 = arith.constant dense<true> : vector<16xi1>
        %sort3A_1661, %sort3A_1662, %sort3A_1663 = tpu.sort %min3A_1658, %min3A_1658 masked %sort3A_1660 : (vector<16xi32>, vector<16xi32>, vector<16xi1>) -> (vector<16xi1>, vector<16xi32>, vector<16xi32>)
        %sort3A_1664 = arith.constant dense<true> : vector<16xi1>
        %sort3A_1665, %sort3A_1666, %sort3A_1667 = tpu.sort %max3A_1659, %max3A_1659 masked %sort3A_1664 : (vector<16xi32>, vector<16xi32>, vector<16xi1>) -> (vector<16xi1>, vector<16xi32>, vector<16xi32>)
        %rev3A_1668 = arith.constant 15 : i32
        %rev3A_1669 = vector.broadcast %rev3A_1668 : i32 to vector<16xi32>
        %rev3A_1670 = tpu.iota {dimensions = array<i32: 0>} : vector<16xi32>
        %rev3A_1671 = arith.subi %rev3A_1669, %rev3A_1670 : vector<16xi32>
        %rev3A_1672 = tpu.dynamic_gather %sort3A_1556[%rev3A_1671] in [0] : vector<16xi32>, vector<16xi32> -> vector<16xi32>
        %max3A_1673 = arith.maxsi %sort3A_1530, %rev3A_1672 : vector<16xi32>
        %rev3A_1674 = arith.constant 15 : i32
        %rev3A_1675 = vector.broadcast %rev3A_1674 : i32 to vector<16xi32>
        %rev3A_1676 = tpu.iota {dimensions = array<i32: 0>} : vector<16xi32>
        %rev3A_1677 = arith.subi %rev3A_1675, %rev3A_1676 : vector<16xi32>
        %rev3A_1678 = tpu.dynamic_gather %sort3A_1552[%rev3A_1677] in [0] : vector<16xi32>, vector<16xi32> -> vector<16xi32>
        %max3A_1679 = arith.maxsi %sort3A_1534, %rev3A_1678 : vector<16xi32>
        %min3A_1680 = arith.minsi %max3A_1673, %max3A_1679 : vector<16xi32>
        %max3A_1681 = arith.maxsi %max3A_1673, %max3A_1679 : vector<16xi32>
        %sort3A_1682 = arith.constant dense<true> : vector<16xi1>
        %sort3A_1683, %sort3A_1684, %sort3A_1685 = tpu.sort %min3A_1680, %min3A_1680 masked %sort3A_1682 : (vector<16xi32>, vector<16xi32>, vector<16xi1>) -> (vector<16xi1>, vector<16xi32>, vector<16xi32>)
        %sort3A_1686 = arith.constant dense<true> : vector<16xi1>
        %sort3A_1687, %sort3A_1688, %sort3A_1689 = tpu.sort %max3A_1681, %max3A_1681 masked %sort3A_1686 : (vector<16xi32>, vector<16xi32>, vector<16xi1>) -> (vector<16xi1>, vector<16xi32>, vector<16xi32>)
        %rev3A_1690 = arith.constant 15 : i32
        %rev3A_1691 = vector.broadcast %rev3A_1690 : i32 to vector<16xi32>
        %rev3A_1692 = tpu.iota {dimensions = array<i32: 0>} : vector<16xi32>
        %rev3A_1693 = arith.subi %rev3A_1691, %rev3A_1692 : vector<16xi32>
        %rev3A_1694 = tpu.dynamic_gather %sort3A_1600[%rev3A_1693] in [0] : vector<16xi32>, vector<16xi32> -> vector<16xi32>
        %max3A_1695 = arith.maxsi %sort3A_1574, %rev3A_1694 : vector<16xi32>
        %rev3A_1696 = arith.constant 15 : i32
        %rev3A_1697 = vector.broadcast %rev3A_1696 : i32 to vector<16xi32>
        %rev3A_1698 = tpu.iota {dimensions = array<i32: 0>} : vector<16xi32>
        %rev3A_1699 = arith.subi %rev3A_1697, %rev3A_1698 : vector<16xi32>
        %rev3A_1700 = tpu.dynamic_gather %sort3A_1596[%rev3A_1699] in [0] : vector<16xi32>, vector<16xi32> -> vector<16xi32>
        %max3A_1701 = arith.maxsi %sort3A_1578, %rev3A_1700 : vector<16xi32>
        %min3A_1702 = arith.minsi %max3A_1695, %max3A_1701 : vector<16xi32>
        %max3A_1703 = arith.maxsi %max3A_1695, %max3A_1701 : vector<16xi32>
        %sort3A_1704 = arith.constant dense<true> : vector<16xi1>
        %sort3A_1705, %sort3A_1706, %sort3A_1707 = tpu.sort %min3A_1702, %min3A_1702 masked %sort3A_1704 : (vector<16xi32>, vector<16xi32>, vector<16xi1>) -> (vector<16xi1>, vector<16xi32>, vector<16xi32>)
        %sort3A_1708 = arith.constant dense<true> : vector<16xi1>
        %sort3A_1709, %sort3A_1710, %sort3A_1711 = tpu.sort %max3A_1703, %max3A_1703 masked %sort3A_1708 : (vector<16xi32>, vector<16xi32>, vector<16xi1>) -> (vector<16xi1>, vector<16xi32>, vector<16xi32>)
        %rev3A_1712 = arith.constant 15 : i32
        %rev3A_1713 = vector.broadcast %rev3A_1712 : i32 to vector<16xi32>
        %rev3A_1714 = tpu.iota {dimensions = array<i32: 0>} : vector<16xi32>
        %rev3A_1715 = arith.subi %rev3A_1713, %rev3A_1714 : vector<16xi32>
        %rev3A_1716 = tpu.dynamic_gather %sort3A_1644[%rev3A_1715] in [0] : vector<16xi32>, vector<16xi32> -> vector<16xi32>
        %max3A_1717 = arith.maxsi %sort3A_1618, %rev3A_1716 : vector<16xi32>
        %rev3A_1718 = arith.constant 15 : i32
        %rev3A_1719 = vector.broadcast %rev3A_1718 : i32 to vector<16xi32>
        %rev3A_1720 = tpu.iota {dimensions = array<i32: 0>} : vector<16xi32>
        %rev3A_1721 = arith.subi %rev3A_1719, %rev3A_1720 : vector<16xi32>
        %rev3A_1722 = tpu.dynamic_gather %sort3A_1640[%rev3A_1721] in [0] : vector<16xi32>, vector<16xi32> -> vector<16xi32>
        %max3A_1723 = arith.maxsi %sort3A_1622, %rev3A_1722 : vector<16xi32>
        %min3A_1724 = arith.minsi %max3A_1717, %max3A_1723 : vector<16xi32>
        %max3A_1725 = arith.maxsi %max3A_1717, %max3A_1723 : vector<16xi32>
        %sort3A_1726 = arith.constant dense<true> : vector<16xi1>
        %sort3A_1727, %sort3A_1728, %sort3A_1729 = tpu.sort %min3A_1724, %min3A_1724 masked %sort3A_1726 : (vector<16xi32>, vector<16xi32>, vector<16xi1>) -> (vector<16xi1>, vector<16xi32>, vector<16xi32>)
        %sort3A_1730 = arith.constant dense<true> : vector<16xi1>
        %sort3A_1731, %sort3A_1732, %sort3A_1733 = tpu.sort %max3A_1725, %max3A_1725 masked %sort3A_1730 : (vector<16xi32>, vector<16xi32>, vector<16xi1>) -> (vector<16xi1>, vector<16xi32>, vector<16xi32>)
        %rev3A_1734 = arith.constant 15 : i32
        %rev3A_1735 = vector.broadcast %rev3A_1734 : i32 to vector<16xi32>
        %rev3A_1736 = tpu.iota {dimensions = array<i32: 0>} : vector<16xi32>
        %rev3A_1737 = arith.subi %rev3A_1735, %rev3A_1736 : vector<16xi32>
        %rev3A_1738 = tpu.dynamic_gather %sort3A_1688[%rev3A_1737] in [0] : vector<16xi32>, vector<16xi32> -> vector<16xi32>
        %max3A_1739 = arith.maxsi %sort3A_1662, %rev3A_1738 : vector<16xi32>
        %rev3A_1740 = arith.constant 15 : i32
        %rev3A_1741 = vector.broadcast %rev3A_1740 : i32 to vector<16xi32>
        %rev3A_1742 = tpu.iota {dimensions = array<i32: 0>} : vector<16xi32>
        %rev3A_1743 = arith.subi %rev3A_1741, %rev3A_1742 : vector<16xi32>
        %rev3A_1744 = tpu.dynamic_gather %sort3A_1684[%rev3A_1743] in [0] : vector<16xi32>, vector<16xi32> -> vector<16xi32>
        %max3A_1745 = arith.maxsi %sort3A_1666, %rev3A_1744 : vector<16xi32>
        %min3A_1746 = arith.minsi %max3A_1739, %max3A_1745 : vector<16xi32>
        %max3A_1747 = arith.maxsi %max3A_1739, %max3A_1745 : vector<16xi32>
        %sort3A_1748 = arith.constant dense<true> : vector<16xi1>
        %sort3A_1749, %sort3A_1750, %sort3A_1751 = tpu.sort %min3A_1746, %min3A_1746 masked %sort3A_1748 : (vector<16xi32>, vector<16xi32>, vector<16xi1>) -> (vector<16xi1>, vector<16xi32>, vector<16xi32>)
        %sort3A_1752 = arith.constant dense<true> : vector<16xi1>
        %sort3A_1753, %sort3A_1754, %sort3A_1755 = tpu.sort %max3A_1747, %max3A_1747 masked %sort3A_1752 : (vector<16xi32>, vector<16xi32>, vector<16xi1>) -> (vector<16xi1>, vector<16xi32>, vector<16xi32>)
        %rev3A_1756 = arith.constant 15 : i32
        %rev3A_1757 = vector.broadcast %rev3A_1756 : i32 to vector<16xi32>
        %rev3A_1758 = tpu.iota {dimensions = array<i32: 0>} : vector<16xi32>
        %rev3A_1759 = arith.subi %rev3A_1757, %rev3A_1758 : vector<16xi32>
        %rev3A_1760 = tpu.dynamic_gather %sort3A_1732[%rev3A_1759] in [0] : vector<16xi32>, vector<16xi32> -> vector<16xi32>
        %max3A_1761 = arith.maxsi %sort3A_1706, %rev3A_1760 : vector<16xi32>
        %rev3A_1762 = arith.constant 15 : i32
        %rev3A_1763 = vector.broadcast %rev3A_1762 : i32 to vector<16xi32>
        %rev3A_1764 = tpu.iota {dimensions = array<i32: 0>} : vector<16xi32>
        %rev3A_1765 = arith.subi %rev3A_1763, %rev3A_1764 : vector<16xi32>
        %rev3A_1766 = tpu.dynamic_gather %sort3A_1728[%rev3A_1765] in [0] : vector<16xi32>, vector<16xi32> -> vector<16xi32>
        %max3A_1767 = arith.maxsi %sort3A_1710, %rev3A_1766 : vector<16xi32>
        %min3A_1768 = arith.minsi %max3A_1761, %max3A_1767 : vector<16xi32>
        %max3A_1769 = arith.maxsi %max3A_1761, %max3A_1767 : vector<16xi32>
        %sort3A_1770 = arith.constant dense<true> : vector<16xi1>
        %sort3A_1771, %sort3A_1772, %sort3A_1773 = tpu.sort %min3A_1768, %min3A_1768 masked %sort3A_1770 : (vector<16xi32>, vector<16xi32>, vector<16xi1>) -> (vector<16xi1>, vector<16xi32>, vector<16xi32>)
        %sort3A_1774 = arith.constant dense<true> : vector<16xi1>
        %sort3A_1775, %sort3A_1776, %sort3A_1777 = tpu.sort %max3A_1769, %max3A_1769 masked %sort3A_1774 : (vector<16xi32>, vector<16xi32>, vector<16xi1>) -> (vector<16xi1>, vector<16xi32>, vector<16xi32>)
        %rev3A_1778 = arith.constant 15 : i32
        %rev3A_1779 = vector.broadcast %rev3A_1778 : i32 to vector<16xi32>
        %rev3A_1780 = tpu.iota {dimensions = array<i32: 0>} : vector<16xi32>
        %rev3A_1781 = arith.subi %rev3A_1779, %rev3A_1780 : vector<16xi32>
        %rev3A_1782 = tpu.dynamic_gather %sort3A_1776[%rev3A_1781] in [0] : vector<16xi32>, vector<16xi32> -> vector<16xi32>
        %max3A_1783 = arith.maxsi %sort3A_1750, %rev3A_1782 : vector<16xi32>
        %rev3A_1784 = arith.constant 15 : i32
        %rev3A_1785 = vector.broadcast %rev3A_1784 : i32 to vector<16xi32>
        %rev3A_1786 = tpu.iota {dimensions = array<i32: 0>} : vector<16xi32>
        %rev3A_1787 = arith.subi %rev3A_1785, %rev3A_1786 : vector<16xi32>
        %rev3A_1788 = tpu.dynamic_gather %sort3A_1772[%rev3A_1787] in [0] : vector<16xi32>, vector<16xi32> -> vector<16xi32>
        %max3A_1789 = arith.maxsi %sort3A_1754, %rev3A_1788 : vector<16xi32>
        %min3A_1790 = arith.minsi %max3A_1783, %max3A_1789 : vector<16xi32>
        %max3A_1791 = arith.maxsi %max3A_1783, %max3A_1789 : vector<16xi32>
        %sort3A_1792 = arith.constant dense<true> : vector<16xi1>
        %sort3A_1793, %sort3A_1794, %sort3A_1795 = tpu.sort %min3A_1790, %min3A_1790 masked %sort3A_1792 : (vector<16xi32>, vector<16xi32>, vector<16xi1>) -> (vector<16xi1>, vector<16xi32>, vector<16xi32>)
        %sort3A_1796 = arith.constant dense<true> : vector<16xi1>
        %sort3A_1797, %sort3A_1798, %sort3A_1799 = tpu.sort %max3A_1791, %max3A_1791 masked %sort3A_1796 : (vector<16xi32>, vector<16xi32>, vector<16xi1>) -> (vector<16xi1>, vector<16xi32>, vector<16xi32>)
        %eq3A_1800 = arith.constant 0 : i32
        %eq3A_1801 = vector.broadcast %eq3A_1800 : i32 to vector<16xi32>
        %eq3A_1802 = arith.cmpi eq, %iota3A, %eq3A_1801 : vector<16xi32>
        %jit3A_1803 = arith.constant 0 : i32
        %broadcast_in_dim3A_1804 = vector.broadcast %jit3A_1803 : i32 to vector<16xi32>
        %select_n3A_1805 = arith.select %eq3A_1802, %sort3A_1794, %broadcast_in_dim3A_1804 : vector<16xi1>, vector<16xi32>
        %reduce_sum3A_1806 = arith.constant true
        %reduce_sum3A_1807 = vector.broadcast %reduce_sum3A_1806 : i1 to vector<16xi1>
        %reduce_sum3A_1808 = tpu.scan <sum>, %select_n3A_1805 masked %reduce_sum3A_1807 : vector<16xi32>, vector<16xi1> -> vector<16xi32>
        %reduce_sum3A_1809 = vector.extract %reduce_sum3A_1808[15] : i32 from vector<16xi32>
        %mul3A_1810 = arith.constant 16 : i32
        %mul3A_1811 = arith.muli %add3A_77, %mul3A_1810 : i32
        %add3A_1812 = arith.addi %mul3A_1811, %scan3A_91 : i32
        %broadcast_in_dim3A_1813 = vector.broadcast %add3A_1812 : i32 to vector<16xi32>
        %broadcast_in_dim3A_1814 = vector.broadcast %reduce_sum3A_1809 : i32 to vector<16xi32>
        %eq3A_1815 = arith.constant 0 : i32
        %eq3A_1816 = vector.broadcast %eq3A_1815 : i32 to vector<16xi32>
        %eq3A_1817 = arith.cmpi eq, %iota3A, %eq3A_1816 : vector<16xi32>
        tpu.vector_store_idx %arg10[%broadcast_in_dim3A_1813], %broadcast_in_dim3A_1814 masked %eq3A_1817 : memref<256xi32, #tpu.memory_space<vmem>>[vector<16xi32>], vector<16xi32>, vector<16xi1>
        %scan3A_1818 = arith.constant 0 : i32
        scf.yield %scan3A_1818 : i32
      }
      %scan3A_84 = arith.constant 16 : i32
      %lt3A_85 = arith.constant 7 : i32
      %lt3A_86 = arith.cmpi slt, %scan3A_32, %lt3A_85 : i32
      %convert_element_type3A_87 = arith.extui %lt3A_86 : i1 to i32
      %cond3A_88 = arith.constant 0 : i32
      %cond3A_89 = arith.cmpi ne, %convert_element_type3A_87, %cond3A_88 : i32
      scf.if %cond3A_89 {
        %add3A_91 = arith.constant 3 : i32
        %add3A_92 = arith.addi %mul3A_35, %add3A_91 : i32
        %mul3A_93 = arith.constant 16 : i32
        %mul3A_94 = arith.muli %add3A_92, %mul3A_93 : i32
        %add3A_95 = arith.addi %mul3A_2, %mul3A_94 : i32
        %dma_start3A_96 = arith.constant 0 : i32
        %dma_start3A_97 = tpu.memref_slice %arg2[%add3A_95, %dma_start3A_96] : memref<8192x2048xi32, #tpu.memory_space<hbm>> -> memref<16x2048xi32, #tpu.memory_space<hbm>>
        %dma_start3A_98 = arith.constant 0 : i32
        %dma_start3A_99 = tpu.memref_slice %arg2[%add3A_95, %dma_start3A_98] : memref<8192x2048xi32, #tpu.memory_space<hbm>> -> memref<16x2048xi32, #tpu.memory_space<hbm>>
        tpu.enqueue_dma source(%dma_start3A_99 : memref<16x2048xi32, #tpu.memory_space<hbm>>) target(%arg6 : memref<16x2048xi32, #tpu.memory_space<vmem>>) target_semaphore(%arg12 : memref<!tpu.dma_semaphore, #tpu.memory_space<semaphore_mem>>)
        %add3A_100 = arith.constant 3 : i32
        %add3A_101 = arith.addi %mul3A_35, %add3A_100 : i32
        %mul3A_102 = arith.constant 16 : i32
        %mul3A_103 = arith.muli %add3A_101, %mul3A_102 : i32
        %add3A_104 = arith.addi %mul3A_2, %mul3A_103 : i32
        %dma_start3A_105 = arith.constant 0 : i32
        %dma_start3A_106 = tpu.memref_slice %arg3[%add3A_104, %dma_start3A_105] : memref<8192x128xi32, #tpu.memory_space<hbm>> -> memref<16x128xi32, #tpu.memory_space<hbm>>
        %dma_start3A_107 = arith.constant 0 : i32
        %dma_start3A_108 = tpu.memref_slice %arg3[%add3A_104, %dma_start3A_107] : memref<8192x128xi32, #tpu.memory_space<hbm>> -> memref<16x128xi32, #tpu.memory_space<hbm>>
        tpu.enqueue_dma source(%dma_start3A_108 : memref<16x128xi32, #tpu.memory_space<hbm>>) target(%arg8 : memref<16x128xi32, #tpu.memory_space<vmem>>) target_semaphore(%arg14 : memref<!tpu.dma_semaphore, #tpu.memory_space<semaphore_mem>>)
      } else {
      }
      %scan3A_90 = arith.constant 0 : i32
      scf.yield %scan3A_90 : i32
    }
    %scan3A_31 = arith.constant 8 : i32
    "tpu.region"() ({
      %run_scoped3A = tpu.sem_alloc : memref<!tpu.dma_semaphore, #tpu.memory_space<semaphore_mem>>
      %dma_start3A_32 = tpu.memref_slice %arg4[%mul3A_2] : memref<8192xi32, #tpu.memory_space<hbm>> -> memref<256xi32, #tpu.memory_space<hbm>>
      %dma_start3A_33 = tpu.memref_slice %arg4[%mul3A_2] : memref<8192xi32, #tpu.memory_space<hbm>> -> memref<256xi32, #tpu.memory_space<hbm>>
      tpu.enqueue_dma source(%arg10 : memref<256xi32, #tpu.memory_space<vmem>>) target(%dma_start3A_33 : memref<256xi32, #tpu.memory_space<hbm>>) target_semaphore(%run_scoped3A : memref<!tpu.dma_semaphore, #tpu.memory_space<semaphore_mem>>)
      %dma_wait3A = tpu.memref_slice %arg4[%mul3A_2] : memref<8192xi32, #tpu.memory_space<hbm>> -> memref<256xi32, #tpu.memory_space<hbm>>
      %dma_wait3A_34 = tpu.memref_slice %arg4[%mul3A_2] : memref<8192xi32, #tpu.memory_space<hbm>> -> memref<256xi32, #tpu.memory_space<hbm>>
      tpu.wait_dma2 semaphore(%run_scoped3A : memref<!tpu.dma_semaphore, #tpu.memory_space<semaphore_mem>>) src(%arg10 : memref<256xi32, #tpu.memory_space<vmem>>) dst(%dma_wait3A_34 : memref<256xi32, #tpu.memory_space<hbm>>)
      tpu.yield
    }) : () -> ()
    return
  }
}

module attributes {stable_mosaic.version = 14 : i64} {
  func.func @_norm_bits_body(%arg0: i32, %arg1: memref<256x2048xf32, #tpu.memory_space<vmem>>, %arg2: memref<1x2048xf32, #tpu.memory_space<vmem>>, %arg3: memref<256x2048xi32, #tpu.memory_space<vmem>>, %arg4: memref<256x128xi32, #tpu.memory_space<vmem>>) attributes {dimension_semantics = [#tpu.dimension_semantics<arbitrary>], iteration_bounds = array<i64: 32>, scalar_prefetch = 0 : i64, scratch_operands = 0 : i64, tpu.core_type = #tpu.core_type<tc>, window_params = [{transform_indices = @transform_0, window_bounds = array<i64: 256, 2048>}, {pipeline_mode = #tpu.pipeline_mode<synchronous>, transform_indices = @transform_1, window_bounds = array<i64: 1, 2048>}, {transform_indices = @transform_2, window_bounds = array<i64: 256, 2048>}, {transform_indices = @transform_3, window_bounds = array<i64: 256, 128>}]} {
    %get3A = arith.constant 0 : index
    %get3A_0 = arith.constant 0 : index
    %get3A_1 = vector.load %arg1[%get3A, %get3A_0] : memref<256x2048xf32, #tpu.memory_space<vmem>>, vector<256x2048xf32>
    %get3A_2 = arith.constant 0 : index
    %get3A_3 = arith.constant 0 : index
    %get3A_4 = vector.load %arg2[%get3A_2, %get3A_3] : memref<1x2048xf32, #tpu.memory_space<vmem>>, vector<1x2048xf32>
    %reduce_sum3A = arith.constant dense<0.000000e+00> : vector<256xf32>
    %reduce_sum3A_5 = vector.multi_reduction <add>, %get3A_1, %reduce_sum3A [1] : vector<256x2048xf32> to vector<256xf32>
    %broadcast_in_dim3A = vector.shape_cast %reduce_sum3A_5 : vector<256xf32> to vector<256x1xf32>
    %div3A = arith.constant 2.048000e+03 : f32
    %div3A_6 = vector.broadcast %div3A : f32 to vector<256x1xf32>
    %div3A_7 = arith.divf %broadcast_in_dim3A, %div3A_6 : vector<256x1xf32>
    %sub3A = vector.broadcast %div3A_7 : vector<256x1xf32> to vector<256x2048xf32>
    %sub3A_8 = arith.subf %get3A_1, %sub3A : vector<256x2048xf32>
    %mul3A = arith.mulf %sub3A_8, %sub3A_8 : vector<256x2048xf32>
    %reduce_sum3A_9 = arith.constant dense<0.000000e+00> : vector<256xf32>
    %reduce_sum3A_10 = vector.multi_reduction <add>, %mul3A, %reduce_sum3A_9 [1] : vector<256x2048xf32> to vector<256xf32>
    %broadcast_in_dim3A_11 = vector.shape_cast %reduce_sum3A_10 : vector<256xf32> to vector<256x1xf32>
    %div3A_12 = arith.constant 2.048000e+03 : f32
    %div3A_13 = vector.broadcast %div3A_12 : f32 to vector<256x1xf32>
    %div3A_14 = arith.divf %broadcast_in_dim3A_11, %div3A_13 : vector<256x1xf32>
    %add3A = arith.constant 9.99999974E-6 : f32
    %add3A_15 = vector.broadcast %add3A : f32 to vector<256x1xf32>
    %add3A_16 = arith.addf %div3A_14, %add3A_15 : vector<256x1xf32>
    %rsqrt3A = math.rsqrt %add3A_16 : vector<256x1xf32>
    %mul3A_17 = vector.broadcast %rsqrt3A : vector<256x1xf32> to vector<256x2048xf32>
    %mul3A_18 = arith.mulf %sub3A_8, %mul3A_17 : vector<256x2048xf32>
    %mul3A_19 = vector.broadcast %get3A_4 : vector<1x2048xf32> to vector<256x2048xf32>
    %mul3A_20 = arith.mulf %mul3A_18, %mul3A_19 : vector<256x2048xf32>
    %bitcast_convert_type3A = tpu.bitcast %mul3A_20 : vector<256x2048xf32> -> vector<256x2048xi32>
    %and3A = arith.constant 2147483647 : i32
    %and3A_21 = vector.broadcast %and3A : i32 to vector<256x2048xi32>
    %and3A_22 = arith.andi %bitcast_convert_type3A, %and3A_21 : vector<256x2048xi32>
    %swap3A = arith.constant 0 : index
    %swap3A_23 = arith.constant 0 : index
    %swap3A_24 = vector.load %arg3[%swap3A, %swap3A_23] : memref<256x2048xi32, #tpu.memory_space<vmem>>, vector<256x2048xi32>
    tpu.vector_store %arg3[%swap3A, %swap3A_23], %and3A_22 {strides = array<i32>} : memref<256x2048xi32, #tpu.memory_space<vmem>>, vector<256x2048xi32>,
    %reshape3A = vector.shape_cast %and3A_22 : vector<256x2048xi32> to vector<256x16x128xi32>
    %reduce_max3A = arith.constant dense<-2147483648> : vector<256x128xi32>
    %reduce_max3A_25 = vector.multi_reduction <maxsi>, %reshape3A, %reduce_max3A [1] : vector<256x16x128xi32> to vector<256x128xi32>
    %swap3A_26 = arith.constant 0 : index
    %swap3A_27 = arith.constant 0 : index
    %swap3A_28 = vector.load %arg4[%swap3A_26, %swap3A_27] : memref<256x128xi32, #tpu.memory_space<vmem>>, vector<256x128xi32>
    tpu.vector_store %arg4[%swap3A_26, %swap3A_27], %reduce_max3A_25 {strides = array<i32>} : memref<256x128xi32, #tpu.memory_space<vmem>>, vector<256x128xi32>,
    return
  }
  func.func @transform_0(%arg0: i32) -> (i32, i32) {
    %c0_i32 = arith.constant 0 : i32
    %c0_i32_0 = arith.constant 0 : i32
    return %arg0, %c0_i32 : i32, i32
  }
  func.func @transform_1(%arg0: i32) -> (i32, i32) {
    %c0_i32 = arith.constant 0 : i32
    %c0_i32_0 = arith.constant 0 : i32
    %c0_i32_1 = arith.constant 0 : i32
    return %c0_i32, %c0_i32_0 : i32, i32
  }
  func.func @transform_2(%arg0: i32) -> (i32, i32) {
    %c0_i32 = arith.constant 0 : i32
    %c0_i32_0 = arith.constant 0 : i32
    return %arg0, %c0_i32 : i32, i32
  }
  func.func @transform_3(%arg0: i32) -> (i32, i32) {
    %c0_i32 = arith.constant 0 : i32
    %c0_i32_0 = arith.constant 0 : i32
    return %arg0, %c0_i32 : i32, i32
  }
}

module attributes {stable_mosaic.version = 14 : i64} {
  func.func @_finalize_body(%arg0: i32, %arg1: memref<256x2048xf32, #tpu.memory_space<vmem>>, %arg2: memref<1x2048xf32, #tpu.memory_space<vmem>>, %arg3: memref<1x2048xf32, #tpu.memory_space<vmem>>, %arg4: memref<256x1xi32, #tpu.memory_space<vmem>>, %arg5: memref<256x2048xf32, #tpu.memory_space<vmem>>) attributes {dimension_semantics = [#tpu.dimension_semantics<arbitrary>], iteration_bounds = array<i64: 32>, scalar_prefetch = 0 : i64, scratch_operands = 0 : i64, tpu.core_type = #tpu.core_type<tc>, window_params = [{transform_indices = @transform_0, window_bounds = array<i64: 256, 2048>}, {pipeline_mode = #tpu.pipeline_mode<synchronous>, transform_indices = @transform_1, window_bounds = array<i64: 1, 2048>}, {pipeline_mode = #tpu.pipeline_mode<synchronous>, transform_indices = @transform_2, window_bounds = array<i64: 1, 2048>}, {transform_indices = @transform_3, window_bounds = array<i64: 256, 1>}, {transform_indices = @transform_4, window_bounds = array<i64: 256, 2048>}]} {
    %get3A = arith.constant 0 : index
    %get3A_0 = arith.constant 0 : index
    %get3A_1 = vector.load %arg1[%get3A, %get3A_0] : memref<256x2048xf32, #tpu.memory_space<vmem>>, vector<256x2048xf32>
    %get3A_2 = arith.constant 0 : index
    %get3A_3 = arith.constant 0 : index
    %get3A_4 = vector.load %arg2[%get3A_2, %get3A_3] : memref<1x2048xf32, #tpu.memory_space<vmem>>, vector<1x2048xf32>
    %get3A_5 = arith.constant 0 : index
    %get3A_6 = arith.constant 0 : index
    %get3A_7 = vector.load %arg3[%get3A_5, %get3A_6] : memref<1x2048xf32, #tpu.memory_space<vmem>>, vector<1x2048xf32>
    %get3A_8 = arith.constant 0 : index
    %get3A_9 = arith.constant 0 : index
    %get3A_10 = vector.load %arg4[%get3A_8, %get3A_9] : memref<256x1xi32, #tpu.memory_space<vmem>>, vector<256x1xi32>
    %reduce_sum3A = arith.constant dense<0.000000e+00> : vector<256xf32>
    %reduce_sum3A_11 = vector.multi_reduction <add>, %get3A_1, %reduce_sum3A [1] : vector<256x2048xf32> to vector<256xf32>
    %broadcast_in_dim3A = vector.shape_cast %reduce_sum3A_11 : vector<256xf32> to vector<256x1xf32>
    %div3A = arith.constant 2.048000e+03 : f32
    %div3A_12 = vector.broadcast %div3A : f32 to vector<256x1xf32>
    %div3A_13 = arith.divf %broadcast_in_dim3A, %div3A_12 : vector<256x1xf32>
    %sub3A = vector.broadcast %div3A_13 : vector<256x1xf32> to vector<256x2048xf32>
    %sub3A_14 = arith.subf %get3A_1, %sub3A : vector<256x2048xf32>
    %mul3A = arith.mulf %sub3A_14, %sub3A_14 : vector<256x2048xf32>
    %reduce_sum3A_15 = arith.constant dense<0.000000e+00> : vector<256xf32>
    %reduce_sum3A_16 = vector.multi_reduction <add>, %mul3A, %reduce_sum3A_15 [1] : vector<256x2048xf32> to vector<256xf32>
    %broadcast_in_dim3A_17 = vector.shape_cast %reduce_sum3A_16 : vector<256xf32> to vector<256x1xf32>
    %div3A_18 = arith.constant 2.048000e+03 : f32
    %div3A_19 = vector.broadcast %div3A_18 : f32 to vector<256x1xf32>
    %div3A_20 = arith.divf %broadcast_in_dim3A_17, %div3A_19 : vector<256x1xf32>
    %add3A = arith.constant 9.99999974E-6 : f32
    %add3A_21 = vector.broadcast %add3A : f32 to vector<256x1xf32>
    %add3A_22 = arith.addf %div3A_20, %add3A_21 : vector<256x1xf32>
    %rsqrt3A = math.rsqrt %add3A_22 : vector<256x1xf32>
    %mul3A_23 = vector.broadcast %rsqrt3A : vector<256x1xf32> to vector<256x2048xf32>
    %mul3A_24 = arith.mulf %sub3A_14, %mul3A_23 : vector<256x2048xf32>
    %mul3A_25 = vector.broadcast %get3A_4 : vector<1x2048xf32> to vector<256x2048xf32>
    %mul3A_26 = arith.mulf %mul3A_24, %mul3A_25 : vector<256x2048xf32>
    %bitcast_convert_type3A = tpu.bitcast %mul3A_26 : vector<256x2048xf32> -> vector<256x2048xi32>
    %and3A = arith.constant 2147483647 : i32
    %and3A_27 = vector.broadcast %and3A : i32 to vector<256x2048xi32>
    %and3A_28 = arith.andi %bitcast_convert_type3A, %and3A_27 : vector<256x2048xi32>
    %ge3A = vector.broadcast %get3A_10 : vector<256x1xi32> to vector<256x2048xi32>
    %ge3A_29 = arith.cmpi sge, %and3A_28, %ge3A : vector<256x2048xi32>
    %mul3A_30 = vector.broadcast %get3A_7 : vector<1x2048xf32> to vector<256x2048xf32>
    %mul3A_31 = arith.mulf %mul3A_26, %mul3A_30 : vector<256x2048xf32>
    %jit3A = arith.constant 0.000000e+00 : f32
    %broadcast_in_dim3A_32 = vector.broadcast %jit3A : f32 to vector<256x2048xf32>
    %select_n3A = arith.select %ge3A_29, %mul3A_31, %broadcast_in_dim3A_32 : vector<256x2048xi1>, vector<256x2048xf32>
    %add3A_33 = arith.addf %get3A_1, %select_n3A : vector<256x2048xf32>
    %swap3A = arith.constant 0 : index
    %swap3A_34 = arith.constant 0 : index
    %swap3A_35 = vector.load %arg5[%swap3A, %swap3A_34] : memref<256x2048xf32, #tpu.memory_space<vmem>>, vector<256x2048xf32>
    tpu.vector_store %arg5[%swap3A, %swap3A_34], %add3A_33 {strides = array<i32>} : memref<256x2048xf32, #tpu.memory_space<vmem>>, vector<256x2048xf32>,
    return
  }
  func.func @transform_0(%arg0: i32) -> (i32, i32) {
    %c0_i32 = arith.constant 0 : i32
    %c0_i32_0 = arith.constant 0 : i32
    return %arg0, %c0_i32 : i32, i32
  }
  func.func @transform_1(%arg0: i32) -> (i32, i32) {
    %c0_i32 = arith.constant 0 : i32
    %c0_i32_0 = arith.constant 0 : i32
    %c0_i32_1 = arith.constant 0 : i32
    return %c0_i32, %c0_i32_0 : i32, i32
  }
  func.func @transform_2(%arg0: i32) -> (i32, i32) {
    %c0_i32 = arith.constant 0 : i32
    %c0_i32_0 = arith.constant 0 : i32
    %c0_i32_1 = arith.constant 0 : i32
    return %c0_i32, %c0_i32_0 : i32, i32
  }
  func.func @transform_3(%arg0: i32) -> (i32, i32) {
    %c0_i32 = arith.constant 0 : i32
    %c0_i32_0 = arith.constant 0 : i32
    return %arg0, %c0_i32 : i32, i32
  }
  func.func @transform_4(%arg0: i32) -> (i32, i32) {
    %c0_i32 = arith.constant 0 : i32
    %c0_i32_0 = arith.constant 0 : i32
    return %arg0, %c0_i32 : i32, i32
  }
}

</mosaic_0001>

<sc_bundles>
// kernel: kernel.5.cloned.1.call-start
scs
__scs_entry_jumppad:
0x0: {  	(pc) =	sbr.rel $0x88, $3  }
0x1: {  	(tag) =	ssettag $0x0;
	lr =	simm.s32 $0x1  }
0x2: {  	[smem:$0x3F9E] =	sst lr;
	_ =	strace $0xD0000000  }
0x3: {  	_ = 	snop  }
0x4: {  	_ = 	snop  }
0x5: {  	_ = 	snop  }
0x6: {  	_ = 	snop  }
0x7: {  	_ = 	snop  }
__scs_overlays_trampoline_lowered:
0x8: {  	[smem:$0x3FAD] =	sst s0  }
0x9: {  	[smem:$0x3FAE] =	sst s1  }
0xa: {  	[smem:$0x3FAF] =	sst s2  }
0xb: {  	[smem:$0x3FB0] =	sst s3  }
0xc: {  	[smem:$0x3FB1] =	sst s4  }
0xd: {  	[smem:$0x3FB2] =	sst s5  }
0xe: {  	[smem:$0x3FB3] =	sst s6  }
0xf: {  	[smem:$0x3FB4] =	sst s7  }
0x10: {  	[smem:$0x3FB5] =	sst s8  }
0x11: {  	[smem:$0x3FB6] =	sst s9;
	s0 =	simm.s32 @!p0 $0x0  }
0x12: {  	s1 =	sld [smem:$0x3F9C];
	s0 =	simm.s32 @p0 $0x1  }
0x13: {  	[smem:$0x3FB7] =	sst s0;
	s0 =	simm.s32 @!p1 $0x0  }
0x14: {  	s2 =	sld [smem:$0x3F9B];
	s0 =	simm.s32 @p1 $0x1  }
0x15: {  	[smem:$0x3FB8] =	sst s0;
	s0 =	simm.s32 @!p2 $0x0  }
0x16: {  	s3 =	sld [smem:$0x3FDB];
	s0 =	simm.s32 @p2 $0x1  }
0x17: {  	s4 =	simm.s32 $0x1BF5;
	[smem:$0x3FBA] =	sst s0  }
0x18: {  	s0 =	sld [smem:$0x3F9D];
	_ =	swait.ge [sflag:s4], $0x0  }
0x19: {  	s7 =	sld [smem:$0x3F9E]  }
0x1a: {  	s8 =	sadd.s32 $0xFFFFE003, lr  }
0x1b: {  	s9 =	sadd.s32 $0xFFFFFEF7, lr;
	s5 =	simm.s32 $0xFFFFFFFF;
	p2 =	slt.u32 s8, $0xFFFFF086  }
0x1c: {  	p1 =	slt.u32 s9, $0xF7A;
	s5 =	simm.s32 @!p2 $0x0  }
0x1d: {  	s5 =	simm.s32 @p1 $0x1;
	p0 =	seq.s32 s7, s2  }
0x1e: {  	s7 =	smul.u32 @!p0 $0xF7A, s2;
	p2 =	seq.s32 @!p0 s5, $0x0  }
0x1f: {  	s9 =	smul.u32 $0xF7A, s1;
	s8 =	simm.s32 @!p0 $0x1BF5;
	p2 =	por !p2, p0  }
0x20: {  	[sflag:s8] =	ssyncset.s32 @!p0 $0xFFFFF086;
	s6 =	sadd.s32 @!p0 s3, s7;
	s7 =	simm.s32 @!p0 $0x108  }
0x21: {  	s3 =	sadd.s32 s3, s9;
	s6 =	sadd.s32 @!p0 $0x88, s6;
	s7 =	simm.s32 @p2 $0x1082  }
0x22: {  	[simem:s7], [sflag:s8] =	dma.local @!p0 [hbm:s6], $0xF7A  }
0x23: {  	s9 =	sor.u32 $0xD0000000, s2;
	s6 =	simm.s32 $0x108;
	_ =	swait.ge @!p0 [sflag:s8], $0x0  }
0x24: {  	s3 =	sadd.s32 $0x88, s3;
	s6 =	simm.s32 @!p1 $0x1082;
	[sflag:s4] =	ssyncset.s32 $0xFFFFF086  }
0x25: {  	[simem:s6], [sflag:s4] =	dma.local [hbm:s3], $0xF7A  }
0x26: {  	[smem:$0x3F9E] =	sst s1;
	(tag) =	ssettag s2;
	_ =	strace s9  }
0x27: {  	s1 =	sld [smem:$0x3FAE]  }
0x28: {  	s2 =	sld [smem:$0x3FAF]  }
0x29: {  	s4 =	sld [smem:$0x3FB1]  }
0x2a: {  	p0 =	seq.s32 s5, $0x0;
	s5 =	sld [smem:$0x3FB2]  }
0x2b: {  	s6 =	sld [smem:$0x3FB3]  }
0x2c: {  	s7 =	sld [smem:$0x3FB4]  }
0x2d: {  	s3 =	simm.s32 $0x108;
	s8 =	sld [smem:$0x3FB5]  }
0x2e: {  	s3 =	simm.s32 @!p0 $0x1082;
	s9 =	sld [smem:$0x3FB6]  }
0x2f: {  	lr =	sadd.s32 s0, s3;
	s0 =	sld [smem:$0x3FAD]  }
0x30: {  	s3 =	sld [smem:$0x3FB0]  }
0x31: {  	[smem:$0x3FB9] =	sst s10  }
0x32: {  	s10 =	sld [smem:$0x3FB7];
	_ =	sdelay $0x3  }
0x33: {  	p0 =	seq.s32 s10, $0x1;
	s10 =	sld [smem:$0x3FB9];
	_ =	sdelay $0x3  }
0x34: {  	[smem:$0x3FB9] =	sst s10  }
0x35: {  	s10 =	sld [smem:$0x3FB8];
	_ =	sdelay $0x3  }
0x36: {  	p1 =	seq.s32 s10, $0x1;
	s10 =	sld [smem:$0x3FB9];
	_ =	sdelay $0x3  }
0x37: {  	[smem:$0x3FB9] =	sst s10  }
0x38: {  	s10 =	sld [smem:$0x3FBA]  }
0x39: {  	_ = 	snop;
	(pc) =	sbr.ind lr, $3  }
0x3a: {  	_ = 	snop  }
0x3b: {  	_ = 	snop  }
0x3c: {  	p2 =	seq.s32 s10, $0x1;
	s10 =	sld [smem:$0x3FB9]  }
0x3d: {  	_ =	shalt  }
0x3e: {  	_ =	shalt  }
0x3f: {  	_ =	shalt  }
0x40: {  	_ =	shalt  }
0x41: {  	_ =	shalt  }
0x42: {  	_ =	shalt  }
0x43: {  	_ =	shalt  }
0x44: {  	_ =	shalt  }
0x45: {  	_ =	shalt  }
0x46: {  	_ =	shalt  }
0x47: {  	_ =	shalt  }
0x48: {  	_ =	shalt  }
0x49: {  	_ =	shalt  }
0x4a: {  	_ =	shalt  }
0x4b: {  	_ =	shalt  }
0x4c: {  	_ =	shalt  }
0x4d: {  	_ =	shalt  }
0x4e: {  	_ =	shalt  }
0x4f: {  	_ =	shalt  }
0x50: {  	_ =	shalt  }
0x51: {  	_ =	shalt  }
0x52: {  	_ =	shalt  }
0x53: {  	_ =	shalt  }
0x54: {  	_ =	shalt  }
0x55: {  	_ =	shalt  }
0x56: {  	_ =	shalt  }
0x57: {  	_ =	shalt  }
0x58: {  	_ =	shalt  }
0x59: {  	_ =	shalt  }
0x5a: {  	_ =	shalt  }
0x5b: {  	_ =	shalt  }
0x5c: {  	_ =	shalt  }
0x5d: {  	_ =	shalt  }
0x5e: {  	_ =	shalt  }
0x5f: {  	_ =	shalt  }
0x60: {  	_ =	shalt  }
0x61: {  	_ =	shalt  }
0x62: {  	_ =	shalt  }
0x63: {  	_ =	shalt  }
0x64: {  	_ =	shalt  }
0x65: {  	_ =	shalt  }
0x66: {  	_ =	shalt  }
0x67: {  	_ =	shalt  }
0x68: {  	_ =	shalt  }
0x69: {  	_ =	shalt  }
0x6a: {  	_ =	shalt  }
0x6b: {  	_ =	shalt  }
0x6c: {  	_ =	shalt  }
0x6d: {  	_ =	shalt  }
0x6e: {  	_ =	shalt  }
0x6f: {  	_ =	shalt  }
0x70: {  	_ =	shalt  }
0x71: {  	_ =	shalt  }
0x72: {  	_ =	shalt  }
0x73: {  	_ =	shalt  }
0x74: {  	_ =	shalt  }
0x75: {  	_ =	shalt  }
0x76: {  	_ =	shalt  }
0x77: {  	_ =	shalt  }
0x78: {  	_ =	shalt  }
0x79: {  	_ =	shalt  }
0x7a: {  	_ =	shalt  }
0x7b: {  	_ =	shalt  }
0x7c: {  	_ =	shalt  }
0x7d: {  	_ =	shalt  }
0x7e: {  	_ =	shalt  }
0x7f: {  	_ =	shalt  }
0x80: {  	_ =	shalt  }
0x81: {  	_ =	shalt  }
0x82: {  	_ =	shalt  }
0x83: {  	_ =	shalt  }
0x84: {  	_ =	shalt  }
0x85: {  	_ =	shalt  }
0x86: {  	_ =	shalt  }
0x87: {  	_ =	shalt  }
.Lfunc_end0:
.L_simem_size_0:
called_computation_lowered:
.L_overlay_start_0:
0x88: {  	s2 =	sld [smem:$0x3FD9]  }
0x89: {  	s3 =	sld [smem:$0x3FFE];
	_ =	sdelay $0x1  }
0x8a: {  	s1 =	srdreg.scid  }
0x8b: {  	s0 =	sand.u32 $0x1, s1  }
0x8c: {  	s17 =	sshll.u32 s0, $0xA;
	s2 =	sadd.s32 s3, s2  }
0x8d: {  	s2 =	sadd.s32 s2, s17  }
0x8e: {  	[smem:$0x3FC5] =	sst s2  }
0x8f: {  	_ = 	snop  }
0x90: {  	s2 =	sld [smem:$0x3FD0];
	(tm) =	ssettm $0x1  }
0x91: {  	s18 =	sld [smem:$0x3FFB];
	_ =	sdelay $0x3  }
0x92: {  	_ =	strace s18  }
0x93: {  	s3 =	sld [smem:$0x3FFC];
	_ =	sdelay $0x3  }
0x94: {  	_ =	strace s3  }
0x95: {  	s3 =	sld [smem:$0x3FFD];
	_ =	sdelay $0x3  }
0x96: {  	_ =	strace s3  }
0x97: {  	_ =	strace $0x8FFFFFFF  }
0x98: {  	s19 =	sld [smem:$0x3FDB];
	_ =	sdelay $0x1  }
0x99: {  	s4 =	simm.s32 $_scs_section_size  }
0x9a: {  	s5 =	simm.s32 $_size__tile_overlayer_lowered;
	s6 =	simm.s32 $_tile_overlayer_lowered  }
0x9b: {  	s22 =	simm.s32 $0x1BFF;
	s21 =	sshll.u32 s6, $0x1;
	s3 =	sadd.s32 s4, s19  }
0x9c: {  	s7 =	simm.s32 $0x0;
	s20 =	sshll.u32 s5, $0x1;
	s5 =	sadd.s32 s21, s3  }
0x9d: {  	[timem:s7], [sflag:s22] =	dma.local [hbm:s5], s20  }
0x9e: {  	_ =	swait.ge [sflag:s22], s20  }
0x9f: {  	s4 =	ssub.s32 $0x0, s20;
	[sflag:s22] =	ssyncset.done $0x0  }
0xa0: {  	[sflag:s22] =	ssyncadd.s32 s4;
	_ =	sdelay $0x1  }
0xa1: {  	s23 =	simm.s32 $0x1B8B  }
0xa2: {  	_ =	swait.ge [sflag:s23], $0x1  }
0xa3: {  	[sflag:s23] =	ssyncset.done $0x0  }
0xa4: {  	s25 =	simm.s32 $0x1B8E;
	s24 =	sld [smem:$0x3FFE];
	[sflag:s23] =	ssyncadd.s32 $0xFFFFFFFF  }
0xa5: {  	s26 =	simm.s32 $execute0_lowered;
	[smem:$0x3FD2] =	sst s25  }
0xa6: {  	s5 =	sshll.u32 s26, $0x1;
	_ =	strace $0x80000046;
	[dreg:$0x1] =	wrdreg $0xFFFFFFFF  }
0xa7: {  	s28 =	simm.s32 $_size_execute0_lowered;
	s3 =	sadd.s32 s3, s5;
	[dreg:$0x0] =	wrdreg $0x0  }
0xa8: {  	s5 =	sshll.u32 s28, $0x1;
	[dreg:$0x2] =	wrdreg s3  }
0xa9: {  	[dreg:$0x3] =	wrdreg s5  }
0xaa: {  	[dreg:$0x4] =	wrdreg $0xC0  }
0xab: {  	_ =	task [dreg:s7], $0x5FFFF  }
0xac: {  	[dreg:$0x1] =	wrdreg $0xFFFFFFFF  }
0xad: {  	[dreg:$0x0] =	wrdreg $0x60  }
0xae: {  	[dreg:$0x2] =	wrdreg s2  }
0xaf: {  	[dreg:$0x3] =	wrdreg s24  }
0xb0: {  	[dreg:$0x4] =	wrdreg $0x9  }
0xb1: {  	_ =	task.clear_ibuf [dreg:s7], $0x5FFFF;
	_ =	strace $0x90000046  }
0xb2: {  	s29 =	simm.s32 $0x9;
	_ =	strace $0x80000048  }
0xb3: {  	_ =	swait.ge [sflag:s29], $0x1  }
0xb4: {  	[sflag:s29] =	ssyncadd.s32 $0xFFFFFFFF  }
0xb5: {  	_ =	strace $0x90000048  }
0xb6: {  	_ =	sfence  }
0xb7: {  	s30 =	sld [smem:$0x0];
	_ =	sdelay $0x2  }
0xb8: {  	s31 =	sshll.u32 s1, $0xD;
	s1 =	sshrl.u32 s1, $0x2  }
0xb9: {  	s3 =	sand.u32 $0x4000, s31;
	s1 =	sadd.s32 s1, s30  }
0xba: {  	s0 =	sor.u32 s3, s0;
	s1 =	sshll.u32 s1, $0x11  }
0xbb: {  	s0 =	sor.u32 s1, s0  }
0xbc: {  	s0 =	sadd.s32 $0x8F2B, s0  }
0xbd: {  	[sflag:s0] =	ssyncadd.remote.s32 $0x1  }
0xbe: {  	_ =	sfence.sel $0xFFFF  }
0xbf: {  	[dreg:$0x0] =	wrdreg $0xFFFFFFFF;
	(pc) =	sbr.abs _section_cstart, $3  }
0xc0: {  	[dreg:$0x1] =	wrdreg $0xFFFFFFFF  }
0xc1: {  	_ =	task.clear_ibuf [dreg:s7], $0x2FFFF;
	_ =	strace $0x9FFFFFFF  }
0xc2: {  	(tm) =	ssettm $0x7FFFFFFF  }
0xc3: {  	_ =	shalt  }
tec
execute0_lowered:
.L_overlay_start_1:
0x0: {  	(tag) =	ssettag $0x1  }
0x1: {  	s1 =	rddreg [dreg:$0x0]  }
0x2: {  	s5 =	rddreg [dreg:$0x1]  }
0x3: {  	s0 =	rddreg [dreg:$0x2];
	s4 =	srdreg.scid  }
0x4: {  	s3 =	simm.s32 $0x0;
	s2 =	stileid.u32;
	s13 =	simm.s32 $0x10000  }
0x5: {  	s14 =	simm.s32 $0x8000;
	s15 =	simm.s32 $0x10800;
	s16 =	simm.s32 $0x1  }
0x6: {  	s17 =	simm.s32 $0x3;
	s18 =	simm.s32 $0x11000;
	s19 =	simm.s32 $0x11080  }
0x7: {  	s20 =	simm.s32 $0x2;
	s21 =	simm.s32 $0x4;
	s22 =	simm.s32 $0x5  }
0x8: {  	s23 =	simm.s32 $0x0;
	s6 =	sand.u32 $0x1, s4;
	[smem:$0x7FF] =	sst s3  }
0x9: {  	s26 =	sshll.u32 s2, $0x9;
	s4 =	sadd.s32 $0xE00, s5;
	s7 =	sshll.u32 s6, $0x8  }
0xa: {  	_ =	strace $0x80000047;
	s6 =	ssub.s32 $0x2, s6;
	s10 =	sor.u32 s7, s26  }
0xb: {  	v0 =	vlaneseq.u32;
	vm3 =	vmmov $0x1;
	v2 =	vimm.s32 $0x0;
	s28 =	sshrl.u32 s6, $0x1;
	s7 =	sshrl.u32 s10, $0x3;
	s8 =	sshll.u32 s10, $0x8  }
.Ltmp0:
0xc: {  	vm4 =	vmmov $0x7fff;
	v11 =	vimm.s32 $0x0;
	v1 =	vmul.u32 $0xFFFFFFFF, v0;
	s12 =	ssub.s32 s6, s28;
	s30 =	sshll.u32 s10, $0x4;
	(pc) =	sbr.rel .LBB2_1-.Ltmp0, $4  }
0xd: {  	v3 =	vor.u32 $0x10, v0;
	v4 =	vor.u32 $0x20, v0;
	v11 =	vsel vm3, $0xFFFFFFFF, v11;
	s11 =	sadd.s32 s7, s5;
	s5 =	sadd.s32 s1, s8;
	s29 =	sor.u32 $0x2, s7  }
0xe: {  	v5 =	vor.u32 $0x30, v0;
	v6 =	vor.u32 $0x40, v0;
	[tilespmem:$0x1FFE0] =	vst v11;
	v11 =	vimm.s32 $0x0;
	s6 =	sadd.s32 s4, s30;
	s12 =	smax.u32 s12, $0x1;
	s31 =	sshll.u32 s29, $0xB  }
0xf: {  	v7 =	vor.u32 $0x50, v0;
	v8 =	vor.u32 $0x60, v0;
	v11 =	vsel vm4, $0xFFFFFFFF, v11;
	s9 =	sshll.u32 s29, $0x7;
	s11 =	sadd.s32 $0x20E00, s11;
	s7 =	sadd.s32 s1, s31  }
0x10: {  	v9 =	vor.u32 $0x70, v0;
	v10 =	vmul.u32 $0x400, v0;
	v1 =	vadd.s32 $0xF, v1;
	[tilespmem:$0x1FFF0] =	vst v11;
	s8 =	sadd.s32 s4, s9;
	s9 =	sor.u32 $0x20, s10;
	s10 =	sor.u32 $0x30, s10  }
.LBB2_8:
0x11: {  	s23 =	sadd.s32 $0x1, s23  }
0x12: {  	p0 =	sne.s32 s23, s12  }
.Ltmp1:
0x13: {  	_ = 	snop;
	(pc) =	sbr.rel @!p0 .LBB2_9-.Ltmp1, $4  }
0x14: {  	[hbm4b:s11+s3] =	stream.linear.scatter [tilespmem:s19], [sflag:$0x5], $0x100, $0x38;
	[tilespmem:$0x11180] =	vst v63  }
0x15: {  	_ =	swait.ge [sflag:s22], $0x100  }
0x16: {  	[sflag:s22] =	ssyncset.done $0x0  }
0x17: {  	[sflag:s22] =	ssyncadd.s32 $0xFFFFFF00  }
.LBB2_1:
0x18: {  	[tilespmem:s3], [sflag:$0x1] =	stream.linear.gather [hbm4b:s5+s3], $0x8000, $0x38;
	[tilespmem:$0x11180] =	vst v63  }
0x19: {  	_ = 	snop  }
0x1a: {  	[tilespmem:s13], [sflag:$0x3] =	stream.linear.gather [hbm4b:s6+s3], $0x800, $0x38;
	[tilespmem:$0x11180] =	vst v63  }
0x1b: {  	_ = 	snop  }
0x1c: {  	[tilespmem:s14], [sflag:$0x2] =	stream.linear.gather [hbm4b:s7+s3], $0x8000, $0x38;
	[tilespmem:$0x11180] =	vst v63  }
0x1d: {  	s24 =	simm.s32 $0x10;
	s25 =	simm.s32 $0x0;
	s26 =	simm.s32 $0x0  }
0x1e: {  	[tilespmem:s15], [sflag:$0x4] =	stream.linear.gather [hbm4b:s8+s3], $0x800, $0x38;
	[tilespmem:$0x11180] =	vst v63  }
.LBB2_2:
0x1f: {  	_ =	swait.ge [sflag:s16], $0x8000  }
0x20: {  	[sflag:s16] =	ssyncset.done $0x0  }
0x21: {  	[sflag:s16] =	ssyncadd.s32 $0xFFFF8000  }
0x22: {  	_ =	swait.ge [sflag:s17], $0x800  }
0x23: {  	s28 =	sshll.u32 s26, $0x5;
	[sflag:s17] =	ssyncset.done $0x0  }
0x24: {  	s29 =	simm.s32 $0x0;
	s30 =	simm.s32 $0x10040;
	[sflag:s17] =	ssyncadd.s32 $0xFFFFF800  }
.LBB2_3:
0x25: {  	v14 =	vld [tilespmem:s30+$0xFFFFFFC0]  }
0x26: {  	v15 =	vld [tilespmem:s30+$0xFFFFFFD0]  }
0x27: {  	v16 =	vld [tilespmem:s30+$0xFFFFFFE0]  }
0x28: {  	v17 =	vld [tilespmem:s30+$0xFFFFFFF0]  }
0x29: {  	v18 =	vld [tilespmem:s30+$0x0]  }
0x2a: {  	v13 =	vld [tilespmem:s30+$0x10];
	(xrf1) =	vsort.ascd.msk.u32 $0xffff, v14, v14  }
0x2b: {  	v12 =	vld [tilespmem:s30+$0x20];
	(xrf1) =	vsort.ascd.msk.u32 $0xffff, v15, v15  }
0x2c: {  	v11 =	vld [tilespmem:s30+$0x30];
	(xrf1) =	vsort.ascd.msk.u32 $0xffff, v16, v16  }
0x2d: {  	(xrf1) =	vsort.ascd.msk.u32 $0xffff, v17, v17  }
0x2e: {  	(xrf1) =	vsort.ascd.msk.u32 $0xffff, v18, v18  }
0x2f: {  	(xrf1) =	vsort.ascd.msk.u32 $0xffff, v13, v13  }
0x30: {  	(xrf1) =	vsort.ascd.msk.u32 $0xffff, v12, v12  }
0x31: {  	(xrf1) =	vsort.ascd.msk.u32 $0xffff, v11, v11;
	_ =	sdelay $0x6  }
0x32: {  	v19, _, _ =	vpop (xrf1)  }
0x33: {  	v20, _, _ =	vpop (xrf1)  }
0x34: {  	v21, _, _ =	vpop (xrf1);
	v20 =	vperm.xlane v20, v1  }
0x35: {  	v22, _, _ =	vpop (xrf1)  }
0x36: {  	v23, _, _ =	vpop (xrf1);
	vm0 =	vlt.s32 v19, v20;
	v22 =	vperm.xlane v22, v1  }
0x37: {  	v24, _, _ =	vpop (xrf1);
	v25 =	vsel vm0, v19, v20;
	v19 =	vsel vm0, v20, v19  }
0x38: {  	v49, _, _ =	vpop (xrf1);
	(xrf1) =	vsort.ascd.msk.u32 $0xffff, v25, v25;
	vm0 =	vlt.s32 v21, v22;
	v24 =	vperm.xlane v24, v1  }
0x39: {  	v50, _, _ =	vpop (xrf1);
	(xrf1) =	vsort.ascd.msk.u32 $0xffff, v19, v19;
	v51 =	vsel vm0, v21, v22;
	v21 =	vsel vm0, v22, v21  }
0x3a: {  	(xrf1) =	vsort.ascd.msk.u32 $0xffff, v51, v51;
	vm0 =	vlt.s32 v23, v24;
	v52 =	vperm.xlane v50, v1  }
0x3b: {  	(xrf1) =	vsort.ascd.msk.u32 $0xffff, v21, v21;
	v53 =	vsel vm0, v23, v24  }
0x3c: {  	v54 =	vsel vm0, v24, v23;
	(xrf1) =	vsort.ascd.msk.u32 $0xffff, v53, v53;
	vm0 =	vlt.s32 v49, v52  }
0x3d: {  	(xrf1) =	vsort.ascd.msk.u32 $0xffff, v54, v54;
	v55 =	vsel vm0, v49, v52  }
0x3e: {  	v19 =	vsel vm0, v52, v49;
	(xrf1) =	vsort.ascd.msk.u32 $0xffff, v55, v55  }
0x3f: {  	(xrf1) =	vsort.ascd.msk.u32 $0xffff, v19, v19;
	_ =	sdelay $0x6  }
0x40: {  	v56, _, _ =	vpop (xrf1)  }
0x41: {  	v57, _, _ =	vpop (xrf1)  }
0x42: {  	v58, _, _ =	vpop (xrf1)  }
0x43: {  	v59, _, _ =	vpop (xrf1)  }
0x44: {  	v60, _, _ =	vpop (xrf1)  }
0x45: {  	v21 =	vperm.xlane v58, v1;
	v61, _, _ =	vpop (xrf1)  }
0x46: {  	v22 =	vperm.xlane v59, v1;
	v62, _, _ =	vpop (xrf1)  }
0x47: {  	vm1 =	vgt.s32 v57, v21;
	v26, _, _ =	vpop (xrf1)  }
0x48: {  	vm0 =	vgt.s32 v56, v22;
	v25 =	vperm.xlane v62, v1;
	v26 =	vperm.xlane v26, v1  }
0x49: {  	v20 =	vsel vm1, v57, v21;
	v19 =	vsel vm0, v56, v22  }
0x4a: {  	vm0 =	vgt.s32 v19, v20;
	vm2 =	vgt.s32 v61, v25;
	vm1 =	vgt.s32 v60, v26  }
0x4b: {  	v21 =	vsel vm0, v20, v19;
	v63 =	vsel vm1, v60, v26;
	v26 =	vsel vm2, v61, v25  }
0x4c: {  	v19 =	vsel vm0, v19, v20;
	(xrf1) =	vsort.ascd.msk.u32 $0xffff, v21, v21;
	vm0 =	vgt.s32 v63, v26  }
0x4d: {  	(xrf1) =	vsort.ascd.msk.u32 $0xffff, v19, v19;
	v27 =	vsel vm0, v26, v63  }
0x4e: {  	v28 =	vsel vm0, v63, v26;
	(xrf1) =	vsort.ascd.msk.u32 $0xffff, v27, v27  }
0x4f: {  	(xrf1) =	vsort.ascd.msk.u32 $0xffff, v28, v28;
	_ =	sdelay $0xa  }
0x50: {  	v29, _, _ =	vpop (xrf1)  }
0x51: {  	v30, _, _ =	vpop (xrf1)  }
0x52: {  	v31, _, _ =	vpop (xrf1)  }
0x53: {  	v32, _, _ =	vpop (xrf1)  }
0x54: {  	v21 =	vperm.xlane v31, v1;
	v22 =	vperm.xlane v32, v1;
	_ =	sdelay $0x1  }
0x55: {  	vm1 =	vgt.s32 v30, v21;
	vm0 =	vgt.s32 v29, v22  }
0x56: {  	v20 =	vsel vm1, v30, v21;
	v19 =	vsel vm0, v29, v22  }
0x57: {  	vm0 =	vlt.s32 v19, v20  }
0x58: {  	v19 =	vsel vm0, v19, v20  }
0x59: {  	(xrf1) =	vsort.ascd.msk.u32 $0xffff, v19, v19;
	_ =	sdelay $0xd  }
0x5a: {  	v19, _, _ =	vpop (xrf1)  }
0x5b: {  	v19 =	vnsel vm3, $0x0, v19  }
0x5c: {  	(xrf0) =	vadd.scan.msk.s32 $0xffff, v19;
	_ =	sdelay $0x5  }
0x5d: {  	v19, _, _ =	vpop (xrf0)  }
0x5e: {  	v19 =	vbroadcast v19, $0xF;
	_ =	sdelay $0x1  }
0x5f: {  	vm0 =	vgt.s32 v14, v19  }
0x60: {  	v33 =	vimm.s32 $0x0;
	vm11 =	veq.s32 v14, v19;
	v34 =	vsel vm0, $0x1, v2  }
0x61: {  	v20 =	vsel vm0, $0xFFFFFFFF, v33;
	v35 =	vsel vm11, $0x1, v2;
	vm0 =	vgt.s32 v15, v19;
	(xrf0) =	vadd.scan.msk.s32 $0xffff, v34  }
0x62: {  	vm13 =	veq.s32 v15, v19;
	v37 =	vsel vm0, $0x1, v2;
	(xrf0) =	vadd.scan.msk.s32 $0xffff, v35  }
0x63: {  	v36 =	vimm.s32 $0x0;
	v38 =	vsel vm13, $0x1, v2;
	(xrf0) =	vadd.scan.msk.s32 $0xffff, v37  }
0x64: {  	v59 =	vimm.s32 $0x0;
	v14 =	vsel vm0, $0xFFFFFFFF, v36;
	(xrf0) =	vadd.scan.msk.s32 $0xffff, v38  }
0x65: {  	vm8 =	vgt.s32 v16, v19;
	vm9 =	veq.s32 v16, v19;
	vm4 =	vgt.s32 v17, v19  }
0x66: {  	vm14 =	veq.s32 v17, v19;
	vm5 =	vgt.s32 v18, v19;
	v41 =	vsel vm8, $0x1, v2  }
0x67: {  	vm12 =	veq.s32 v18, v19;
	v43 =	vsel vm9, $0x1, v2;
	[tilespmem:$0x1FFC0] =	vst v14;
	(xrf0) =	vadd.scan.msk.s32 $0xffff, v41;
	v14, _, _ =	vpop (xrf0)  }
0x68: {  	vm6 =	vgt.s32 v13, v19;
	vm15 =	veq.s32 v13, v19;
	v44 =	vsel vm4, $0x1, v2;
	v39, _, _ =	vpop (xrf0);
	(xrf0) =	vadd.scan.msk.s32 $0xffff, v43  }
0x69: {  	vm7 =	vgt.s32 v12, v19;
	vm10 =	veq.s32 v12, v19;
	v47 =	vsel vm14, $0x1, v2;
	v22, _, _ =	vpop (xrf0);
	(xrf0) =	vadd.scan.msk.s32 $0xffff, v44  }
0x6a: {  	vm1 =	vgt.s32 v11, v19;
	v40 =	vmpcnt.ones.xlane vm11;
	v48 =	vsel vm5, $0x1, v2;
	v45, _, _ =	vpop (xrf0);
	(xrf0) =	vadd.scan.msk.s32 $0xffff, v47  }
0x6b: {  	v46 =	vmpcnt.ones.xlane vm13;
	v50 =	vsel vm12, $0x1, v2;
	v51 =	vmpcnt.ones.xlane vm9;
	(xrf0) =	vadd.scan.msk.s32 $0xffff, v48  }
0x6c: {  	v52 =	vsel vm6, $0x1, v2;
	v54 =	vsel vm15, $0x1, v2;
	v56 =	vsel vm7, $0x1, v2;
	(xrf0) =	vadd.scan.msk.s32 $0xffff, v50  }
0x6d: {  	v57 =	vsel vm10, $0x1, v2;
	v13 =	vsel vm1, $0xFFFFFFFF, v59;
	v62 =	vmpcnt.ones.xlane vm14;
	v53, _, _ =	vpop (xrf0);
	(xrf0) =	vadd.scan.msk.s32 $0xffff, v52  }
0x6e: {  	v30 =	vmpcnt.ones.xlane vm12;
	[tilespmem:$0x1FFB0] =	vst v20;
	v42 =	vadd.s32 $0xFFFFFFFF, v39;
	v55, _, _ =	vpop (xrf0);
	(xrf0) =	vadd.scan.msk.s32 $0xffff, v54  }
0x6f: {  	v34 =	vmpcnt.ones.xlane vm15;
	v20 =	vadd.s32 $0xFFFFFFFF, v40;
	vm0 =	vlt.s32 v42, $0x20;
	v58, _, _ =	vpop (xrf0);
	(xrf0) =	vadd.scan.msk.s32 $0xffff, v56  }
0x70: {  	vm2 =	vmand vm11, vm0;
	vm11 =	veq.s32 v11, v19;
	v11 =	vsel vm1, $0x1, v2;
	v60, _, _ =	vpop (xrf0);
	(xrf0) =	vadd.scan.msk.s32 $0xffff, v57  }
0x71: {  	v49 =	vadd.s32 v20, v46;
	v17 =	vadd.s32 v20, v45;
	v63, _, _ =	vpop (xrf0);
	(xrf0) =	vadd.scan.msk.s32 $0xffff, v11;
	v11 =	vsel vm11, $0x1, v2  }
0x72: {  	v61 =	vadd.s32 v49, v51;
	vm0 =	vlt.s32 v17, $0x20;
	v12 =	vadd.s32 v49, v55  }
0x73: {  	v15 =	vsub.s32 $0x20, v39;
	vm13 =	vmand vm13, vm0;
	vm0 =	vlt.s32 v12, $0x20;
	v29, _, _ =	vpop (xrf0);
	(xrf0) =	vadd.scan.msk.s32 $0xffff, v11  }
0x74: {  	v19 =	vadd.s32 v61, v62;
	v17 =	vsub.s32 $0x1F, v17;
	vm0 =	vmand vm9, vm0;
	v11, _, _ =	vpop (xrf0)  }
0x75: {  	[tilespmem:$0x1FFD0] =	vst v13;
	v41 =	vld [tilespmem:$0x1FFC0];
	v24 =	vadd.s32 v19, v30;
	v12 =	vsub.s32 $0x1F, v12;
	v13 =	vadd.s32 v61, v60;
	v31, _, _ =	vpop (xrf0)  }
0x76: {  	v37 =	vmpcnt.ones.xlane vm10;
	v20 =	vadd.s32 v24, v34;
	vm1 =	vlt.s32 v13, $0x20;
	v32, _, _ =	vpop (xrf0)  }
0x77: {  	v39 =	vld [tilespmem:$0x1FFB0];
	v13 =	vsub.s32 $0x1F, v13;
	vm9 =	vmand vm14, vm1;
	v18 =	vadd.s32 v19, v29;
	v35, _, _ =	vpop (xrf0)  }
0x78: {  	[tilespmem:v15+s18+$0x0] =	vst.idx.msk vm2, v0;
	vm1 =	vlt.s32 v18, $0x20;
	v18 =	vsub.s32 $0x1F, v18;
	v33 =	vadd.s32 v24, v31;
	v36, _, _ =	vpop (xrf0)  }
0x79: {  	[tilespmem:v17+s18+$0x0] =	vst.idx.msk vm13, v3;
	vm1 =	vmand vm12, vm1;
	vm14 =	vlt.s32 v33, $0x20;
	v38 =	vsub.s32 $0x1F, v33;
	v28, _, _ =	vpop (xrf0)  }
0x7a: {  	[tilespmem:v12+s18+$0x0] =	vst.idx.msk vm0, v4;
	vm0 =	vnez.u8 v41;
	v26 =	vadd.s32 v35, v20;
	v20 =	vadd.s32 v28, v20  }
0x7b: {  	vm12 =	vmand vm15, vm14;
	vm14 =	vlt.s32 v26, $0x20;
	v20 =	vadd.s32 v37, v20  }
0x7c: {  	vm15 =	vnez.u8 v39;
	vm2 =	vmand vm10, vm14;
	vm10 =	vlt.s32 v20, $0x20  }
0x7d: {  	v17 =	vmpcnt.ones.xlane vm15;
	v40 =	vsub.s32 $0x1F, v26;
	vm10 =	vmand vm11, vm10  }
0x7e: {  	v12 =	vmpcnt.ones.xlane vm0;
	v20 =	vsub.s32 $0x1F, v20  }
0x7f: {  	v44 =	vmpcnt.ones.xlane vm8;
	v42 =	vadd.s32 $0xFFFFFFFF, v14;
	[tilespmem:v13+s18+$0x0] =	vst.idx.msk vm9, v5;
	v43 =	vadd.s32 $0xFFFFFFFF, v17  }
0x80: {  	v46 =	vmpcnt.ones.xlane vm4;
	[tilespmem:v18+s18+$0x0] =	vst.idx.msk vm1, v6;
	v45 =	vadd.s32 v43, v22;
	v12 =	vadd.s32 v43, v12  }
0x81: {  	v48 =	vmpcnt.ones.xlane vm5;
	v47 =	vadd.s32 v12, v53;
	v12 =	vadd.s32 v12, v44;
	[tilespmem:v38+s18+$0x0] =	vst.idx.msk vm12, v7  }
0x82: {  	v17 =	vadd.s32 v12, v58;
	v12 =	vadd.s32 v12, v46;
	[tilespmem:v40+s18+$0x0] =	vst.idx.msk vm2, v8  }
0x83: {  	v50 =	vadd.s32 v12, v63;
	v12 =	vadd.s32 v12, v48;
	[tilespmem:v20+s18+$0x0] =	vst.idx.msk vm10, v9  }
0x84: {  	v11 =	vadd.s32 v12, v11;
	[tilespmem:v42+s18+$0x0] =	vst.idx.msk vm15, v0  }
0x85: {  	[tilespmem:v45+s18+$0x0] =	vst.idx.msk vm0, v3  }
0x86: {  	[tilespmem:v47+s18+$0x0] =	vst.idx.msk vm8, v4  }
0x87: {  	[tilespmem:v17+s18+$0x0] =	vst.idx.msk vm4, v5  }
0x88: {  	[tilespmem:v50+s18+$0x0] =	vst.idx.msk vm5, v6  }
0x89: {  	[tilespmem:v11+s18+$0x0] =	vst.idx.msk vm6, v7;
	v11 =	vld [tilespmem:$0x1FFD0];
	_ =	sdelay $0x1  }
0x8a: {  	v49 =	vmpcnt.ones.xlane vm6;
	_ =	sdelay $0x1  }
0x8b: {  	v51 =	vmpcnt.ones.xlane vm7;
	v12 =	vadd.s32 v12, v49  }
0x8c: {  	v14 =	vadd.s32 v32, v12;
	v12 =	vadd.s32 v12, v36;
	vm8 =	vnez.u8 v11  }
0x8d: {  	v12 =	vadd.s32 v51, v12;
	_ =	sdelay $0x3  }
0x8e: {  	v27 =	vld [tilespmem:$0x1FFF0];
	[tilespmem:v14+s18+$0x0] =	vst.idx.msk vm7, v8  }
0x8f: {  	v52 =	vld [tilespmem:$0x1FFE0];
	[tilespmem:v12+s18+$0x0] =	vst.idx.msk vm8, v9  }
0x90: {  	v24 =	vld [tilespmem:$0x11000];
	_ =	sdelay $0x2  }
0x91: {  	vm3 =	vnez.u8 v27  }
0x92: {  	v54 =	vmov s29;
	vm15 =	vmmov vm3;
	vm3 =	vnez.u8 v52  }
0x93: {  	v55 =	vshll.u32 v54, $0xB;
	vm0 =	vcmask $0x308;
	v11 =	vnsel vm3, $0x0, v24  }
0x94: {  	vm13 =	vcmask $0x3338;
	vm1 =	vcmask $0x70C;
	(xrf0) =	vadd.scan.msk.s32 $0xffff, v11;
	v11 =	vsel vm0, $0x0, v24  }
0x95: {  	vm9 =	vcmask $0x2328;
	vm14 =	vcmask $0x373C;
	(xrf0) =	vadd.scan.msk.s32 $0xffff, v11;
	v11 =	vsel vm1, $0x0, v24  }
0x96: {  	vm11 =	vcmask $0x2B30;
	vm12 =	vcmask $0x2F34;
	vm2 =	vcmask $0xB10;
	(xrf0) =	vadd.scan.msk.s32 $0xffff, v11  }
0x97: {  	vm10 =	vcmask $0x272C;
	vm4 =	vcmask $0xF14;
	vm5 =	vcmask $0x1318  }
0x98: {  	vm6 =	vcmask $0x171C;
	vm7 =	vcmask $0x1B20;
	vm8 =	vcmask $0x1F24  }
0x99: {  	v57 =	vsel vm2, $0x0, v24;
	v59 =	vsel vm4, $0x0, v24;
	v22 =	vsel vm5, $0x0, v24  }
0x9a: {  	v28 =	vsel vm6, $0x0, v24;
	v34 =	vsel vm7, $0x0, v24;
	v39 =	vsel vm8, $0x0, v24;
	v53, _, _ =	vpop (xrf0)  }
0x9b: {  	v42 =	vsel vm9, $0x0, v24;
	v48 =	vsel vm10, $0x0, v24;
	(xrf0) =	vadd.scan.msk.s32 $0xffff, v57;
	v11 =	vbroadcast v53, $0xF;
	v56, _, _ =	vpop (xrf0)  }
0x9c: {  	(xrf0) =	vadd.scan.msk.s32 $0xffff, v59;
	v53 =	vsel vm11, $0x0, v24;
	v59 =	vsel vm12, $0x0, v24;
	v15 =	vbroadcast v56, $0xF;
	v62, _, _ =	vpop (xrf0)  }
0x9d: {  	v12 =	vshll.u32 v11, $0x3;
	v60 =	vand.u32 $0x7F, v11;
	v16 =	vbroadcast v62, $0xF  }
0x9e: {  	v58 =	vadd.s32 v10, v12;
	v12 =	vand.u32 $0x4000, v55;
	v61 =	vshll.u32 v15, $0x3  }
0x9f: {  	(xrf0) =	vadd.scan.msk.s32 $0xffff, v22;
	v63 =	vand.u32 $0x7F, v15;
	v11 =	vand.u32 $0xFFFFFC00, v58;
	v13 =	vadd.s32 v10, v61  }
0xa0: {  	v21 =	vshll.u32 v16, $0x3;
	v16 =	vand.u32 $0x7F, v16;
	v14 =	vadd.s32 v12, v11  }
0xa1: {  	v11 =	vshll.u32 v54, $0x7;
	v13 =	vand.u32 $0xFFFFFC00, v13;
	v23 =	vadd.s32 v10, v21  }
0xa2: {  	v25, _, _ =	vpop (xrf0);
	v11 =	vand.u32 $0x380, v11;
	v14 =	vor.u32 v60, v14;
	v13 =	vadd.s32 v12, v13  }
0xa3: {  	v26 =	vbroadcast v25, $0xF;
	v27, _, _ =	vpop (xrf0);
	v15 =	vor.u32 v11, v14;
	v14 =	vand.u32 $0xFFFFFC00, v23  }
0xa4: {  	(xrf0) =	vadd.scan.msk.s32 $0xffff, v28;
	v13 =	vor.u32 v63, v13;
	v29 =	vbroadcast v27, $0xF;
	v14 =	vadd.s32 v12, v14  }
0xa5: {  	v37, _, _ =	vpop (xrf0);
	v17 =	vor.u32 v11, v13;
	v31 =	vshll.u32 v26, $0x3;
	v18 =	vand.u32 $0x7F, v26  }
0xa6: {  	(xrf0) =	vadd.scan.msk.s32 $0xffff, v34;
	v19 =	vbroadcast v37, $0xF;
	v30 =	vor.u32 v16, v14;
	v32 =	vadd.s32 v10, v31  }
0xa7: {  	v33 =	vshll.u32 v29, $0x3;
	v20 =	vand.u32 $0x7F, v29;
	v14 =	vor.u32 v11, v30  }
0xa8: {  	(xrf0) =	vadd.scan.msk.s32 $0xffff, v39;
	v35 =	vand.u32 $0xFFFFFC00, v32;
	v36 =	vadd.s32 v10, v33;
	v40 =	vshll.u32 v19, $0x3  }
0xa9: {  	v19 =	vand.u32 $0x7F, v19;
	v32 =	vsel vm13, $0x0, v24;
	v30 =	vsel vm15, $0x0, v24  }
0xaa: {  	v13 =	vadd.s32 v12, v35;
	v16 =	vand.u32 $0xFFFFFC00, v36;
	v38, _, _ =	vpop (xrf0);
	v43 =	vadd.s32 v10, v40  }
0xab: {  	(xrf0) =	vadd.scan.msk.s32 $0xffff, v42;
	v16 =	vadd.s32 v12, v16;
	v13 =	vor.u32 v18, v13;
	v41 =	vbroadcast v38, $0xF  }
0xac: {  	v35 =	vsel vm14, $0x0, v24;
	v45, _, _ =	vpop (xrf0);
	v16 =	vor.u32 v20, v16;
	v18 =	vor.u32 v11, v13  }
0xad: {  	v13 =	vand.u32 $0xFFFFFC00, v43;
	v21 =	vbroadcast v45, $0xF;
	v44 =	vshll.u32 v41, $0x3  }
0xae: {  	v51, _, _ =	vpop (xrf0);
	(xrf0) =	vadd.scan.msk.s32 $0xffff, v48;
	v16 =	vor.u32 v11, v16;
	v13 =	vadd.s32 v12, v13;
	v20 =	vadd.s32 v10, v44  }
0xaf: {  	v22 =	vand.u32 $0x7F, v41;
	v47 =	vshll.u32 v21, $0x3;
	v46 =	vand.u32 $0xFFFFFC00, v20  }
0xb0: {  	v13 =	vor.u32 v19, v13;
	v50 =	vadd.s32 v10, v47;
	v20 =	vadd.s32 v12, v46  }
0xb1: {  	v54 =	vand.u32 $0x7F, v21;
	v52, _, _ =	vpop (xrf0);
	v49 =	vor.u32 v22, v20;
	v20 =	vand.u32 $0xFFFFFC00, v50  }
0xb2: {  	(xrf0) =	vadd.scan.msk.s32 $0xffff, v53;
	v22 =	vbroadcast v51, $0xF;
	v23 =	vbroadcast v52, $0xF;
	v20 =	vadd.s32 v12, v20  }
0xb3: {  	v19 =	vor.u32 v11, v13;
	v21 =	vor.u32 v11, v49;
	v55 =	vor.u32 v54, v20  }
0xb4: {  	(xrf0) =	vadd.scan.msk.s32 $0xffff, v59;
	v62, _, _ =	vpop (xrf0);
	v56 =	vshll.u32 v22, $0x3;
	v58 =	vshll.u32 v23, $0x3;
	v22 =	vand.u32 $0x7F, v22  }
0xb5: {  	v23 =	vand.u32 $0x7F, v23;
	v26 =	vbroadcast v62, $0xF;
	v57 =	vadd.s32 v10, v56  }
0xb6: {  	v20 =	vor.u32 v11, v55;
	v61 =	vadd.s32 v10, v58;
	v60 =	vand.u32 $0xFFFFFC00, v57  }
0xb7: {  	v25 =	vand.u32 $0xFFFFFC00, v61;
	v33 =	vshll.u32 v26, $0x3;
	v36 =	vand.u32 $0x7F, v26  }
0xb8: {  	(xrf0) =	vadd.scan.msk.s32 $0xffff, v32;
	v13 =	vadd.s32 v12, v60;
	v25 =	vadd.s32 v12, v25;
	v31, _, _ =	vpop (xrf0);
	v27 =	vadd.s32 v10, v33  }
0xb9: {  	(xrf0) =	vadd.scan.msk.s32 $0xffff, v35;
	v13 =	vor.u32 v22, v13;
	v63 =	vor.u32 v23, v25;
	v34 =	vbroadcast v31, $0xF  }
0xba: {  	v37 =	vand.u32 $0xFFFFFC00, v27;
	v29, _, _ =	vpop (xrf0);
	v23 =	vor.u32 v11, v13;
	v22 =	vor.u32 v11, v63  }
0xbb: {  	v13 =	vld [tilespmem:$0x11010];
	v26 =	vadd.s32 v12, v37;
	v29 =	vbroadcast v29, $0xF;
	v38 =	vshll.u32 v34, $0x3  }
0xbc: {  	v25 =	vor.u32 v36, v26;
	v39 =	vand.u32 $0x7F, v34;
	v27 =	vadd.s32 v10, v38  }
0xbd: {  	v63 =	vld.idx.msk [tilespmem:v15+s3+$0x0], $0xffff;
	v40 =	vshll.u32 v29, $0x3;
	v24 =	vor.u32 v11, v25;
	v27 =	vand.u32 $0xFFFFFC00, v27  }
0xbe: {  	v43, _, _ =	vpop (xrf0);
	(xrf0) =	vadd.scan.msk.s32 $0xffff, v30;
	v29 =	vand.u32 $0x7F, v29;
	v42 =	vadd.s32 v10, v40;
	v27 =	vadd.s32 v12, v27  }
0xbf: {  	v26 =	vand.u32 $0xFFFFFC00, v42;
	v44, _, _ =	vpop (xrf0);
	v41 =	vor.u32 v39, v27;
	v27 =	vbroadcast v43, $0xF  }
0xc0: {  	v45 =	vnsel vm3, $0x0, v13;
	v31 =	vadd.s32 v12, v26;
	v28 =	vbroadcast v44, $0xF  }
0xc1: {  	v49 =	vsel vm0, $0x0, v13;
	v53 =	vsel vm1, $0x0, v13;
	v54 =	vsel vm2, $0x0, v13  }
0xc2: {  	v34 =	vsel vm4, $0x0, v13;
	v35 =	vsel vm5, $0x0, v13;
	v36 =	vsel vm6, $0x0, v13;
	(xrf1) =	vsort.ascd.msk.u32 $0xffff, v63, v63  }
0xc3: {  	v63 =	vsel vm9, $0x0, v13;
	(xrf0) =	vadd.scan.msk.s32 $0xffff, v45;
	v26 =	vor.u32 v11, v41;
	v46 =	vor.u32 v29, v31  }
0xc4: {  	v50, _, _ =	vpop (xrf0);
	v47 =	vshll.u32 v27, $0x3;
	v48 =	vshll.u32 v28, $0x3;
	v25 =	vor.u32 v11, v46  }
0xc5: {  	(xrf0) =	vadd.scan.msk.s32 $0xffff, v49;
	v27 =	vand.u32 $0x7F, v27;
	v28 =	vand.u32 $0x7F, v28;
	v31 =	vbroadcast v50, $0xF  }
0xc6: {  	v50 =	vsel vm7, $0x0, v13;
	v29 =	vadd.s32 v10, v47;
	v30 =	vadd.s32 v10, v48  }
0xc7: {  	(xrf0) =	vadd.scan.msk.s32 $0xffff, v53;
	v29 =	vand.u32 $0xFFFFFC00, v29;
	v30 =	vand.u32 $0xFFFFFC00, v30;
	v32 =	vshll.u32 v31, $0x3  }
0xc8: {  	v56 =	vand.u32 $0x7F, v31;
	v29 =	vadd.s32 v12, v29;
	v30 =	vadd.s32 v12, v30  }
0xc9: {  	v55 =	vadd.s32 v10, v32;
	v27 =	vor.u32 v27, v29;
	v51 =	vor.u32 v28, v30;
	v52, _, _ =	vpop (xrf0)  }
0xca: {  	v29 =	vand.u32 $0xFFFFFC00, v55;
	v28 =	vor.u32 v11, v27;
	(xrf0) =	vadd.scan.msk.s32 $0xffff, v54;
	v33 =	vbroadcast v52, $0xF  }
0xcb: {  	v27 =	vor.u32 v11, v51;
	v29 =	vadd.s32 v12, v29;
	v51 =	vsel vm8, $0x0, v13;
	v58, _, _ =	vpop (xrf0)  }
0xcc: {  	v29 =	vor.u32 v56, v29;
	v32 =	vbroadcast v58, $0xF;
	v57 =	vshll.u32 v33, $0x3  }
0xcd: {  	v29 =	vor.u32 v11, v29;
	v62, _, _ =	vpop (xrf0);
	(xrf0) =	vadd.scan.msk.s32 $0xffff, v34;
	v59 =	vand.u32 $0x7F, v33;
	v31 =	vadd.s32 v10, v57  }
0xce: {  	v40 =	vbroadcast v62, $0xF;
	v60 =	vshll.u32 v32, $0x3;
	v31 =	vand.u32 $0xFFFFFC00, v31  }
0xcf: {  	v32 =	vand.u32 $0x7F, v32;
	v61 =	vadd.s32 v10, v60;
	v31 =	vadd.s32 v12, v31  }
0xd0: {  	v42 =	vshll.u32 v40, $0x3;
	v39 =	vand.u32 $0xFFFFFC00, v61;
	v41, _, _ =	vpop (xrf0);
	v30 =	vor.u32 v59, v31  }
0xd1: {  	v17 =	vld.idx.msk [tilespmem:v17+s3+$0x0], $0xffff;
	(xrf0) =	vadd.scan.msk.s32 $0xffff, v35;
	v15 =	vadd.s32 v12, v39;
	v33 =	vbroadcast v41, $0xF;
	v31 =	vand.u32 $0x7F, v40  }
0xd2: {  	v30 =	vor.u32 v11, v30;
	v15 =	vor.u32 v32, v15;
	v32 =	vadd.s32 v10, v42  }
0xd3: {  	v14 =	vld.idx.msk [tilespmem:v14+s3+$0x0], $0xffff;
	(xrf0) =	vadd.scan.msk.s32 $0xffff, v36;
	v45, _, _ =	vpop (xrf0);
	v43 =	vshll.u32 v33, $0x3;
	v15 =	vor.u32 v11, v15;
	v32 =	vand.u32 $0xFFFFFC00, v32  }
0xd4: {  	(xrf0) =	vadd.scan.msk.s32 $0xffff, v50;
	v46 =	vand.u32 $0x7F, v33;
	v48 =	vbroadcast v45, $0xF;
	v35 =	vadd.s32 v10, v43  }
0xd5: {  	v18 =	vld.idx.msk [tilespmem:v18+s3+$0x0], $0xffff;
	v32 =	vadd.s32 v12, v32;
	v43 =	vsel vm10, $0x0, v13;
	v44 =	vand.u32 $0xFFFFFC00, v35  }
0xd6: {  	v16 =	vld.idx.msk [tilespmem:v16+s3+$0x0], $0xffff;
	(xrf1) =	vsort.ascd.msk.u32 $0xffff, v17, v17;
	v31 =	vor.u32 v31, v32;
	v35 =	vshll.u32 v48, $0x3;
	v53 =	vand.u32 $0x7F, v48  }
0xd7: {  	v47 =	vadd.s32 v12, v44;
	v49, _, _ =	vpop (xrf0);
	v31 =	vor.u32 v11, v31;
	v35 =	vadd.s32 v10, v35  }
0xd8: {  	(xrf1) =	vsort.ascd.msk.u32 $0xffff, v14, v14;
	v52 =	vld.idx.msk [tilespmem:v19+s3+$0x0], $0xffff;
	v17 =	vor.u32 v46, v47;
	v32 =	vbroadcast v49, $0xF;
	v54 =	vand.u32 $0xFFFFFC00, v35  }
0xd9: {  	v21 =	vld.idx.msk [tilespmem:v21+s3+$0x0], $0xffff;
	(xrf0) =	vadd.scan.msk.s32 $0xffff, v51;
	v56, _, _ =	vpop (xrf0);
	v47 =	vsel vm11, $0x0, v13;
	v17 =	vor.u32 v11, v17;
	v33 =	vadd.s32 v12, v54  }
0xda: {  	(xrf1) =	vsort.ascd.msk.u32 $0xffff, v18, v18;
	v35 =	vbroadcast v56, $0xF;
	v37, _, _ =	vpop (xrf0);
	v55 =	vshll.u32 v32, $0x3;
	v57 =	vor.u32 v53, v33  }
0xdb: {  	(xrf1) =	vsort.ascd.msk.u32 $0xffff, v16, v16;
	v60 =	vld.idx.msk [tilespmem:v20+s3+$0x0], $0xffff;
	v58 =	vand.u32 $0x7F, v32;
	v32 =	vbroadcast v37, $0xF;
	v53 =	vsel vm12, $0x0, v13  }
0xdc: {  	(xrf0) =	vadd.scan.msk.s32 $0xffff, v63;
	v34 =	vadd.s32 v10, v55;
	v62 =	vshll.u32 v35, $0x3;
	v18 =	vor.u32 v11, v57  }
0xdd: {  	(xrf1) =	vsort.ascd.msk.u32 $0xffff, v52, v52;
	v39 =	vand.u32 $0x7F, v35;
	v59 =	vand.u32 $0xFFFFFC00, v34;
	v36 =	vadd.s32 v10, v62  }
0xde: {  	v38 =	vld.idx.msk [tilespmem:v23+s3+$0x0], $0xffff;
	(xrf1) =	vsort.ascd.msk.u32 $0xffff, v21, v21;
	v44 =	vshll.u32 v32, $0x3;
	v32 =	vand.u32 $0x7F, v32;
	v61 =	vadd.s32 v12, v59  }
0xdf: {  	v41 =	vld.idx.msk [tilespmem:v22+s3+$0x0], $0xffff;
	v20 =	vand.u32 $0xFFFFFC00, v36;
	v40, _, _ =	vpop (xrf0);
	(xrf0) =	vadd.scan.msk.s32 $0xffff, v43;
	v45 =	vadd.s32 v10, v44;
	v59 =	vsel vm13, $0x0, v13  }
0xe0: {  	(xrf1) =	vsort.ascd.msk.u32 $0xffff, v60, v60;
	v19 =	vor.u32 v58, v61;
	v20 =	vadd.s32 v12, v20;
	v42 =	vbroadcast v40, $0xF  }
0xe1: {  	v24 =	vld.idx.msk [tilespmem:v24+s3+$0x0], $0xffff;
	v16 =	vand.u32 $0xFFFFFC00, v45;
	(xrf0) =	vadd.scan.msk.s32 $0xffff, v47;
	v61 =	vsel vm14, $0x0, v13;
	v13 =	vsel vm15, $0x0, v13  }
0xe2: {  	v52 =	vld.idx.msk [tilespmem:v26+s3+$0x0], $0xffff;
	v19 =	vor.u32 v11, v19;
	v20 =	vor.u32 v39, v20;
	v51, _, _ =	vpop (xrf0);
	(xrf0) =	vadd.scan.msk.s32 $0xffff, v53;
	v46 =	vshll.u32 v42, $0x3  }
0xe3: {  	(xrf1) =	vsort.ascd.msk.u32 $0xffff, v38, v38;
	v48 =	vadd.s32 v12, v16;
	v49 =	vand.u32 $0x7F, v42;
	v23 =	vadd.s32 v10, v46  }
0xe4: {  	(xrf1) =	vsort.ascd.msk.u32 $0xffff, v41, v41;
	v14 =	vor.u32 v32, v48;
	v50 =	vand.u32 $0xFFFFFC00, v23;
	v23 =	vbroadcast v51, $0xF  }
0xe5: {  	v20 =	vor.u32 v11, v20;
	v14 =	vor.u32 v11, v14;
	v22 =	vadd.s32 v12, v50;
	v56, _, _ =	vpop (xrf0)  }
0xe6: {  	(xrf1) =	vsort.ascd.msk.u32 $0xffff, v24, v24;
	v16 =	vor.u32 v49, v22;
	v55 =	vshll.u32 v23, $0x3;
	v58 =	vbroadcast v56, $0xF  }
0xe7: {  	v54 =	vld.idx.msk [tilespmem:v25+s3+$0x0], $0xffff;
	(xrf0) =	vadd.scan.msk.s32 $0xffff, v59;
	v23 =	vand.u32 $0x7F, v23;
	v60, _, _ =	vpop (xrf0);
	v16 =	vor.u32 v11, v16;
	v57 =	vadd.s32 v10, v55  }
0xe8: {  	v28 =	vld.idx.msk [tilespmem:v28+s3+$0x0], $0xffff;
	(xrf1) =	vsort.ascd.msk.u32 $0xffff, v52, v52;
	v32 =	vbroadcast v60, $0xF;
	v38, _, _ =	vpop (xrf0);
	v24 =	vand.u32 $0xFFFFFC00, v57;
	v62 =	vshll.u32 v58, $0x3  }
0xe9: {  	v27 =	vld.idx.msk [tilespmem:v27+s3+$0x0], $0xffff;
	(xrf0) =	vadd.scan.msk.s32 $0xffff, v61;
	v34 =	vand.u32 $0x7F, v58;
	v26 =	vbroadcast v38, $0xF;
	v24 =	vadd.s32 v12, v24  }
0xea: {  	v15 =	vld.idx.msk [tilespmem:v15+s3+$0x0], $0xffff;
	(xrf0) =	vadd.scan.msk.s32 $0xffff, v13;
	v35 =	vadd.s32 v10, v62;
	v37 =	vshll.u32 v32, $0x3;
	v44 =	vand.u32 $0x7F, v32  }
0xeb: {  	v36 =	vld.idx.msk [tilespmem:v29+s3+$0x0], $0xffff;
	v63 =	vor.u32 v23, v24;
	v24 =	vand.u32 $0xFFFFFC00, v35;
	v25 =	vadd.s32 v10, v37  }
0xec: {  	(xrf1) =	vsort.ascd.msk.u32 $0xffff, v54, v54;
	v47 =	vld.idx.msk [tilespmem:v31+s3+$0x0], $0xffff;
	v45 =	vshll.u32 v26, $0x3;
	v26 =	vand.u32 $0x7F, v26;
	v24 =	vadd.s32 v12, v24  }
0xed: {  	v39 =	vld.idx.msk [tilespmem:v30+s3+$0x0], $0xffff;
	v40 =	vor.u32 v11, v63;
	v42 =	vand.u32 $0xFFFFFC00, v25;
	v43, _, _ =	vpop (xrf0);
	v48 =	vadd.s32 v10, v45  }
0xee: {  	v17 =	vld.idx.msk [tilespmem:v17+s3+$0x0], $0xffff;
	v41 =	vor.u32 v34, v24;
	v23 =	vadd.s32 v12, v42;
	v24 =	vbroadcast v43, $0xF  }
0xef: {  	(xrf1) =	vsort.ascd.msk.u32 $0xffff, v28, v28;
	v46, _, _ =	vpop (xrf0);
	v50 =	vand.u32 $0xFFFFFC00, v48;
	v23 =	vor.u32 v44, v23;
	v21 =	vor.u32 v11, v41  }
0xf0: {  	(xrf1) =	vsort.ascd.msk.u32 $0xffff, v27, v27;
	v28 =	vbroadcast v46, $0xF;
	v54, _, _ =	vpop (xrf0);
	v49 =	vor.u32 v11, v23;
	v23 =	vadd.s32 v12, v50  }
0xf1: {  	v18 =	vld.idx.msk [tilespmem:v18+s3+$0x0], $0xffff;
	(xrf1) =	vsort.ascd.msk.u32 $0xffff, v36, v36;
	v52 =	vshll.u32 v24, $0x3;
	v57 =	vbroadcast v54, $0xF;
	v24 =	vand.u32 $0x7F, v24  }
0xf2: {  	v27, _, _ =	vpop (xrf1);
	(xrf1) =	vsort.ascd.msk.u32 $0xffff, v39, v39;
	v23 =	vor.u32 v26, v23;
	v53 =	vadd.s32 v10, v52;
	v58 =	vshll.u32 v28, $0x3  }
0xf3: {  	v51, _, _ =	vpop (xrf1);
	v19 =	vld.idx.msk [tilespmem:v19+s3+$0x0], $0xffff;
	(xrf1) =	vsort.ascd.msk.u32 $0xffff, v15, v15;
	v62 =	vand.u32 $0x7F, v28;
	v55 =	vor.u32 v11, v23;
	v56 =	vand.u32 $0xFFFFFC00, v53  }
0xf4: {  	v20 =	vld.idx.msk [tilespmem:v20+s3+$0x0], $0xffff;
	v59 =	vadd.s32 v10, v58;
	v60 =	vshll.u32 v57, $0x3;
	v23 =	vadd.s32 v12, v56  }
0xf5: {  	v31, _, _ =	vpop (xrf1);
	(xrf1) =	vsort.ascd.msk.u32 $0xffff, v47, v47;
	v29 =	vadd.s32 v10, v60;
	v23 =	vor.u32 v24, v23;
	v24 =	vand.u32 $0xFFFFFC00, v59  }
0xf6: {  	v61, _, _ =	vpop (xrf1);
	v14 =	vld.idx.msk [tilespmem:v14+s3+$0x0], $0xffff;
	(xrf1) =	vsort.ascd.msk.u32 $0xffff, v17, v17;
	v33 =	vand.u32 $0x7F, v57;
	v63 =	vand.u32 $0xFFFFFC00, v29;
	v24 =	vadd.s32 v12, v24  }
0xf7: {  	v32, _, _ =	vpop (xrf1);
	v16 =	vld.idx.msk [tilespmem:v16+s3+$0x0], $0xffff;
	v23 =	vor.u32 v11, v23;
	v12 =	vadd.s32 v12, v63;
	v17 =	vor.u32 v62, v24  }
0xf8: {  	(xrf1) =	vsort.ascd.msk.u32 $0xffff, v18, v18;
	v34, _, _ =	vpop (xrf1);
	v13 =	vld.idx.msk [tilespmem:v40+s3+$0x0], $0xffff;
	v12 =	vor.u32 v33, v12;
	v17 =	vor.u32 v11, v17  }
0xf9: {  	(xrf1) =	vsort.ascd.msk.u32 $0xffff, v19, v19;
	v35, _, _ =	vpop (xrf1);
	v36 =	vld.idx.msk [tilespmem:v21+s3+$0x0], $0xffff;
	v11 =	vor.u32 v11, v12  }
0xfa: {  	(xrf1) =	vsort.ascd.msk.u32 $0xffff, v20, v20;
	v37, _, _ =	vpop (xrf1);
	v38 =	vld.idx.msk [tilespmem:v49+s3+$0x0], $0xffff  }
0xfb: {  	v39, _, _ =	vpop (xrf1);
	(xrf1) =	vsort.ascd.msk.u32 $0xffff, v14, v14;
	v40 =	vld.idx.msk [tilespmem:v55+s3+$0x0], $0xffff  }
0xfc: {  	v41, _, _ =	vpop (xrf1);
	(xrf1) =	vsort.ascd.msk.u32 $0xffff, v16, v16;
	v42 =	vld.idx.msk [tilespmem:v23+s3+$0x0], $0xffff  }
0xfd: {  	v43, _, _ =	vpop (xrf1);
	(xrf1) =	vsort.ascd.msk.u32 $0xffff, v13, v13;
	v44 =	vld.idx.msk [tilespmem:v17+s3+$0x0], $0xffff  }
0xfe: {  	v45, _, _ =	vpop (xrf1);
	(xrf1) =	vsort.ascd.msk.u32 $0xffff, v36, v36;
	v11 =	vld.idx.msk [tilespmem:v11+s3+$0x0], $0xffff  }
0xff: {  	v46, _, _ =	vpop (xrf1);
	(xrf1) =	vsort.ascd.msk.u32 $0xffff, v38, v38  }
0x100: {  	v48 =	vperm.xlane v51, v1;
	v47, _, _ =	vpop (xrf1);
	(xrf1) =	vsort.ascd.msk.u32 $0xffff, v40, v40  }
0x101: {  	v49, _, _ =	vpop (xrf1);
	(xrf1) =	vsort.ascd.msk.u32 $0xffff, v42, v42  }
0x102: {  	v51 =	vperm.xlane v61, v1;
	vm0 =	vlt.s32 v27, v48;
	v50, _, _ =	vpop (xrf1);
	(xrf1) =	vsort.ascd.msk.u32 $0xffff, v44, v44  }
0x103: {  	v14 =	vsel vm0, v48, v27;
	v52, _, _ =	vpop (xrf1);
	(xrf1) =	vsort.ascd.msk.u32 $0xffff, v11, v11;
	v11 =	vsel vm0, v27, v48  }
0x104: {  	v53, _, _ =	vpop (xrf1);
	vm0 =	vlt.s32 v31, v51;
	(xrf1) =	vsort.ascd.msk.u32 $0xffff, v11, v11;
	v11 =	vperm.xlane v34, v1  }
0x105: {  	v12 =	vperm.xlane v37, v1;
	v54, _, _ =	vpop (xrf1);
	v55 =	vsel vm0, v31, v51;
	(xrf1) =	vsort.ascd.msk.u32 $0xffff, v14, v14  }
0x106: {  	v56, _, _ =	vpop (xrf1);
	v13 =	vsel vm0, v51, v31;
	(xrf1) =	vsort.ascd.msk.u32 $0xffff, v55, v55;
	vm0 =	vlt.s32 v32, v11  }
0x107: {  	v60 =	vperm.xlane v41, v1;
	v57, _, _ =	vpop (xrf1);
	(xrf1) =	vsort.ascd.msk.u32 $0xffff, v13, v13;
	v58 =	vsel vm0, v32, v11  }
0x108: {  	v59, _, _ =	vpop (xrf1);
	v11 =	vsel vm0, v11, v32;
	vm0 =	vlt.s32 v35, v12;
	(xrf1) =	vsort.ascd.msk.u32 $0xffff, v58, v58  }
0x109: {  	v61, _, _ =	vpop (xrf1);
	(xrf1) =	vsort.ascd.msk.u32 $0xffff, v11, v11;
	v11 =	vsel vm0, v35, v12;
	v12 =	vsel vm0, v12, v35  }
0x10a: {  	v62, _, _ =	vpop (xrf1);
	vm0 =	vlt.s32 v39, v60;
	(xrf1) =	vsort.ascd.msk.u32 $0xffff, v11, v11;
	v11 =	vperm.xlane v45, v1  }
0x10b: {  	v33 =	vperm.xlane v47, v1;
	v63, _, _ =	vpop (xrf1);
	v31 =	vsel vm0, v39, v60;
	(xrf1) =	vsort.ascd.msk.u32 $0xffff, v12, v12  }
0x10c: {  	v32, _, _ =	vpop (xrf1);
	v13 =	vsel vm0, v60, v39;
	(xrf1) =	vsort.ascd.msk.u32 $0xffff, v31, v31;
	vm0 =	vlt.s32 v43, v11  }
0x10d: {  	v37 =	vperm.xlane v50, v1;
	v34, _, _ =	vpop (xrf1);
	(xrf1) =	vsort.ascd.msk.u32 $0xffff, v13, v13;
	v35 =	vsel vm0, v43, v11  }
0x10e: {  	v36, _, _ =	vpop (xrf1);
	v11 =	vsel vm0, v11, v43;
	vm0 =	vlt.s32 v46, v33;
	(xrf1) =	vsort.ascd.msk.u32 $0xffff, v35, v35  }
0x10f: {  	v47 =	vperm.xlane v59, v1;
	v38, _, _ =	vpop (xrf1);
	(xrf1) =	vsort.ascd.msk.u32 $0xffff, v11, v11;
	v11 =	vsel vm0, v46, v33  }
0x110: {  	v12 =	vsel vm0, v33, v46;
	v39, _, _ =	vpop (xrf1);
	vm0 =	vlt.s32 v49, v37;
	(xrf1) =	vsort.ascd.msk.u32 $0xffff, v11, v11  }
0x111: {  	v11 =	vperm.xlane v53, v1;
	v40, _, _ =	vpop (xrf1);
	v41 =	vsel vm0, v49, v37;
	(xrf1) =	vsort.ascd.msk.u32 $0xffff, v12, v12  }
0x112: {  	v43 =	vperm.xlane v56, v1;
	v13 =	vsel vm0, v37, v49;
	v42, _, _ =	vpop (xrf1);
	(xrf1) =	vsort.ascd.msk.u32 $0xffff, v41, v41  }
0x113: {  	v53 =	vperm.xlane v32, v1;
	vm0 =	vlt.s32 v52, v11;
	v44, _, _ =	vpop (xrf1);
	(xrf1) =	vsort.ascd.msk.u32 $0xffff, v13, v13  }
0x114: {  	v45 =	vsel vm0, v52, v11;
	v11 =	vsel vm0, v11, v52;
	vm0 =	vlt.s32 v54, v43  }
0x115: {  	v31 =	vperm.xlane v42, v1;
	v46, _, _ =	vpop (xrf1);
	(xrf1) =	vsort.ascd.msk.u32 $0xffff, v45, v45;
	v12 =	vsel vm0, v43, v54  }
0x116: {  	v48, _, _ =	vpop (xrf1);
	(xrf1) =	vsort.ascd.msk.u32 $0xffff, v11, v11;
	v11 =	vsel vm0, v54, v43;
	vm0 =	vlt.s32 v57, v47  }
0x117: {  	v49, _, _ =	vpop (xrf1);
	(xrf1) =	vsort.ascd.msk.u32 $0xffff, v11, v11;
	v11 =	vperm.xlane v62, v1;
	v51 =	vsel vm0, v57, v47  }
0x118: {  	v50, _, _ =	vpop (xrf1);
	v13 =	vsel vm0, v47, v57;
	v57 =	vperm.xlane v36, v1;
	(xrf1) =	vsort.ascd.msk.u32 $0xffff, v12, v12  }
0x119: {  	v33 =	vperm.xlane v49, v1;
	v52, _, _ =	vpop (xrf1);
	(xrf1) =	vsort.ascd.msk.u32 $0xffff, v51, v51;
	vm0 =	vlt.s32 v61, v11  }
0x11a: {  	v54, _, _ =	vpop (xrf1);
	(xrf1) =	vsort.ascd.msk.u32 $0xffff, v13, v13;
	v55 =	vsel vm0, v61, v11;
	v11 =	vsel vm0, v11, v61  }
0x11b: {  	v56, _, _ =	vpop (xrf1);
	vm0 =	vlt.s32 v63, v53;
	v21 =	vperm.xlane v54, v1;
	(xrf1) =	vsort.ascd.msk.u32 $0xffff, v55, v55  }
0x11c: {  	v58, _, _ =	vpop (xrf1);
	v12 =	vsel vm0, v53, v63;
	(xrf1) =	vsort.ascd.msk.u32 $0xffff, v11, v11;
	v11 =	vsel vm0, v63, v53  }
0x11d: {  	v59, _, _ =	vpop (xrf1);
	vm0 =	vlt.s32 v34, v57;
	(xrf1) =	vsort.ascd.msk.u32 $0xffff, v11, v11;
	v11 =	vperm.xlane v39, v1  }
0x11e: {  	v60, _, _ =	vpop (xrf1);
	v61 =	vsel vm0, v34, v57;
	v13 =	vsel vm0, v57, v34;
	v34 =	vperm.xlane v48, v1  }
0x11f: {  	v15 =	vperm.xlane v56, v1;
	(xrf1) =	vsort.ascd.msk.u32 $0xffff, v12, v12;
	v19 =	vperm.xlane v60, v1  }
0x120: {  	v62, _, _ =	vpop (xrf1);
	(xrf1) =	vsort.ascd.msk.u32 $0xffff, v61, v61;
	vm0 =	vlt.s32 v38, v11;
	vm1 =	vgt.s32 v46, v34  }
0x121: {  	v41 =	vperm.xlane v62, v1;
	(xrf1) =	vsort.ascd.msk.u32 $0xffff, v13, v13;
	v30 =	vsel vm0, v38, v11  }
0x122: {  	v63, _, _ =	vpop (xrf1);
	v11 =	vsel vm0, v11, v38;
	vm0 =	vlt.s32 v40, v31;
	v36 =	vsel vm1, v46, v34  }
0x123: {  	v32, _, _ =	vpop (xrf1);
	vm1 =	vgt.s32 v52, v21;
	(xrf1) =	vsort.ascd.msk.u32 $0xffff, v30, v30;
	v20 =	vsel vm0, v31, v40  }
0x124: {  	v35, _, _ =	vpop (xrf1);
	v14 =	vsel vm1, v52, v21;
	vm1 =	vgt.s32 v59, v19;
	(xrf1) =	vsort.ascd.msk.u32 $0xffff, v11, v11  }
0x125: {  	v11 =	vsel vm0, v40, v31;
	vm0 =	vgt.s32 v44, v33;
	v37, _, _ =	vpop (xrf1);
	v43 =	vsel vm1, v59, v19  }
0x126: {  	v46 =	vperm.xlane v35, v1;
	(xrf1) =	vsort.ascd.msk.u32 $0xffff, v11, v11;
	v11 =	vsel vm0, v44, v33;
	v39, _, _ =	vpop (xrf1)  }
0x127: {  	v45 =	vperm.xlane v37, v1;
	vm0 =	vgt.s32 v11, v36;
	(xrf1) =	vsort.ascd.msk.u32 $0xffff, v20, v20;
	v40, _, _ =	vpop (xrf1)  }
0x128: {  	v38 =	vsel vm0, v36, v11;
	v11 =	vsel vm0, v11, v36;
	vm0 =	vgt.s32 v50, v15;
	v42, _, _ =	vpop (xrf1)  }
0x129: {  	vm1 =	vgt.s32 v32, v46;
	(xrf1) =	vsort.ascd.msk.u32 $0xffff, v38, v38;
	v15 =	vsel vm0, v50, v15;
	v44, _, _ =	vpop (xrf1)  }
0x12a: {  	v13 =	vsel vm1, v32, v46;
	vm0 =	vgt.s32 v15, v14;
	(xrf1) =	vsort.ascd.msk.u32 $0xffff, v11, v11;
	v47, _, _ =	vpop (xrf1)  }
0x12b: {  	v11 =	vsel vm0, v14, v15;
	v14 =	vsel vm0, v15, v14;
	vm0 =	vgt.s32 v58, v41;
	v49, _, _ =	vpop (xrf1)  }
0x12c: {  	v50 =	vperm.xlane v44, v1;
	(xrf1) =	vsort.ascd.msk.u32 $0xffff, v11, v11;
	v11 =	vsel vm0, v58, v41;
	v51, _, _ =	vpop (xrf1)  }
0x12d: {  	vm0 =	vgt.s32 v11, v43;
	(xrf1) =	vsort.ascd.msk.u32 $0xffff, v14, v14;
	v17 =	vperm.xlane v51, v1  }
0x12e: {  	v52, _, _ =	vpop (xrf1);
	v48 =	vsel vm0, v43, v11;
	v11 =	vsel vm0, v11, v43;
	vm0 =	vgt.s32 v63, v45  }
0x12f: {  	v55 =	vperm.xlane v52, v1;
	(xrf1) =	vsort.ascd.msk.u32 $0xffff, v48, v48;
	v12 =	vsel vm0, v63, v45  }
0x130: {  	v53, _, _ =	vpop (xrf1);
	vm2 =	vgt.s32 v49, v17;
	(xrf1) =	vsort.ascd.msk.u32 $0xffff, v11, v11;
	vm0 =	vgt.s32 v12, v13  }
0x131: {  	v54, _, _ =	vpop (xrf1);
	v11 =	vperm.xlane v42, v1;
	vm1 =	vgt.s32 v47, v55;
	v14 =	vsel vm2, v49, v17  }
0x132: {  	v56, _, _ =	vpop (xrf1);
	v19 =	vsel vm0, v13, v12;
	v12 =	vsel vm0, v12, v13;
	vm0 =	vgt.s32 v39, v50  }
0x133: {  	v57, _, _ =	vpop (xrf1);
	v60 =	vsel vm1, v47, v55;
	v15 =	vsel vm0, v39, v50;
	vm0 =	vgt.s32 v40, v11  }
0x134: {  	v18 =	vperm.xlane v56, v1;
	(xrf1) =	vsort.ascd.msk.u32 $0xffff, v19, v19;
	v59, _, _ =	vpop (xrf1);
	v11 =	vsel vm0, v40, v11  }
0x135: {  	(xrf1) =	vsort.ascd.msk.u32 $0xffff, v12, v12;
	v61, _, _ =	vpop (xrf1);
	v12 =	vperm.xlane v57, v1;
	vm0 =	vgt.s32 v15, v11  }
0x136: {  	vm1 =	vgt.s32 v54, v18;
	v62, _, _ =	vpop (xrf1);
	v58 =	vsel vm0, v11, v15;
	v11 =	vsel vm0, v15, v11  }
0x137: {  	vm0 =	vgt.s32 v60, v14;
	v24 =	vperm.xlane v62, v1;
	(xrf1) =	vsort.ascd.msk.u32 $0xffff, v58, v58  }
0x138: {  	v63, _, _ =	vpop (xrf1);
	(xrf1) =	vsort.ascd.msk.u32 $0xffff, v11, v11;
	v11 =	vsel vm0, v14, v60;
	v14 =	vsel vm0, v60, v14  }
0x139: {  	vm0 =	vgt.s32 v53, v12;
	(xrf1) =	vsort.ascd.msk.u32 $0xffff, v11, v11;
	v11 =	vperm.xlane v63, v1  }
0x13a: {  	v25 =	vsel vm1, v54, v18;
	vm2 =	vgt.s32 v61, v24;
	v12 =	vsel vm0, v53, v12  }
0x13b: {  	v15 =	vsel vm2, v61, v24;
	vm0 =	vgt.s32 v12, v25;
	vm1 =	vgt.s32 v59, v11  }
0x13c: {  	(xrf1) =	vsort.ascd.msk.u32 $0xffff, v14, v14;
	v26 =	vsel vm0, v25, v12;
	v11 =	vsel vm1, v59, v11  }
0x13d: {  	v12 =	vsel vm0, v12, v25;
	(xrf1) =	vsort.ascd.msk.u32 $0xffff, v26, v26;
	vm0 =	vgt.s32 v11, v15  }
0x13e: {  	(xrf1) =	vsort.ascd.msk.u32 $0xffff, v12, v12;
	v27 =	vsel vm0, v15, v11;
	v11 =	vsel vm0, v11, v15  }
0x13f: {  	v28, _, _ =	vpop (xrf1);
	(xrf1) =	vsort.ascd.msk.u32 $0xffff, v27, v27  }
0x140: {  	v29, _, _ =	vpop (xrf1);
	(xrf1) =	vsort.ascd.msk.u32 $0xffff, v11, v11  }
0x141: {  	v11, _, _ =	vpop (xrf1)  }
0x142: {  	v30, _, _ =	vpop (xrf1)  }
0x143: {  	v31, _, _ =	vpop (xrf1)  }
0x144: {  	v14 =	vperm.xlane v30, v1;
	v32, _, _ =	vpop (xrf1)  }
0x145: {  	v11 =	vperm.xlane v11, v1;
	v33, _, _ =	vpop (xrf1)  }
0x146: {  	vm0 =	vgt.s32 v28, v14;
	v34, _, _ =	vpop (xrf1)  }
0x147: {  	v13 =	vsel vm0, v28, v14;
	vm0 =	vgt.s32 v29, v11;
	v35, _, _ =	vpop (xrf1)  }
0x148: {  	v17 =	vperm.xlane v33, v1;
	v11 =	vsel vm0, v29, v11;
	v37 =	vperm.xlane v34, v1;
	v36, _, _ =	vpop (xrf1)  }
0x149: {  	vm0 =	vgt.s32 v13, v11;
	v38, _, _ =	vpop (xrf1)  }
0x14a: {  	vm2 =	vgt.s32 v32, v17;
	v40 =	vsel vm0, v11, v13;
	vm1 =	vgt.s32 v31, v37;
	v39, _, _ =	vpop (xrf1)  }
0x14b: {  	v11 =	vsel vm0, v13, v11;
	v42 =	vsel vm2, v32, v17;
	v18 =	vperm.xlane v38, v1;
	v41, _, _ =	vpop (xrf1)  }
0x14c: {  	v12 =	vsel vm1, v31, v37;
	(xrf1) =	vsort.ascd.msk.u32 $0xffff, v40, v40;
	v44 =	vperm.xlane v39, v1;
	v43, _, _ =	vpop (xrf1)  }
0x14d: {  	vm0 =	vgt.s32 v12, v42;
	vm1 =	vgt.s32 v36, v18;
	v45, _, _ =	vpop (xrf1);
	(xrf1) =	vsort.ascd.msk.u32 $0xffff, v11, v11  }
0x14e: {  	v11 =	vsel vm0, v42, v12;
	v12 =	vsel vm0, v12, v42;
	vm0 =	vgt.s32 v35, v44;
	v46, _, _ =	vpop (xrf1)  }
0x14f: {  	(xrf1) =	vsort.ascd.msk.u32 $0xffff, v11, v11;
	v47 =	vperm.xlane v45, v1;
	v11 =	vperm.xlane v46, v1  }
0x150: {  	v14 =	vsel vm1, v36, v18;
	v48 =	vsel vm0, v35, v44;
	(xrf1) =	vsort.ascd.msk.u32 $0xffff, v12, v12  }
0x151: {  	vm0 =	vgt.s32 v48, v14;
	vm2 =	vgt.s32 v43, v47;
	vm1 =	vgt.s32 v41, v11  }
0x152: {  	v16 =	vsel vm0, v14, v48;
	v13 =	vsel vm2, v43, v47;
	v11 =	vsel vm1, v41, v11  }
0x153: {  	v12 =	vsel vm0, v48, v14;
	(xrf1) =	vsort.ascd.msk.u32 $0xffff, v16, v16;
	vm0 =	vgt.s32 v11, v13  }
0x154: {  	(xrf1) =	vsort.ascd.msk.u32 $0xffff, v12, v12;
	v49 =	vsel vm0, v13, v11  }
0x155: {  	v11 =	vsel vm0, v11, v13;
	(xrf1) =	vsort.ascd.msk.u32 $0xffff, v49, v49  }
0x156: {  	(xrf1) =	vsort.ascd.msk.u32 $0xffff, v11, v11;
	_ =	sdelay $0x6  }
0x157: {  	v11, _, _ =	vpop (xrf1)  }
0x158: {  	v50, _, _ =	vpop (xrf1)  }
0x159: {  	v51, _, _ =	vpop (xrf1)  }
0x15a: {  	v52, _, _ =	vpop (xrf1)  }
0x15b: {  	v53, _, _ =	vpop (xrf1)  }
0x15c: {  	v13 =	vperm.xlane v51, v1;
	v54, _, _ =	vpop (xrf1)  }
0x15d: {  	v14 =	vperm.xlane v52, v1;
	v55, _, _ =	vpop (xrf1)  }
0x15e: {  	vm1 =	vgt.s32 v50, v13;
	v56, _, _ =	vpop (xrf1)  }
0x15f: {  	vm0 =	vgt.s32 v11, v14;
	v17 =	vperm.xlane v55, v1;
	v18 =	vperm.xlane v56, v1  }
0x160: {  	v12 =	vsel vm1, v50, v13;
	v11 =	vsel vm0, v11, v14  }
0x161: {  	vm0 =	vgt.s32 v11, v12;
	vm2 =	vgt.s32 v54, v17;
	vm1 =	vgt.s32 v53, v18  }
0x162: {  	v14 =	vsel vm0, v12, v11;
	v58 =	vsel vm2, v54, v17;
	v57 =	vsel vm1, v53, v18  }
0x163: {  	v11 =	vsel vm0, v11, v12;
	(xrf1) =	vsort.ascd.msk.u32 $0xffff, v14, v14;
	vm0 =	vgt.s32 v57, v58  }
0x164: {  	(xrf1) =	vsort.ascd.msk.u32 $0xffff, v11, v11;
	v11 =	vsel vm0, v58, v57  }
0x165: {  	v59 =	vsel vm0, v57, v58;
	(xrf1) =	vsort.ascd.msk.u32 $0xffff, v11, v11  }
0x166: {  	(xrf1) =	vsort.ascd.msk.u32 $0xffff, v59, v59;
	_ =	sdelay $0xa  }
0x167: {  	v11, _, _ =	vpop (xrf1)  }
0x168: {  	v60, _, _ =	vpop (xrf1)  }
0x169: {  	v61, _, _ =	vpop (xrf1)  }
0x16a: {  	v62, _, _ =	vpop (xrf1)  }
0x16b: {  	v13 =	vperm.xlane v61, v1;
	v14 =	vperm.xlane v62, v1;
	_ =	sdelay $0x1  }
0x16c: {  	vm1 =	vgt.s32 v60, v13;
	vm0 =	vgt.s32 v11, v14  }
0x16d: {  	v12 =	vsel vm1, v60, v13;
	v11 =	vsel vm0, v11, v14  }
0x16e: {  	vm0 =	vlt.s32 v11, v12  }
0x16f: {  	v11 =	vsel vm0, v11, v12  }
0x170: {  	(xrf1) =	vsort.ascd.msk.u32 $0xffff, v11, v11;
	_ =	sdelay $0xd  }
0x171: {  	v11, _, _ =	vpop (xrf1)  }
0x172: {  	v11 =	vnsel vm3, $0x0, v11  }
0x173: {  	(xrf0) =	vadd.scan.msk.s32 $0xffff, v11;
	_ =	sdelay $0x2  }
0x174: {  	s31 =	sadd.s32 s29, s25  }
0x175: {  	p0 =	sne.s32 s29, $0xF;
	v11 =	vmov s31  }
.Ltmp2:
0x176: {  	_ = 	snop;
	(pc) =	sbr.rel @p0 .LBB2_3-.Ltmp2, $3  }
0x177: {  	v63, _, _ =	vpop (xrf0)  }
0x178: {  	v12 =	vbroadcast v63, $0xF;
	_ =	sdelay $0x1  }
0x179: {  	s30 =	sadd.s32 $0x80, s30;
	s29 =	sadd.s32 $0x1, s29;
	[tilespmem:v11+s19+$0x0] =	vst.idx.msk $0x1, v12  }
0x17a: {  	p0 =	seq.s32 s26, $0x7  }
0x17b: {  	s29 =	sadd.s32 @!p0 s28, s9  }
0x17c: {  	s30 =	sshll.u32 @!p0 s29, $0x8  }
0x17d: {  	s31 =	simm.s32 @!p0 $0x0;
	s29 =	sshll.u32 @!p0 s29, $0x4;
	s30 =	sadd.s32 @!p0 s1, s30  }
0x17e: {  	[tilespmem:s31], [sflag:$0x1] =	stream.linear.gather @!p0 [hbm4b:s30+s31], $0x8000, $0x38;
	[tilespmem:$0x11180] =	vst v63  }
0x17f: {  	s29 =	sadd.s32 @!p0 s4, s29;
	s30 =	simm.s32 @!p0 $0x10000  }
0x180: {  	[tilespmem:s30], [sflag:$0x3] =	stream.linear.gather @!p0 [hbm4b:s29+s31], $0x800, $0x38;
	[tilespmem:$0x11180] =	vst v63  }
0x181: {  	_ =	swait.ge [sflag:s20], $0x8000  }
0x182: {  	[sflag:s20] =	ssyncset.done $0x0  }
0x183: {  	[sflag:s20] =	ssyncadd.s32 $0xFFFF8000  }
0x184: {  	_ =	swait.ge [sflag:s21], $0x800  }
0x185: {  	[sflag:s21] =	ssyncset.done $0x0  }
0x186: {  	s29 =	simm.s32 $0x0;
	s30 =	simm.s32 $0x10840;
	[sflag:s21] =	ssyncadd.s32 $0xFFFFF800  }
.LBB2_5:
0x187: {  	v14 =	vld [tilespmem:s30+$0xFFFFFFC0]  }
0x188: {  	v15 =	vld [tilespmem:s30+$0xFFFFFFD0]  }
0x189: {  	v16 =	vld [tilespmem:s30+$0xFFFFFFE0]  }
0x18a: {  	v17 =	vld [tilespmem:s30+$0xFFFFFFF0]  }
0x18b: {  	v18 =	vld [tilespmem:s30+$0x0]  }
0x18c: {  	v13 =	vld [tilespmem:s30+$0x10];
	(xrf1) =	vsort.ascd.msk.u32 $0xffff, v14, v14  }
0x18d: {  	v12 =	vld [tilespmem:s30+$0x20];
	(xrf1) =	vsort.ascd.msk.u32 $0xffff, v15, v15  }
0x18e: {  	v11 =	vld [tilespmem:s30+$0x30];
	(xrf1) =	vsort.ascd.msk.u32 $0xffff, v16, v16  }
0x18f: {  	(xrf1) =	vsort.ascd.msk.u32 $0xffff, v17, v17  }
0x190: {  	(xrf1) =	vsort.ascd.msk.u32 $0xffff, v18, v18  }
0x191: {  	(xrf1) =	vsort.ascd.msk.u32 $0xffff, v13, v13  }
0x192: {  	(xrf1) =	vsort.ascd.msk.u32 $0xffff, v12, v12  }
0x193: {  	(xrf1) =	vsort.ascd.msk.u32 $0xffff, v11, v11;
	_ =	sdelay $0x6  }
0x194: {  	v19, _, _ =	vpop (xrf1)  }
0x195: {  	v20, _, _ =	vpop (xrf1)  }
0x196: {  	v21, _, _ =	vpop (xrf1);
	v20 =	vperm.xlane v20, v1  }
0x197: {  	v22, _, _ =	vpop (xrf1)  }
0x198: {  	v23, _, _ =	vpop (xrf1);
	vm0 =	vlt.s32 v19, v20;
	v22 =	vperm.xlane v22, v1  }
0x199: {  	v24, _, _ =	vpop (xrf1);
	v25 =	vsel vm0, v19, v20;
	v19 =	vsel vm0, v20, v19  }
0x19a: {  	v50, _, _ =	vpop (xrf1);
	(xrf1) =	vsort.ascd.msk.u32 $0xffff, v25, v25;
	vm0 =	vlt.s32 v21, v22;
	v24 =	vperm.xlane v24, v1  }
0x19b: {  	v51, _, _ =	vpop (xrf1);
	(xrf1) =	vsort.ascd.msk.u32 $0xffff, v19, v19;
	v52 =	vsel vm0, v21, v22;
	v21 =	vsel vm0, v22, v21  }
0x19c: {  	(xrf1) =	vsort.ascd.msk.u32 $0xffff, v52, v52;
	vm0 =	vlt.s32 v23, v24;
	v53 =	vperm.xlane v51, v1  }
0x19d: {  	(xrf1) =	vsort.ascd.msk.u32 $0xffff, v21, v21;
	v54 =	vsel vm0, v23, v24  }
0x19e: {  	v55 =	vsel vm0, v24, v23;
	(xrf1) =	vsort.ascd.msk.u32 $0xffff, v54, v54;
	vm0 =	vlt.s32 v50, v53  }
0x19f: {  	(xrf1) =	vsort.ascd.msk.u32 $0xffff, v55, v55;
	v56 =	vsel vm0, v50, v53  }
0x1a0: {  	v19 =	vsel vm0, v53, v50;
	(xrf1) =	vsort.ascd.msk.u32 $0xffff, v56, v56  }
0x1a1: {  	(xrf1) =	vsort.ascd.msk.u32 $0xffff, v19, v19;
	_ =	sdelay $0x6  }
0x1a2: {  	v57, _, _ =	vpop (xrf1)  }
0x1a3: {  	v58, _, _ =	vpop (xrf1)  }
0x1a4: {  	v59, _, _ =	vpop (xrf1)  }
0x1a5: {  	v60, _, _ =	vpop (xrf1)  }
0x1a6: {  	v61, _, _ =	vpop (xrf1)  }
0x1a7: {  	v21 =	vperm.xlane v59, v1;
	v62, _, _ =	vpop (xrf1)  }
0x1a8: {  	v22 =	vperm.xlane v60, v1;
	v63, _, _ =	vpop (xrf1)  }
0x1a9: {  	vm1 =	vgt.s32 v58, v21;
	v26, _, _ =	vpop (xrf1)  }
0x1aa: {  	vm0 =	vgt.s32 v57, v22;
	v25 =	vperm.xlane v63, v1;
	v26 =	vperm.xlane v26, v1  }
0x1ab: {  	v20 =	vsel vm1, v58, v21;
	v19 =	vsel vm0, v57, v22  }
0x1ac: {  	vm0 =	vgt.s32 v19, v20;
	vm2 =	vgt.s32 v62, v25;
	vm1 =	vgt.s32 v61, v26  }
0x1ad: {  	v21 =	vsel vm0, v20, v19;
	v27 =	vsel vm2, v62, v25;
	v26 =	vsel vm1, v61, v26  }
0x1ae: {  	v19 =	vsel vm0, v19, v20;
	(xrf1) =	vsort.ascd.msk.u32 $0xffff, v21, v21;
	vm0 =	vgt.s32 v26, v27  }
0x1af: {  	(xrf1) =	vsort.ascd.msk.u32 $0xffff, v19, v19;
	v28 =	vsel vm0, v27, v26  }
0x1b0: {  	v29 =	vsel vm0, v26, v27;
	(xrf1) =	vsort.ascd.msk.u32 $0xffff, v28, v28  }
0x1b1: {  	(xrf1) =	vsort.ascd.msk.u32 $0xffff, v29, v29;
	_ =	sdelay $0xa  }
0x1b2: {  	v30, _, _ =	vpop (xrf1)  }
0x1b3: {  	v31, _, _ =	vpop (xrf1)  }
0x1b4: {  	v32, _, _ =	vpop (xrf1)  }
0x1b5: {  	v33, _, _ =	vpop (xrf1)  }
0x1b6: {  	v21 =	vperm.xlane v32, v1;
	v22 =	vperm.xlane v33, v1;
	_ =	sdelay $0x1  }
0x1b7: {  	vm1 =	vgt.s32 v31, v21;
	vm0 =	vgt.s32 v30, v22  }
0x1b8: {  	v20 =	vsel vm1, v31, v21;
	v19 =	vsel vm0, v30, v22  }
0x1b9: {  	vm0 =	vlt.s32 v19, v20  }
0x1ba: {  	v19 =	vsel vm0, v19, v20  }
0x1bb: {  	(xrf1) =	vsort.ascd.msk.u32 $0xffff, v19, v19;
	_ =	sdelay $0xd  }
0x1bc: {  	v19, _, _ =	vpop (xrf1)  }
0x1bd: {  	v19 =	vnsel vm3, $0x0, v19  }
0x1be: {  	(xrf0) =	vadd.scan.msk.s32 $0xffff, v19;
	_ =	sdelay $0x5  }
0x1bf: {  	v19, _, _ =	vpop (xrf0)  }
0x1c0: {  	v19 =	vbroadcast v19, $0xF;
	_ =	sdelay $0x1  }
0x1c1: {  	vm0 =	vgt.s32 v14, v19  }
0x1c2: {  	v34 =	vimm.s32 $0x0;
	vm11 =	veq.s32 v14, v19;
	v35 =	vsel vm0, $0x1, v2  }
0x1c3: {  	v20 =	vsel vm0, $0xFFFFFFFF, v34;
	v36 =	vsel vm11, $0x1, v2;
	vm0 =	vgt.s32 v15, v19;
	(xrf0) =	vadd.scan.msk.s32 $0xffff, v35  }
0x1c4: {  	vm13 =	veq.s32 v15, v19;
	v38 =	vsel vm0, $0x1, v2;
	(xrf0) =	vadd.scan.msk.s32 $0xffff, v36  }
0x1c5: {  	v37 =	vimm.s32 $0x0;
	v39 =	vsel vm13, $0x1, v2;
	(xrf0) =	vadd.scan.msk.s32 $0xffff, v38  }
0x1c6: {  	v14 =	vsel vm0, $0xFFFFFFFF, v37;
	(xrf0) =	vadd.scan.msk.s32 $0xffff, v39  }
0x1c7: {  	vm3 =	vgt.s32 v16, v19;
	vm9 =	veq.s32 v16, v19  }
0x1c8: {  	vm4 =	vgt.s32 v17, v19;
	vm14 =	veq.s32 v17, v19;
	v42 =	vsel vm3, $0x1, v2  }
0x1c9: {  	vm5 =	vgt.s32 v18, v19;
	v44 =	vsel vm9, $0x1, v2;
	[tilespmem:$0x1FFA0] =	vst v14;
	(xrf0) =	vadd.scan.msk.s32 $0xffff, v42;
	v14, _, _ =	vpop (xrf0)  }
0x1ca: {  	vm12 =	veq.s32 v18, v19;
	vm6 =	vgt.s32 v13, v19;
	v45 =	vsel vm4, $0x1, v2;
	v40, _, _ =	vpop (xrf0);
	(xrf0) =	vadd.scan.msk.s32 $0xffff, v44  }
0x1cb: {  	vm15 =	veq.s32 v13, v19;
	vm7 =	vgt.s32 v12, v19;
	v48 =	vsel vm14, $0x1, v2;
	v22, _, _ =	vpop (xrf0);
	(xrf0) =	vadd.scan.msk.s32 $0xffff, v45  }
0x1cc: {  	vm10 =	veq.s32 v12, v19;
	vm8 =	vgt.s32 v11, v19;
	v49 =	vsel vm5, $0x1, v2;
	v46, _, _ =	vpop (xrf0);
	(xrf0) =	vadd.scan.msk.s32 $0xffff, v48  }
0x1cd: {  	vm2 =	veq.s32 v11, v19;
	v41 =	vmpcnt.ones.xlane vm11;
	v51 =	vsel vm12, $0x1, v2;
	(xrf0) =	vadd.scan.msk.s32 $0xffff, v49  }
0x1ce: {  	v47 =	vmpcnt.ones.xlane vm13;
	v52 =	vmpcnt.ones.xlane vm9;
	v53 =	vsel vm6, $0x1, v2;
	(xrf0) =	vadd.scan.msk.s32 $0xffff, v51  }
0x1cf: {  	v55 =	vsel vm15, $0x1, v2;
	v57 =	vsel vm7, $0x1, v2;
	v58 =	vsel vm10, $0x1, v2;
	v54, _, _ =	vpop (xrf0);
	(xrf0) =	vadd.scan.msk.s32 $0xffff, v53  }
0x1d0: {  	v11 =	vsel vm8, $0x1, v2;
	[tilespmem:$0x1FF90] =	vst v20;
	v20 =	vadd.s32 $0xFFFFFFFF, v41;
	v56, _, _ =	vpop (xrf0);
	(xrf0) =	vadd.scan.msk.s32 $0xffff, v55  }
0x1d1: {  	v62 =	vmpcnt.ones.xlane vm14;
	v31 =	vmpcnt.ones.xlane vm12;
	v50 =	vadd.s32 v20, v47;
	v59, _, _ =	vpop (xrf0);
	(xrf0) =	vadd.scan.msk.s32 $0xffff, v57  }
0x1d2: {  	v35 =	vmpcnt.ones.xlane vm15;
	v61 =	vadd.s32 v50, v52;
	v43 =	vadd.s32 $0xFFFFFFFF, v40;
	v60, _, _ =	vpop (xrf0);
	(xrf0) =	vadd.scan.msk.s32 $0xffff, v58  }
0x1d3: {  	vm0 =	vlt.s32 v43, $0x20;
	v17 =	vadd.s32 v20, v46;
	v63, _, _ =	vpop (xrf0);
	(xrf0) =	vadd.scan.msk.s32 $0xffff, v11;
	v11 =	vsel vm2, $0x1, v2  }
0x1d4: {  	vm11 =	vmand vm11, vm0;
	vm0 =	vlt.s32 v17, $0x20;
	v12 =	vadd.s32 v50, v56  }
0x1d5: {  	v15 =	vsub.s32 $0x20, v40;
	vm13 =	vmand vm13, vm0;
	vm1 =	vlt.s32 v12, $0x20;
	v30, _, _ =	vpop (xrf0);
	(xrf0) =	vadd.scan.msk.s32 $0xffff, v11  }
0x1d6: {  	v19 =	vadd.s32 v61, v62;
	v17 =	vsub.s32 $0x1F, v17;
	vm1 =	vmand vm9, vm1;
	v11, _, _ =	vpop (xrf0)  }
0x1d7: {  	v41 =	vld [tilespmem:$0x1FFA0];
	v24 =	vadd.s32 v19, v31;
	v12 =	vsub.s32 $0x1F, v12;
	v13 =	vadd.s32 v61, v60;
	v32, _, _ =	vpop (xrf0)  }
0x1d8: {  	v37 =	vmpcnt.ones.xlane vm10;
	v20 =	vadd.s32 v24, v35;
	vm0 =	vlt.s32 v13, $0x20;
	v33, _, _ =	vpop (xrf0)  }
0x1d9: {  	v39 =	vld [tilespmem:$0x1FF90];
	v13 =	vsub.s32 $0x1F, v13;
	vm9 =	vmand vm14, vm0;
	v18 =	vadd.s32 v19, v30;
	v36, _, _ =	vpop (xrf0)  }
0x1da: {  	[tilespmem:v15+s18+$0x0] =	vst.idx.msk vm11, v0;
	vm0 =	vlt.s32 v18, $0x20;
	v18 =	vsub.s32 $0x1F, v18;
	v34 =	vadd.s32 v24, v32;
	v27, _, _ =	vpop (xrf0)  }
0x1db: {  	[tilespmem:v17+s18+$0x0] =	vst.idx.msk vm13, v3;
	vm0 =	vmand vm12, vm0;
	vm14 =	vlt.s32 v34, $0x20;
	v38 =	vsub.s32 $0x1F, v34;
	v28, _, _ =	vpop (xrf0)  }
0x1dc: {  	[tilespmem:v12+s18+$0x0] =	vst.idx.msk vm1, v4;
	vm1 =	vnez.u8 v41;
	v26 =	vadd.s32 v36, v20;
	v20 =	vadd.s32 v28, v20  }
0x1dd: {  	vm12 =	vmand vm15, vm14;
	vm14 =	vlt.s32 v26, $0x20;
	v20 =	vadd.s32 v37, v20  }
0x1de: {  	vm15 =	vnez.u8 v39;
	vm10 =	vmand vm10, vm14;
	vm11 =	vlt.s32 v20, $0x20  }
0x1df: {  	v17 =	vmpcnt.ones.xlane vm15;
	v40 =	vsub.s32 $0x1F, v26;
	vm2 =	vmand vm2, vm11  }
0x1e0: {  	v12 =	vmpcnt.ones.xlane vm1;
	v20 =	vsub.s32 $0x1F, v20  }
0x1e1: {  	v42 =	vadd.s32 $0xFFFFFFFF, v14;
	v44 =	vmpcnt.ones.xlane vm3;
	[tilespmem:v13+s18+$0x0] =	vst.idx.msk vm9, v5;
	v43 =	vadd.s32 $0xFFFFFFFF, v17  }
0x1e2: {  	v46 =	vmpcnt.ones.xlane vm4;
	[tilespmem:v18+s18+$0x0] =	vst.idx.msk vm0, v6;
	v45 =	vadd.s32 v43, v22;
	v12 =	vadd.s32 v43, v12  }
0x1e3: {  	v48 =	vmpcnt.ones.xlane vm5;
	v47 =	vadd.s32 v12, v54;
	v12 =	vadd.s32 v12, v44;
	[tilespmem:v38+s18+$0x0] =	vst.idx.msk vm12, v7  }
0x1e4: {  	v49 =	vmpcnt.ones.xlane vm6;
	v17 =	vadd.s32 v12, v59;
	v12 =	vadd.s32 v12, v46;
	[tilespmem:v40+s18+$0x0] =	vst.idx.msk vm10, v8  }
0x1e5: {  	v50 =	vadd.s32 v12, v63;
	v12 =	vadd.s32 v12, v48;
	[tilespmem:v20+s18+$0x0] =	vst.idx.msk vm2, v9  }
0x1e6: {  	v51 =	vmpcnt.ones.xlane vm7;
	v11 =	vadd.s32 v12, v11;
	v12 =	vadd.s32 v12, v49;
	[tilespmem:v42+s18+$0x0] =	vst.idx.msk vm15, v0  }
0x1e7: {  	v14 =	vadd.s32 v33, v12;
	v12 =	vadd.s32 v12, v27;
	[tilespmem:v45+s18+$0x0] =	vst.idx.msk vm1, v3  }
0x1e8: {  	v12 =	vadd.s32 v51, v12;
	[tilespmem:v47+s18+$0x0] =	vst.idx.msk vm3, v4  }
0x1e9: {  	[tilespmem:v17+s18+$0x0] =	vst.idx.msk vm4, v5  }
0x1ea: {  	[tilespmem:v50+s18+$0x0] =	vst.idx.msk vm5, v6  }
0x1eb: {  	[tilespmem:v11+s18+$0x0] =	vst.idx.msk vm6, v7  }
0x1ec: {  	[tilespmem:v14+s18+$0x0] =	vst.idx.msk vm7, v8  }
0x1ed: {  	v52 =	vld [tilespmem:$0x1FFE0];
	[tilespmem:v12+s18+$0x0] =	vst.idx.msk vm8, v9  }
0x1ee: {  	v24 =	vld [tilespmem:$0x11000];
	_ =	sdelay $0x3  }
0x1ef: {  	vm3 =	vnez.u8 v52  }
0x1f0: {  	vm13 =	vcmask $0x3338;
	v11 =	vnsel vm3, $0x0, v24  }
0x1f1: {  	vm9 =	vcmask $0x2328;
	vm14 =	vcmask $0x373C;
	vm0 =	vcmask $0x308;
	(xrf0) =	vadd.scan.msk.s32 $0xffff, v11  }
0x1f2: {  	vm11 =	vcmask $0x2B30;
	vm1 =	vcmask $0x70C;
	v11 =	vsel vm0, $0x0, v24  }
0x1f3: {  	v54 =	vmov s29;
	vm12 =	vcmask $0x2F34;
	(xrf0) =	vadd.scan.msk.s32 $0xffff, v11;
	v11 =	vsel vm1, $0x0, v24  }
0x1f4: {  	v55 =	vshll.u32 v54, $0xB;
	vm10 =	vcmask $0x272C;
	vm2 =	vcmask $0xB10;
	(xrf0) =	vadd.scan.msk.s32 $0xffff, v11  }
0x1f5: {  	vm4 =	vcmask $0xF14;
	vm5 =	vcmask $0x1318;
	vm6 =	vcmask $0x171C  }
0x1f6: {  	vm7 =	vcmask $0x1B20;
	vm8 =	vcmask $0x1F24;
	v57 =	vsel vm2, $0x0, v24  }
0x1f7: {  	v59 =	vsel vm4, $0x0, v24;
	v22 =	vsel vm5, $0x0, v24;
	v28 =	vsel vm6, $0x0, v24;
	v53, _, _ =	vpop (xrf0)  }
0x1f8: {  	v34 =	vsel vm7, $0x0, v24;
	v39 =	vsel vm8, $0x0, v24;
	v11 =	vbroadcast v53, $0xF  }
0x1f9: {  	v42 =	vsel vm9, $0x0, v24;
	v48 =	vsel vm10, $0x0, v24;
	(xrf0) =	vadd.scan.msk.s32 $0xffff, v57;
	v56, _, _ =	vpop (xrf0);
	v53 =	vsel vm11, $0x0, v24  }
0x1fa: {  	(xrf0) =	vadd.scan.msk.s32 $0xffff, v59;
	v59 =	vsel vm12, $0x0, v24;
	v15 =	vbroadcast v56, $0xF;
	v62, _, _ =	vpop (xrf0);
	v12 =	vshll.u32 v11, $0x3  }
0x1fb: {  	v60 =	vand.u32 $0x7F, v11;
	v16 =	vbroadcast v62, $0xF;
	v58 =	vadd.s32 v10, v12  }
0x1fc: {  	(xrf0) =	vadd.scan.msk.s32 $0xffff, v22;
	v12 =	vand.u32 $0x4000, v55;
	v61 =	vshll.u32 v15, $0x3;
	v63 =	vand.u32 $0x7F, v15  }
0x1fd: {  	v11 =	vand.u32 $0xFFFFFC00, v58;
	v13 =	vadd.s32 v10, v61;
	v21 =	vshll.u32 v16, $0x3  }
0x1fe: {  	v16 =	vand.u32 $0x7F, v16;
	v14 =	vadd.s32 v12, v11;
	v11 =	vshll.u32 v54, $0x7  }
0x1ff: {  	v13 =	vand.u32 $0xFFFFFC00, v13;
	v23 =	vadd.s32 v10, v21;
	v25, _, _ =	vpop (xrf0);
	v11 =	vand.u32 $0x380, v11  }
0x200: {  	v14 =	vor.u32 v60, v14;
	v13 =	vadd.s32 v12, v13;
	v26 =	vbroadcast v25, $0xF  }
0x201: {  	v27, _, _ =	vpop (xrf0);
	v15 =	vor.u32 v11, v14;
	v13 =	vor.u32 v63, v13;
	v14 =	vand.u32 $0xFFFFFC00, v23  }
0x202: {  	(xrf0) =	vadd.scan.msk.s32 $0xffff, v28;
	v29 =	vbroadcast v27, $0xF;
	v37, _, _ =	vpop (xrf0);
	v14 =	vadd.s32 v12, v14;
	v17 =	vor.u32 v11, v13  }
0x203: {  	(xrf0) =	vadd.scan.msk.s32 $0xffff, v34;
	v31 =	vshll.u32 v26, $0x3;
	v18 =	vand.u32 $0x7F, v26;
	v19 =	vbroadcast v37, $0xF  }
0x204: {  	v30 =	vor.u32 v16, v14;
	v32 =	vadd.s32 v10, v31;
	v33 =	vshll.u32 v29, $0x3  }
0x205: {  	v20 =	vand.u32 $0x7F, v29;
	v14 =	vor.u32 v11, v30;
	v35 =	vand.u32 $0xFFFFFC00, v32  }
0x206: {  	(xrf0) =	vadd.scan.msk.s32 $0xffff, v39;
	v36 =	vadd.s32 v10, v33;
	v40 =	vshll.u32 v19, $0x3;
	v19 =	vand.u32 $0x7F, v19  }
0x207: {  	v32 =	vsel vm13, $0x0, v24;
	v13 =	vadd.s32 v12, v35;
	v16 =	vand.u32 $0xFFFFFC00, v36  }
0x208: {  	v38, _, _ =	vpop (xrf0);
	v43 =	vadd.s32 v10, v40;
	v35 =	vsel vm14, $0x0, v24;
	v16 =	vadd.s32 v12, v16  }
0x209: {  	v30 =	vld [tilespmem:$0x1FFF0];
	(xrf0) =	vadd.scan.msk.s32 $0xffff, v42;
	v13 =	vor.u32 v18, v13;
	v41 =	vbroadcast v38, $0xF;
	v45, _, _ =	vpop (xrf0);
	v16 =	vor.u32 v20, v16  }
0x20a: {  	v18 =	vor.u32 v11, v13;
	v13 =	vand.u32 $0xFFFFFC00, v43;
	v21 =	vbroadcast v45, $0xF  }
0x20b: {  	v16 =	vor.u32 v11, v16;
	v44 =	vshll.u32 v41, $0x3;
	v13 =	vadd.s32 v12, v13  }
0x20c: {  	v51, _, _ =	vpop (xrf0);
	(xrf0) =	vadd.scan.msk.s32 $0xffff, v48;
	v22 =	vand.u32 $0x7F, v41;
	v20 =	vadd.s32 v10, v44;
	v13 =	vor.u32 v19, v13  }
0x20d: {  	v47 =	vshll.u32 v21, $0x3;
	v54 =	vand.u32 $0x7F, v21;
	v46 =	vand.u32 $0xFFFFFC00, v20  }
0x20e: {  	vm15 =	vnez.u8 v30;
	v50 =	vadd.s32 v10, v47;
	v20 =	vadd.s32 v12, v46  }
0x20f: {  	v19 =	vor.u32 v11, v13;
	v52, _, _ =	vpop (xrf0);
	v49 =	vor.u32 v22, v20;
	v20 =	vand.u32 $0xFFFFFC00, v50  }
0x210: {  	(xrf0) =	vadd.scan.msk.s32 $0xffff, v53;
	v22 =	vbroadcast v51, $0xF;
	v23 =	vbroadcast v52, $0xF;
	v20 =	vadd.s32 v12, v20  }
0x211: {  	v30 =	vsel vm15, $0x0, v24;
	v21 =	vor.u32 v11, v49;
	v55 =	vor.u32 v54, v20  }
0x212: {  	(xrf0) =	vadd.scan.msk.s32 $0xffff, v59;
	v62, _, _ =	vpop (xrf0);
	v56 =	vshll.u32 v22, $0x3;
	v58 =	vshll.u32 v23, $0x3;
	v22 =	vand.u32 $0x7F, v22  }
0x213: {  	v23 =	vand.u32 $0x7F, v23;
	v26 =	vbroadcast v62, $0xF;
	v57 =	vadd.s32 v10, v56  }
0x214: {  	v20 =	vor.u32 v11, v55;
	v61 =	vadd.s32 v10, v58;
	v60 =	vand.u32 $0xFFFFFC00, v57  }
0x215: {  	v25 =	vand.u32 $0xFFFFFC00, v61;
	v33 =	vshll.u32 v26, $0x3;
	v36 =	vand.u32 $0x7F, v26  }
0x216: {  	(xrf0) =	vadd.scan.msk.s32 $0xffff, v32;
	v13 =	vadd.s32 v12, v60;
	v25 =	vadd.s32 v12, v25;
	v31, _, _ =	vpop (xrf0);
	v27 =	vadd.s32 v10, v33  }
0x217: {  	(xrf0) =	vadd.scan.msk.s32 $0xffff, v35;
	v13 =	vor.u32 v22, v13;
	v63 =	vor.u32 v23, v25;
	v34 =	vbroadcast v31, $0xF  }
0x218: {  	v37 =	vand.u32 $0xFFFFFC00, v27;
	v29, _, _ =	vpop (xrf0);
	v23 =	vor.u32 v11, v13;
	v22 =	vor.u32 v11, v63  }
0x219: {  	v13 =	vld [tilespmem:$0x11010];
	v26 =	vadd.s32 v12, v37;
	v29 =	vbroadcast v29, $0xF;
	v38 =	vshll.u32 v34, $0x3  }
0x21a: {  	v25 =	vor.u32 v36, v26;
	v39 =	vand.u32 $0x7F, v34;
	v27 =	vadd.s32 v10, v38  }
0x21b: {  	v63 =	vld.idx.msk [tilespmem:v15+s14+$0x0], $0xffff;
	v40 =	vshll.u32 v29, $0x3;
	v24 =	vor.u32 v11, v25;
	v27 =	vand.u32 $0xFFFFFC00, v27  }
0x21c: {  	v43, _, _ =	vpop (xrf0);
	(xrf0) =	vadd.scan.msk.s32 $0xffff, v30;
	v29 =	vand.u32 $0x7F, v29;
	v42 =	vadd.s32 v10, v40;
	v27 =	vadd.s32 v12, v27  }
0x21d: {  	v26 =	vand.u32 $0xFFFFFC00, v42;
	v44, _, _ =	vpop (xrf0);
	v41 =	vor.u32 v39, v27;
	v27 =	vbroadcast v43, $0xF  }
0x21e: {  	v45 =	vnsel vm3, $0x0, v13;
	v31 =	vadd.s32 v12, v26;
	v28 =	vbroadcast v44, $0xF  }
0x21f: {  	v49 =	vsel vm0, $0x0, v13;
	v53 =	vsel vm1, $0x0, v13;
	v54 =	vsel vm2, $0x0, v13  }
0x220: {  	v34 =	vsel vm4, $0x0, v13;
	v35 =	vsel vm5, $0x0, v13;
	v36 =	vsel vm6, $0x0, v13;
	(xrf1) =	vsort.ascd.msk.u32 $0xffff, v63, v63  }
0x221: {  	v63 =	vsel vm9, $0x0, v13;
	(xrf0) =	vadd.scan.msk.s32 $0xffff, v45;
	v26 =	vor.u32 v11, v41;
	v46 =	vor.u32 v29, v31  }
0x222: {  	v50, _, _ =	vpop (xrf0);
	v47 =	vshll.u32 v27, $0x3;
	v48 =	vshll.u32 v28, $0x3;
	v25 =	vor.u32 v11, v46  }
0x223: {  	(xrf0) =	vadd.scan.msk.s32 $0xffff, v49;
	v27 =	vand.u32 $0x7F, v27;
	v28 =	vand.u32 $0x7F, v28;
	v31 =	vbroadcast v50, $0xF  }
0x224: {  	v50 =	vsel vm7, $0x0, v13;
	v29 =	vadd.s32 v10, v47;
	v30 =	vadd.s32 v10, v48  }
0x225: {  	(xrf0) =	vadd.scan.msk.s32 $0xffff, v53;
	v29 =	vand.u32 $0xFFFFFC00, v29;
	v30 =	vand.u32 $0xFFFFFC00, v30;
	v32 =	vshll.u32 v31, $0x3  }
0x226: {  	v56 =	vand.u32 $0x7F, v31;
	v29 =	vadd.s32 v12, v29;
	v30 =	vadd.s32 v12, v30  }
0x227: {  	v55 =	vadd.s32 v10, v32;
	v27 =	vor.u32 v27, v29;
	v51 =	vor.u32 v28, v30;
	v52, _, _ =	vpop (xrf0)  }
0x228: {  	v29 =	vand.u32 $0xFFFFFC00, v55;
	v28 =	vor.u32 v11, v27;
	(xrf0) =	vadd.scan.msk.s32 $0xffff, v54;
	v33 =	vbroadcast v52, $0xF  }
0x229: {  	v27 =	vor.u32 v11, v51;
	v29 =	vadd.s32 v12, v29;
	v51 =	vsel vm8, $0x0, v13;
	v58, _, _ =	vpop (xrf0)  }
0x22a: {  	v29 =	vor.u32 v56, v29;
	v32 =	vbroadcast v58, $0xF;
	v57 =	vshll.u32 v33, $0x3  }
0x22b: {  	v29 =	vor.u32 v11, v29;
	v62, _, _ =	vpop (xrf0);
	(xrf0) =	vadd.scan.msk.s32 $0xffff, v34;
	v59 =	vand.u32 $0x7F, v33;
	v31 =	vadd.s32 v10, v57  }
0x22c: {  	v40 =	vbroadcast v62, $0xF;
	v60 =	vshll.u32 v32, $0x3;
	v31 =	vand.u32 $0xFFFFFC00, v31  }
0x22d: {  	v32 =	vand.u32 $0x7F, v32;
	v61 =	vadd.s32 v10, v60;
	v31 =	vadd.s32 v12, v31  }
0x22e: {  	v42 =	vshll.u32 v40, $0x3;
	v39 =	vand.u32 $0xFFFFFC00, v61;
	v41, _, _ =	vpop (xrf0);
	v30 =	vor.u32 v59, v31  }
0x22f: {  	v17 =	vld.idx.msk [tilespmem:v17+s14+$0x0], $0xffff;
	(xrf0) =	vadd.scan.msk.s32 $0xffff, v35;
	v15 =	vadd.s32 v12, v39;
	v33 =	vbroadcast v41, $0xF;
	v31 =	vand.u32 $0x7F, v40  }
0x230: {  	v30 =	vor.u32 v11, v30;
	v15 =	vor.u32 v32, v15;
	v32 =	vadd.s32 v10, v42  }
0x231: {  	v14 =	vld.idx.msk [tilespmem:v14+s14+$0x0], $0xffff;
	(xrf0) =	vadd.scan.msk.s32 $0xffff, v36;
	v45, _, _ =	vpop (xrf0);
	v43 =	vshll.u32 v33, $0x3;
	v15 =	vor.u32 v11, v15;
	v32 =	vand.u32 $0xFFFFFC00, v32  }
0x232: {  	(xrf0) =	vadd.scan.msk.s32 $0xffff, v50;
	v46 =	vand.u32 $0x7F, v33;
	v48 =	vbroadcast v45, $0xF;
	v35 =	vadd.s32 v10, v43  }
0x233: {  	v18 =	vld.idx.msk [tilespmem:v18+s14+$0x0], $0xffff;
	v32 =	vadd.s32 v12, v32;
	v43 =	vsel vm10, $0x0, v13;
	v44 =	vand.u32 $0xFFFFFC00, v35  }
0x234: {  	v16 =	vld.idx.msk [tilespmem:v16+s14+$0x0], $0xffff;
	(xrf1) =	vsort.ascd.msk.u32 $0xffff, v17, v17;
	v31 =	vor.u32 v31, v32;
	v35 =	vshll.u32 v48, $0x3;
	v53 =	vand.u32 $0x7F, v48  }
0x235: {  	v47 =	vadd.s32 v12, v44;
	v49, _, _ =	vpop (xrf0);
	v31 =	vor.u32 v11, v31;
	v35 =	vadd.s32 v10, v35  }
0x236: {  	(xrf1) =	vsort.ascd.msk.u32 $0xffff, v14, v14;
	v52 =	vld.idx.msk [tilespmem:v19+s14+$0x0], $0xffff;
	v17 =	vor.u32 v46, v47;
	v32 =	vbroadcast v49, $0xF;
	v54 =	vand.u32 $0xFFFFFC00, v35  }
0x237: {  	v21 =	vld.idx.msk [tilespmem:v21+s14+$0x0], $0xffff;
	(xrf0) =	vadd.scan.msk.s32 $0xffff, v51;
	v56, _, _ =	vpop (xrf0);
	v47 =	vsel vm11, $0x0, v13;
	v17 =	vor.u32 v11, v17;
	v33 =	vadd.s32 v12, v54  }
0x238: {  	(xrf1) =	vsort.ascd.msk.u32 $0xffff, v18, v18;
	v35 =	vbroadcast v56, $0xF;
	v37, _, _ =	vpop (xrf0);
	v55 =	vshll.u32 v32, $0x3;
	v57 =	vor.u32 v53, v33  }
0x239: {  	(xrf1) =	vsort.ascd.msk.u32 $0xffff, v16, v16;
	v60 =	vld.idx.msk [tilespmem:v20+s14+$0x0], $0xffff;
	v58 =	vand.u32 $0x7F, v32;
	v32 =	vbroadcast v37, $0xF;
	v53 =	vsel vm12, $0x0, v13  }
0x23a: {  	(xrf0) =	vadd.scan.msk.s32 $0xffff, v63;
	v34 =	vadd.s32 v10, v55;
	v62 =	vshll.u32 v35, $0x3;
	v18 =	vor.u32 v11, v57  }
0x23b: {  	(xrf1) =	vsort.ascd.msk.u32 $0xffff, v52, v52;
	v39 =	vand.u32 $0x7F, v35;
	v59 =	vand.u32 $0xFFFFFC00, v34;
	v36 =	vadd.s32 v10, v62  }
0x23c: {  	v38 =	vld.idx.msk [tilespmem:v23+s14+$0x0], $0xffff;
	(xrf1) =	vsort.ascd.msk.u32 $0xffff, v21, v21;
	v44 =	vshll.u32 v32, $0x3;
	v32 =	vand.u32 $0x7F, v32;
	v61 =	vadd.s32 v12, v59  }
0x23d: {  	v41 =	vld.idx.msk [tilespmem:v22+s14+$0x0], $0xffff;
	v20 =	vand.u32 $0xFFFFFC00, v36;
	v40, _, _ =	vpop (xrf0);
	(xrf0) =	vadd.scan.msk.s32 $0xffff, v43;
	v45 =	vadd.s32 v10, v44;
	v59 =	vsel vm13, $0x0, v13  }
0x23e: {  	(xrf1) =	vsort.ascd.msk.u32 $0xffff, v60, v60;
	v19 =	vor.u32 v58, v61;
	v20 =	vadd.s32 v12, v20;
	v42 =	vbroadcast v40, $0xF  }
0x23f: {  	v24 =	vld.idx.msk [tilespmem:v24+s14+$0x0], $0xffff;
	v16 =	vand.u32 $0xFFFFFC00, v45;
	(xrf0) =	vadd.scan.msk.s32 $0xffff, v47;
	v61 =	vsel vm14, $0x0, v13;
	v13 =	vsel vm15, $0x0, v13  }
0x240: {  	v52 =	vld.idx.msk [tilespmem:v26+s14+$0x0], $0xffff;
	v19 =	vor.u32 v11, v19;
	v20 =	vor.u32 v39, v20;
	v51, _, _ =	vpop (xrf0);
	(xrf0) =	vadd.scan.msk.s32 $0xffff, v53;
	v46 =	vshll.u32 v42, $0x3  }
0x241: {  	(xrf1) =	vsort.ascd.msk.u32 $0xffff, v38, v38;
	v48 =	vadd.s32 v12, v16;
	v49 =	vand.u32 $0x7F, v42;
	v23 =	vadd.s32 v10, v46  }
0x242: {  	(xrf1) =	vsort.ascd.msk.u32 $0xffff, v41, v41;
	v14 =	vor.u32 v32, v48;
	v50 =	vand.u32 $0xFFFFFC00, v23;
	v23 =	vbroadcast v51, $0xF  }
0x243: {  	v20 =	vor.u32 v11, v20;
	v14 =	vor.u32 v11, v14;
	v22 =	vadd.s32 v12, v50;
	v56, _, _ =	vpop (xrf0)  }
0x244: {  	(xrf1) =	vsort.ascd.msk.u32 $0xffff, v24, v24;
	v16 =	vor.u32 v49, v22;
	v55 =	vshll.u32 v23, $0x3;
	v58 =	vbroadcast v56, $0xF  }
0x245: {  	v54 =	vld.idx.msk [tilespmem:v25+s14+$0x0], $0xffff;
	(xrf0) =	vadd.scan.msk.s32 $0xffff, v59;
	v23 =	vand.u32 $0x7F, v23;
	v60, _, _ =	vpop (xrf0);
	v16 =	vor.u32 v11, v16;
	v57 =	vadd.s32 v10, v55  }
0x246: {  	v28 =	vld.idx.msk [tilespmem:v28+s14+$0x0], $0xffff;
	(xrf1) =	vsort.ascd.msk.u32 $0xffff, v52, v52;
	v32 =	vbroadcast v60, $0xF;
	v38, _, _ =	vpop (xrf0);
	v24 =	vand.u32 $0xFFFFFC00, v57;
	v62 =	vshll.u32 v58, $0x3  }
0x247: {  	v27 =	vld.idx.msk [tilespmem:v27+s14+$0x0], $0xffff;
	(xrf0) =	vadd.scan.msk.s32 $0xffff, v61;
	v34 =	vand.u32 $0x7F, v58;
	v26 =	vbroadcast v38, $0xF;
	v24 =	vadd.s32 v12, v24  }
0x248: {  	v15 =	vld.idx.msk [tilespmem:v15+s14+$0x0], $0xffff;
	(xrf0) =	vadd.scan.msk.s32 $0xffff, v13;
	v35 =	vadd.s32 v10, v62;
	v37 =	vshll.u32 v32, $0x3;
	v44 =	vand.u32 $0x7F, v32  }
0x249: {  	v36 =	vld.idx.msk [tilespmem:v29+s14+$0x0], $0xffff;
	v63 =	vor.u32 v23, v24;
	v24 =	vand.u32 $0xFFFFFC00, v35;
	v25 =	vadd.s32 v10, v37  }
0x24a: {  	(xrf1) =	vsort.ascd.msk.u32 $0xffff, v54, v54;
	v47 =	vld.idx.msk [tilespmem:v31+s14+$0x0], $0xffff;
	v45 =	vshll.u32 v26, $0x3;
	v26 =	vand.u32 $0x7F, v26;
	v24 =	vadd.s32 v12, v24  }
0x24b: {  	v39 =	vld.idx.msk [tilespmem:v30+s14+$0x0], $0xffff;
	v40 =	vor.u32 v11, v63;
	v42 =	vand.u32 $0xFFFFFC00, v25;
	v43, _, _ =	vpop (xrf0);
	v48 =	vadd.s32 v10, v45  }
0x24c: {  	v17 =	vld.idx.msk [tilespmem:v17+s14+$0x0], $0xffff;
	v41 =	vor.u32 v34, v24;
	v23 =	vadd.s32 v12, v42;
	v24 =	vbroadcast v43, $0xF  }
0x24d: {  	(xrf1) =	vsort.ascd.msk.u32 $0xffff, v28, v28;
	v46, _, _ =	vpop (xrf0);
	v50 =	vand.u32 $0xFFFFFC00, v48;
	v23 =	vor.u32 v44, v23;
	v21 =	vor.u32 v11, v41  }
0x24e: {  	(xrf1) =	vsort.ascd.msk.u32 $0xffff, v27, v27;
	v28 =	vbroadcast v46, $0xF;
	v54, _, _ =	vpop (xrf0);
	v49 =	vor.u32 v11, v23;
	v23 =	vadd.s32 v12, v50  }
0x24f: {  	v18 =	vld.idx.msk [tilespmem:v18+s14+$0x0], $0xffff;
	(xrf1) =	vsort.ascd.msk.u32 $0xffff, v36, v36;
	v52 =	vshll.u32 v24, $0x3;
	v57 =	vbroadcast v54, $0xF;
	v24 =	vand.u32 $0x7F, v24  }
0x250: {  	v27, _, _ =	vpop (xrf1);
	(xrf1) =	vsort.ascd.msk.u32 $0xffff, v39, v39;
	v23 =	vor.u32 v26, v23;
	v53 =	vadd.s32 v10, v52;
	v58 =	vshll.u32 v28, $0x3  }
0x251: {  	v51, _, _ =	vpop (xrf1);
	v19 =	vld.idx.msk [tilespmem:v19+s14+$0x0], $0xffff;
	(xrf1) =	vsort.ascd.msk.u32 $0xffff, v15, v15;
	v62 =	vand.u32 $0x7F, v28;
	v55 =	vor.u32 v11, v23;
	v56 =	vand.u32 $0xFFFFFC00, v53  }
0x252: {  	v20 =	vld.idx.msk [tilespmem:v20+s14+$0x0], $0xffff;
	v59 =	vadd.s32 v10, v58;
	v60 =	vshll.u32 v57, $0x3;
	v23 =	vadd.s32 v12, v56  }
0x253: {  	v31, _, _ =	vpop (xrf1);
	(xrf1) =	vsort.ascd.msk.u32 $0xffff, v47, v47;
	v29 =	vadd.s32 v10, v60;
	v23 =	vor.u32 v24, v23;
	v24 =	vand.u32 $0xFFFFFC00, v59  }
0x254: {  	v61, _, _ =	vpop (xrf1);
	v14 =	vld.idx.msk [tilespmem:v14+s14+$0x0], $0xffff;
	(xrf1) =	vsort.ascd.msk.u32 $0xffff, v17, v17;
	v33 =	vand.u32 $0x7F, v57;
	v63 =	vand.u32 $0xFFFFFC00, v29;
	v24 =	vadd.s32 v12, v24  }
0x255: {  	v32, _, _ =	vpop (xrf1);
	v16 =	vld.idx.msk [tilespmem:v16+s14+$0x0], $0xffff;
	v23 =	vor.u32 v11, v23;
	v12 =	vadd.s32 v12, v63;
	v17 =	vor.u32 v62, v24  }
0x256: {  	(xrf1) =	vsort.ascd.msk.u32 $0xffff, v18, v18;
	v34, _, _ =	vpop (xrf1);
	v13 =	vld.idx.msk [tilespmem:v40+s14+$0x0], $0xffff;
	v12 =	vor.u32 v33, v12;
	v17 =	vor.u32 v11, v17  }
0x257: {  	(xrf1) =	vsort.ascd.msk.u32 $0xffff, v19, v19;
	v35, _, _ =	vpop (xrf1);
	v36 =	vld.idx.msk [tilespmem:v21+s14+$0x0], $0xffff;
	v11 =	vor.u32 v11, v12  }
0x258: {  	(xrf1) =	vsort.ascd.msk.u32 $0xffff, v20, v20;
	v37, _, _ =	vpop (xrf1);
	v38 =	vld.idx.msk [tilespmem:v49+s14+$0x0], $0xffff  }
0x259: {  	v39, _, _ =	vpop (xrf1);
	(xrf1) =	vsort.ascd.msk.u32 $0xffff, v14, v14;
	v40 =	vld.idx.msk [tilespmem:v55+s14+$0x0], $0xffff  }
0x25a: {  	v41, _, _ =	vpop (xrf1);
	(xrf1) =	vsort.ascd.msk.u32 $0xffff, v16, v16;
	v42 =	vld.idx.msk [tilespmem:v23+s14+$0x0], $0xffff  }
0x25b: {  	v43, _, _ =	vpop (xrf1);
	(xrf1) =	vsort.ascd.msk.u32 $0xffff, v13, v13;
	v44 =	vld.idx.msk [tilespmem:v17+s14+$0x0], $0xffff  }
0x25c: {  	v45, _, _ =	vpop (xrf1);
	(xrf1) =	vsort.ascd.msk.u32 $0xffff, v36, v36;
	v11 =	vld.idx.msk [tilespmem:v11+s14+$0x0], $0xffff  }
0x25d: {  	v46, _, _ =	vpop (xrf1);
	(xrf1) =	vsort.ascd.msk.u32 $0xffff, v38, v38  }
0x25e: {  	v48 =	vperm.xlane v51, v1;
	v47, _, _ =	vpop (xrf1);
	(xrf1) =	vsort.ascd.msk.u32 $0xffff, v40, v40  }
0x25f: {  	v49, _, _ =	vpop (xrf1);
	(xrf1) =	vsort.ascd.msk.u32 $0xffff, v42, v42  }
0x260: {  	v51 =	vperm.xlane v61, v1;
	vm0 =	vlt.s32 v27, v48;
	v50, _, _ =	vpop (xrf1);
	(xrf1) =	vsort.ascd.msk.u32 $0xffff, v44, v44  }
0x261: {  	v14 =	vsel vm0, v48, v27;
	v52, _, _ =	vpop (xrf1);
	(xrf1) =	vsort.ascd.msk.u32 $0xffff, v11, v11;
	v11 =	vsel vm0, v27, v48  }
0x262: {  	v53, _, _ =	vpop (xrf1);
	vm0 =	vlt.s32 v31, v51;
	(xrf1) =	vsort.ascd.msk.u32 $0xffff, v11, v11;
	v11 =	vperm.xlane v34, v1  }
0x263: {  	v12 =	vperm.xlane v37, v1;
	v54, _, _ =	vpop (xrf1);
	v55 =	vsel vm0, v31, v51;
	(xrf1) =	vsort.ascd.msk.u32 $0xffff, v14, v14  }
0x264: {  	v56, _, _ =	vpop (xrf1);
	v13 =	vsel vm0, v51, v31;
	(xrf1) =	vsort.ascd.msk.u32 $0xffff, v55, v55;
	vm0 =	vlt.s32 v32, v11  }
0x265: {  	v60 =	vperm.xlane v41, v1;
	v57, _, _ =	vpop (xrf1);
	(xrf1) =	vsort.ascd.msk.u32 $0xffff, v13, v13;
	v58 =	vsel vm0, v32, v11  }
0x266: {  	v59, _, _ =	vpop (xrf1);
	v11 =	vsel vm0, v11, v32;
	vm0 =	vlt.s32 v35, v12;
	(xrf1) =	vsort.ascd.msk.u32 $0xffff, v58, v58  }
0x267: {  	v61, _, _ =	vpop (xrf1);
	(xrf1) =	vsort.ascd.msk.u32 $0xffff, v11, v11;
	v11 =	vsel vm0, v35, v12;
	v12 =	vsel vm0, v12, v35  }
0x268: {  	v62, _, _ =	vpop (xrf1);
	vm0 =	vlt.s32 v39, v60;
	(xrf1) =	vsort.ascd.msk.u32 $0xffff, v11, v11;
	v11 =	vperm.xlane v45, v1  }
0x269: {  	v33 =	vperm.xlane v47, v1;
	v63, _, _ =	vpop (xrf1);
	v31 =	vsel vm0, v39, v60;
	(xrf1) =	vsort.ascd.msk.u32 $0xffff, v12, v12  }
0x26a: {  	v32, _, _ =	vpop (xrf1);
	v13 =	vsel vm0, v60, v39;
	(xrf1) =	vsort.ascd.msk.u32 $0xffff, v31, v31;
	vm0 =	vlt.s32 v43, v11  }
0x26b: {  	v37 =	vperm.xlane v50, v1;
	v34, _, _ =	vpop (xrf1);
	(xrf1) =	vsort.ascd.msk.u32 $0xffff, v13, v13;
	v35 =	vsel vm0, v43, v11  }
0x26c: {  	v36, _, _ =	vpop (xrf1);
	v11 =	vsel vm0, v11, v43;
	vm0 =	vlt.s32 v46, v33;
	(xrf1) =	vsort.ascd.msk.u32 $0xffff, v35, v35  }
0x26d: {  	v47 =	vperm.xlane v59, v1;
	v38, _, _ =	vpop (xrf1);
	(xrf1) =	vsort.ascd.msk.u32 $0xffff, v11, v11;
	v11 =	vsel vm0, v46, v33  }
0x26e: {  	v12 =	vsel vm0, v33, v46;
	v39, _, _ =	vpop (xrf1);
	vm0 =	vlt.s32 v49, v37;
	(xrf1) =	vsort.ascd.msk.u32 $0xffff, v11, v11  }
0x26f: {  	v11 =	vperm.xlane v53, v1;
	v40, _, _ =	vpop (xrf1);
	v41 =	vsel vm0, v49, v37;
	(xrf1) =	vsort.ascd.msk.u32 $0xffff, v12, v12  }
0x270: {  	v43 =	vperm.xlane v56, v1;
	v13 =	vsel vm0, v37, v49;
	v42, _, _ =	vpop (xrf1);
	(xrf1) =	vsort.ascd.msk.u32 $0xffff, v41, v41  }
0x271: {  	v53 =	vperm.xlane v32, v1;
	vm0 =	vlt.s32 v52, v11;
	v44, _, _ =	vpop (xrf1);
	(xrf1) =	vsort.ascd.msk.u32 $0xffff, v13, v13  }
0x272: {  	v45 =	vsel vm0, v52, v11;
	v11 =	vsel vm0, v11, v52;
	vm0 =	vlt.s32 v54, v43  }
0x273: {  	v31 =	vperm.xlane v42, v1;
	v46, _, _ =	vpop (xrf1);
	(xrf1) =	vsort.ascd.msk.u32 $0xffff, v45, v45;
	v12 =	vsel vm0, v43, v54  }
0x274: {  	v48, _, _ =	vpop (xrf1);
	(xrf1) =	vsort.ascd.msk.u32 $0xffff, v11, v11;
	v11 =	vsel vm0, v54, v43;
	vm0 =	vlt.s32 v57, v47  }
0x275: {  	v49, _, _ =	vpop (xrf1);
	(xrf1) =	vsort.ascd.msk.u32 $0xffff, v11, v11;
	v11 =	vperm.xlane v62, v1;
	v51 =	vsel vm0, v57, v47  }
0x276: {  	v50, _, _ =	vpop (xrf1);
	v13 =	vsel vm0, v47, v57;
	v57 =	vperm.xlane v36, v1;
	(xrf1) =	vsort.ascd.msk.u32 $0xffff, v12, v12  }
0x277: {  	v33 =	vperm.xlane v49, v1;
	v52, _, _ =	vpop (xrf1);
	(xrf1) =	vsort.ascd.msk.u32 $0xffff, v51, v51;
	vm0 =	vlt.s32 v61, v11  }
0x278: {  	v54, _, _ =	vpop (xrf1);
	(xrf1) =	vsort.ascd.msk.u32 $0xffff, v13, v13;
	v55 =	vsel vm0, v61, v11;
	v11 =	vsel vm0, v11, v61  }
0x279: {  	v56, _, _ =	vpop (xrf1);
	vm0 =	vlt.s32 v63, v53;
	v21 =	vperm.xlane v54, v1;
	(xrf1) =	vsort.ascd.msk.u32 $0xffff, v55, v55  }
0x27a: {  	v58, _, _ =	vpop (xrf1);
	v12 =	vsel vm0, v53, v63;
	(xrf1) =	vsort.ascd.msk.u32 $0xffff, v11, v11;
	v11 =	vsel vm0, v63, v53  }
0x27b: {  	v59, _, _ =	vpop (xrf1);
	vm0 =	vlt.s32 v34, v57;
	(xrf1) =	vsort.ascd.msk.u32 $0xffff, v11, v11;
	v11 =	vperm.xlane v39, v1  }
0x27c: {  	v60, _, _ =	vpop (xrf1);
	v61 =	vsel vm0, v34, v57;
	v13 =	vsel vm0, v57, v34;
	v34 =	vperm.xlane v48, v1  }
0x27d: {  	v15 =	vperm.xlane v56, v1;
	(xrf1) =	vsort.ascd.msk.u32 $0xffff, v12, v12;
	v19 =	vperm.xlane v60, v1  }
0x27e: {  	v62, _, _ =	vpop (xrf1);
	(xrf1) =	vsort.ascd.msk.u32 $0xffff, v61, v61;
	vm0 =	vlt.s32 v38, v11;
	vm1 =	vgt.s32 v46, v34  }
0x27f: {  	v41 =	vperm.xlane v62, v1;
	(xrf1) =	vsort.ascd.msk.u32 $0xffff, v13, v13;
	v30 =	vsel vm0, v38, v11  }
0x280: {  	v63, _, _ =	vpop (xrf1);
	v11 =	vsel vm0, v11, v38;
	vm0 =	vlt.s32 v40, v31;
	v36 =	vsel vm1, v46, v34  }
0x281: {  	v32, _, _ =	vpop (xrf1);
	vm1 =	vgt.s32 v52, v21;
	(xrf1) =	vsort.ascd.msk.u32 $0xffff, v30, v30;
	v20 =	vsel vm0, v31, v40  }
0x282: {  	v35, _, _ =	vpop (xrf1);
	v14 =	vsel vm1, v52, v21;
	vm1 =	vgt.s32 v59, v19;
	(xrf1) =	vsort.ascd.msk.u32 $0xffff, v11, v11  }
0x283: {  	v11 =	vsel vm0, v40, v31;
	vm0 =	vgt.s32 v44, v33;
	v37, _, _ =	vpop (xrf1);
	v43 =	vsel vm1, v59, v19  }
0x284: {  	v46 =	vperm.xlane v35, v1;
	(xrf1) =	vsort.ascd.msk.u32 $0xffff, v11, v11;
	v11 =	vsel vm0, v44, v33;
	v39, _, _ =	vpop (xrf1)  }
0x285: {  	v45 =	vperm.xlane v37, v1;
	vm0 =	vgt.s32 v11, v36;
	(xrf1) =	vsort.ascd.msk.u32 $0xffff, v20, v20;
	v40, _, _ =	vpop (xrf1)  }
0x286: {  	v38 =	vsel vm0, v36, v11;
	v11 =	vsel vm0, v11, v36;
	vm0 =	vgt.s32 v50, v15;
	v42, _, _ =	vpop (xrf1)  }
0x287: {  	vm1 =	vgt.s32 v32, v46;
	(xrf1) =	vsort.ascd.msk.u32 $0xffff, v38, v38;
	v15 =	vsel vm0, v50, v15;
	v44, _, _ =	vpop (xrf1)  }
0x288: {  	v13 =	vsel vm1, v32, v46;
	vm0 =	vgt.s32 v15, v14;
	(xrf1) =	vsort.ascd.msk.u32 $0xffff, v11, v11;
	v47, _, _ =	vpop (xrf1)  }
0x289: {  	v11 =	vsel vm0, v14, v15;
	v14 =	vsel vm0, v15, v14;
	vm0 =	vgt.s32 v58, v41;
	v49, _, _ =	vpop (xrf1)  }
0x28a: {  	v50 =	vperm.xlane v44, v1;
	(xrf1) =	vsort.ascd.msk.u32 $0xffff, v11, v11;
	v11 =	vsel vm0, v58, v41;
	v51, _, _ =	vpop (xrf1)  }
0x28b: {  	vm0 =	vgt.s32 v11, v43;
	(xrf1) =	vsort.ascd.msk.u32 $0xffff, v14, v14;
	v17 =	vperm.xlane v51, v1  }
0x28c: {  	v52, _, _ =	vpop (xrf1);
	v48 =	vsel vm0, v43, v11;
	v11 =	vsel vm0, v11, v43;
	vm0 =	vgt.s32 v63, v45  }
0x28d: {  	v55 =	vperm.xlane v52, v1;
	(xrf1) =	vsort.ascd.msk.u32 $0xffff, v48, v48;
	v12 =	vsel vm0, v63, v45  }
0x28e: {  	v53, _, _ =	vpop (xrf1);
	vm2 =	vgt.s32 v49, v17;
	(xrf1) =	vsort.ascd.msk.u32 $0xffff, v11, v11;
	vm0 =	vgt.s32 v12, v13  }
0x28f: {  	v54, _, _ =	vpop (xrf1);
	v11 =	vperm.xlane v42, v1;
	vm1 =	vgt.s32 v47, v55;
	v14 =	vsel vm2, v49, v17  }
0x290: {  	v56, _, _ =	vpop (xrf1);
	v19 =	vsel vm0, v13, v12;
	v12 =	vsel vm0, v12, v13;
	vm0 =	vgt.s32 v39, v50  }
0x291: {  	v57, _, _ =	vpop (xrf1);
	v60 =	vsel vm1, v47, v55;
	v15 =	vsel vm0, v39, v50;
	vm0 =	vgt.s32 v40, v11  }
0x292: {  	v18 =	vperm.xlane v56, v1;
	(xrf1) =	vsort.ascd.msk.u32 $0xffff, v19, v19;
	v59, _, _ =	vpop (xrf1);
	v11 =	vsel vm0, v40, v11  }
0x293: {  	(xrf1) =	vsort.ascd.msk.u32 $0xffff, v12, v12;
	v61, _, _ =	vpop (xrf1);
	v12 =	vperm.xlane v57, v1;
	vm0 =	vgt.s32 v15, v11  }
0x294: {  	vm1 =	vgt.s32 v54, v18;
	v62, _, _ =	vpop (xrf1);
	v58 =	vsel vm0, v11, v15;
	v11 =	vsel vm0, v15, v11  }
0x295: {  	vm0 =	vgt.s32 v60, v14;
	v24 =	vperm.xlane v62, v1;
	(xrf1) =	vsort.ascd.msk.u32 $0xffff, v58, v58  }
0x296: {  	v63, _, _ =	vpop (xrf1);
	(xrf1) =	vsort.ascd.msk.u32 $0xffff, v11, v11;
	v11 =	vsel vm0, v14, v60;
	v14 =	vsel vm0, v60, v14  }
0x297: {  	vm0 =	vgt.s32 v53, v12;
	(xrf1) =	vsort.ascd.msk.u32 $0xffff, v11, v11;
	v11 =	vperm.xlane v63, v1  }
0x298: {  	v25 =	vsel vm1, v54, v18;
	vm2 =	vgt.s32 v61, v24;
	v12 =	vsel vm0, v53, v12  }
0x299: {  	v15 =	vsel vm2, v61, v24;
	vm0 =	vgt.s32 v12, v25;
	vm1 =	vgt.s32 v59, v11  }
0x29a: {  	(xrf1) =	vsort.ascd.msk.u32 $0xffff, v14, v14;
	v26 =	vsel vm0, v25, v12;
	v11 =	vsel vm1, v59, v11  }
0x29b: {  	v12 =	vsel vm0, v12, v25;
	(xrf1) =	vsort.ascd.msk.u32 $0xffff, v26, v26;
	vm0 =	vgt.s32 v11, v15  }
0x29c: {  	(xrf1) =	vsort.ascd.msk.u32 $0xffff, v12, v12;
	v27 =	vsel vm0, v15, v11;
	v11 =	vsel vm0, v11, v15  }
0x29d: {  	v28, _, _ =	vpop (xrf1);
	(xrf1) =	vsort.ascd.msk.u32 $0xffff, v27, v27  }
0x29e: {  	v29, _, _ =	vpop (xrf1);
	(xrf1) =	vsort.ascd.msk.u32 $0xffff, v11, v11  }
0x29f: {  	v11, _, _ =	vpop (xrf1)  }
0x2a0: {  	v30, _, _ =	vpop (xrf1)  }
0x2a1: {  	v31, _, _ =	vpop (xrf1)  }
0x2a2: {  	v14 =	vperm.xlane v30, v1;
	v32, _, _ =	vpop (xrf1)  }
0x2a3: {  	v11 =	vperm.xlane v11, v1;
	v33, _, _ =	vpop (xrf1)  }
0x2a4: {  	vm0 =	vgt.s32 v28, v14;
	v34, _, _ =	vpop (xrf1)  }
0x2a5: {  	v13 =	vsel vm0, v28, v14;
	vm0 =	vgt.s32 v29, v11;
	v35, _, _ =	vpop (xrf1)  }
0x2a6: {  	v17 =	vperm.xlane v33, v1;
	v11 =	vsel vm0, v29, v11;
	v37 =	vperm.xlane v34, v1;
	v36, _, _ =	vpop (xrf1)  }
0x2a7: {  	vm0 =	vgt.s32 v13, v11;
	v38, _, _ =	vpop (xrf1)  }
0x2a8: {  	vm2 =	vgt.s32 v32, v17;
	v40 =	vsel vm0, v11, v13;
	vm1 =	vgt.s32 v31, v37;
	v39, _, _ =	vpop (xrf1)  }
0x2a9: {  	v11 =	vsel vm0, v13, v11;
	v42 =	vsel vm2, v32, v17;
	v18 =	vperm.xlane v38, v1;
	v41, _, _ =	vpop (xrf1)  }
0x2aa: {  	v12 =	vsel vm1, v31, v37;
	(xrf1) =	vsort.ascd.msk.u32 $0xffff, v40, v40;
	v44 =	vperm.xlane v39, v1;
	v43, _, _ =	vpop (xrf1)  }
0x2ab: {  	vm0 =	vgt.s32 v12, v42;
	vm1 =	vgt.s32 v36, v18;
	v45, _, _ =	vpop (xrf1);
	(xrf1) =	vsort.ascd.msk.u32 $0xffff, v11, v11  }
0x2ac: {  	v11 =	vsel vm0, v42, v12;
	v12 =	vsel vm0, v12, v42;
	vm0 =	vgt.s32 v35, v44;
	v46, _, _ =	vpop (xrf1)  }
0x2ad: {  	(xrf1) =	vsort.ascd.msk.u32 $0xffff, v11, v11;
	v47 =	vperm.xlane v45, v1;
	v11 =	vperm.xlane v46, v1  }
0x2ae: {  	v14 =	vsel vm1, v36, v18;
	v48 =	vsel vm0, v35, v44;
	(xrf1) =	vsort.ascd.msk.u32 $0xffff, v12, v12  }
0x2af: {  	vm0 =	vgt.s32 v48, v14;
	vm2 =	vgt.s32 v43, v47;
	vm1 =	vgt.s32 v41, v11  }
0x2b0: {  	v16 =	vsel vm0, v14, v48;
	v13 =	vsel vm2, v43, v47;
	v11 =	vsel vm1, v41, v11  }
0x2b1: {  	v12 =	vsel vm0, v48, v14;
	(xrf1) =	vsort.ascd.msk.u32 $0xffff, v16, v16;
	vm0 =	vgt.s32 v11, v13  }
0x2b2: {  	(xrf1) =	vsort.ascd.msk.u32 $0xffff, v12, v12;
	v49 =	vsel vm0, v13, v11  }
0x2b3: {  	v11 =	vsel vm0, v11, v13;
	(xrf1) =	vsort.ascd.msk.u32 $0xffff, v49, v49  }
0x2b4: {  	(xrf1) =	vsort.ascd.msk.u32 $0xffff, v11, v11;
	_ =	sdelay $0x6  }
0x2b5: {  	v11, _, _ =	vpop (xrf1)  }
0x2b6: {  	v50, _, _ =	vpop (xrf1)  }
0x2b7: {  	v51, _, _ =	vpop (xrf1)  }
0x2b8: {  	v52, _, _ =	vpop (xrf1)  }
0x2b9: {  	v53, _, _ =	vpop (xrf1)  }
0x2ba: {  	v13 =	vperm.xlane v51, v1;
	v54, _, _ =	vpop (xrf1)  }
0x2bb: {  	v14 =	vperm.xlane v52, v1;
	v55, _, _ =	vpop (xrf1)  }
0x2bc: {  	vm1 =	vgt.s32 v50, v13;
	v56, _, _ =	vpop (xrf1)  }
0x2bd: {  	vm0 =	vgt.s32 v11, v14;
	v17 =	vperm.xlane v55, v1;
	v18 =	vperm.xlane v56, v1  }
0x2be: {  	v12 =	vsel vm1, v50, v13;
	v11 =	vsel vm0, v11, v14  }
0x2bf: {  	vm0 =	vgt.s32 v11, v12;
	vm2 =	vgt.s32 v54, v17;
	vm1 =	vgt.s32 v53, v18  }
0x2c0: {  	v14 =	vsel vm0, v12, v11;
	v58 =	vsel vm2, v54, v17;
	v57 =	vsel vm1, v53, v18  }
0x2c1: {  	v11 =	vsel vm0, v11, v12;
	(xrf1) =	vsort.ascd.msk.u32 $0xffff, v14, v14;
	vm0 =	vgt.s32 v57, v58  }
0x2c2: {  	(xrf1) =	vsort.ascd.msk.u32 $0xffff, v11, v11;
	v11 =	vsel vm0, v58, v57  }
0x2c3: {  	v59 =	vsel vm0, v57, v58;
	(xrf1) =	vsort.ascd.msk.u32 $0xffff, v11, v11  }
0x2c4: {  	(xrf1) =	vsort.ascd.msk.u32 $0xffff, v59, v59;
	_ =	sdelay $0xa  }
0x2c5: {  	v11, _, _ =	vpop (xrf1)  }
0x2c6: {  	v60, _, _ =	vpop (xrf1)  }
0x2c7: {  	v61, _, _ =	vpop (xrf1)  }
0x2c8: {  	v62, _, _ =	vpop (xrf1)  }
0x2c9: {  	v13 =	vperm.xlane v61, v1;
	v14 =	vperm.xlane v62, v1;
	_ =	sdelay $0x1  }
0x2ca: {  	vm1 =	vgt.s32 v60, v13;
	vm0 =	vgt.s32 v11, v14  }
0x2cb: {  	v12 =	vsel vm1, v60, v13;
	v11 =	vsel vm0, v11, v14  }
0x2cc: {  	vm0 =	vlt.s32 v11, v12  }
0x2cd: {  	v11 =	vsel vm0, v11, v12  }
0x2ce: {  	(xrf1) =	vsort.ascd.msk.u32 $0xffff, v11, v11;
	_ =	sdelay $0xd  }
0x2cf: {  	v11, _, _ =	vpop (xrf1)  }
0x2d0: {  	v11 =	vnsel vm3, $0x0, v11  }
0x2d1: {  	(xrf0) =	vadd.scan.msk.s32 $0xffff, v11;
	_ =	sdelay $0x2  }
0x2d2: {  	s31 =	sadd.s32 s29, s24  }
0x2d3: {  	p1 =	sne.s32 s29, $0xF;
	v11 =	vmov s31  }
.Ltmp3:
0x2d4: {  	_ = 	snop;
	(pc) =	sbr.rel @p1 .LBB2_5-.Ltmp3, $3  }
0x2d5: {  	v63, _, _ =	vpop (xrf0)  }
0x2d6: {  	v12 =	vbroadcast v63, $0xF;
	_ =	sdelay $0x1  }
0x2d7: {  	s30 =	sadd.s32 $0x80, s30;
	s29 =	sadd.s32 $0x1, s29;
	[tilespmem:v11+s19+$0x0] =	vst.idx.msk $0x1, v12  }
.Ltmp4:
0x2d8: {  	(pc) =	sbr.rel @p0 .LBB2_8-.Ltmp4, $1  }
0x2d9: {  	_ =	sdelay $0x3  }
0x2da: {  	s28 =	sadd.s32 s28, s10  }
.Ltmp5:
0x2db: {  	s29 =	sshll.u32 s28, $0x8;
	(pc) =	sbr.rel .LBB2_2-.Ltmp5, $4  }
0x2dc: {  	s26 =	sadd.s32 $0x1, s26;
	s28 =	sshll.u32 s28, $0x4;
	s29 =	sadd.s32 s1, s29  }
0x2dd: {  	[tilespmem:s14], [sflag:$0x2] =	stream.linear.gather [hbm4b:s29+s3], $0x8000, $0x38;
	[tilespmem:$0x11180] =	vst v63  }
0x2de: {  	s25 =	sadd.s32 $0x20, s25;
	s24 =	sadd.s32 $0x20, s24;
	s28 =	sadd.s32 s4, s28  }
0x2df: {  	[tilespmem:s15], [sflag:$0x4] =	stream.linear.gather [hbm4b:s28+s3], $0x800, $0x38;
	[tilespmem:$0x11180] =	vst v63  }
.LBB2_9:
0x2e0: {  	_ =	sfence.sel $0x180000  }
0x2e1: {  	[bflag:$0x0] =	sbarrier.arrive $0xFFFF  }
0x2e2: {  	p0 =	sne.s32 s2, $0x0;
	_ =	strace $0x90000047  }
0x2e3: {  	s0 =	sadd.s32 @!p0 $0x100000, s0;
	[bflag:$0x2] =	sbarrier.arrive $0xFFFF  }
0x2e4: {  	[sflag:s0] =	ssyncadd.tile.s32 @!p0 $0x1;
	_ =	shalt  }
.Lfunc_end2:
_tile_overlayer_lowered:
.L_overlay_start_2:
0x2e5: {  	(tag) =	ssettag $0x2  }
0x2e6: {  	s0 =	rddreg [dreg:$0x0];
	s2 =	stileid.u32  }
0x2e7: {  	s1 =	rddreg [dreg:$0x1];
	p0 =	sne.s32 s2, $0x0  }
0x2e8: {  	s3 =	rddreg [dreg:$0x2];
	[bflag:$0x3] =	sbarrier.arrive $0xFFFF;
	s2 =	simm.s32 @!p0 $0x1C05  }
0x2e9: {  	[timem:s3], [sflag:s2] =	dma.local @!p0 [hbm:s0], s1  }
0x2ea: {  	s0 =	simm.s32 @!p0 $0x5  }
0x2eb: {  	_ =	swait.ge @!p0 [sflag:s0], s1  }
0x2ec: {  	s1 =	ssub.s32 @!p0 $0x0, s1;
	[sflag:s0] =	ssyncset.done @!p0 $0x0  }
0x2ed: {  	[sflag:s0] =	ssyncadd.s32 @!p0 s1  }
0x2ee: {  	[bflag:$0x3] =	sbarrier.arrive $0xFFFF  }
0x2ef: {  	_ =	shalt  }

</sc_bundles>
